<compile_context>
chip_gen: v7x
topology: tpu7x:2x2x1
jax: 0.10.2.dev20260603
libtpu: 0.0.44.dev20260713+nightly
codegen_flags: <defaults>
</compile_context>

<pallas_src>
import jax
import jax.numpy as jnp
from jax import lax
from jax.experimental import pallas as pl
from jax.experimental.pallas import tpu as pltpu
from jax.experimental.pallas import tpu_sc as plsc

T = 2048
H = 768
FF = 1536
E = 8
TOPK = 2

P = T * TOPK
BLK = 512
NB = P // BLK + E
PADDED = NB * BLK
NBPAD = 32

NC = 2
NS = 16
L = 16
NW = NC * NS
CH = P // NW
TOK = T // NW

_INV_SQRT2 = 0.7071067811865476


def _routing_body(te_hbm, hid_hbm, xs_hbm, dest_hbm, bexp_hbm,
                  te_v, destbuf, idx0, idx1, xbuf, bexp_buf, sem):
    wid = lax.axis_index("s") * NC + lax.axis_index("c")
    iota = lax.iota(jnp.int32, L)

    pltpu.sync_copy(te_hbm, te_v)
    xcopy = pltpu.async_copy(hid_hbm.at[pl.ds(wid * TOK, TOK)], xbuf, sem)

    def hist_step(j, accs):
        v = te_v[pl.ds(j * L, L)]
        return tuple(a + (v == e).astype(jnp.int32)
                     for e, a in enumerate(accs))

    nvec_mine = CH // L
    zero8 = (jnp.zeros((L,), jnp.int32),) * E
    base8 = lax.fori_loop(0, wid * nvec_mine, hist_step, zero8)
    tot8 = lax.fori_loop(wid * nvec_mine, P // L, hist_step, base8)

    base = jnp.zeros((L,), jnp.int32)
    totals = jnp.zeros((L,), jnp.int32)
    for e in range(E):
        base = base + jnp.where(iota == e, jnp.sum(base8[e]), 0)
        totals = totals + jnp.where(iota == e, jnp.sum(tot8[e]), 0)

    pc = ((totals + (BLK - 1)) >> 9) << 9
    offend = plsc.cumsum(pc)
    off = offend - pc
    base_run = off + base

    for j in range(nvec_mine):
        v = te_v[pl.ds(wid * CH + j * L, L)]
        dest_j = jnp.zeros((L,), jnp.int32)
        for e in range(E):
            m = v == e
            mi = m.astype(jnp.int32)
            rank = plsc.cumsum(mi) - 1
            base_e = jnp.sum(jnp.where(iota == e, base_run, 0))
            dest_j = jnp.where(m, base_e + rank, dest_j)
            base_run = base_run + jnp.where(iota == e, jnp.sum(mi), 0)
        destbuf[pl.ds(j * L, L)] = dest_j

    pltpu.sync_copy(destbuf, dest_hbm.at[pl.ds(wid * CH, CH)])

    for q in range(TOK // L):
        idx0[pl.ds(q * L, L)] = plsc.load_gather(
            destbuf, [q * 2 * L + iota * 2])
        idx1[pl.ds(q * L, L)] = plsc.load_gather(
            destbuf, [q * 2 * L + iota * 2 + 1])

    xcopy.wait()
    c0 = pltpu.async_copy(xbuf, xs_hbm.at[idx0], sem)
    c1 = pltpu.async_copy(xbuf, xs_hbm.at[idx1], sem)
    c0.wait()
    c1.wait()

    @pl.when(wid == 0)
    def _():
        emax = jnp.max(jnp.where(totals > 0, iota, 0))
        nreal = jnp.sum(pc) >> 9
        for q in range(NBPAD // L):
            pos = (iota + q * L) * BLK
            cnt = jnp.zeros((L,), jnp.int32)
            for e in range(E):
                offend_e = jnp.sum(jnp.where(iota == e, offend, 0))
                cnt = cnt + (pos >= offend_e).astype(jnp.int32)
            be = jnp.minimum(cnt, emax)
            if q == NBPAD // L - 1:
                be = jnp.where(iota == L - 1, nreal, be)
            bexp_buf[pl.ds(q * L, L)] = be
        pltpu.sync_copy(bexp_buf, bexp_hbm)


_routing = pl.kernel(
    _routing_body,
    mesh=plsc.VectorSubcoreMesh(core_axis_name="c", subcore_axis_name="s"),
    compiler_params=pltpu.CompilerParams(needs_layout_passes=False),
    out_type=[
        jax.ShapeDtypeStruct((PADDED, H), jnp.float32),
        jax.ShapeDtypeStruct((P,), jnp.int32),
        jax.ShapeDtypeStruct((NBPAD,), jnp.int32),
    ],
    scratch_types=[
        pltpu.VMEM((P,), jnp.int32),
        pltpu.VMEM((CH,), jnp.int32),
        pltpu.VMEM((TOK,), jnp.int32),
        pltpu.VMEM((TOK,), jnp.int32),
        pltpu.VMEM((TOK, H), jnp.float32),
        pltpu.VMEM((NBPAD,), jnp.int32),
        pltpu.SemaphoreType.DMA,
    ],
)


def _gemm_body(be_ref, xs_ref, w1_ref, w2_ref, b1_ref, b2_ref, ys_ref):
    i = pl.program_id(0)

    @pl.when(i < be_ref[NBPAD - 1])
    def _():
        x = xs_ref[...].astype(jnp.bfloat16)
        h = jnp.dot(x, w1_ref[0].astype(jnp.bfloat16),
                    preferred_element_type=jnp.float32) + b1_ref[0]
        g = 0.5 * h * (1.0 + lax.erf(h * _INV_SQRT2))
        y = jnp.dot(g.astype(jnp.bfloat16), w2_ref[0].astype(jnp.bfloat16),
                    preferred_element_type=jnp.float32) + b2_ref[0]
        ys_ref[...] = y


def _gemm(bexp, xs, w1, w2, b1r, b2r):
    return pl.pallas_call(
        _gemm_body,
        grid_spec=pltpu.PrefetchScalarGridSpec(
            num_scalar_prefetch=1,
            grid=(NB,),
            in_specs=[
                pl.BlockSpec((BLK, H), lambda i, be: (i, 0)),
                pl.BlockSpec((1, H, FF), lambda i, be: (be[i], 0, 0)),
                pl.BlockSpec((1, FF, H), lambda i, be: (be[i], 0, 0)),
                pl.BlockSpec((1, 1, FF), lambda i, be: (be[i], 0, 0)),
                pl.BlockSpec((1, 1, H), lambda i, be: (be[i], 0, 0)),
            ],
            out_specs=pl.BlockSpec((BLK, H), lambda i, be: (i, 0)),
        ),
        out_shape=jax.ShapeDtypeStruct((PADDED, H), jnp.float32),
        compiler_params=pltpu.CompilerParams(
            dimension_semantics=("arbitrary",),
        ),
    )(bexp, xs, w1, w2, b1r, b2r)


def _combine_body(ys_hbm, dest_hbm, ew_hbm, out_hbm,
                  destv, ewv, idx0, idx1, acc, buf1, sem):
    wid = lax.axis_index("s") * NC + lax.axis_index("c")
    iota = lax.iota(jnp.int32, L)

    pltpu.sync_copy(dest_hbm.at[pl.ds(wid * CH, CH)], destv)
    pltpu.sync_copy(ew_hbm.at[pl.ds(wid * CH, CH)], ewv.at[pl.ds(0, CH)])
    for q in range(TOK // L):
        idx0[pl.ds(q * L, L)] = plsc.load_gather(
            destv, [q * 2 * L + iota * 2])
        idx1[pl.ds(q * L, L)] = plsc.load_gather(
            destv, [q * 2 * L + iota * 2 + 1])

    g0 = pltpu.async_copy(ys_hbm.at[idx0], acc, sem)
    g1 = pltpu.async_copy(ys_hbm.at[idx1], buf1, sem)
    g0.wait()
    g1.wait()

    def tok_step(i, c):
        wv = ewv[pl.ds(2 * i, L)]
        w0 = wv[0]
        w1s = wv[1]
        for r in range(H // L):
            sl = pl.ds(r * L, L)
            acc[i, sl] = w0 * acc[i, sl] + w1s * buf1[i, sl]
        return c

    lax.fori_loop(0, TOK, tok_step, 0)
    pltpu.sync_copy(acc, out_hbm.at[pl.ds(wid * TOK, TOK)])


_combine = pl.kernel(
    _combine_body,
    mesh=plsc.VectorSubcoreMesh(core_axis_name="c", subcore_axis_name="s"),
    compiler_params=pltpu.CompilerParams(needs_layout_passes=False),
    out_type=jax.ShapeDtypeStruct((T, H), jnp.float32),
    scratch_types=[
        pltpu.VMEM((CH,), jnp.int32),
        pltpu.VMEM((CH + L,), jnp.float32),
        pltpu.VMEM((TOK,), jnp.int32),
        pltpu.VMEM((TOK,), jnp.int32),
        pltpu.VMEM((TOK, H), jnp.float32),
        pltpu.VMEM((TOK, H), jnp.float32),
        pltpu.SemaphoreType.DMA,
    ],
)


@jax.jit
def kernel(hidden_states, expert_weights, top_experts, w1, w2, b1, b2):
    te_flat = top_experts.reshape(P)
    ew_flat = expert_weights.reshape(P)
    xs, dest, bexp = _routing(te_flat, hidden_states)
    ys = _gemm(bexp, xs, w1, w2, b1.reshape(E, 1, FF), b2.reshape(E, 1, H))
    return _combine(ys, dest, ew_flat)

# --- scband reference (transcript-rebuilt; emitter-appended) ---
"""Pipeline reference for scband-grouped-gemm-mo-e-41832981463195 (READ-ONLY COPY).

The authoritative reference and input builder live on the scoring server;
editing this copy changes nothing except your own understanding.
"""

import jax, jax.numpy as jnp
import numpy as np

T = 2048
H = 768
FF = 1536
E = 8
TOPK = 2

def setup_inputs(seed: int = 0) -> dict:
    key = jax.random.key(seed)
    k1, k2, k3, k4, k5 = jax.random.split(key, 5)
    hidden_states = jax.random.normal(k1, (T, H), dtype=jnp.float32)
    expert_weights = jax.random.uniform(k2, (T, TOPK), dtype=jnp.float32)
    top_experts = jax.random.randint(k3, (T, TOPK), 0, E, dtype=jnp.int32)
    w1 = (jax.random.normal(k4, (E, H, FF), dtype=jnp.float32) * 0.02)
    w2 = (jax.random.normal(k5, (E, FF, H), dtype=jnp.float32) * 0.02)
    b1 = jnp.zeros((E, FF), dtype=jnp.float32)
    b2 = jnp.zeros((E, H), dtype=jnp.float32)
    return {
        'hidden_states': hidden_states,
        'expert_weights': expert_weights,
        'top_experts': top_experts,
        'w1': w1,
        'w2': w2,
        'b1': b1,
        'b2': b2,
    }


def reference(hidden_states, expert_weights, top_experts, w1, w2, b1, b2):
    # Faithful MoE forward with grouped expert FFNs (gelu, bias, dropout p=0.0 -> identity).
    # For each token t: out[t] = sum_k expert_weights[t,k] * FFN_{top_experts[t,k]}(x[t])
    # Implemented as per-expert dense compute gated by a one-hot-weighted mask, which is
    # mathematically identical to the sort/gather grouped-GEMM path in the torch module.
    num_experts = w1.shape[0]
    out = jnp.zeros_like(hidden_states)
    for e in range(num_experts):
        h = jax.nn.gelu(hidden_states @ w1[e] + b1[e], approximate=False)
        y = h @ w2[e] + b2[e]
        gate = jnp.sum(expert_weights * (top_experts == e).astype(expert_weights.dtype), axis=-1)
        out = out + gate[:, None] * y
    return out

if __name__ == "__main__":
    import jax
    _d = setup_inputs()
    print(jax.jit(kernel)(*tuple(_d.values())))

</pallas_src>

<mosaic_0001>
#map = affine_map<(d0, d1) -> (0)>
#map1 = affine_map<(d0, d1) -> (0, 0)>
module attributes {stable_mosaic.version = 14 : i64} {
  func.func @_routing_body(%arg0: i32, %arg1: i32, %arg2: memref<4096xi32, #tpu.memory_space<hbm>>, %arg3: memref<2048x768xf32, #tpu.memory_space<hbm>>, %arg4: memref<8192x768xf32, #tpu.memory_space<hbm>>, %arg5: memref<4096xi32, #tpu.memory_space<hbm>>, %arg6: memref<32xi32, #tpu.memory_space<hbm>>, %arg7: memref<4096xi32, #tpu.memory_space<vmem>>, %arg8: memref<128xi32, #tpu.memory_space<vmem>>, %arg9: memref<64xi32, #tpu.memory_space<vmem>>, %arg10: memref<64xi32, #tpu.memory_space<vmem>>, %arg11: memref<64x768xf32, #tpu.memory_space<vmem>>, %arg12: memref<32xi32, #tpu.memory_space<vmem>>, %arg13: memref<!tpu.dma_semaphore, #tpu.memory_space<semaphore_mem>>) attributes {dimension_semantics = [#tpu.dimension_semantics<core_parallel>, #tpu.dimension_semantics<subcore_parallel>], iteration_bounds = array<i64: 2, 16>, scalar_prefetch = 0 : i64, scratch_operands = 7 : i64, tpu.core_type = #tpu.core_type<sc_vector_subcore>, window_params = [{transform_indices = #map}, {transform_indices = #map1}, {transform_indices = #map1}, {transform_indices = #map}, {transform_indices = #map}]} {
    %mul3A = arith.constant 2 : i32
    %mul3A_0 = arith.muli %arg1, %mul3A : i32
    %add3A = arith.addi %mul3A_0, %arg0 : i32
    %iota3A = tpu.iota {dimensions = array<i32: 0>} : vector<16xi32>
    "tpu.region"() ({
      %run_scoped3A = tpu.sem_alloc : memref<!tpu.dma_semaphore, #tpu.memory_space<semaphore_mem>>
      tpu.enqueue_dma source(%arg2 : memref<4096xi32, #tpu.memory_space<hbm>>) target(%arg7 : memref<4096xi32, #tpu.memory_space<vmem>>) target_semaphore(%run_scoped3A : memref<!tpu.dma_semaphore, #tpu.memory_space<semaphore_mem>>)
      tpu.wait_dma2 semaphore(%run_scoped3A : memref<!tpu.dma_semaphore, #tpu.memory_space<semaphore_mem>>) src(%arg2 : memref<4096xi32, #tpu.memory_space<hbm>>) dst(%arg7 : memref<4096xi32, #tpu.memory_space<vmem>>)
      tpu.yield
    }) : () -> ()
    %mul3A_1 = arith.constant 64 : i32
    %mul3A_2 = arith.muli %add3A, %mul3A_1 : i32
    %dma_start3A = arith.constant 0 : i32
    %dma_start3A_3 = tpu.memref_slice %arg3[%mul3A_2, %dma_start3A] : memref<2048x768xf32, #tpu.memory_space<hbm>> -> memref<64x768xf32, #tpu.memory_space<hbm>>
    %dma_start3A_4 = arith.constant 0 : i32
    %dma_start3A_5 = tpu.memref_slice %arg3[%mul3A_2, %dma_start3A_4] : memref<2048x768xf32, #tpu.memory_space<hbm>> -> memref<64x768xf32, #tpu.memory_space<hbm>>
    tpu.enqueue_dma source(%dma_start3A_5 : memref<64x768xf32, #tpu.memory_space<hbm>>) target(%arg11 : memref<64x768xf32, #tpu.memory_space<vmem>>) target_semaphore(%arg13 : memref<!tpu.dma_semaphore, #tpu.memory_space<semaphore_mem>>)
    %broadcast_in_dim3A = arith.constant 0 : i32
    %broadcast_in_dim3A_6 = vector.broadcast %broadcast_in_dim3A : i32 to vector<16xi32>
    %mul3A_7 = arith.constant 8 : i32
    %mul3A_8 = arith.muli %add3A, %mul3A_7 : i32
    %while3A = arith.constant 0 : i32
    %while3A_9 = arith.subi %mul3A_8, %while3A : i32
    %while3A_10 = arith.addi %while3A, %while3A_9 : i32
    %while3A_11 = arith.constant 1 : i32
    %while3A_12 = arith.divsi %while3A_9, %while3A_11 : i32
    %while3A_13 = arith.muli %while3A_12, %while3A_11 : i32
    %while3A_14 = arith.addi %while3A, %while3A_13 : i32
    %while3A_15 = arith.constant 1 : i32
    %while3A_16:8 = scf.for %while3A_2655 = %while3A to %while3A_14 step %while3A_15 iter_args(%while3A_2656 = %broadcast_in_dim3A_6, %while3A_2657 = %broadcast_in_dim3A_6, %while3A_2658 = %broadcast_in_dim3A_6, %while3A_2659 = %broadcast_in_dim3A_6, %while3A_2660 = %broadcast_in_dim3A_6, %while3A_2661 = %broadcast_in_dim3A_6, %while3A_2662 = %broadcast_in_dim3A_6, %while3A_2663 = %broadcast_in_dim3A_6) -> (vector<16xi32>, vector<16xi32>, vector<16xi32>, vector<16xi32>, vector<16xi32>, vector<16xi32>, vector<16xi32>, vector<16xi32>)  : i32 {
      %mul3A_2664 = arith.constant 16 : i32
      %mul3A_2665 = arith.muli %while3A_2655, %mul3A_2664 : i32
      %get3A_2666 = arith.index_cast %mul3A_2665 : i32 to index
      %get3A_2667 = tpu.vector_load %arg7[%get3A_2666] {strides = array<i32>} : memref<4096xi32, #tpu.memory_space<vmem>>, vector<16xi32>,
      %eq3A_2668 = arith.constant 0 : i32
      %eq3A_2669 = vector.broadcast %eq3A_2668 : i32 to vector<16xi32>
      %eq3A_2670 = arith.cmpi eq, %get3A_2667, %eq3A_2669 : vector<16xi32>
      %convert_element_type3A_2671 = arith.extui %eq3A_2670 : vector<16xi1> to vector<16xi32>
      %add3A_2672 = arith.addi %while3A_2656, %convert_element_type3A_2671 : vector<16xi32>
      %eq3A_2673 = arith.constant 1 : i32
      %eq3A_2674 = vector.broadcast %eq3A_2673 : i32 to vector<16xi32>
      %eq3A_2675 = arith.cmpi eq, %get3A_2667, %eq3A_2674 : vector<16xi32>
      %convert_element_type3A_2676 = arith.extui %eq3A_2675 : vector<16xi1> to vector<16xi32>
      %add3A_2677 = arith.addi %while3A_2657, %convert_element_type3A_2676 : vector<16xi32>
      %eq3A_2678 = arith.constant 2 : i32
      %eq3A_2679 = vector.broadcast %eq3A_2678 : i32 to vector<16xi32>
      %eq3A_2680 = arith.cmpi eq, %get3A_2667, %eq3A_2679 : vector<16xi32>
      %convert_element_type3A_2681 = arith.extui %eq3A_2680 : vector<16xi1> to vector<16xi32>
      %add3A_2682 = arith.addi %while3A_2658, %convert_element_type3A_2681 : vector<16xi32>
      %eq3A_2683 = arith.constant 3 : i32
      %eq3A_2684 = vector.broadcast %eq3A_2683 : i32 to vector<16xi32>
      %eq3A_2685 = arith.cmpi eq, %get3A_2667, %eq3A_2684 : vector<16xi32>
      %convert_element_type3A_2686 = arith.extui %eq3A_2685 : vector<16xi1> to vector<16xi32>
      %add3A_2687 = arith.addi %while3A_2659, %convert_element_type3A_2686 : vector<16xi32>
      %eq3A_2688 = arith.constant 4 : i32
      %eq3A_2689 = vector.broadcast %eq3A_2688 : i32 to vector<16xi32>
      %eq3A_2690 = arith.cmpi eq, %get3A_2667, %eq3A_2689 : vector<16xi32>
      %convert_element_type3A_2691 = arith.extui %eq3A_2690 : vector<16xi1> to vector<16xi32>
      %add3A_2692 = arith.addi %while3A_2660, %convert_element_type3A_2691 : vector<16xi32>
      %eq3A_2693 = arith.constant 5 : i32
      %eq3A_2694 = vector.broadcast %eq3A_2693 : i32 to vector<16xi32>
      %eq3A_2695 = arith.cmpi eq, %get3A_2667, %eq3A_2694 : vector<16xi32>
      %convert_element_type3A_2696 = arith.extui %eq3A_2695 : vector<16xi1> to vector<16xi32>
      %add3A_2697 = arith.addi %while3A_2661, %convert_element_type3A_2696 : vector<16xi32>
      %eq3A_2698 = arith.constant 6 : i32
      %eq3A_2699 = vector.broadcast %eq3A_2698 : i32 to vector<16xi32>
      %eq3A_2700 = arith.cmpi eq, %get3A_2667, %eq3A_2699 : vector<16xi32>
      %convert_element_type3A_2701 = arith.extui %eq3A_2700 : vector<16xi1> to vector<16xi32>
      %add3A_2702 = arith.addi %while3A_2662, %convert_element_type3A_2701 : vector<16xi32>
      %eq3A_2703 = arith.constant 7 : i32
      %eq3A_2704 = vector.broadcast %eq3A_2703 : i32 to vector<16xi32>
      %eq3A_2705 = arith.cmpi eq, %get3A_2667, %eq3A_2704 : vector<16xi32>
      %convert_element_type3A_2706 = arith.extui %eq3A_2705 : vector<16xi1> to vector<16xi32>
      %add3A_2707 = arith.addi %while3A_2663, %convert_element_type3A_2706 : vector<16xi32>
      scf.yield %add3A_2672, %add3A_2677, %add3A_2682, %add3A_2687, %add3A_2692, %add3A_2697, %add3A_2702, %add3A_2707 : vector<16xi32>, vector<16xi32>, vector<16xi32>, vector<16xi32>, vector<16xi32>, vector<16xi32>, vector<16xi32>, vector<16xi32>
    }
    %while3A_17 = arith.constant 1 : i32
    %while3A_18:8 = scf.for %while3A_2655 = %while3A_14 to %while3A_10 step %while3A_17 iter_args(%while3A_2656 = %while3A_16#0, %while3A_2657 = %while3A_16#1, %while3A_2658 = %while3A_16#2, %while3A_2659 = %while3A_16#3, %while3A_2660 = %while3A_16#4, %while3A_2661 = %while3A_16#5, %while3A_2662 = %while3A_16#6, %while3A_2663 = %while3A_16#7) -> (vector<16xi32>, vector<16xi32>, vector<16xi32>, vector<16xi32>, vector<16xi32>, vector<16xi32>, vector<16xi32>, vector<16xi32>)  : i32 {
      %mul3A_2664 = arith.constant 16 : i32
      %mul3A_2665 = arith.muli %while3A_2655, %mul3A_2664 : i32
      %get3A_2666 = arith.index_cast %mul3A_2665 : i32 to index
      %get3A_2667 = tpu.vector_load %arg7[%get3A_2666] {strides = array<i32>} : memref<4096xi32, #tpu.memory_space<vmem>>, vector<16xi32>,
      %eq3A_2668 = arith.constant 0 : i32
      %eq3A_2669 = vector.broadcast %eq3A_2668 : i32 to vector<16xi32>
      %eq3A_2670 = arith.cmpi eq, %get3A_2667, %eq3A_2669 : vector<16xi32>
      %convert_element_type3A_2671 = arith.extui %eq3A_2670 : vector<16xi1> to vector<16xi32>
      %add3A_2672 = arith.addi %while3A_2656, %convert_element_type3A_2671 : vector<16xi32>
      %eq3A_2673 = arith.constant 1 : i32
      %eq3A_2674 = vector.broadcast %eq3A_2673 : i32 to vector<16xi32>
      %eq3A_2675 = arith.cmpi eq, %get3A_2667, %eq3A_2674 : vector<16xi32>
      %convert_element_type3A_2676 = arith.extui %eq3A_2675 : vector<16xi1> to vector<16xi32>
      %add3A_2677 = arith.addi %while3A_2657, %convert_element_type3A_2676 : vector<16xi32>
      %eq3A_2678 = arith.constant 2 : i32
      %eq3A_2679 = vector.broadcast %eq3A_2678 : i32 to vector<16xi32>
      %eq3A_2680 = arith.cmpi eq, %get3A_2667, %eq3A_2679 : vector<16xi32>
      %convert_element_type3A_2681 = arith.extui %eq3A_2680 : vector<16xi1> to vector<16xi32>
      %add3A_2682 = arith.addi %while3A_2658, %convert_element_type3A_2681 : vector<16xi32>
      %eq3A_2683 = arith.constant 3 : i32
      %eq3A_2684 = vector.broadcast %eq3A_2683 : i32 to vector<16xi32>
      %eq3A_2685 = arith.cmpi eq, %get3A_2667, %eq3A_2684 : vector<16xi32>
      %convert_element_type3A_2686 = arith.extui %eq3A_2685 : vector<16xi1> to vector<16xi32>
      %add3A_2687 = arith.addi %while3A_2659, %convert_element_type3A_2686 : vector<16xi32>
      %eq3A_2688 = arith.constant 4 : i32
      %eq3A_2689 = vector.broadcast %eq3A_2688 : i32 to vector<16xi32>
      %eq3A_2690 = arith.cmpi eq, %get3A_2667, %eq3A_2689 : vector<16xi32>
      %convert_element_type3A_2691 = arith.extui %eq3A_2690 : vector<16xi1> to vector<16xi32>
      %add3A_2692 = arith.addi %while3A_2660, %convert_element_type3A_2691 : vector<16xi32>
      %eq3A_2693 = arith.constant 5 : i32
      %eq3A_2694 = vector.broadcast %eq3A_2693 : i32 to vector<16xi32>
      %eq3A_2695 = arith.cmpi eq, %get3A_2667, %eq3A_2694 : vector<16xi32>
      %convert_element_type3A_2696 = arith.extui %eq3A_2695 : vector<16xi1> to vector<16xi32>
      %add3A_2697 = arith.addi %while3A_2661, %convert_element_type3A_2696 : vector<16xi32>
      %eq3A_2698 = arith.constant 6 : i32
      %eq3A_2699 = vector.broadcast %eq3A_2698 : i32 to vector<16xi32>
      %eq3A_2700 = arith.cmpi eq, %get3A_2667, %eq3A_2699 : vector<16xi32>
      %convert_element_type3A_2701 = arith.extui %eq3A_2700 : vector<16xi1> to vector<16xi32>
      %add3A_2702 = arith.addi %while3A_2662, %convert_element_type3A_2701 : vector<16xi32>
      %eq3A_2703 = arith.constant 7 : i32
      %eq3A_2704 = vector.broadcast %eq3A_2703 : i32 to vector<16xi32>
      %eq3A_2705 = arith.cmpi eq, %get3A_2667, %eq3A_2704 : vector<16xi32>
      %convert_element_type3A_2706 = arith.extui %eq3A_2705 : vector<16xi1> to vector<16xi32>
      %add3A_2707 = arith.addi %while3A_2663, %convert_element_type3A_2706 : vector<16xi32>
      scf.yield %add3A_2672, %add3A_2677, %add3A_2682, %add3A_2687, %add3A_2692, %add3A_2697, %add3A_2702, %add3A_2707 : vector<16xi32>, vector<16xi32>, vector<16xi32>, vector<16xi32>, vector<16xi32>, vector<16xi32>, vector<16xi32>, vector<16xi32>
    }
    %mul3A_19 = arith.constant 8 : i32
    %mul3A_20 = arith.muli %add3A, %mul3A_19 : i32
    %while3A_21 = arith.constant 256 : i32
    %while3A_22 = arith.subi %while3A_21, %mul3A_20 : i32
    %while3A_23 = arith.addi %mul3A_20, %while3A_22 : i32
    %while3A_24 = arith.constant 1 : i32
    %while3A_25 = arith.divsi %while3A_22, %while3A_24 : i32
    %while3A_26 = arith.muli %while3A_25, %while3A_24 : i32
    %while3A_27 = arith.addi %mul3A_20, %while3A_26 : i32
    %while3A_28 = arith.constant 1 : i32
    %while3A_29:8 = scf.for %while3A_2655 = %mul3A_20 to %while3A_27 step %while3A_28 iter_args(%while3A_2656 = %while3A_18#0, %while3A_2657 = %while3A_18#1, %while3A_2658 = %while3A_18#2, %while3A_2659 = %while3A_18#3, %while3A_2660 = %while3A_18#4, %while3A_2661 = %while3A_18#5, %while3A_2662 = %while3A_18#6, %while3A_2663 = %while3A_18#7) -> (vector<16xi32>, vector<16xi32>, vector<16xi32>, vector<16xi32>, vector<16xi32>, vector<16xi32>, vector<16xi32>, vector<16xi32>)  : i32 {
      %mul3A_2664 = arith.constant 16 : i32
      %mul3A_2665 = arith.muli %while3A_2655, %mul3A_2664 : i32
      %get3A_2666 = arith.index_cast %mul3A_2665 : i32 to index
      %get3A_2667 = tpu.vector_load %arg7[%get3A_2666] {strides = array<i32>} : memref<4096xi32, #tpu.memory_space<vmem>>, vector<16xi32>,
      %eq3A_2668 = arith.constant 0 : i32
      %eq3A_2669 = vector.broadcast %eq3A_2668 : i32 to vector<16xi32>
      %eq3A_2670 = arith.cmpi eq, %get3A_2667, %eq3A_2669 : vector<16xi32>
      %convert_element_type3A_2671 = arith.extui %eq3A_2670 : vector<16xi1> to vector<16xi32>
      %add3A_2672 = arith.addi %while3A_2656, %convert_element_type3A_2671 : vector<16xi32>
      %eq3A_2673 = arith.constant 1 : i32
      %eq3A_2674 = vector.broadcast %eq3A_2673 : i32 to vector<16xi32>
      %eq3A_2675 = arith.cmpi eq, %get3A_2667, %eq3A_2674 : vector<16xi32>
      %convert_element_type3A_2676 = arith.extui %eq3A_2675 : vector<16xi1> to vector<16xi32>
      %add3A_2677 = arith.addi %while3A_2657, %convert_element_type3A_2676 : vector<16xi32>
      %eq3A_2678 = arith.constant 2 : i32
      %eq3A_2679 = vector.broadcast %eq3A_2678 : i32 to vector<16xi32>
      %eq3A_2680 = arith.cmpi eq, %get3A_2667, %eq3A_2679 : vector<16xi32>
      %convert_element_type3A_2681 = arith.extui %eq3A_2680 : vector<16xi1> to vector<16xi32>
      %add3A_2682 = arith.addi %while3A_2658, %convert_element_type3A_2681 : vector<16xi32>
      %eq3A_2683 = arith.constant 3 : i32
      %eq3A_2684 = vector.broadcast %eq3A_2683 : i32 to vector<16xi32>
      %eq3A_2685 = arith.cmpi eq, %get3A_2667, %eq3A_2684 : vector<16xi32>
      %convert_element_type3A_2686 = arith.extui %eq3A_2685 : vector<16xi1> to vector<16xi32>
      %add3A_2687 = arith.addi %while3A_2659, %convert_element_type3A_2686 : vector<16xi32>
      %eq3A_2688 = arith.constant 4 : i32
      %eq3A_2689 = vector.broadcast %eq3A_2688 : i32 to vector<16xi32>
      %eq3A_2690 = arith.cmpi eq, %get3A_2667, %eq3A_2689 : vector<16xi32>
      %convert_element_type3A_2691 = arith.extui %eq3A_2690 : vector<16xi1> to vector<16xi32>
      %add3A_2692 = arith.addi %while3A_2660, %convert_element_type3A_2691 : vector<16xi32>
      %eq3A_2693 = arith.constant 5 : i32
      %eq3A_2694 = vector.broadcast %eq3A_2693 : i32 to vector<16xi32>
      %eq3A_2695 = arith.cmpi eq, %get3A_2667, %eq3A_2694 : vector<16xi32>
      %convert_element_type3A_2696 = arith.extui %eq3A_2695 : vector<16xi1> to vector<16xi32>
      %add3A_2697 = arith.addi %while3A_2661, %convert_element_type3A_2696 : vector<16xi32>
      %eq3A_2698 = arith.constant 6 : i32
      %eq3A_2699 = vector.broadcast %eq3A_2698 : i32 to vector<16xi32>
      %eq3A_2700 = arith.cmpi eq, %get3A_2667, %eq3A_2699 : vector<16xi32>
      %convert_element_type3A_2701 = arith.extui %eq3A_2700 : vector<16xi1> to vector<16xi32>
      %add3A_2702 = arith.addi %while3A_2662, %convert_element_type3A_2701 : vector<16xi32>
      %eq3A_2703 = arith.constant 7 : i32
      %eq3A_2704 = vector.broadcast %eq3A_2703 : i32 to vector<16xi32>
      %eq3A_2705 = arith.cmpi eq, %get3A_2667, %eq3A_2704 : vector<16xi32>
      %convert_element_type3A_2706 = arith.extui %eq3A_2705 : vector<16xi1> to vector<16xi32>
      %add3A_2707 = arith.addi %while3A_2663, %convert_element_type3A_2706 : vector<16xi32>
      scf.yield %add3A_2672, %add3A_2677, %add3A_2682, %add3A_2687, %add3A_2692, %add3A_2697, %add3A_2702, %add3A_2707 : vector<16xi32>, vector<16xi32>, vector<16xi32>, vector<16xi32>, vector<16xi32>, vector<16xi32>, vector<16xi32>, vector<16xi32>
    }
    %while3A_30 = arith.constant 1 : i32
    %while3A_31:8 = scf.for %while3A_2655 = %while3A_27 to %while3A_23 step %while3A_30 iter_args(%while3A_2656 = %while3A_29#0, %while3A_2657 = %while3A_29#1, %while3A_2658 = %while3A_29#2, %while3A_2659 = %while3A_29#3, %while3A_2660 = %while3A_29#4, %while3A_2661 = %while3A_29#5, %while3A_2662 = %while3A_29#6, %while3A_2663 = %while3A_29#7) -> (vector<16xi32>, vector<16xi32>, vector<16xi32>, vector<16xi32>, vector<16xi32>, vector<16xi32>, vector<16xi32>, vector<16xi32>)  : i32 {
      %mul3A_2664 = arith.constant 16 : i32
      %mul3A_2665 = arith.muli %while3A_2655, %mul3A_2664 : i32
      %get3A_2666 = arith.index_cast %mul3A_2665 : i32 to index
      %get3A_2667 = tpu.vector_load %arg7[%get3A_2666] {strides = array<i32>} : memref<4096xi32, #tpu.memory_space<vmem>>, vector<16xi32>,
      %eq3A_2668 = arith.constant 0 : i32
      %eq3A_2669 = vector.broadcast %eq3A_2668 : i32 to vector<16xi32>
      %eq3A_2670 = arith.cmpi eq, %get3A_2667, %eq3A_2669 : vector<16xi32>
      %convert_element_type3A_2671 = arith.extui %eq3A_2670 : vector<16xi1> to vector<16xi32>
      %add3A_2672 = arith.addi %while3A_2656, %convert_element_type3A_2671 : vector<16xi32>
      %eq3A_2673 = arith.constant 1 : i32
      %eq3A_2674 = vector.broadcast %eq3A_2673 : i32 to vector<16xi32>
      %eq3A_2675 = arith.cmpi eq, %get3A_2667, %eq3A_2674 : vector<16xi32>
      %convert_element_type3A_2676 = arith.extui %eq3A_2675 : vector<16xi1> to vector<16xi32>
      %add3A_2677 = arith.addi %while3A_2657, %convert_element_type3A_2676 : vector<16xi32>
      %eq3A_2678 = arith.constant 2 : i32
      %eq3A_2679 = vector.broadcast %eq3A_2678 : i32 to vector<16xi32>
      %eq3A_2680 = arith.cmpi eq, %get3A_2667, %eq3A_2679 : vector<16xi32>
      %convert_element_type3A_2681 = arith.extui %eq3A_2680 : vector<16xi1> to vector<16xi32>
      %add3A_2682 = arith.addi %while3A_2658, %convert_element_type3A_2681 : vector<16xi32>
      %eq3A_2683 = arith.constant 3 : i32
      %eq3A_2684 = vector.broadcast %eq3A_2683 : i32 to vector<16xi32>
      %eq3A_2685 = arith.cmpi eq, %get3A_2667, %eq3A_2684 : vector<16xi32>
      %convert_element_type3A_2686 = arith.extui %eq3A_2685 : vector<16xi1> to vector<16xi32>
      %add3A_2687 = arith.addi %while3A_2659, %convert_element_type3A_2686 : vector<16xi32>
      %eq3A_2688 = arith.constant 4 : i32
      %eq3A_2689 = vector.broadcast %eq3A_2688 : i32 to vector<16xi32>
      %eq3A_2690 = arith.cmpi eq, %get3A_2667, %eq3A_2689 : vector<16xi32>
      %convert_element_type3A_2691 = arith.extui %eq3A_2690 : vector<16xi1> to vector<16xi32>
      %add3A_2692 = arith.addi %while3A_2660, %convert_element_type3A_2691 : vector<16xi32>
      %eq3A_2693 = arith.constant 5 : i32
      %eq3A_2694 = vector.broadcast %eq3A_2693 : i32 to vector<16xi32>
      %eq3A_2695 = arith.cmpi eq, %get3A_2667, %eq3A_2694 : vector<16xi32>
      %convert_element_type3A_2696 = arith.extui %eq3A_2695 : vector<16xi1> to vector<16xi32>
      %add3A_2697 = arith.addi %while3A_2661, %convert_element_type3A_2696 : vector<16xi32>
      %eq3A_2698 = arith.constant 6 : i32
      %eq3A_2699 = vector.broadcast %eq3A_2698 : i32 to vector<16xi32>
      %eq3A_2700 = arith.cmpi eq, %get3A_2667, %eq3A_2699 : vector<16xi32>
      %convert_element_type3A_2701 = arith.extui %eq3A_2700 : vector<16xi1> to vector<16xi32>
      %add3A_2702 = arith.addi %while3A_2662, %convert_element_type3A_2701 : vector<16xi32>
      %eq3A_2703 = arith.constant 7 : i32
      %eq3A_2704 = vector.broadcast %eq3A_2703 : i32 to vector<16xi32>
      %eq3A_2705 = arith.cmpi eq, %get3A_2667, %eq3A_2704 : vector<16xi32>
      %convert_element_type3A_2706 = arith.extui %eq3A_2705 : vector<16xi1> to vector<16xi32>
      %add3A_2707 = arith.addi %while3A_2663, %convert_element_type3A_2706 : vector<16xi32>
      scf.yield %add3A_2672, %add3A_2677, %add3A_2682, %add3A_2687, %add3A_2692, %add3A_2697, %add3A_2702, %add3A_2707 : vector<16xi32>, vector<16xi32>, vector<16xi32>, vector<16xi32>, vector<16xi32>, vector<16xi32>, vector<16xi32>, vector<16xi32>
    }
    %broadcast_in_dim3A_32 = arith.constant 0 : i32
    %broadcast_in_dim3A_33 = vector.broadcast %broadcast_in_dim3A_32 : i32 to vector<16xi32>
    %broadcast_in_dim3A_34 = arith.constant 0 : i32
    %broadcast_in_dim3A_35 = vector.broadcast %broadcast_in_dim3A_34 : i32 to vector<16xi32>
    %eq3A = arith.constant 0 : i32
    %eq3A_36 = vector.broadcast %eq3A : i32 to vector<16xi32>
    %eq3A_37 = arith.cmpi eq, %iota3A, %eq3A_36 : vector<16xi32>
    %reduce_sum3A = arith.constant true
    %reduce_sum3A_38 = vector.broadcast %reduce_sum3A : i1 to vector<16xi1>
    %reduce_sum3A_39 = tpu.scan <sum>, %while3A_18#0 masked %reduce_sum3A_38 : vector<16xi32>, vector<16xi1> -> vector<16xi32>
    %reduce_sum3A_40 = vector.extract %reduce_sum3A_39[15] : i32 from vector<16xi32>
    %jit3A = arith.constant 0 : i32
    %broadcast_in_dim3A_41 = vector.broadcast %reduce_sum3A_40 : i32 to vector<16xi32>
    %broadcast_in_dim3A_42 = vector.broadcast %jit3A : i32 to vector<16xi32>
    %select_n3A = arith.select %eq3A_37, %broadcast_in_dim3A_41, %broadcast_in_dim3A_42 : vector<16xi1>, vector<16xi32>
    %add3A_43 = arith.addi %broadcast_in_dim3A_33, %select_n3A : vector<16xi32>
    %eq3A_44 = arith.constant 0 : i32
    %eq3A_45 = vector.broadcast %eq3A_44 : i32 to vector<16xi32>
    %eq3A_46 = arith.cmpi eq, %iota3A, %eq3A_45 : vector<16xi32>
    %reduce_sum3A_47 = arith.constant true
    %reduce_sum3A_48 = vector.broadcast %reduce_sum3A_47 : i1 to vector<16xi1>
    %reduce_sum3A_49 = tpu.scan <sum>, %while3A_31#0 masked %reduce_sum3A_48 : vector<16xi32>, vector<16xi1> -> vector<16xi32>
    %reduce_sum3A_50 = vector.extract %reduce_sum3A_49[15] : i32 from vector<16xi32>
    %jit3A_51 = arith.constant 0 : i32
    %broadcast_in_dim3A_52 = vector.broadcast %reduce_sum3A_50 : i32 to vector<16xi32>
    %broadcast_in_dim3A_53 = vector.broadcast %jit3A_51 : i32 to vector<16xi32>
    %select_n3A_54 = arith.select %eq3A_46, %broadcast_in_dim3A_52, %broadcast_in_dim3A_53 : vector<16xi1>, vector<16xi32>
    %add3A_55 = arith.addi %broadcast_in_dim3A_35, %select_n3A_54 : vector<16xi32>
    %eq3A_56 = arith.constant 1 : i32
    %eq3A_57 = vector.broadcast %eq3A_56 : i32 to vector<16xi32>
    %eq3A_58 = arith.cmpi eq, %iota3A, %eq3A_57 : vector<16xi32>
    %reduce_sum3A_59 = arith.constant true
    %reduce_sum3A_60 = vector.broadcast %reduce_sum3A_59 : i1 to vector<16xi1>
    %reduce_sum3A_61 = tpu.scan <sum>, %while3A_18#1 masked %reduce_sum3A_60 : vector<16xi32>, vector<16xi1> -> vector<16xi32>
    %reduce_sum3A_62 = vector.extract %reduce_sum3A_61[15] : i32 from vector<16xi32>
    %jit3A_63 = arith.constant 0 : i32
    %broadcast_in_dim3A_64 = vector.broadcast %reduce_sum3A_62 : i32 to vector<16xi32>
    %broadcast_in_dim3A_65 = vector.broadcast %jit3A_63 : i32 to vector<16xi32>
    %select_n3A_66 = arith.select %eq3A_58, %broadcast_in_dim3A_64, %broadcast_in_dim3A_65 : vector<16xi1>, vector<16xi32>
    %add3A_67 = arith.addi %add3A_43, %select_n3A_66 : vector<16xi32>
    %eq3A_68 = arith.constant 1 : i32
    %eq3A_69 = vector.broadcast %eq3A_68 : i32 to vector<16xi32>
    %eq3A_70 = arith.cmpi eq, %iota3A, %eq3A_69 : vector<16xi32>
    %reduce_sum3A_71 = arith.constant true
    %reduce_sum3A_72 = vector.broadcast %reduce_sum3A_71 : i1 to vector<16xi1>
    %reduce_sum3A_73 = tpu.scan <sum>, %while3A_31#1 masked %reduce_sum3A_72 : vector<16xi32>, vector<16xi1> -> vector<16xi32>
    %reduce_sum3A_74 = vector.extract %reduce_sum3A_73[15] : i32 from vector<16xi32>
    %jit3A_75 = arith.constant 0 : i32
    %broadcast_in_dim3A_76 = vector.broadcast %reduce_sum3A_74 : i32 to vector<16xi32>
    %broadcast_in_dim3A_77 = vector.broadcast %jit3A_75 : i32 to vector<16xi32>
    %select_n3A_78 = arith.select %eq3A_70, %broadcast_in_dim3A_76, %broadcast_in_dim3A_77 : vector<16xi1>, vector<16xi32>
    %add3A_79 = arith.addi %add3A_55, %select_n3A_78 : vector<16xi32>
    %eq3A_80 = arith.constant 2 : i32
    %eq3A_81 = vector.broadcast %eq3A_80 : i32 to vector<16xi32>
    %eq3A_82 = arith.cmpi eq, %iota3A, %eq3A_81 : vector<16xi32>
    %reduce_sum3A_83 = arith.constant true
    %reduce_sum3A_84 = vector.broadcast %reduce_sum3A_83 : i1 to vector<16xi1>
    %reduce_sum3A_85 = tpu.scan <sum>, %while3A_18#2 masked %reduce_sum3A_84 : vector<16xi32>, vector<16xi1> -> vector<16xi32>
    %reduce_sum3A_86 = vector.extract %reduce_sum3A_85[15] : i32 from vector<16xi32>
    %jit3A_87 = arith.constant 0 : i32
    %broadcast_in_dim3A_88 = vector.broadcast %reduce_sum3A_86 : i32 to vector<16xi32>
    %broadcast_in_dim3A_89 = vector.broadcast %jit3A_87 : i32 to vector<16xi32>
    %select_n3A_90 = arith.select %eq3A_82, %broadcast_in_dim3A_88, %broadcast_in_dim3A_89 : vector<16xi1>, vector<16xi32>
    %add3A_91 = arith.addi %add3A_67, %select_n3A_90 : vector<16xi32>
    %eq3A_92 = arith.constant 2 : i32
    %eq3A_93 = vector.broadcast %eq3A_92 : i32 to vector<16xi32>
    %eq3A_94 = arith.cmpi eq, %iota3A, %eq3A_93 : vector<16xi32>
    %reduce_sum3A_95 = arith.constant true
    %reduce_sum3A_96 = vector.broadcast %reduce_sum3A_95 : i1 to vector<16xi1>
    %reduce_sum3A_97 = tpu.scan <sum>, %while3A_31#2 masked %reduce_sum3A_96 : vector<16xi32>, vector<16xi1> -> vector<16xi32>
    %reduce_sum3A_98 = vector.extract %reduce_sum3A_97[15] : i32 from vector<16xi32>
    %jit3A_99 = arith.constant 0 : i32
    %broadcast_in_dim3A_100 = vector.broadcast %reduce_sum3A_98 : i32 to vector<16xi32>
    %broadcast_in_dim3A_101 = vector.broadcast %jit3A_99 : i32 to vector<16xi32>
    %select_n3A_102 = arith.select %eq3A_94, %broadcast_in_dim3A_100, %broadcast_in_dim3A_101 : vector<16xi1>, vector<16xi32>
    %add3A_103 = arith.addi %add3A_79, %select_n3A_102 : vector<16xi32>
    %eq3A_104 = arith.constant 3 : i32
    %eq3A_105 = vector.broadcast %eq3A_104 : i32 to vector<16xi32>
    %eq3A_106 = arith.cmpi eq, %iota3A, %eq3A_105 : vector<16xi32>
    %reduce_sum3A_107 = arith.constant true
    %reduce_sum3A_108 = vector.broadcast %reduce_sum3A_107 : i1 to vector<16xi1>
    %reduce_sum3A_109 = tpu.scan <sum>, %while3A_18#3 masked %reduce_sum3A_108 : vector<16xi32>, vector<16xi1> -> vector<16xi32>
    %reduce_sum3A_110 = vector.extract %reduce_sum3A_109[15] : i32 from vector<16xi32>
    %jit3A_111 = arith.constant 0 : i32
    %broadcast_in_dim3A_112 = vector.broadcast %reduce_sum3A_110 : i32 to vector<16xi32>
    %broadcast_in_dim3A_113 = vector.broadcast %jit3A_111 : i32 to vector<16xi32>
    %select_n3A_114 = arith.select %eq3A_106, %broadcast_in_dim3A_112, %broadcast_in_dim3A_113 : vector<16xi1>, vector<16xi32>
    %add3A_115 = arith.addi %add3A_91, %select_n3A_114 : vector<16xi32>
    %eq3A_116 = arith.constant 3 : i32
    %eq3A_117 = vector.broadcast %eq3A_116 : i32 to vector<16xi32>
    %eq3A_118 = arith.cmpi eq, %iota3A, %eq3A_117 : vector<16xi32>
    %reduce_sum3A_119 = arith.constant true
    %reduce_sum3A_120 = vector.broadcast %reduce_sum3A_119 : i1 to vector<16xi1>
    %reduce_sum3A_121 = tpu.scan <sum>, %while3A_31#3 masked %reduce_sum3A_120 : vector<16xi32>, vector<16xi1> -> vector<16xi32>
    %reduce_sum3A_122 = vector.extract %reduce_sum3A_121[15] : i32 from vector<16xi32>
    %jit3A_123 = arith.constant 0 : i32
    %broadcast_in_dim3A_124 = vector.broadcast %reduce_sum3A_122 : i32 to vector<16xi32>
    %broadcast_in_dim3A_125 = vector.broadcast %jit3A_123 : i32 to vector<16xi32>
    %select_n3A_126 = arith.select %eq3A_118, %broadcast_in_dim3A_124, %broadcast_in_dim3A_125 : vector<16xi1>, vector<16xi32>
    %add3A_127 = arith.addi %add3A_103, %select_n3A_126 : vector<16xi32>
    %eq3A_128 = arith.constant 4 : i32
    %eq3A_129 = vector.broadcast %eq3A_128 : i32 to vector<16xi32>
    %eq3A_130 = arith.cmpi eq, %iota3A, %eq3A_129 : vector<16xi32>
    %reduce_sum3A_131 = arith.constant true
    %reduce_sum3A_132 = vector.broadcast %reduce_sum3A_131 : i1 to vector<16xi1>
    %reduce_sum3A_133 = tpu.scan <sum>, %while3A_18#4 masked %reduce_sum3A_132 : vector<16xi32>, vector<16xi1> -> vector<16xi32>
    %reduce_sum3A_134 = vector.extract %reduce_sum3A_133[15] : i32 from vector<16xi32>
    %jit3A_135 = arith.constant 0 : i32
    %broadcast_in_dim3A_136 = vector.broadcast %reduce_sum3A_134 : i32 to vector<16xi32>
    %broadcast_in_dim3A_137 = vector.broadcast %jit3A_135 : i32 to vector<16xi32>
    %select_n3A_138 = arith.select %eq3A_130, %broadcast_in_dim3A_136, %broadcast_in_dim3A_137 : vector<16xi1>, vector<16xi32>
    %add3A_139 = arith.addi %add3A_115, %select_n3A_138 : vector<16xi32>
    %eq3A_140 = arith.constant 4 : i32
    %eq3A_141 = vector.broadcast %eq3A_140 : i32 to vector<16xi32>
    %eq3A_142 = arith.cmpi eq, %iota3A, %eq3A_141 : vector<16xi32>
    %reduce_sum3A_143 = arith.constant true
    %reduce_sum3A_144 = vector.broadcast %reduce_sum3A_143 : i1 to vector<16xi1>
    %reduce_sum3A_145 = tpu.scan <sum>, %while3A_31#4 masked %reduce_sum3A_144 : vector<16xi32>, vector<16xi1> -> vector<16xi32>
    %reduce_sum3A_146 = vector.extract %reduce_sum3A_145[15] : i32 from vector<16xi32>
    %jit3A_147 = arith.constant 0 : i32
    %broadcast_in_dim3A_148 = vector.broadcast %reduce_sum3A_146 : i32 to vector<16xi32>
    %broadcast_in_dim3A_149 = vector.broadcast %jit3A_147 : i32 to vector<16xi32>
    %select_n3A_150 = arith.select %eq3A_142, %broadcast_in_dim3A_148, %broadcast_in_dim3A_149 : vector<16xi1>, vector<16xi32>
    %add3A_151 = arith.addi %add3A_127, %select_n3A_150 : vector<16xi32>
    %eq3A_152 = arith.constant 5 : i32
    %eq3A_153 = vector.broadcast %eq3A_152 : i32 to vector<16xi32>
    %eq3A_154 = arith.cmpi eq, %iota3A, %eq3A_153 : vector<16xi32>
    %reduce_sum3A_155 = arith.constant true
    %reduce_sum3A_156 = vector.broadcast %reduce_sum3A_155 : i1 to vector<16xi1>
    %reduce_sum3A_157 = tpu.scan <sum>, %while3A_18#5 masked %reduce_sum3A_156 : vector<16xi32>, vector<16xi1> -> vector<16xi32>
    %reduce_sum3A_158 = vector.extract %reduce_sum3A_157[15] : i32 from vector<16xi32>
    %jit3A_159 = arith.constant 0 : i32
    %broadcast_in_dim3A_160 = vector.broadcast %reduce_sum3A_158 : i32 to vector<16xi32>
    %broadcast_in_dim3A_161 = vector.broadcast %jit3A_159 : i32 to vector<16xi32>
    %select_n3A_162 = arith.select %eq3A_154, %broadcast_in_dim3A_160, %broadcast_in_dim3A_161 : vector<16xi1>, vector<16xi32>
    %add3A_163 = arith.addi %add3A_139, %select_n3A_162 : vector<16xi32>
    %eq3A_164 = arith.constant 5 : i32
    %eq3A_165 = vector.broadcast %eq3A_164 : i32 to vector<16xi32>
    %eq3A_166 = arith.cmpi eq, %iota3A, %eq3A_165 : vector<16xi32>
    %reduce_sum3A_167 = arith.constant true
    %reduce_sum3A_168 = vector.broadcast %reduce_sum3A_167 : i1 to vector<16xi1>
    %reduce_sum3A_169 = tpu.scan <sum>, %while3A_31#5 masked %reduce_sum3A_168 : vector<16xi32>, vector<16xi1> -> vector<16xi32>
    %reduce_sum3A_170 = vector.extract %reduce_sum3A_169[15] : i32 from vector<16xi32>
    %jit3A_171 = arith.constant 0 : i32
    %broadcast_in_dim3A_172 = vector.broadcast %reduce_sum3A_170 : i32 to vector<16xi32>
    %broadcast_in_dim3A_173 = vector.broadcast %jit3A_171 : i32 to vector<16xi32>
    %select_n3A_174 = arith.select %eq3A_166, %broadcast_in_dim3A_172, %broadcast_in_dim3A_173 : vector<16xi1>, vector<16xi32>
    %add3A_175 = arith.addi %add3A_151, %select_n3A_174 : vector<16xi32>
    %eq3A_176 = arith.constant 6 : i32
    %eq3A_177 = vector.broadcast %eq3A_176 : i32 to vector<16xi32>
    %eq3A_178 = arith.cmpi eq, %iota3A, %eq3A_177 : vector<16xi32>
    %reduce_sum3A_179 = arith.constant true
    %reduce_sum3A_180 = vector.broadcast %reduce_sum3A_179 : i1 to vector<16xi1>
    %reduce_sum3A_181 = tpu.scan <sum>, %while3A_18#6 masked %reduce_sum3A_180 : vector<16xi32>, vector<16xi1> -> vector<16xi32>
    %reduce_sum3A_182 = vector.extract %reduce_sum3A_181[15] : i32 from vector<16xi32>
    %jit3A_183 = arith.constant 0 : i32
    %broadcast_in_dim3A_184 = vector.broadcast %reduce_sum3A_182 : i32 to vector<16xi32>
    %broadcast_in_dim3A_185 = vector.broadcast %jit3A_183 : i32 to vector<16xi32>
    %select_n3A_186 = arith.select %eq3A_178, %broadcast_in_dim3A_184, %broadcast_in_dim3A_185 : vector<16xi1>, vector<16xi32>
    %add3A_187 = arith.addi %add3A_163, %select_n3A_186 : vector<16xi32>
    %eq3A_188 = arith.constant 6 : i32
    %eq3A_189 = vector.broadcast %eq3A_188 : i32 to vector<16xi32>
    %eq3A_190 = arith.cmpi eq, %iota3A, %eq3A_189 : vector<16xi32>
    %reduce_sum3A_191 = arith.constant true
    %reduce_sum3A_192 = vector.broadcast %reduce_sum3A_191 : i1 to vector<16xi1>
    %reduce_sum3A_193 = tpu.scan <sum>, %while3A_31#6 masked %reduce_sum3A_192 : vector<16xi32>, vector<16xi1> -> vector<16xi32>
    %reduce_sum3A_194 = vector.extract %reduce_sum3A_193[15] : i32 from vector<16xi32>
    %jit3A_195 = arith.constant 0 : i32
    %broadcast_in_dim3A_196 = vector.broadcast %reduce_sum3A_194 : i32 to vector<16xi32>
    %broadcast_in_dim3A_197 = vector.broadcast %jit3A_195 : i32 to vector<16xi32>
    %select_n3A_198 = arith.select %eq3A_190, %broadcast_in_dim3A_196, %broadcast_in_dim3A_197 : vector<16xi1>, vector<16xi32>
    %add3A_199 = arith.addi %add3A_175, %select_n3A_198 : vector<16xi32>
    %eq3A_200 = arith.constant 7 : i32
    %eq3A_201 = vector.broadcast %eq3A_200 : i32 to vector<16xi32>
    %eq3A_202 = arith.cmpi eq, %iota3A, %eq3A_201 : vector<16xi32>
    %reduce_sum3A_203 = arith.constant true
    %reduce_sum3A_204 = vector.broadcast %reduce_sum3A_203 : i1 to vector<16xi1>
    %reduce_sum3A_205 = tpu.scan <sum>, %while3A_18#7 masked %reduce_sum3A_204 : vector<16xi32>, vector<16xi1> -> vector<16xi32>
    %reduce_sum3A_206 = vector.extract %reduce_sum3A_205[15] : i32 from vector<16xi32>
    %jit3A_207 = arith.constant 0 : i32
    %broadcast_in_dim3A_208 = vector.broadcast %reduce_sum3A_206 : i32 to vector<16xi32>
    %broadcast_in_dim3A_209 = vector.broadcast %jit3A_207 : i32 to vector<16xi32>
    %select_n3A_210 = arith.select %eq3A_202, %broadcast_in_dim3A_208, %broadcast_in_dim3A_209 : vector<16xi1>, vector<16xi32>
    %add3A_211 = arith.addi %add3A_187, %select_n3A_210 : vector<16xi32>
    %eq3A_212 = arith.constant 7 : i32
    %eq3A_213 = vector.broadcast %eq3A_212 : i32 to vector<16xi32>
    %eq3A_214 = arith.cmpi eq, %iota3A, %eq3A_213 : vector<16xi32>
    %reduce_sum3A_215 = arith.constant true
    %reduce_sum3A_216 = vector.broadcast %reduce_sum3A_215 : i1 to vector<16xi1>
    %reduce_sum3A_217 = tpu.scan <sum>, %while3A_31#7 masked %reduce_sum3A_216 : vector<16xi32>, vector<16xi1> -> vector<16xi32>
    %reduce_sum3A_218 = vector.extract %reduce_sum3A_217[15] : i32 from vector<16xi32>
    %jit3A_219 = arith.constant 0 : i32
    %broadcast_in_dim3A_220 = vector.broadcast %reduce_sum3A_218 : i32 to vector<16xi32>
    %broadcast_in_dim3A_221 = vector.broadcast %jit3A_219 : i32 to vector<16xi32>
    %select_n3A_222 = arith.select %eq3A_214, %broadcast_in_dim3A_220, %broadcast_in_dim3A_221 : vector<16xi1>, vector<16xi32>
    %add3A_223 = arith.addi %add3A_199, %select_n3A_222 : vector<16xi32>
    %add3A_224 = arith.constant 511 : i32
    %add3A_225 = vector.broadcast %add3A_224 : i32 to vector<16xi32>
    %add3A_226 = arith.addi %add3A_223, %add3A_225 : vector<16xi32>
    %shift_right_arithmetic3A = arith.constant 9 : i32
    %shift_right_arithmetic3A_227 = vector.broadcast %shift_right_arithmetic3A : i32 to vector<16xi32>
    %shift_right_arithmetic3A_228 = arith.shrsi %add3A_226, %shift_right_arithmetic3A_227 : vector<16xi32>
    %shift_left3A = arith.constant 9 : i32
    %shift_left3A_229 = vector.broadcast %shift_left3A : i32 to vector<16xi32>
    %shift_left3A_230 = arith.shli %shift_right_arithmetic3A_228, %shift_left3A_229 : vector<16xi32>
    %broadcast_in_dim3A_231 = arith.constant true
    %broadcast_in_dim3A_232 = vector.broadcast %broadcast_in_dim3A_231 : i1 to vector<16xi1>
    %masked_cumsum3A = tpu.scan <sum>, %shift_left3A_230 masked %broadcast_in_dim3A_232 : vector<16xi32>, vector<16xi1> -> vector<16xi32>
    %sub3A = arith.subi %masked_cumsum3A, %shift_left3A_230 : vector<16xi32>
    %add3A_233 = arith.addi %sub3A, %add3A_211 : vector<16xi32>
    %mul3A_234 = arith.constant 128 : i32
    %mul3A_235 = arith.muli %add3A, %mul3A_234 : i32
    %add3A_236 = arith.constant 0 : i32
    %add3A_237 = arith.addi %mul3A_235, %add3A_236 : i32
    %get3A = arith.index_cast %add3A_237 : i32 to index
    %get3A_238 = tpu.vector_load %arg7[%get3A] {strides = array<i32>} : memref<4096xi32, #tpu.memory_space<vmem>>, vector<16xi32>,
    %broadcast_in_dim3A_239 = arith.constant 0 : i32
    %broadcast_in_dim3A_240 = vector.broadcast %broadcast_in_dim3A_239 : i32 to vector<16xi32>
    %eq3A_241 = arith.constant 0 : i32
    %eq3A_242 = vector.broadcast %eq3A_241 : i32 to vector<16xi32>
    %eq3A_243 = arith.cmpi eq, %get3A_238, %eq3A_242 : vector<16xi32>
    %convert_element_type3A = arith.extui %eq3A_243 : vector<16xi1> to vector<16xi32>
    %broadcast_in_dim3A_244 = arith.constant true
    %broadcast_in_dim3A_245 = vector.broadcast %broadcast_in_dim3A_244 : i1 to vector<16xi1>
    %masked_cumsum3A_246 = tpu.scan <sum>, %convert_element_type3A masked %broadcast_in_dim3A_245 : vector<16xi32>, vector<16xi1> -> vector<16xi32>
    %sub3A_247 = arith.constant 1 : i32
    %sub3A_248 = vector.broadcast %sub3A_247 : i32 to vector<16xi32>
    %sub3A_249 = arith.subi %masked_cumsum3A_246, %sub3A_248 : vector<16xi32>
    %eq3A_250 = arith.constant 0 : i32
    %eq3A_251 = vector.broadcast %eq3A_250 : i32 to vector<16xi32>
    %eq3A_252 = arith.cmpi eq, %iota3A, %eq3A_251 : vector<16xi32>
    %jit3A_253 = arith.constant 0 : i32
    %broadcast_in_dim3A_254 = vector.broadcast %jit3A_253 : i32 to vector<16xi32>
    %select_n3A_255 = arith.select %eq3A_252, %add3A_233, %broadcast_in_dim3A_254 : vector<16xi1>, vector<16xi32>
    %reduce_sum3A_256 = arith.constant true
    %reduce_sum3A_257 = vector.broadcast %reduce_sum3A_256 : i1 to vector<16xi1>
    %reduce_sum3A_258 = tpu.scan <sum>, %select_n3A_255 masked %reduce_sum3A_257 : vector<16xi32>, vector<16xi1> -> vector<16xi32>
    %reduce_sum3A_259 = vector.extract %reduce_sum3A_258[15] : i32 from vector<16xi32>
    %add3A_260 = vector.broadcast %reduce_sum3A_259 : i32 to vector<16xi32>
    %add3A_261 = arith.addi %add3A_260, %sub3A_249 : vector<16xi32>
    %select_n3A_262 = arith.select %eq3A_243, %add3A_261, %broadcast_in_dim3A_240 : vector<16xi1>, vector<16xi32>
    %eq3A_263 = arith.constant 0 : i32
    %eq3A_264 = vector.broadcast %eq3A_263 : i32 to vector<16xi32>
    %eq3A_265 = arith.cmpi eq, %iota3A, %eq3A_264 : vector<16xi32>
    %reduce_sum3A_266 = arith.constant true
    %reduce_sum3A_267 = vector.broadcast %reduce_sum3A_266 : i1 to vector<16xi1>
    %reduce_sum3A_268 = tpu.scan <sum>, %convert_element_type3A masked %reduce_sum3A_267 : vector<16xi32>, vector<16xi1> -> vector<16xi32>
    %reduce_sum3A_269 = vector.extract %reduce_sum3A_268[15] : i32 from vector<16xi32>
    %jit3A_270 = arith.constant 0 : i32
    %broadcast_in_dim3A_271 = vector.broadcast %reduce_sum3A_269 : i32 to vector<16xi32>
    %broadcast_in_dim3A_272 = vector.broadcast %jit3A_270 : i32 to vector<16xi32>
    %select_n3A_273 = arith.select %eq3A_265, %broadcast_in_dim3A_271, %broadcast_in_dim3A_272 : vector<16xi1>, vector<16xi32>
    %add3A_274 = arith.addi %add3A_233, %select_n3A_273 : vector<16xi32>
    %eq3A_275 = arith.constant 1 : i32
    %eq3A_276 = vector.broadcast %eq3A_275 : i32 to vector<16xi32>
    %eq3A_277 = arith.cmpi eq, %get3A_238, %eq3A_276 : vector<16xi32>
    %convert_element_type3A_278 = arith.extui %eq3A_277 : vector<16xi1> to vector<16xi32>
    %broadcast_in_dim3A_279 = arith.constant true
    %broadcast_in_dim3A_280 = vector.broadcast %broadcast_in_dim3A_279 : i1 to vector<16xi1>
    %masked_cumsum3A_281 = tpu.scan <sum>, %convert_element_type3A_278 masked %broadcast_in_dim3A_280 : vector<16xi32>, vector<16xi1> -> vector<16xi32>
    %sub3A_282 = arith.constant 1 : i32
    %sub3A_283 = vector.broadcast %sub3A_282 : i32 to vector<16xi32>
    %sub3A_284 = arith.subi %masked_cumsum3A_281, %sub3A_283 : vector<16xi32>
    %eq3A_285 = arith.constant 1 : i32
    %eq3A_286 = vector.broadcast %eq3A_285 : i32 to vector<16xi32>
    %eq3A_287 = arith.cmpi eq, %iota3A, %eq3A_286 : vector<16xi32>
    %jit3A_288 = arith.constant 0 : i32
    %broadcast_in_dim3A_289 = vector.broadcast %jit3A_288 : i32 to vector<16xi32>
    %select_n3A_290 = arith.select %eq3A_287, %add3A_274, %broadcast_in_dim3A_289 : vector<16xi1>, vector<16xi32>
    %reduce_sum3A_291 = arith.constant true
    %reduce_sum3A_292 = vector.broadcast %reduce_sum3A_291 : i1 to vector<16xi1>
    %reduce_sum3A_293 = tpu.scan <sum>, %select_n3A_290 masked %reduce_sum3A_292 : vector<16xi32>, vector<16xi1> -> vector<16xi32>
    %reduce_sum3A_294 = vector.extract %reduce_sum3A_293[15] : i32 from vector<16xi32>
    %add3A_295 = vector.broadcast %reduce_sum3A_294 : i32 to vector<16xi32>
    %add3A_296 = arith.addi %add3A_295, %sub3A_284 : vector<16xi32>
    %select_n3A_297 = arith.select %eq3A_277, %add3A_296, %select_n3A_262 : vector<16xi1>, vector<16xi32>
    %eq3A_298 = arith.constant 1 : i32
    %eq3A_299 = vector.broadcast %eq3A_298 : i32 to vector<16xi32>
    %eq3A_300 = arith.cmpi eq, %iota3A, %eq3A_299 : vector<16xi32>
    %reduce_sum3A_301 = arith.constant true
    %reduce_sum3A_302 = vector.broadcast %reduce_sum3A_301 : i1 to vector<16xi1>
    %reduce_sum3A_303 = tpu.scan <sum>, %convert_element_type3A_278 masked %reduce_sum3A_302 : vector<16xi32>, vector<16xi1> -> vector<16xi32>
    %reduce_sum3A_304 = vector.extract %reduce_sum3A_303[15] : i32 from vector<16xi32>
    %jit3A_305 = arith.constant 0 : i32
    %broadcast_in_dim3A_306 = vector.broadcast %reduce_sum3A_304 : i32 to vector<16xi32>
    %broadcast_in_dim3A_307 = vector.broadcast %jit3A_305 : i32 to vector<16xi32>
    %select_n3A_308 = arith.select %eq3A_300, %broadcast_in_dim3A_306, %broadcast_in_dim3A_307 : vector<16xi1>, vector<16xi32>
    %add3A_309 = arith.addi %add3A_274, %select_n3A_308 : vector<16xi32>
    %eq3A_310 = arith.constant 2 : i32
    %eq3A_311 = vector.broadcast %eq3A_310 : i32 to vector<16xi32>
    %eq3A_312 = arith.cmpi eq, %get3A_238, %eq3A_311 : vector<16xi32>
    %convert_element_type3A_313 = arith.extui %eq3A_312 : vector<16xi1> to vector<16xi32>
    %broadcast_in_dim3A_314 = arith.constant true
    %broadcast_in_dim3A_315 = vector.broadcast %broadcast_in_dim3A_314 : i1 to vector<16xi1>
    %masked_cumsum3A_316 = tpu.scan <sum>, %convert_element_type3A_313 masked %broadcast_in_dim3A_315 : vector<16xi32>, vector<16xi1> -> vector<16xi32>
    %sub3A_317 = arith.constant 1 : i32
    %sub3A_318 = vector.broadcast %sub3A_317 : i32 to vector<16xi32>
    %sub3A_319 = arith.subi %masked_cumsum3A_316, %sub3A_318 : vector<16xi32>
    %eq3A_320 = arith.constant 2 : i32
    %eq3A_321 = vector.broadcast %eq3A_320 : i32 to vector<16xi32>
    %eq3A_322 = arith.cmpi eq, %iota3A, %eq3A_321 : vector<16xi32>
    %jit3A_323 = arith.constant 0 : i32
    %broadcast_in_dim3A_324 = vector.broadcast %jit3A_323 : i32 to vector<16xi32>
    %select_n3A_325 = arith.select %eq3A_322, %add3A_309, %broadcast_in_dim3A_324 : vector<16xi1>, vector<16xi32>
    %reduce_sum3A_326 = arith.constant true
    %reduce_sum3A_327 = vector.broadcast %reduce_sum3A_326 : i1 to vector<16xi1>
    %reduce_sum3A_328 = tpu.scan <sum>, %select_n3A_325 masked %reduce_sum3A_327 : vector<16xi32>, vector<16xi1> -> vector<16xi32>
    %reduce_sum3A_329 = vector.extract %reduce_sum3A_328[15] : i32 from vector<16xi32>
    %add3A_330 = vector.broadcast %reduce_sum3A_329 : i32 to vector<16xi32>
    %add3A_331 = arith.addi %add3A_330, %sub3A_319 : vector<16xi32>
    %select_n3A_332 = arith.select %eq3A_312, %add3A_331, %select_n3A_297 : vector<16xi1>, vector<16xi32>
    %eq3A_333 = arith.constant 2 : i32
    %eq3A_334 = vector.broadcast %eq3A_333 : i32 to vector<16xi32>
    %eq3A_335 = arith.cmpi eq, %iota3A, %eq3A_334 : vector<16xi32>
    %reduce_sum3A_336 = arith.constant true
    %reduce_sum3A_337 = vector.broadcast %reduce_sum3A_336 : i1 to vector<16xi1>
    %reduce_sum3A_338 = tpu.scan <sum>, %convert_element_type3A_313 masked %reduce_sum3A_337 : vector<16xi32>, vector<16xi1> -> vector<16xi32>
    %reduce_sum3A_339 = vector.extract %reduce_sum3A_338[15] : i32 from vector<16xi32>
    %jit3A_340 = arith.constant 0 : i32
    %broadcast_in_dim3A_341 = vector.broadcast %reduce_sum3A_339 : i32 to vector<16xi32>
    %broadcast_in_dim3A_342 = vector.broadcast %jit3A_340 : i32 to vector<16xi32>
    %select_n3A_343 = arith.select %eq3A_335, %broadcast_in_dim3A_341, %broadcast_in_dim3A_342 : vector<16xi1>, vector<16xi32>
    %add3A_344 = arith.addi %add3A_309, %select_n3A_343 : vector<16xi32>
    %eq3A_345 = arith.constant 3 : i32
    %eq3A_346 = vector.broadcast %eq3A_345 : i32 to vector<16xi32>
    %eq3A_347 = arith.cmpi eq, %get3A_238, %eq3A_346 : vector<16xi32>
    %convert_element_type3A_348 = arith.extui %eq3A_347 : vector<16xi1> to vector<16xi32>
    %broadcast_in_dim3A_349 = arith.constant true
    %broadcast_in_dim3A_350 = vector.broadcast %broadcast_in_dim3A_349 : i1 to vector<16xi1>
    %masked_cumsum3A_351 = tpu.scan <sum>, %convert_element_type3A_348 masked %broadcast_in_dim3A_350 : vector<16xi32>, vector<16xi1> -> vector<16xi32>
    %sub3A_352 = arith.constant 1 : i32
    %sub3A_353 = vector.broadcast %sub3A_352 : i32 to vector<16xi32>
    %sub3A_354 = arith.subi %masked_cumsum3A_351, %sub3A_353 : vector<16xi32>
    %eq3A_355 = arith.constant 3 : i32
    %eq3A_356 = vector.broadcast %eq3A_355 : i32 to vector<16xi32>
    %eq3A_357 = arith.cmpi eq, %iota3A, %eq3A_356 : vector<16xi32>
    %jit3A_358 = arith.constant 0 : i32
    %broadcast_in_dim3A_359 = vector.broadcast %jit3A_358 : i32 to vector<16xi32>
    %select_n3A_360 = arith.select %eq3A_357, %add3A_344, %broadcast_in_dim3A_359 : vector<16xi1>, vector<16xi32>
    %reduce_sum3A_361 = arith.constant true
    %reduce_sum3A_362 = vector.broadcast %reduce_sum3A_361 : i1 to vector<16xi1>
    %reduce_sum3A_363 = tpu.scan <sum>, %select_n3A_360 masked %reduce_sum3A_362 : vector<16xi32>, vector<16xi1> -> vector<16xi32>
    %reduce_sum3A_364 = vector.extract %reduce_sum3A_363[15] : i32 from vector<16xi32>
    %add3A_365 = vector.broadcast %reduce_sum3A_364 : i32 to vector<16xi32>
    %add3A_366 = arith.addi %add3A_365, %sub3A_354 : vector<16xi32>
    %select_n3A_367 = arith.select %eq3A_347, %add3A_366, %select_n3A_332 : vector<16xi1>, vector<16xi32>
    %eq3A_368 = arith.constant 3 : i32
    %eq3A_369 = vector.broadcast %eq3A_368 : i32 to vector<16xi32>
    %eq3A_370 = arith.cmpi eq, %iota3A, %eq3A_369 : vector<16xi32>
    %reduce_sum3A_371 = arith.constant true
    %reduce_sum3A_372 = vector.broadcast %reduce_sum3A_371 : i1 to vector<16xi1>
    %reduce_sum3A_373 = tpu.scan <sum>, %convert_element_type3A_348 masked %reduce_sum3A_372 : vector<16xi32>, vector<16xi1> -> vector<16xi32>
    %reduce_sum3A_374 = vector.extract %reduce_sum3A_373[15] : i32 from vector<16xi32>
    %jit3A_375 = arith.constant 0 : i32
    %broadcast_in_dim3A_376 = vector.broadcast %reduce_sum3A_374 : i32 to vector<16xi32>
    %broadcast_in_dim3A_377 = vector.broadcast %jit3A_375 : i32 to vector<16xi32>
    %select_n3A_378 = arith.select %eq3A_370, %broadcast_in_dim3A_376, %broadcast_in_dim3A_377 : vector<16xi1>, vector<16xi32>
    %add3A_379 = arith.addi %add3A_344, %select_n3A_378 : vector<16xi32>
    %eq3A_380 = arith.constant 4 : i32
    %eq3A_381 = vector.broadcast %eq3A_380 : i32 to vector<16xi32>
    %eq3A_382 = arith.cmpi eq, %get3A_238, %eq3A_381 : vector<16xi32>
    %convert_element_type3A_383 = arith.extui %eq3A_382 : vector<16xi1> to vector<16xi32>
    %broadcast_in_dim3A_384 = arith.constant true
    %broadcast_in_dim3A_385 = vector.broadcast %broadcast_in_dim3A_384 : i1 to vector<16xi1>
    %masked_cumsum3A_386 = tpu.scan <sum>, %convert_element_type3A_383 masked %broadcast_in_dim3A_385 : vector<16xi32>, vector<16xi1> -> vector<16xi32>
    %sub3A_387 = arith.constant 1 : i32
    %sub3A_388 = vector.broadcast %sub3A_387 : i32 to vector<16xi32>
    %sub3A_389 = arith.subi %masked_cumsum3A_386, %sub3A_388 : vector<16xi32>
    %eq3A_390 = arith.constant 4 : i32
    %eq3A_391 = vector.broadcast %eq3A_390 : i32 to vector<16xi32>
    %eq3A_392 = arith.cmpi eq, %iota3A, %eq3A_391 : vector<16xi32>
    %jit3A_393 = arith.constant 0 : i32
    %broadcast_in_dim3A_394 = vector.broadcast %jit3A_393 : i32 to vector<16xi32>
    %select_n3A_395 = arith.select %eq3A_392, %add3A_379, %broadcast_in_dim3A_394 : vector<16xi1>, vector<16xi32>
    %reduce_sum3A_396 = arith.constant true
    %reduce_sum3A_397 = vector.broadcast %reduce_sum3A_396 : i1 to vector<16xi1>
    %reduce_sum3A_398 = tpu.scan <sum>, %select_n3A_395 masked %reduce_sum3A_397 : vector<16xi32>, vector<16xi1> -> vector<16xi32>
    %reduce_sum3A_399 = vector.extract %reduce_sum3A_398[15] : i32 from vector<16xi32>
    %add3A_400 = vector.broadcast %reduce_sum3A_399 : i32 to vector<16xi32>
    %add3A_401 = arith.addi %add3A_400, %sub3A_389 : vector<16xi32>
    %select_n3A_402 = arith.select %eq3A_382, %add3A_401, %select_n3A_367 : vector<16xi1>, vector<16xi32>
    %eq3A_403 = arith.constant 4 : i32
    %eq3A_404 = vector.broadcast %eq3A_403 : i32 to vector<16xi32>
    %eq3A_405 = arith.cmpi eq, %iota3A, %eq3A_404 : vector<16xi32>
    %reduce_sum3A_406 = arith.constant true
    %reduce_sum3A_407 = vector.broadcast %reduce_sum3A_406 : i1 to vector<16xi1>
    %reduce_sum3A_408 = tpu.scan <sum>, %convert_element_type3A_383 masked %reduce_sum3A_407 : vector<16xi32>, vector<16xi1> -> vector<16xi32>
    %reduce_sum3A_409 = vector.extract %reduce_sum3A_408[15] : i32 from vector<16xi32>
    %jit3A_410 = arith.constant 0 : i32
    %broadcast_in_dim3A_411 = vector.broadcast %reduce_sum3A_409 : i32 to vector<16xi32>
    %broadcast_in_dim3A_412 = vector.broadcast %jit3A_410 : i32 to vector<16xi32>
    %select_n3A_413 = arith.select %eq3A_405, %broadcast_in_dim3A_411, %broadcast_in_dim3A_412 : vector<16xi1>, vector<16xi32>
    %add3A_414 = arith.addi %add3A_379, %select_n3A_413 : vector<16xi32>
    %eq3A_415 = arith.constant 5 : i32
    %eq3A_416 = vector.broadcast %eq3A_415 : i32 to vector<16xi32>
    %eq3A_417 = arith.cmpi eq, %get3A_238, %eq3A_416 : vector<16xi32>
    %convert_element_type3A_418 = arith.extui %eq3A_417 : vector<16xi1> to vector<16xi32>
    %broadcast_in_dim3A_419 = arith.constant true
    %broadcast_in_dim3A_420 = vector.broadcast %broadcast_in_dim3A_419 : i1 to vector<16xi1>
    %masked_cumsum3A_421 = tpu.scan <sum>, %convert_element_type3A_418 masked %broadcast_in_dim3A_420 : vector<16xi32>, vector<16xi1> -> vector<16xi32>
    %sub3A_422 = arith.constant 1 : i32
    %sub3A_423 = vector.broadcast %sub3A_422 : i32 to vector<16xi32>
    %sub3A_424 = arith.subi %masked_cumsum3A_421, %sub3A_423 : vector<16xi32>
    %eq3A_425 = arith.constant 5 : i32
    %eq3A_426 = vector.broadcast %eq3A_425 : i32 to vector<16xi32>
    %eq3A_427 = arith.cmpi eq, %iota3A, %eq3A_426 : vector<16xi32>
    %jit3A_428 = arith.constant 0 : i32
    %broadcast_in_dim3A_429 = vector.broadcast %jit3A_428 : i32 to vector<16xi32>
    %select_n3A_430 = arith.select %eq3A_427, %add3A_414, %broadcast_in_dim3A_429 : vector<16xi1>, vector<16xi32>
    %reduce_sum3A_431 = arith.constant true
    %reduce_sum3A_432 = vector.broadcast %reduce_sum3A_431 : i1 to vector<16xi1>
    %reduce_sum3A_433 = tpu.scan <sum>, %select_n3A_430 masked %reduce_sum3A_432 : vector<16xi32>, vector<16xi1> -> vector<16xi32>
    %reduce_sum3A_434 = vector.extract %reduce_sum3A_433[15] : i32 from vector<16xi32>
    %add3A_435 = vector.broadcast %reduce_sum3A_434 : i32 to vector<16xi32>
    %add3A_436 = arith.addi %add3A_435, %sub3A_424 : vector<16xi32>
    %select_n3A_437 = arith.select %eq3A_417, %add3A_436, %select_n3A_402 : vector<16xi1>, vector<16xi32>
    %eq3A_438 = arith.constant 5 : i32
    %eq3A_439 = vector.broadcast %eq3A_438 : i32 to vector<16xi32>
    %eq3A_440 = arith.cmpi eq, %iota3A, %eq3A_439 : vector<16xi32>
    %reduce_sum3A_441 = arith.constant true
    %reduce_sum3A_442 = vector.broadcast %reduce_sum3A_441 : i1 to vector<16xi1>
    %reduce_sum3A_443 = tpu.scan <sum>, %convert_element_type3A_418 masked %reduce_sum3A_442 : vector<16xi32>, vector<16xi1> -> vector<16xi32>
    %reduce_sum3A_444 = vector.extract %reduce_sum3A_443[15] : i32 from vector<16xi32>
    %jit3A_445 = arith.constant 0 : i32
    %broadcast_in_dim3A_446 = vector.broadcast %reduce_sum3A_444 : i32 to vector<16xi32>
    %broadcast_in_dim3A_447 = vector.broadcast %jit3A_445 : i32 to vector<16xi32>
    %select_n3A_448 = arith.select %eq3A_440, %broadcast_in_dim3A_446, %broadcast_in_dim3A_447 : vector<16xi1>, vector<16xi32>
    %add3A_449 = arith.addi %add3A_414, %select_n3A_448 : vector<16xi32>
    %eq3A_450 = arith.constant 6 : i32
    %eq3A_451 = vector.broadcast %eq3A_450 : i32 to vector<16xi32>
    %eq3A_452 = arith.cmpi eq, %get3A_238, %eq3A_451 : vector<16xi32>
    %convert_element_type3A_453 = arith.extui %eq3A_452 : vector<16xi1> to vector<16xi32>
    %broadcast_in_dim3A_454 = arith.constant true
    %broadcast_in_dim3A_455 = vector.broadcast %broadcast_in_dim3A_454 : i1 to vector<16xi1>
    %masked_cumsum3A_456 = tpu.scan <sum>, %convert_element_type3A_453 masked %broadcast_in_dim3A_455 : vector<16xi32>, vector<16xi1> -> vector<16xi32>
    %sub3A_457 = arith.constant 1 : i32
    %sub3A_458 = vector.broadcast %sub3A_457 : i32 to vector<16xi32>
    %sub3A_459 = arith.subi %masked_cumsum3A_456, %sub3A_458 : vector<16xi32>
    %eq3A_460 = arith.constant 6 : i32
    %eq3A_461 = vector.broadcast %eq3A_460 : i32 to vector<16xi32>
    %eq3A_462 = arith.cmpi eq, %iota3A, %eq3A_461 : vector<16xi32>
    %jit3A_463 = arith.constant 0 : i32
    %broadcast_in_dim3A_464 = vector.broadcast %jit3A_463 : i32 to vector<16xi32>
    %select_n3A_465 = arith.select %eq3A_462, %add3A_449, %broadcast_in_dim3A_464 : vector<16xi1>, vector<16xi32>
    %reduce_sum3A_466 = arith.constant true
    %reduce_sum3A_467 = vector.broadcast %reduce_sum3A_466 : i1 to vector<16xi1>
    %reduce_sum3A_468 = tpu.scan <sum>, %select_n3A_465 masked %reduce_sum3A_467 : vector<16xi32>, vector<16xi1> -> vector<16xi32>
    %reduce_sum3A_469 = vector.extract %reduce_sum3A_468[15] : i32 from vector<16xi32>
    %add3A_470 = vector.broadcast %reduce_sum3A_469 : i32 to vector<16xi32>
    %add3A_471 = arith.addi %add3A_470, %sub3A_459 : vector<16xi32>
    %select_n3A_472 = arith.select %eq3A_452, %add3A_471, %select_n3A_437 : vector<16xi1>, vector<16xi32>
    %eq3A_473 = arith.constant 6 : i32
    %eq3A_474 = vector.broadcast %eq3A_473 : i32 to vector<16xi32>
    %eq3A_475 = arith.cmpi eq, %iota3A, %eq3A_474 : vector<16xi32>
    %reduce_sum3A_476 = arith.constant true
    %reduce_sum3A_477 = vector.broadcast %reduce_sum3A_476 : i1 to vector<16xi1>
    %reduce_sum3A_478 = tpu.scan <sum>, %convert_element_type3A_453 masked %reduce_sum3A_477 : vector<16xi32>, vector<16xi1> -> vector<16xi32>
    %reduce_sum3A_479 = vector.extract %reduce_sum3A_478[15] : i32 from vector<16xi32>
    %jit3A_480 = arith.constant 0 : i32
    %broadcast_in_dim3A_481 = vector.broadcast %reduce_sum3A_479 : i32 to vector<16xi32>
    %broadcast_in_dim3A_482 = vector.broadcast %jit3A_480 : i32 to vector<16xi32>
    %select_n3A_483 = arith.select %eq3A_475, %broadcast_in_dim3A_481, %broadcast_in_dim3A_482 : vector<16xi1>, vector<16xi32>
    %add3A_484 = arith.addi %add3A_449, %select_n3A_483 : vector<16xi32>
    %eq3A_485 = arith.constant 7 : i32
    %eq3A_486 = vector.broadcast %eq3A_485 : i32 to vector<16xi32>
    %eq3A_487 = arith.cmpi eq, %get3A_238, %eq3A_486 : vector<16xi32>
    %convert_element_type3A_488 = arith.extui %eq3A_487 : vector<16xi1> to vector<16xi32>
    %broadcast_in_dim3A_489 = arith.constant true
    %broadcast_in_dim3A_490 = vector.broadcast %broadcast_in_dim3A_489 : i1 to vector<16xi1>
    %masked_cumsum3A_491 = tpu.scan <sum>, %convert_element_type3A_488 masked %broadcast_in_dim3A_490 : vector<16xi32>, vector<16xi1> -> vector<16xi32>
    %sub3A_492 = arith.constant 1 : i32
    %sub3A_493 = vector.broadcast %sub3A_492 : i32 to vector<16xi32>
    %sub3A_494 = arith.subi %masked_cumsum3A_491, %sub3A_493 : vector<16xi32>
    %eq3A_495 = arith.constant 7 : i32
    %eq3A_496 = vector.broadcast %eq3A_495 : i32 to vector<16xi32>
    %eq3A_497 = arith.cmpi eq, %iota3A, %eq3A_496 : vector<16xi32>
    %jit3A_498 = arith.constant 0 : i32
    %broadcast_in_dim3A_499 = vector.broadcast %jit3A_498 : i32 to vector<16xi32>
    %select_n3A_500 = arith.select %eq3A_497, %add3A_484, %broadcast_in_dim3A_499 : vector<16xi1>, vector<16xi32>
    %reduce_sum3A_501 = arith.constant true
    %reduce_sum3A_502 = vector.broadcast %reduce_sum3A_501 : i1 to vector<16xi1>
    %reduce_sum3A_503 = tpu.scan <sum>, %select_n3A_500 masked %reduce_sum3A_502 : vector<16xi32>, vector<16xi1> -> vector<16xi32>
    %reduce_sum3A_504 = vector.extract %reduce_sum3A_503[15] : i32 from vector<16xi32>
    %add3A_505 = vector.broadcast %reduce_sum3A_504 : i32 to vector<16xi32>
    %add3A_506 = arith.addi %add3A_505, %sub3A_494 : vector<16xi32>
    %select_n3A_507 = arith.select %eq3A_487, %add3A_506, %select_n3A_472 : vector<16xi1>, vector<16xi32>
    %eq3A_508 = arith.constant 7 : i32
    %eq3A_509 = vector.broadcast %eq3A_508 : i32 to vector<16xi32>
    %eq3A_510 = arith.cmpi eq, %iota3A, %eq3A_509 : vector<16xi32>
    %reduce_sum3A_511 = arith.constant true
    %reduce_sum3A_512 = vector.broadcast %reduce_sum3A_511 : i1 to vector<16xi1>
    %reduce_sum3A_513 = tpu.scan <sum>, %convert_element_type3A_488 masked %reduce_sum3A_512 : vector<16xi32>, vector<16xi1> -> vector<16xi32>
    %reduce_sum3A_514 = vector.extract %reduce_sum3A_513[15] : i32 from vector<16xi32>
    %jit3A_515 = arith.constant 0 : i32
    %broadcast_in_dim3A_516 = vector.broadcast %reduce_sum3A_514 : i32 to vector<16xi32>
    %broadcast_in_dim3A_517 = vector.broadcast %jit3A_515 : i32 to vector<16xi32>
    %select_n3A_518 = arith.select %eq3A_510, %broadcast_in_dim3A_516, %broadcast_in_dim3A_517 : vector<16xi1>, vector<16xi32>
    %add3A_519 = arith.addi %add3A_484, %select_n3A_518 : vector<16xi32>
    %swap3A = arith.constant 0 : index
    %swap3A_520 = tpu.vector_load %arg8[%swap3A] {strides = array<i32>} : memref<128xi32, #tpu.memory_space<vmem>>, vector<16xi32>,
    tpu.vector_store %arg8[%swap3A], %select_n3A_507 {strides = array<i32>} : memref<128xi32, #tpu.memory_space<vmem>>, vector<16xi32>,
    %mul3A_521 = arith.constant 128 : i32
    %mul3A_522 = arith.muli %add3A, %mul3A_521 : i32
    %add3A_523 = arith.constant 16 : i32
    %add3A_524 = arith.addi %mul3A_522, %add3A_523 : i32
    %get3A_525 = arith.index_cast %add3A_524 : i32 to index
    %get3A_526 = tpu.vector_load %arg7[%get3A_525] {strides = array<i32>} : memref<4096xi32, #tpu.memory_space<vmem>>, vector<16xi32>,
    %broadcast_in_dim3A_527 = arith.constant 0 : i32
    %broadcast_in_dim3A_528 = vector.broadcast %broadcast_in_dim3A_527 : i32 to vector<16xi32>
    %eq3A_529 = arith.constant 0 : i32
    %eq3A_530 = vector.broadcast %eq3A_529 : i32 to vector<16xi32>
    %eq3A_531 = arith.cmpi eq, %get3A_526, %eq3A_530 : vector<16xi32>
    %convert_element_type3A_532 = arith.extui %eq3A_531 : vector<16xi1> to vector<16xi32>
    %broadcast_in_dim3A_533 = arith.constant true
    %broadcast_in_dim3A_534 = vector.broadcast %broadcast_in_dim3A_533 : i1 to vector<16xi1>
    %masked_cumsum3A_535 = tpu.scan <sum>, %convert_element_type3A_532 masked %broadcast_in_dim3A_534 : vector<16xi32>, vector<16xi1> -> vector<16xi32>
    %sub3A_536 = arith.constant 1 : i32
    %sub3A_537 = vector.broadcast %sub3A_536 : i32 to vector<16xi32>
    %sub3A_538 = arith.subi %masked_cumsum3A_535, %sub3A_537 : vector<16xi32>
    %eq3A_539 = arith.constant 0 : i32
    %eq3A_540 = vector.broadcast %eq3A_539 : i32 to vector<16xi32>
    %eq3A_541 = arith.cmpi eq, %iota3A, %eq3A_540 : vector<16xi32>
    %jit3A_542 = arith.constant 0 : i32
    %broadcast_in_dim3A_543 = vector.broadcast %jit3A_542 : i32 to vector<16xi32>
    %select_n3A_544 = arith.select %eq3A_541, %add3A_519, %broadcast_in_dim3A_543 : vector<16xi1>, vector<16xi32>
    %reduce_sum3A_545 = arith.constant true
    %reduce_sum3A_546 = vector.broadcast %reduce_sum3A_545 : i1 to vector<16xi1>
    %reduce_sum3A_547 = tpu.scan <sum>, %select_n3A_544 masked %reduce_sum3A_546 : vector<16xi32>, vector<16xi1> -> vector<16xi32>
    %reduce_sum3A_548 = vector.extract %reduce_sum3A_547[15] : i32 from vector<16xi32>
    %add3A_549 = vector.broadcast %reduce_sum3A_548 : i32 to vector<16xi32>
    %add3A_550 = arith.addi %add3A_549, %sub3A_538 : vector<16xi32>
    %select_n3A_551 = arith.select %eq3A_531, %add3A_550, %broadcast_in_dim3A_528 : vector<16xi1>, vector<16xi32>
    %eq3A_552 = arith.constant 0 : i32
    %eq3A_553 = vector.broadcast %eq3A_552 : i32 to vector<16xi32>
    %eq3A_554 = arith.cmpi eq, %iota3A, %eq3A_553 : vector<16xi32>
    %reduce_sum3A_555 = arith.constant true
    %reduce_sum3A_556 = vector.broadcast %reduce_sum3A_555 : i1 to vector<16xi1>
    %reduce_sum3A_557 = tpu.scan <sum>, %convert_element_type3A_532 masked %reduce_sum3A_556 : vector<16xi32>, vector<16xi1> -> vector<16xi32>
    %reduce_sum3A_558 = vector.extract %reduce_sum3A_557[15] : i32 from vector<16xi32>
    %jit3A_559 = arith.constant 0 : i32
    %broadcast_in_dim3A_560 = vector.broadcast %reduce_sum3A_558 : i32 to vector<16xi32>
    %broadcast_in_dim3A_561 = vector.broadcast %jit3A_559 : i32 to vector<16xi32>
    %select_n3A_562 = arith.select %eq3A_554, %broadcast_in_dim3A_560, %broadcast_in_dim3A_561 : vector<16xi1>, vector<16xi32>
    %add3A_563 = arith.addi %add3A_519, %select_n3A_562 : vector<16xi32>
    %eq3A_564 = arith.constant 1 : i32
    %eq3A_565 = vector.broadcast %eq3A_564 : i32 to vector<16xi32>
    %eq3A_566 = arith.cmpi eq, %get3A_526, %eq3A_565 : vector<16xi32>
    %convert_element_type3A_567 = arith.extui %eq3A_566 : vector<16xi1> to vector<16xi32>
    %broadcast_in_dim3A_568 = arith.constant true
    %broadcast_in_dim3A_569 = vector.broadcast %broadcast_in_dim3A_568 : i1 to vector<16xi1>
    %masked_cumsum3A_570 = tpu.scan <sum>, %convert_element_type3A_567 masked %broadcast_in_dim3A_569 : vector<16xi32>, vector<16xi1> -> vector<16xi32>
    %sub3A_571 = arith.constant 1 : i32
    %sub3A_572 = vector.broadcast %sub3A_571 : i32 to vector<16xi32>
    %sub3A_573 = arith.subi %masked_cumsum3A_570, %sub3A_572 : vector<16xi32>
    %eq3A_574 = arith.constant 1 : i32
    %eq3A_575 = vector.broadcast %eq3A_574 : i32 to vector<16xi32>
    %eq3A_576 = arith.cmpi eq, %iota3A, %eq3A_575 : vector<16xi32>
    %jit3A_577 = arith.constant 0 : i32
    %broadcast_in_dim3A_578 = vector.broadcast %jit3A_577 : i32 to vector<16xi32>
    %select_n3A_579 = arith.select %eq3A_576, %add3A_563, %broadcast_in_dim3A_578 : vector<16xi1>, vector<16xi32>
    %reduce_sum3A_580 = arith.constant true
    %reduce_sum3A_581 = vector.broadcast %reduce_sum3A_580 : i1 to vector<16xi1>
    %reduce_sum3A_582 = tpu.scan <sum>, %select_n3A_579 masked %reduce_sum3A_581 : vector<16xi32>, vector<16xi1> -> vector<16xi32>
    %reduce_sum3A_583 = vector.extract %reduce_sum3A_582[15] : i32 from vector<16xi32>
    %add3A_584 = vector.broadcast %reduce_sum3A_583 : i32 to vector<16xi32>
    %add3A_585 = arith.addi %add3A_584, %sub3A_573 : vector<16xi32>
    %select_n3A_586 = arith.select %eq3A_566, %add3A_585, %select_n3A_551 : vector<16xi1>, vector<16xi32>
    %eq3A_587 = arith.constant 1 : i32
    %eq3A_588 = vector.broadcast %eq3A_587 : i32 to vector<16xi32>
    %eq3A_589 = arith.cmpi eq, %iota3A, %eq3A_588 : vector<16xi32>
    %reduce_sum3A_590 = arith.constant true
    %reduce_sum3A_591 = vector.broadcast %reduce_sum3A_590 : i1 to vector<16xi1>
    %reduce_sum3A_592 = tpu.scan <sum>, %convert_element_type3A_567 masked %reduce_sum3A_591 : vector<16xi32>, vector<16xi1> -> vector<16xi32>
    %reduce_sum3A_593 = vector.extract %reduce_sum3A_592[15] : i32 from vector<16xi32>
    %jit3A_594 = arith.constant 0 : i32
    %broadcast_in_dim3A_595 = vector.broadcast %reduce_sum3A_593 : i32 to vector<16xi32>
    %broadcast_in_dim3A_596 = vector.broadcast %jit3A_594 : i32 to vector<16xi32>
    %select_n3A_597 = arith.select %eq3A_589, %broadcast_in_dim3A_595, %broadcast_in_dim3A_596 : vector<16xi1>, vector<16xi32>
    %add3A_598 = arith.addi %add3A_563, %select_n3A_597 : vector<16xi32>
    %eq3A_599 = arith.constant 2 : i32
    %eq3A_600 = vector.broadcast %eq3A_599 : i32 to vector<16xi32>
    %eq3A_601 = arith.cmpi eq, %get3A_526, %eq3A_600 : vector<16xi32>
    %convert_element_type3A_602 = arith.extui %eq3A_601 : vector<16xi1> to vector<16xi32>
    %broadcast_in_dim3A_603 = arith.constant true
    %broadcast_in_dim3A_604 = vector.broadcast %broadcast_in_dim3A_603 : i1 to vector<16xi1>
    %masked_cumsum3A_605 = tpu.scan <sum>, %convert_element_type3A_602 masked %broadcast_in_dim3A_604 : vector<16xi32>, vector<16xi1> -> vector<16xi32>
    %sub3A_606 = arith.constant 1 : i32
    %sub3A_607 = vector.broadcast %sub3A_606 : i32 to vector<16xi32>
    %sub3A_608 = arith.subi %masked_cumsum3A_605, %sub3A_607 : vector<16xi32>
    %eq3A_609 = arith.constant 2 : i32
    %eq3A_610 = vector.broadcast %eq3A_609 : i32 to vector<16xi32>
    %eq3A_611 = arith.cmpi eq, %iota3A, %eq3A_610 : vector<16xi32>
    %jit3A_612 = arith.constant 0 : i32
    %broadcast_in_dim3A_613 = vector.broadcast %jit3A_612 : i32 to vector<16xi32>
    %select_n3A_614 = arith.select %eq3A_611, %add3A_598, %broadcast_in_dim3A_613 : vector<16xi1>, vector<16xi32>
    %reduce_sum3A_615 = arith.constant true
    %reduce_sum3A_616 = vector.broadcast %reduce_sum3A_615 : i1 to vector<16xi1>
    %reduce_sum3A_617 = tpu.scan <sum>, %select_n3A_614 masked %reduce_sum3A_616 : vector<16xi32>, vector<16xi1> -> vector<16xi32>
    %reduce_sum3A_618 = vector.extract %reduce_sum3A_617[15] : i32 from vector<16xi32>
    %add3A_619 = vector.broadcast %reduce_sum3A_618 : i32 to vector<16xi32>
    %add3A_620 = arith.addi %add3A_619, %sub3A_608 : vector<16xi32>
    %select_n3A_621 = arith.select %eq3A_601, %add3A_620, %select_n3A_586 : vector<16xi1>, vector<16xi32>
    %eq3A_622 = arith.constant 2 : i32
    %eq3A_623 = vector.broadcast %eq3A_622 : i32 to vector<16xi32>
    %eq3A_624 = arith.cmpi eq, %iota3A, %eq3A_623 : vector<16xi32>
    %reduce_sum3A_625 = arith.constant true
    %reduce_sum3A_626 = vector.broadcast %reduce_sum3A_625 : i1 to vector<16xi1>
    %reduce_sum3A_627 = tpu.scan <sum>, %convert_element_type3A_602 masked %reduce_sum3A_626 : vector<16xi32>, vector<16xi1> -> vector<16xi32>
    %reduce_sum3A_628 = vector.extract %reduce_sum3A_627[15] : i32 from vector<16xi32>
    %jit3A_629 = arith.constant 0 : i32
    %broadcast_in_dim3A_630 = vector.broadcast %reduce_sum3A_628 : i32 to vector<16xi32>
    %broadcast_in_dim3A_631 = vector.broadcast %jit3A_629 : i32 to vector<16xi32>
    %select_n3A_632 = arith.select %eq3A_624, %broadcast_in_dim3A_630, %broadcast_in_dim3A_631 : vector<16xi1>, vector<16xi32>
    %add3A_633 = arith.addi %add3A_598, %select_n3A_632 : vector<16xi32>
    %eq3A_634 = arith.constant 3 : i32
    %eq3A_635 = vector.broadcast %eq3A_634 : i32 to vector<16xi32>
    %eq3A_636 = arith.cmpi eq, %get3A_526, %eq3A_635 : vector<16xi32>
    %convert_element_type3A_637 = arith.extui %eq3A_636 : vector<16xi1> to vector<16xi32>
    %broadcast_in_dim3A_638 = arith.constant true
    %broadcast_in_dim3A_639 = vector.broadcast %broadcast_in_dim3A_638 : i1 to vector<16xi1>
    %masked_cumsum3A_640 = tpu.scan <sum>, %convert_element_type3A_637 masked %broadcast_in_dim3A_639 : vector<16xi32>, vector<16xi1> -> vector<16xi32>
    %sub3A_641 = arith.constant 1 : i32
    %sub3A_642 = vector.broadcast %sub3A_641 : i32 to vector<16xi32>
    %sub3A_643 = arith.subi %masked_cumsum3A_640, %sub3A_642 : vector<16xi32>
    %eq3A_644 = arith.constant 3 : i32
    %eq3A_645 = vector.broadcast %eq3A_644 : i32 to vector<16xi32>
    %eq3A_646 = arith.cmpi eq, %iota3A, %eq3A_645 : vector<16xi32>
    %jit3A_647 = arith.constant 0 : i32
    %broadcast_in_dim3A_648 = vector.broadcast %jit3A_647 : i32 to vector<16xi32>
    %select_n3A_649 = arith.select %eq3A_646, %add3A_633, %broadcast_in_dim3A_648 : vector<16xi1>, vector<16xi32>
    %reduce_sum3A_650 = arith.constant true
    %reduce_sum3A_651 = vector.broadcast %reduce_sum3A_650 : i1 to vector<16xi1>
    %reduce_sum3A_652 = tpu.scan <sum>, %select_n3A_649 masked %reduce_sum3A_651 : vector<16xi32>, vector<16xi1> -> vector<16xi32>
    %reduce_sum3A_653 = vector.extract %reduce_sum3A_652[15] : i32 from vector<16xi32>
    %add3A_654 = vector.broadcast %reduce_sum3A_653 : i32 to vector<16xi32>
    %add3A_655 = arith.addi %add3A_654, %sub3A_643 : vector<16xi32>
    %select_n3A_656 = arith.select %eq3A_636, %add3A_655, %select_n3A_621 : vector<16xi1>, vector<16xi32>
    %eq3A_657 = arith.constant 3 : i32
    %eq3A_658 = vector.broadcast %eq3A_657 : i32 to vector<16xi32>
    %eq3A_659 = arith.cmpi eq, %iota3A, %eq3A_658 : vector<16xi32>
    %reduce_sum3A_660 = arith.constant true
    %reduce_sum3A_661 = vector.broadcast %reduce_sum3A_660 : i1 to vector<16xi1>
    %reduce_sum3A_662 = tpu.scan <sum>, %convert_element_type3A_637 masked %reduce_sum3A_661 : vector<16xi32>, vector<16xi1> -> vector<16xi32>
    %reduce_sum3A_663 = vector.extract %reduce_sum3A_662[15] : i32 from vector<16xi32>
    %jit3A_664 = arith.constant 0 : i32
    %broadcast_in_dim3A_665 = vector.broadcast %reduce_sum3A_663 : i32 to vector<16xi32>
    %broadcast_in_dim3A_666 = vector.broadcast %jit3A_664 : i32 to vector<16xi32>
    %select_n3A_667 = arith.select %eq3A_659, %broadcast_in_dim3A_665, %broadcast_in_dim3A_666 : vector<16xi1>, vector<16xi32>
    %add3A_668 = arith.addi %add3A_633, %select_n3A_667 : vector<16xi32>
    %eq3A_669 = arith.constant 4 : i32
    %eq3A_670 = vector.broadcast %eq3A_669 : i32 to vector<16xi32>
    %eq3A_671 = arith.cmpi eq, %get3A_526, %eq3A_670 : vector<16xi32>
    %convert_element_type3A_672 = arith.extui %eq3A_671 : vector<16xi1> to vector<16xi32>
    %broadcast_in_dim3A_673 = arith.constant true
    %broadcast_in_dim3A_674 = vector.broadcast %broadcast_in_dim3A_673 : i1 to vector<16xi1>
    %masked_cumsum3A_675 = tpu.scan <sum>, %convert_element_type3A_672 masked %broadcast_in_dim3A_674 : vector<16xi32>, vector<16xi1> -> vector<16xi32>
    %sub3A_676 = arith.constant 1 : i32
    %sub3A_677 = vector.broadcast %sub3A_676 : i32 to vector<16xi32>
    %sub3A_678 = arith.subi %masked_cumsum3A_675, %sub3A_677 : vector<16xi32>
    %eq3A_679 = arith.constant 4 : i32
    %eq3A_680 = vector.broadcast %eq3A_679 : i32 to vector<16xi32>
    %eq3A_681 = arith.cmpi eq, %iota3A, %eq3A_680 : vector<16xi32>
    %jit3A_682 = arith.constant 0 : i32
    %broadcast_in_dim3A_683 = vector.broadcast %jit3A_682 : i32 to vector<16xi32>
    %select_n3A_684 = arith.select %eq3A_681, %add3A_668, %broadcast_in_dim3A_683 : vector<16xi1>, vector<16xi32>
    %reduce_sum3A_685 = arith.constant true
    %reduce_sum3A_686 = vector.broadcast %reduce_sum3A_685 : i1 to vector<16xi1>
    %reduce_sum3A_687 = tpu.scan <sum>, %select_n3A_684 masked %reduce_sum3A_686 : vector<16xi32>, vector<16xi1> -> vector<16xi32>
    %reduce_sum3A_688 = vector.extract %reduce_sum3A_687[15] : i32 from vector<16xi32>
    %add3A_689 = vector.broadcast %reduce_sum3A_688 : i32 to vector<16xi32>
    %add3A_690 = arith.addi %add3A_689, %sub3A_678 : vector<16xi32>
    %select_n3A_691 = arith.select %eq3A_671, %add3A_690, %select_n3A_656 : vector<16xi1>, vector<16xi32>
    %eq3A_692 = arith.constant 4 : i32
    %eq3A_693 = vector.broadcast %eq3A_692 : i32 to vector<16xi32>
    %eq3A_694 = arith.cmpi eq, %iota3A, %eq3A_693 : vector<16xi32>
    %reduce_sum3A_695 = arith.constant true
    %reduce_sum3A_696 = vector.broadcast %reduce_sum3A_695 : i1 to vector<16xi1>
    %reduce_sum3A_697 = tpu.scan <sum>, %convert_element_type3A_672 masked %reduce_sum3A_696 : vector<16xi32>, vector<16xi1> -> vector<16xi32>
    %reduce_sum3A_698 = vector.extract %reduce_sum3A_697[15] : i32 from vector<16xi32>
    %jit3A_699 = arith.constant 0 : i32
    %broadcast_in_dim3A_700 = vector.broadcast %reduce_sum3A_698 : i32 to vector<16xi32>
    %broadcast_in_dim3A_701 = vector.broadcast %jit3A_699 : i32 to vector<16xi32>
    %select_n3A_702 = arith.select %eq3A_694, %broadcast_in_dim3A_700, %broadcast_in_dim3A_701 : vector<16xi1>, vector<16xi32>
    %add3A_703 = arith.addi %add3A_668, %select_n3A_702 : vector<16xi32>
    %eq3A_704 = arith.constant 5 : i32
    %eq3A_705 = vector.broadcast %eq3A_704 : i32 to vector<16xi32>
    %eq3A_706 = arith.cmpi eq, %get3A_526, %eq3A_705 : vector<16xi32>
    %convert_element_type3A_707 = arith.extui %eq3A_706 : vector<16xi1> to vector<16xi32>
    %broadcast_in_dim3A_708 = arith.constant true
    %broadcast_in_dim3A_709 = vector.broadcast %broadcast_in_dim3A_708 : i1 to vector<16xi1>
    %masked_cumsum3A_710 = tpu.scan <sum>, %convert_element_type3A_707 masked %broadcast_in_dim3A_709 : vector<16xi32>, vector<16xi1> -> vector<16xi32>
    %sub3A_711 = arith.constant 1 : i32
    %sub3A_712 = vector.broadcast %sub3A_711 : i32 to vector<16xi32>
    %sub3A_713 = arith.subi %masked_cumsum3A_710, %sub3A_712 : vector<16xi32>
    %eq3A_714 = arith.constant 5 : i32
    %eq3A_715 = vector.broadcast %eq3A_714 : i32 to vector<16xi32>
    %eq3A_716 = arith.cmpi eq, %iota3A, %eq3A_715 : vector<16xi32>
    %jit3A_717 = arith.constant 0 : i32
    %broadcast_in_dim3A_718 = vector.broadcast %jit3A_717 : i32 to vector<16xi32>
    %select_n3A_719 = arith.select %eq3A_716, %add3A_703, %broadcast_in_dim3A_718 : vector<16xi1>, vector<16xi32>
    %reduce_sum3A_720 = arith.constant true
    %reduce_sum3A_721 = vector.broadcast %reduce_sum3A_720 : i1 to vector<16xi1>
    %reduce_sum3A_722 = tpu.scan <sum>, %select_n3A_719 masked %reduce_sum3A_721 : vector<16xi32>, vector<16xi1> -> vector<16xi32>
    %reduce_sum3A_723 = vector.extract %reduce_sum3A_722[15] : i32 from vector<16xi32>
    %add3A_724 = vector.broadcast %reduce_sum3A_723 : i32 to vector<16xi32>
    %add3A_725 = arith.addi %add3A_724, %sub3A_713 : vector<16xi32>
    %select_n3A_726 = arith.select %eq3A_706, %add3A_725, %select_n3A_691 : vector<16xi1>, vector<16xi32>
    %eq3A_727 = arith.constant 5 : i32
    %eq3A_728 = vector.broadcast %eq3A_727 : i32 to vector<16xi32>
    %eq3A_729 = arith.cmpi eq, %iota3A, %eq3A_728 : vector<16xi32>
    %reduce_sum3A_730 = arith.constant true
    %reduce_sum3A_731 = vector.broadcast %reduce_sum3A_730 : i1 to vector<16xi1>
    %reduce_sum3A_732 = tpu.scan <sum>, %convert_element_type3A_707 masked %reduce_sum3A_731 : vector<16xi32>, vector<16xi1> -> vector<16xi32>
    %reduce_sum3A_733 = vector.extract %reduce_sum3A_732[15] : i32 from vector<16xi32>
    %jit3A_734 = arith.constant 0 : i32
    %broadcast_in_dim3A_735 = vector.broadcast %reduce_sum3A_733 : i32 to vector<16xi32>
    %broadcast_in_dim3A_736 = vector.broadcast %jit3A_734 : i32 to vector<16xi32>
    %select_n3A_737 = arith.select %eq3A_729, %broadcast_in_dim3A_735, %broadcast_in_dim3A_736 : vector<16xi1>, vector<16xi32>
    %add3A_738 = arith.addi %add3A_703, %select_n3A_737 : vector<16xi32>
    %eq3A_739 = arith.constant 6 : i32
    %eq3A_740 = vector.broadcast %eq3A_739 : i32 to vector<16xi32>
    %eq3A_741 = arith.cmpi eq, %get3A_526, %eq3A_740 : vector<16xi32>
    %convert_element_type3A_742 = arith.extui %eq3A_741 : vector<16xi1> to vector<16xi32>
    %broadcast_in_dim3A_743 = arith.constant true
    %broadcast_in_dim3A_744 = vector.broadcast %broadcast_in_dim3A_743 : i1 to vector<16xi1>
    %masked_cumsum3A_745 = tpu.scan <sum>, %convert_element_type3A_742 masked %broadcast_in_dim3A_744 : vector<16xi32>, vector<16xi1> -> vector<16xi32>
    %sub3A_746 = arith.constant 1 : i32
    %sub3A_747 = vector.broadcast %sub3A_746 : i32 to vector<16xi32>
    %sub3A_748 = arith.subi %masked_cumsum3A_745, %sub3A_747 : vector<16xi32>
    %eq3A_749 = arith.constant 6 : i32
    %eq3A_750 = vector.broadcast %eq3A_749 : i32 to vector<16xi32>
    %eq3A_751 = arith.cmpi eq, %iota3A, %eq3A_750 : vector<16xi32>
    %jit3A_752 = arith.constant 0 : i32
    %broadcast_in_dim3A_753 = vector.broadcast %jit3A_752 : i32 to vector<16xi32>
    %select_n3A_754 = arith.select %eq3A_751, %add3A_738, %broadcast_in_dim3A_753 : vector<16xi1>, vector<16xi32>
    %reduce_sum3A_755 = arith.constant true
    %reduce_sum3A_756 = vector.broadcast %reduce_sum3A_755 : i1 to vector<16xi1>
    %reduce_sum3A_757 = tpu.scan <sum>, %select_n3A_754 masked %reduce_sum3A_756 : vector<16xi32>, vector<16xi1> -> vector<16xi32>
    %reduce_sum3A_758 = vector.extract %reduce_sum3A_757[15] : i32 from vector<16xi32>
    %add3A_759 = vector.broadcast %reduce_sum3A_758 : i32 to vector<16xi32>
    %add3A_760 = arith.addi %add3A_759, %sub3A_748 : vector<16xi32>
    %select_n3A_761 = arith.select %eq3A_741, %add3A_760, %select_n3A_726 : vector<16xi1>, vector<16xi32>
    %eq3A_762 = arith.constant 6 : i32
    %eq3A_763 = vector.broadcast %eq3A_762 : i32 to vector<16xi32>
    %eq3A_764 = arith.cmpi eq, %iota3A, %eq3A_763 : vector<16xi32>
    %reduce_sum3A_765 = arith.constant true
    %reduce_sum3A_766 = vector.broadcast %reduce_sum3A_765 : i1 to vector<16xi1>
    %reduce_sum3A_767 = tpu.scan <sum>, %convert_element_type3A_742 masked %reduce_sum3A_766 : vector<16xi32>, vector<16xi1> -> vector<16xi32>
    %reduce_sum3A_768 = vector.extract %reduce_sum3A_767[15] : i32 from vector<16xi32>
    %jit3A_769 = arith.constant 0 : i32
    %broadcast_in_dim3A_770 = vector.broadcast %reduce_sum3A_768 : i32 to vector<16xi32>
    %broadcast_in_dim3A_771 = vector.broadcast %jit3A_769 : i32 to vector<16xi32>
    %select_n3A_772 = arith.select %eq3A_764, %broadcast_in_dim3A_770, %broadcast_in_dim3A_771 : vector<16xi1>, vector<16xi32>
    %add3A_773 = arith.addi %add3A_738, %select_n3A_772 : vector<16xi32>
    %eq3A_774 = arith.constant 7 : i32
    %eq3A_775 = vector.broadcast %eq3A_774 : i32 to vector<16xi32>
    %eq3A_776 = arith.cmpi eq, %get3A_526, %eq3A_775 : vector<16xi32>
    %convert_element_type3A_777 = arith.extui %eq3A_776 : vector<16xi1> to vector<16xi32>
    %broadcast_in_dim3A_778 = arith.constant true
    %broadcast_in_dim3A_779 = vector.broadcast %broadcast_in_dim3A_778 : i1 to vector<16xi1>
    %masked_cumsum3A_780 = tpu.scan <sum>, %convert_element_type3A_777 masked %broadcast_in_dim3A_779 : vector<16xi32>, vector<16xi1> -> vector<16xi32>
    %sub3A_781 = arith.constant 1 : i32
    %sub3A_782 = vector.broadcast %sub3A_781 : i32 to vector<16xi32>
    %sub3A_783 = arith.subi %masked_cumsum3A_780, %sub3A_782 : vector<16xi32>
    %eq3A_784 = arith.constant 7 : i32
    %eq3A_785 = vector.broadcast %eq3A_784 : i32 to vector<16xi32>
    %eq3A_786 = arith.cmpi eq, %iota3A, %eq3A_785 : vector<16xi32>
    %jit3A_787 = arith.constant 0 : i32
    %broadcast_in_dim3A_788 = vector.broadcast %jit3A_787 : i32 to vector<16xi32>
    %select_n3A_789 = arith.select %eq3A_786, %add3A_773, %broadcast_in_dim3A_788 : vector<16xi1>, vector<16xi32>
    %reduce_sum3A_790 = arith.constant true
    %reduce_sum3A_791 = vector.broadcast %reduce_sum3A_790 : i1 to vector<16xi1>
    %reduce_sum3A_792 = tpu.scan <sum>, %select_n3A_789 masked %reduce_sum3A_791 : vector<16xi32>, vector<16xi1> -> vector<16xi32>
    %reduce_sum3A_793 = vector.extract %reduce_sum3A_792[15] : i32 from vector<16xi32>
    %add3A_794 = vector.broadcast %reduce_sum3A_793 : i32 to vector<16xi32>
    %add3A_795 = arith.addi %add3A_794, %sub3A_783 : vector<16xi32>
    %select_n3A_796 = arith.select %eq3A_776, %add3A_795, %select_n3A_761 : vector<16xi1>, vector<16xi32>
    %eq3A_797 = arith.constant 7 : i32
    %eq3A_798 = vector.broadcast %eq3A_797 : i32 to vector<16xi32>
    %eq3A_799 = arith.cmpi eq, %iota3A, %eq3A_798 : vector<16xi32>
    %reduce_sum3A_800 = arith.constant true
    %reduce_sum3A_801 = vector.broadcast %reduce_sum3A_800 : i1 to vector<16xi1>
    %reduce_sum3A_802 = tpu.scan <sum>, %convert_element_type3A_777 masked %reduce_sum3A_801 : vector<16xi32>, vector<16xi1> -> vector<16xi32>
    %reduce_sum3A_803 = vector.extract %reduce_sum3A_802[15] : i32 from vector<16xi32>
    %jit3A_804 = arith.constant 0 : i32
    %broadcast_in_dim3A_805 = vector.broadcast %reduce_sum3A_803 : i32 to vector<16xi32>
    %broadcast_in_dim3A_806 = vector.broadcast %jit3A_804 : i32 to vector<16xi32>
    %select_n3A_807 = arith.select %eq3A_799, %broadcast_in_dim3A_805, %broadcast_in_dim3A_806 : vector<16xi1>, vector<16xi32>
    %add3A_808 = arith.addi %add3A_773, %select_n3A_807 : vector<16xi32>
    %swap3A_809 = arith.constant 16 : index
    %swap3A_810 = tpu.vector_load %arg8[%swap3A_809] {strides = array<i32>} : memref<128xi32, #tpu.memory_space<vmem>>, vector<16xi32>,
    tpu.vector_store %arg8[%swap3A_809], %select_n3A_796 {strides = array<i32>} : memref<128xi32, #tpu.memory_space<vmem>>, vector<16xi32>,
    %mul3A_811 = arith.constant 128 : i32
    %mul3A_812 = arith.muli %add3A, %mul3A_811 : i32
    %add3A_813 = arith.constant 32 : i32
    %add3A_814 = arith.addi %mul3A_812, %add3A_813 : i32
    %get3A_815 = arith.index_cast %add3A_814 : i32 to index
    %get3A_816 = tpu.vector_load %arg7[%get3A_815] {strides = array<i32>} : memref<4096xi32, #tpu.memory_space<vmem>>, vector<16xi32>,
    %broadcast_in_dim3A_817 = arith.constant 0 : i32
    %broadcast_in_dim3A_818 = vector.broadcast %broadcast_in_dim3A_817 : i32 to vector<16xi32>
    %eq3A_819 = arith.constant 0 : i32
    %eq3A_820 = vector.broadcast %eq3A_819 : i32 to vector<16xi32>
    %eq3A_821 = arith.cmpi eq, %get3A_816, %eq3A_820 : vector<16xi32>
    %convert_element_type3A_822 = arith.extui %eq3A_821 : vector<16xi1> to vector<16xi32>
    %broadcast_in_dim3A_823 = arith.constant true
    %broadcast_in_dim3A_824 = vector.broadcast %broadcast_in_dim3A_823 : i1 to vector<16xi1>
    %masked_cumsum3A_825 = tpu.scan <sum>, %convert_element_type3A_822 masked %broadcast_in_dim3A_824 : vector<16xi32>, vector<16xi1> -> vector<16xi32>
    %sub3A_826 = arith.constant 1 : i32
    %sub3A_827 = vector.broadcast %sub3A_826 : i32 to vector<16xi32>
    %sub3A_828 = arith.subi %masked_cumsum3A_825, %sub3A_827 : vector<16xi32>
    %eq3A_829 = arith.constant 0 : i32
    %eq3A_830 = vector.broadcast %eq3A_829 : i32 to vector<16xi32>
    %eq3A_831 = arith.cmpi eq, %iota3A, %eq3A_830 : vector<16xi32>
    %jit3A_832 = arith.constant 0 : i32
    %broadcast_in_dim3A_833 = vector.broadcast %jit3A_832 : i32 to vector<16xi32>
    %select_n3A_834 = arith.select %eq3A_831, %add3A_808, %broadcast_in_dim3A_833 : vector<16xi1>, vector<16xi32>
    %reduce_sum3A_835 = arith.constant true
    %reduce_sum3A_836 = vector.broadcast %reduce_sum3A_835 : i1 to vector<16xi1>
    %reduce_sum3A_837 = tpu.scan <sum>, %select_n3A_834 masked %reduce_sum3A_836 : vector<16xi32>, vector<16xi1> -> vector<16xi32>
    %reduce_sum3A_838 = vector.extract %reduce_sum3A_837[15] : i32 from vector<16xi32>
    %add3A_839 = vector.broadcast %reduce_sum3A_838 : i32 to vector<16xi32>
    %add3A_840 = arith.addi %add3A_839, %sub3A_828 : vector<16xi32>
    %select_n3A_841 = arith.select %eq3A_821, %add3A_840, %broadcast_in_dim3A_818 : vector<16xi1>, vector<16xi32>
    %eq3A_842 = arith.constant 0 : i32
    %eq3A_843 = vector.broadcast %eq3A_842 : i32 to vector<16xi32>
    %eq3A_844 = arith.cmpi eq, %iota3A, %eq3A_843 : vector<16xi32>
    %reduce_sum3A_845 = arith.constant true
    %reduce_sum3A_846 = vector.broadcast %reduce_sum3A_845 : i1 to vector<16xi1>
    %reduce_sum3A_847 = tpu.scan <sum>, %convert_element_type3A_822 masked %reduce_sum3A_846 : vector<16xi32>, vector<16xi1> -> vector<16xi32>
    %reduce_sum3A_848 = vector.extract %reduce_sum3A_847[15] : i32 from vector<16xi32>
    %jit3A_849 = arith.constant 0 : i32
    %broadcast_in_dim3A_850 = vector.broadcast %reduce_sum3A_848 : i32 to vector<16xi32>
    %broadcast_in_dim3A_851 = vector.broadcast %jit3A_849 : i32 to vector<16xi32>
    %select_n3A_852 = arith.select %eq3A_844, %broadcast_in_dim3A_850, %broadcast_in_dim3A_851 : vector<16xi1>, vector<16xi32>
    %add3A_853 = arith.addi %add3A_808, %select_n3A_852 : vector<16xi32>
    %eq3A_854 = arith.constant 1 : i32
    %eq3A_855 = vector.broadcast %eq3A_854 : i32 to vector<16xi32>
    %eq3A_856 = arith.cmpi eq, %get3A_816, %eq3A_855 : vector<16xi32>
    %convert_element_type3A_857 = arith.extui %eq3A_856 : vector<16xi1> to vector<16xi32>
    %broadcast_in_dim3A_858 = arith.constant true
    %broadcast_in_dim3A_859 = vector.broadcast %broadcast_in_dim3A_858 : i1 to vector<16xi1>
    %masked_cumsum3A_860 = tpu.scan <sum>, %convert_element_type3A_857 masked %broadcast_in_dim3A_859 : vector<16xi32>, vector<16xi1> -> vector<16xi32>
    %sub3A_861 = arith.constant 1 : i32
    %sub3A_862 = vector.broadcast %sub3A_861 : i32 to vector<16xi32>
    %sub3A_863 = arith.subi %masked_cumsum3A_860, %sub3A_862 : vector<16xi32>
    %eq3A_864 = arith.constant 1 : i32
    %eq3A_865 = vector.broadcast %eq3A_864 : i32 to vector<16xi32>
    %eq3A_866 = arith.cmpi eq, %iota3A, %eq3A_865 : vector<16xi32>
    %jit3A_867 = arith.constant 0 : i32
    %broadcast_in_dim3A_868 = vector.broadcast %jit3A_867 : i32 to vector<16xi32>
    %select_n3A_869 = arith.select %eq3A_866, %add3A_853, %broadcast_in_dim3A_868 : vector<16xi1>, vector<16xi32>
    %reduce_sum3A_870 = arith.constant true
    %reduce_sum3A_871 = vector.broadcast %reduce_sum3A_870 : i1 to vector<16xi1>
    %reduce_sum3A_872 = tpu.scan <sum>, %select_n3A_869 masked %reduce_sum3A_871 : vector<16xi32>, vector<16xi1> -> vector<16xi32>
    %reduce_sum3A_873 = vector.extract %reduce_sum3A_872[15] : i32 from vector<16xi32>
    %add3A_874 = vector.broadcast %reduce_sum3A_873 : i32 to vector<16xi32>
    %add3A_875 = arith.addi %add3A_874, %sub3A_863 : vector<16xi32>
    %select_n3A_876 = arith.select %eq3A_856, %add3A_875, %select_n3A_841 : vector<16xi1>, vector<16xi32>
    %eq3A_877 = arith.constant 1 : i32
    %eq3A_878 = vector.broadcast %eq3A_877 : i32 to vector<16xi32>
    %eq3A_879 = arith.cmpi eq, %iota3A, %eq3A_878 : vector<16xi32>
    %reduce_sum3A_880 = arith.constant true
    %reduce_sum3A_881 = vector.broadcast %reduce_sum3A_880 : i1 to vector<16xi1>
    %reduce_sum3A_882 = tpu.scan <sum>, %convert_element_type3A_857 masked %reduce_sum3A_881 : vector<16xi32>, vector<16xi1> -> vector<16xi32>
    %reduce_sum3A_883 = vector.extract %reduce_sum3A_882[15] : i32 from vector<16xi32>
    %jit3A_884 = arith.constant 0 : i32
    %broadcast_in_dim3A_885 = vector.broadcast %reduce_sum3A_883 : i32 to vector<16xi32>
    %broadcast_in_dim3A_886 = vector.broadcast %jit3A_884 : i32 to vector<16xi32>
    %select_n3A_887 = arith.select %eq3A_879, %broadcast_in_dim3A_885, %broadcast_in_dim3A_886 : vector<16xi1>, vector<16xi32>
    %add3A_888 = arith.addi %add3A_853, %select_n3A_887 : vector<16xi32>
    %eq3A_889 = arith.constant 2 : i32
    %eq3A_890 = vector.broadcast %eq3A_889 : i32 to vector<16xi32>
    %eq3A_891 = arith.cmpi eq, %get3A_816, %eq3A_890 : vector<16xi32>
    %convert_element_type3A_892 = arith.extui %eq3A_891 : vector<16xi1> to vector<16xi32>
    %broadcast_in_dim3A_893 = arith.constant true
    %broadcast_in_dim3A_894 = vector.broadcast %broadcast_in_dim3A_893 : i1 to vector<16xi1>
    %masked_cumsum3A_895 = tpu.scan <sum>, %convert_element_type3A_892 masked %broadcast_in_dim3A_894 : vector<16xi32>, vector<16xi1> -> vector<16xi32>
    %sub3A_896 = arith.constant 1 : i32
    %sub3A_897 = vector.broadcast %sub3A_896 : i32 to vector<16xi32>
    %sub3A_898 = arith.subi %masked_cumsum3A_895, %sub3A_897 : vector<16xi32>
    %eq3A_899 = arith.constant 2 : i32
    %eq3A_900 = vector.broadcast %eq3A_899 : i32 to vector<16xi32>
    %eq3A_901 = arith.cmpi eq, %iota3A, %eq3A_900 : vector<16xi32>
    %jit3A_902 = arith.constant 0 : i32
    %broadcast_in_dim3A_903 = vector.broadcast %jit3A_902 : i32 to vector<16xi32>
    %select_n3A_904 = arith.select %eq3A_901, %add3A_888, %broadcast_in_dim3A_903 : vector<16xi1>, vector<16xi32>
    %reduce_sum3A_905 = arith.constant true
    %reduce_sum3A_906 = vector.broadcast %reduce_sum3A_905 : i1 to vector<16xi1>
    %reduce_sum3A_907 = tpu.scan <sum>, %select_n3A_904 masked %reduce_sum3A_906 : vector<16xi32>, vector<16xi1> -> vector<16xi32>
    %reduce_sum3A_908 = vector.extract %reduce_sum3A_907[15] : i32 from vector<16xi32>
    %add3A_909 = vector.broadcast %reduce_sum3A_908 : i32 to vector<16xi32>
    %add3A_910 = arith.addi %add3A_909, %sub3A_898 : vector<16xi32>
    %select_n3A_911 = arith.select %eq3A_891, %add3A_910, %select_n3A_876 : vector<16xi1>, vector<16xi32>
    %eq3A_912 = arith.constant 2 : i32
    %eq3A_913 = vector.broadcast %eq3A_912 : i32 to vector<16xi32>
    %eq3A_914 = arith.cmpi eq, %iota3A, %eq3A_913 : vector<16xi32>
    %reduce_sum3A_915 = arith.constant true
    %reduce_sum3A_916 = vector.broadcast %reduce_sum3A_915 : i1 to vector<16xi1>
    %reduce_sum3A_917 = tpu.scan <sum>, %convert_element_type3A_892 masked %reduce_sum3A_916 : vector<16xi32>, vector<16xi1> -> vector<16xi32>
    %reduce_sum3A_918 = vector.extract %reduce_sum3A_917[15] : i32 from vector<16xi32>
    %jit3A_919 = arith.constant 0 : i32
    %broadcast_in_dim3A_920 = vector.broadcast %reduce_sum3A_918 : i32 to vector<16xi32>
    %broadcast_in_dim3A_921 = vector.broadcast %jit3A_919 : i32 to vector<16xi32>
    %select_n3A_922 = arith.select %eq3A_914, %broadcast_in_dim3A_920, %broadcast_in_dim3A_921 : vector<16xi1>, vector<16xi32>
    %add3A_923 = arith.addi %add3A_888, %select_n3A_922 : vector<16xi32>
    %eq3A_924 = arith.constant 3 : i32
    %eq3A_925 = vector.broadcast %eq3A_924 : i32 to vector<16xi32>
    %eq3A_926 = arith.cmpi eq, %get3A_816, %eq3A_925 : vector<16xi32>
    %convert_element_type3A_927 = arith.extui %eq3A_926 : vector<16xi1> to vector<16xi32>
    %broadcast_in_dim3A_928 = arith.constant true
    %broadcast_in_dim3A_929 = vector.broadcast %broadcast_in_dim3A_928 : i1 to vector<16xi1>
    %masked_cumsum3A_930 = tpu.scan <sum>, %convert_element_type3A_927 masked %broadcast_in_dim3A_929 : vector<16xi32>, vector<16xi1> -> vector<16xi32>
    %sub3A_931 = arith.constant 1 : i32
    %sub3A_932 = vector.broadcast %sub3A_931 : i32 to vector<16xi32>
    %sub3A_933 = arith.subi %masked_cumsum3A_930, %sub3A_932 : vector<16xi32>
    %eq3A_934 = arith.constant 3 : i32
    %eq3A_935 = vector.broadcast %eq3A_934 : i32 to vector<16xi32>
    %eq3A_936 = arith.cmpi eq, %iota3A, %eq3A_935 : vector<16xi32>
    %jit3A_937 = arith.constant 0 : i32
    %broadcast_in_dim3A_938 = vector.broadcast %jit3A_937 : i32 to vector<16xi32>
    %select_n3A_939 = arith.select %eq3A_936, %add3A_923, %broadcast_in_dim3A_938 : vector<16xi1>, vector<16xi32>
    %reduce_sum3A_940 = arith.constant true
    %reduce_sum3A_941 = vector.broadcast %reduce_sum3A_940 : i1 to vector<16xi1>
    %reduce_sum3A_942 = tpu.scan <sum>, %select_n3A_939 masked %reduce_sum3A_941 : vector<16xi32>, vector<16xi1> -> vector<16xi32>
    %reduce_sum3A_943 = vector.extract %reduce_sum3A_942[15] : i32 from vector<16xi32>
    %add3A_944 = vector.broadcast %reduce_sum3A_943 : i32 to vector<16xi32>
    %add3A_945 = arith.addi %add3A_944, %sub3A_933 : vector<16xi32>
    %select_n3A_946 = arith.select %eq3A_926, %add3A_945, %select_n3A_911 : vector<16xi1>, vector<16xi32>
    %eq3A_947 = arith.constant 3 : i32
    %eq3A_948 = vector.broadcast %eq3A_947 : i32 to vector<16xi32>
    %eq3A_949 = arith.cmpi eq, %iota3A, %eq3A_948 : vector<16xi32>
    %reduce_sum3A_950 = arith.constant true
    %reduce_sum3A_951 = vector.broadcast %reduce_sum3A_950 : i1 to vector<16xi1>
    %reduce_sum3A_952 = tpu.scan <sum>, %convert_element_type3A_927 masked %reduce_sum3A_951 : vector<16xi32>, vector<16xi1> -> vector<16xi32>
    %reduce_sum3A_953 = vector.extract %reduce_sum3A_952[15] : i32 from vector<16xi32>
    %jit3A_954 = arith.constant 0 : i32
    %broadcast_in_dim3A_955 = vector.broadcast %reduce_sum3A_953 : i32 to vector<16xi32>
    %broadcast_in_dim3A_956 = vector.broadcast %jit3A_954 : i32 to vector<16xi32>
    %select_n3A_957 = arith.select %eq3A_949, %broadcast_in_dim3A_955, %broadcast_in_dim3A_956 : vector<16xi1>, vector<16xi32>
    %add3A_958 = arith.addi %add3A_923, %select_n3A_957 : vector<16xi32>
    %eq3A_959 = arith.constant 4 : i32
    %eq3A_960 = vector.broadcast %eq3A_959 : i32 to vector<16xi32>
    %eq3A_961 = arith.cmpi eq, %get3A_816, %eq3A_960 : vector<16xi32>
    %convert_element_type3A_962 = arith.extui %eq3A_961 : vector<16xi1> to vector<16xi32>
    %broadcast_in_dim3A_963 = arith.constant true
    %broadcast_in_dim3A_964 = vector.broadcast %broadcast_in_dim3A_963 : i1 to vector<16xi1>
    %masked_cumsum3A_965 = tpu.scan <sum>, %convert_element_type3A_962 masked %broadcast_in_dim3A_964 : vector<16xi32>, vector<16xi1> -> vector<16xi32>
    %sub3A_966 = arith.constant 1 : i32
    %sub3A_967 = vector.broadcast %sub3A_966 : i32 to vector<16xi32>
    %sub3A_968 = arith.subi %masked_cumsum3A_965, %sub3A_967 : vector<16xi32>
    %eq3A_969 = arith.constant 4 : i32
    %eq3A_970 = vector.broadcast %eq3A_969 : i32 to vector<16xi32>
    %eq3A_971 = arith.cmpi eq, %iota3A, %eq3A_970 : vector<16xi32>
    %jit3A_972 = arith.constant 0 : i32
    %broadcast_in_dim3A_973 = vector.broadcast %jit3A_972 : i32 to vector<16xi32>
    %select_n3A_974 = arith.select %eq3A_971, %add3A_958, %broadcast_in_dim3A_973 : vector<16xi1>, vector<16xi32>
    %reduce_sum3A_975 = arith.constant true
    %reduce_sum3A_976 = vector.broadcast %reduce_sum3A_975 : i1 to vector<16xi1>
    %reduce_sum3A_977 = tpu.scan <sum>, %select_n3A_974 masked %reduce_sum3A_976 : vector<16xi32>, vector<16xi1> -> vector<16xi32>
    %reduce_sum3A_978 = vector.extract %reduce_sum3A_977[15] : i32 from vector<16xi32>
    %add3A_979 = vector.broadcast %reduce_sum3A_978 : i32 to vector<16xi32>
    %add3A_980 = arith.addi %add3A_979, %sub3A_968 : vector<16xi32>
    %select_n3A_981 = arith.select %eq3A_961, %add3A_980, %select_n3A_946 : vector<16xi1>, vector<16xi32>
    %eq3A_982 = arith.constant 4 : i32
    %eq3A_983 = vector.broadcast %eq3A_982 : i32 to vector<16xi32>
    %eq3A_984 = arith.cmpi eq, %iota3A, %eq3A_983 : vector<16xi32>
    %reduce_sum3A_985 = arith.constant true
    %reduce_sum3A_986 = vector.broadcast %reduce_sum3A_985 : i1 to vector<16xi1>
    %reduce_sum3A_987 = tpu.scan <sum>, %convert_element_type3A_962 masked %reduce_sum3A_986 : vector<16xi32>, vector<16xi1> -> vector<16xi32>
    %reduce_sum3A_988 = vector.extract %reduce_sum3A_987[15] : i32 from vector<16xi32>
    %jit3A_989 = arith.constant 0 : i32
    %broadcast_in_dim3A_990 = vector.broadcast %reduce_sum3A_988 : i32 to vector<16xi32>
    %broadcast_in_dim3A_991 = vector.broadcast %jit3A_989 : i32 to vector<16xi32>
    %select_n3A_992 = arith.select %eq3A_984, %broadcast_in_dim3A_990, %broadcast_in_dim3A_991 : vector<16xi1>, vector<16xi32>
    %add3A_993 = arith.addi %add3A_958, %select_n3A_992 : vector<16xi32>
    %eq3A_994 = arith.constant 5 : i32
    %eq3A_995 = vector.broadcast %eq3A_994 : i32 to vector<16xi32>
    %eq3A_996 = arith.cmpi eq, %get3A_816, %eq3A_995 : vector<16xi32>
    %convert_element_type3A_997 = arith.extui %eq3A_996 : vector<16xi1> to vector<16xi32>
    %broadcast_in_dim3A_998 = arith.constant true
    %broadcast_in_dim3A_999 = vector.broadcast %broadcast_in_dim3A_998 : i1 to vector<16xi1>
    %masked_cumsum3A_1000 = tpu.scan <sum>, %convert_element_type3A_997 masked %broadcast_in_dim3A_999 : vector<16xi32>, vector<16xi1> -> vector<16xi32>
    %sub3A_1001 = arith.constant 1 : i32
    %sub3A_1002 = vector.broadcast %sub3A_1001 : i32 to vector<16xi32>
    %sub3A_1003 = arith.subi %masked_cumsum3A_1000, %sub3A_1002 : vector<16xi32>
    %eq3A_1004 = arith.constant 5 : i32
    %eq3A_1005 = vector.broadcast %eq3A_1004 : i32 to vector<16xi32>
    %eq3A_1006 = arith.cmpi eq, %iota3A, %eq3A_1005 : vector<16xi32>
    %jit3A_1007 = arith.constant 0 : i32
    %broadcast_in_dim3A_1008 = vector.broadcast %jit3A_1007 : i32 to vector<16xi32>
    %select_n3A_1009 = arith.select %eq3A_1006, %add3A_993, %broadcast_in_dim3A_1008 : vector<16xi1>, vector<16xi32>
    %reduce_sum3A_1010 = arith.constant true
    %reduce_sum3A_1011 = vector.broadcast %reduce_sum3A_1010 : i1 to vector<16xi1>
    %reduce_sum3A_1012 = tpu.scan <sum>, %select_n3A_1009 masked %reduce_sum3A_1011 : vector<16xi32>, vector<16xi1> -> vector<16xi32>
    %reduce_sum3A_1013 = vector.extract %reduce_sum3A_1012[15] : i32 from vector<16xi32>
    %add3A_1014 = vector.broadcast %reduce_sum3A_1013 : i32 to vector<16xi32>
    %add3A_1015 = arith.addi %add3A_1014, %sub3A_1003 : vector<16xi32>
    %select_n3A_1016 = arith.select %eq3A_996, %add3A_1015, %select_n3A_981 : vector<16xi1>, vector<16xi32>
    %eq3A_1017 = arith.constant 5 : i32
    %eq3A_1018 = vector.broadcast %eq3A_1017 : i32 to vector<16xi32>
    %eq3A_1019 = arith.cmpi eq, %iota3A, %eq3A_1018 : vector<16xi32>
    %reduce_sum3A_1020 = arith.constant true
    %reduce_sum3A_1021 = vector.broadcast %reduce_sum3A_1020 : i1 to vector<16xi1>
    %reduce_sum3A_1022 = tpu.scan <sum>, %convert_element_type3A_997 masked %reduce_sum3A_1021 : vector<16xi32>, vector<16xi1> -> vector<16xi32>
    %reduce_sum3A_1023 = vector.extract %reduce_sum3A_1022[15] : i32 from vector<16xi32>
    %jit3A_1024 = arith.constant 0 : i32
    %broadcast_in_dim3A_1025 = vector.broadcast %reduce_sum3A_1023 : i32 to vector<16xi32>
    %broadcast_in_dim3A_1026 = vector.broadcast %jit3A_1024 : i32 to vector<16xi32>
    %select_n3A_1027 = arith.select %eq3A_1019, %broadcast_in_dim3A_1025, %broadcast_in_dim3A_1026 : vector<16xi1>, vector<16xi32>
    %add3A_1028 = arith.addi %add3A_993, %select_n3A_1027 : vector<16xi32>
    %eq3A_1029 = arith.constant 6 : i32
    %eq3A_1030 = vector.broadcast %eq3A_1029 : i32 to vector<16xi32>
    %eq3A_1031 = arith.cmpi eq, %get3A_816, %eq3A_1030 : vector<16xi32>
    %convert_element_type3A_1032 = arith.extui %eq3A_1031 : vector<16xi1> to vector<16xi32>
    %broadcast_in_dim3A_1033 = arith.constant true
    %broadcast_in_dim3A_1034 = vector.broadcast %broadcast_in_dim3A_1033 : i1 to vector<16xi1>
    %masked_cumsum3A_1035 = tpu.scan <sum>, %convert_element_type3A_1032 masked %broadcast_in_dim3A_1034 : vector<16xi32>, vector<16xi1> -> vector<16xi32>
    %sub3A_1036 = arith.constant 1 : i32
    %sub3A_1037 = vector.broadcast %sub3A_1036 : i32 to vector<16xi32>
    %sub3A_1038 = arith.subi %masked_cumsum3A_1035, %sub3A_1037 : vector<16xi32>
    %eq3A_1039 = arith.constant 6 : i32
    %eq3A_1040 = vector.broadcast %eq3A_1039 : i32 to vector<16xi32>
    %eq3A_1041 = arith.cmpi eq, %iota3A, %eq3A_1040 : vector<16xi32>
    %jit3A_1042 = arith.constant 0 : i32
    %broadcast_in_dim3A_1043 = vector.broadcast %jit3A_1042 : i32 to vector<16xi32>
    %select_n3A_1044 = arith.select %eq3A_1041, %add3A_1028, %broadcast_in_dim3A_1043 : vector<16xi1>, vector<16xi32>
    %reduce_sum3A_1045 = arith.constant true
    %reduce_sum3A_1046 = vector.broadcast %reduce_sum3A_1045 : i1 to vector<16xi1>
    %reduce_sum3A_1047 = tpu.scan <sum>, %select_n3A_1044 masked %reduce_sum3A_1046 : vector<16xi32>, vector<16xi1> -> vector<16xi32>
    %reduce_sum3A_1048 = vector.extract %reduce_sum3A_1047[15] : i32 from vector<16xi32>
    %add3A_1049 = vector.broadcast %reduce_sum3A_1048 : i32 to vector<16xi32>
    %add3A_1050 = arith.addi %add3A_1049, %sub3A_1038 : vector<16xi32>
    %select_n3A_1051 = arith.select %eq3A_1031, %add3A_1050, %select_n3A_1016 : vector<16xi1>, vector<16xi32>
    %eq3A_1052 = arith.constant 6 : i32
    %eq3A_1053 = vector.broadcast %eq3A_1052 : i32 to vector<16xi32>
    %eq3A_1054 = arith.cmpi eq, %iota3A, %eq3A_1053 : vector<16xi32>
    %reduce_sum3A_1055 = arith.constant true
    %reduce_sum3A_1056 = vector.broadcast %reduce_sum3A_1055 : i1 to vector<16xi1>
    %reduce_sum3A_1057 = tpu.scan <sum>, %convert_element_type3A_1032 masked %reduce_sum3A_1056 : vector<16xi32>, vector<16xi1> -> vector<16xi32>
    %reduce_sum3A_1058 = vector.extract %reduce_sum3A_1057[15] : i32 from vector<16xi32>
    %jit3A_1059 = arith.constant 0 : i32
    %broadcast_in_dim3A_1060 = vector.broadcast %reduce_sum3A_1058 : i32 to vector<16xi32>
    %broadcast_in_dim3A_1061 = vector.broadcast %jit3A_1059 : i32 to vector<16xi32>
    %select_n3A_1062 = arith.select %eq3A_1054, %broadcast_in_dim3A_1060, %broadcast_in_dim3A_1061 : vector<16xi1>, vector<16xi32>
    %add3A_1063 = arith.addi %add3A_1028, %select_n3A_1062 : vector<16xi32>
    %eq3A_1064 = arith.constant 7 : i32
    %eq3A_1065 = vector.broadcast %eq3A_1064 : i32 to vector<16xi32>
    %eq3A_1066 = arith.cmpi eq, %get3A_816, %eq3A_1065 : vector<16xi32>
    %convert_element_type3A_1067 = arith.extui %eq3A_1066 : vector<16xi1> to vector<16xi32>
    %broadcast_in_dim3A_1068 = arith.constant true
    %broadcast_in_dim3A_1069 = vector.broadcast %broadcast_in_dim3A_1068 : i1 to vector<16xi1>
    %masked_cumsum3A_1070 = tpu.scan <sum>, %convert_element_type3A_1067 masked %broadcast_in_dim3A_1069 : vector<16xi32>, vector<16xi1> -> vector<16xi32>
    %sub3A_1071 = arith.constant 1 : i32
    %sub3A_1072 = vector.broadcast %sub3A_1071 : i32 to vector<16xi32>
    %sub3A_1073 = arith.subi %masked_cumsum3A_1070, %sub3A_1072 : vector<16xi32>
    %eq3A_1074 = arith.constant 7 : i32
    %eq3A_1075 = vector.broadcast %eq3A_1074 : i32 to vector<16xi32>
    %eq3A_1076 = arith.cmpi eq, %iota3A, %eq3A_1075 : vector<16xi32>
    %jit3A_1077 = arith.constant 0 : i32
    %broadcast_in_dim3A_1078 = vector.broadcast %jit3A_1077 : i32 to vector<16xi32>
    %select_n3A_1079 = arith.select %eq3A_1076, %add3A_1063, %broadcast_in_dim3A_1078 : vector<16xi1>, vector<16xi32>
    %reduce_sum3A_1080 = arith.constant true
    %reduce_sum3A_1081 = vector.broadcast %reduce_sum3A_1080 : i1 to vector<16xi1>
    %reduce_sum3A_1082 = tpu.scan <sum>, %select_n3A_1079 masked %reduce_sum3A_1081 : vector<16xi32>, vector<16xi1> -> vector<16xi32>
    %reduce_sum3A_1083 = vector.extract %reduce_sum3A_1082[15] : i32 from vector<16xi32>
    %add3A_1084 = vector.broadcast %reduce_sum3A_1083 : i32 to vector<16xi32>
    %add3A_1085 = arith.addi %add3A_1084, %sub3A_1073 : vector<16xi32>
    %select_n3A_1086 = arith.select %eq3A_1066, %add3A_1085, %select_n3A_1051 : vector<16xi1>, vector<16xi32>
    %eq3A_1087 = arith.constant 7 : i32
    %eq3A_1088 = vector.broadcast %eq3A_1087 : i32 to vector<16xi32>
    %eq3A_1089 = arith.cmpi eq, %iota3A, %eq3A_1088 : vector<16xi32>
    %reduce_sum3A_1090 = arith.constant true
    %reduce_sum3A_1091 = vector.broadcast %reduce_sum3A_1090 : i1 to vector<16xi1>
    %reduce_sum3A_1092 = tpu.scan <sum>, %convert_element_type3A_1067 masked %reduce_sum3A_1091 : vector<16xi32>, vector<16xi1> -> vector<16xi32>
    %reduce_sum3A_1093 = vector.extract %reduce_sum3A_1092[15] : i32 from vector<16xi32>
    %jit3A_1094 = arith.constant 0 : i32
    %broadcast_in_dim3A_1095 = vector.broadcast %reduce_sum3A_1093 : i32 to vector<16xi32>
    %broadcast_in_dim3A_1096 = vector.broadcast %jit3A_1094 : i32 to vector<16xi32>
    %select_n3A_1097 = arith.select %eq3A_1089, %broadcast_in_dim3A_1095, %broadcast_in_dim3A_1096 : vector<16xi1>, vector<16xi32>
    %add3A_1098 = arith.addi %add3A_1063, %select_n3A_1097 : vector<16xi32>
    %swap3A_1099 = arith.constant 32 : index
    %swap3A_1100 = tpu.vector_load %arg8[%swap3A_1099] {strides = array<i32>} : memref<128xi32, #tpu.memory_space<vmem>>, vector<16xi32>,
    tpu.vector_store %arg8[%swap3A_1099], %select_n3A_1086 {strides = array<i32>} : memref<128xi32, #tpu.memory_space<vmem>>, vector<16xi32>,
    %mul3A_1101 = arith.constant 128 : i32
    %mul3A_1102 = arith.muli %add3A, %mul3A_1101 : i32
    %add3A_1103 = arith.constant 48 : i32
    %add3A_1104 = arith.addi %mul3A_1102, %add3A_1103 : i32
    %get3A_1105 = arith.index_cast %add3A_1104 : i32 to index
    %get3A_1106 = tpu.vector_load %arg7[%get3A_1105] {strides = array<i32>} : memref<4096xi32, #tpu.memory_space<vmem>>, vector<16xi32>,
    %broadcast_in_dim3A_1107 = arith.constant 0 : i32
    %broadcast_in_dim3A_1108 = vector.broadcast %broadcast_in_dim3A_1107 : i32 to vector<16xi32>
    %eq3A_1109 = arith.constant 0 : i32
    %eq3A_1110 = vector.broadcast %eq3A_1109 : i32 to vector<16xi32>
    %eq3A_1111 = arith.cmpi eq, %get3A_1106, %eq3A_1110 : vector<16xi32>
    %convert_element_type3A_1112 = arith.extui %eq3A_1111 : vector<16xi1> to vector<16xi32>
    %broadcast_in_dim3A_1113 = arith.constant true
    %broadcast_in_dim3A_1114 = vector.broadcast %broadcast_in_dim3A_1113 : i1 to vector<16xi1>
    %masked_cumsum3A_1115 = tpu.scan <sum>, %convert_element_type3A_1112 masked %broadcast_in_dim3A_1114 : vector<16xi32>, vector<16xi1> -> vector<16xi32>
    %sub3A_1116 = arith.constant 1 : i32
    %sub3A_1117 = vector.broadcast %sub3A_1116 : i32 to vector<16xi32>
    %sub3A_1118 = arith.subi %masked_cumsum3A_1115, %sub3A_1117 : vector<16xi32>
    %eq3A_1119 = arith.constant 0 : i32
    %eq3A_1120 = vector.broadcast %eq3A_1119 : i32 to vector<16xi32>
    %eq3A_1121 = arith.cmpi eq, %iota3A, %eq3A_1120 : vector<16xi32>
    %jit3A_1122 = arith.constant 0 : i32
    %broadcast_in_dim3A_1123 = vector.broadcast %jit3A_1122 : i32 to vector<16xi32>
    %select_n3A_1124 = arith.select %eq3A_1121, %add3A_1098, %broadcast_in_dim3A_1123 : vector<16xi1>, vector<16xi32>
    %reduce_sum3A_1125 = arith.constant true
    %reduce_sum3A_1126 = vector.broadcast %reduce_sum3A_1125 : i1 to vector<16xi1>
    %reduce_sum3A_1127 = tpu.scan <sum>, %select_n3A_1124 masked %reduce_sum3A_1126 : vector<16xi32>, vector<16xi1> -> vector<16xi32>
    %reduce_sum3A_1128 = vector.extract %reduce_sum3A_1127[15] : i32 from vector<16xi32>
    %add3A_1129 = vector.broadcast %reduce_sum3A_1128 : i32 to vector<16xi32>
    %add3A_1130 = arith.addi %add3A_1129, %sub3A_1118 : vector<16xi32>
    %select_n3A_1131 = arith.select %eq3A_1111, %add3A_1130, %broadcast_in_dim3A_1108 : vector<16xi1>, vector<16xi32>
    %eq3A_1132 = arith.constant 0 : i32
    %eq3A_1133 = vector.broadcast %eq3A_1132 : i32 to vector<16xi32>
    %eq3A_1134 = arith.cmpi eq, %iota3A, %eq3A_1133 : vector<16xi32>
    %reduce_sum3A_1135 = arith.constant true
    %reduce_sum3A_1136 = vector.broadcast %reduce_sum3A_1135 : i1 to vector<16xi1>
    %reduce_sum3A_1137 = tpu.scan <sum>, %convert_element_type3A_1112 masked %reduce_sum3A_1136 : vector<16xi32>, vector<16xi1> -> vector<16xi32>
    %reduce_sum3A_1138 = vector.extract %reduce_sum3A_1137[15] : i32 from vector<16xi32>
    %jit3A_1139 = arith.constant 0 : i32
    %broadcast_in_dim3A_1140 = vector.broadcast %reduce_sum3A_1138 : i32 to vector<16xi32>
    %broadcast_in_dim3A_1141 = vector.broadcast %jit3A_1139 : i32 to vector<16xi32>
    %select_n3A_1142 = arith.select %eq3A_1134, %broadcast_in_dim3A_1140, %broadcast_in_dim3A_1141 : vector<16xi1>, vector<16xi32>
    %add3A_1143 = arith.addi %add3A_1098, %select_n3A_1142 : vector<16xi32>
    %eq3A_1144 = arith.constant 1 : i32
    %eq3A_1145 = vector.broadcast %eq3A_1144 : i32 to vector<16xi32>
    %eq3A_1146 = arith.cmpi eq, %get3A_1106, %eq3A_1145 : vector<16xi32>
    %convert_element_type3A_1147 = arith.extui %eq3A_1146 : vector<16xi1> to vector<16xi32>
    %broadcast_in_dim3A_1148 = arith.constant true
    %broadcast_in_dim3A_1149 = vector.broadcast %broadcast_in_dim3A_1148 : i1 to vector<16xi1>
    %masked_cumsum3A_1150 = tpu.scan <sum>, %convert_element_type3A_1147 masked %broadcast_in_dim3A_1149 : vector<16xi32>, vector<16xi1> -> vector<16xi32>
    %sub3A_1151 = arith.constant 1 : i32
    %sub3A_1152 = vector.broadcast %sub3A_1151 : i32 to vector<16xi32>
    %sub3A_1153 = arith.subi %masked_cumsum3A_1150, %sub3A_1152 : vector<16xi32>
    %eq3A_1154 = arith.constant 1 : i32
    %eq3A_1155 = vector.broadcast %eq3A_1154 : i32 to vector<16xi32>
    %eq3A_1156 = arith.cmpi eq, %iota3A, %eq3A_1155 : vector<16xi32>
    %jit3A_1157 = arith.constant 0 : i32
    %broadcast_in_dim3A_1158 = vector.broadcast %jit3A_1157 : i32 to vector<16xi32>
    %select_n3A_1159 = arith.select %eq3A_1156, %add3A_1143, %broadcast_in_dim3A_1158 : vector<16xi1>, vector<16xi32>
    %reduce_sum3A_1160 = arith.constant true
    %reduce_sum3A_1161 = vector.broadcast %reduce_sum3A_1160 : i1 to vector<16xi1>
    %reduce_sum3A_1162 = tpu.scan <sum>, %select_n3A_1159 masked %reduce_sum3A_1161 : vector<16xi32>, vector<16xi1> -> vector<16xi32>
    %reduce_sum3A_1163 = vector.extract %reduce_sum3A_1162[15] : i32 from vector<16xi32>
    %add3A_1164 = vector.broadcast %reduce_sum3A_1163 : i32 to vector<16xi32>
    %add3A_1165 = arith.addi %add3A_1164, %sub3A_1153 : vector<16xi32>
    %select_n3A_1166 = arith.select %eq3A_1146, %add3A_1165, %select_n3A_1131 : vector<16xi1>, vector<16xi32>
    %eq3A_1167 = arith.constant 1 : i32
    %eq3A_1168 = vector.broadcast %eq3A_1167 : i32 to vector<16xi32>
    %eq3A_1169 = arith.cmpi eq, %iota3A, %eq3A_1168 : vector<16xi32>
    %reduce_sum3A_1170 = arith.constant true
    %reduce_sum3A_1171 = vector.broadcast %reduce_sum3A_1170 : i1 to vector<16xi1>
    %reduce_sum3A_1172 = tpu.scan <sum>, %convert_element_type3A_1147 masked %reduce_sum3A_1171 : vector<16xi32>, vector<16xi1> -> vector<16xi32>
    %reduce_sum3A_1173 = vector.extract %reduce_sum3A_1172[15] : i32 from vector<16xi32>
    %jit3A_1174 = arith.constant 0 : i32
    %broadcast_in_dim3A_1175 = vector.broadcast %reduce_sum3A_1173 : i32 to vector<16xi32>
    %broadcast_in_dim3A_1176 = vector.broadcast %jit3A_1174 : i32 to vector<16xi32>
    %select_n3A_1177 = arith.select %eq3A_1169, %broadcast_in_dim3A_1175, %broadcast_in_dim3A_1176 : vector<16xi1>, vector<16xi32>
    %add3A_1178 = arith.addi %add3A_1143, %select_n3A_1177 : vector<16xi32>
    %eq3A_1179 = arith.constant 2 : i32
    %eq3A_1180 = vector.broadcast %eq3A_1179 : i32 to vector<16xi32>
    %eq3A_1181 = arith.cmpi eq, %get3A_1106, %eq3A_1180 : vector<16xi32>
    %convert_element_type3A_1182 = arith.extui %eq3A_1181 : vector<16xi1> to vector<16xi32>
    %broadcast_in_dim3A_1183 = arith.constant true
    %broadcast_in_dim3A_1184 = vector.broadcast %broadcast_in_dim3A_1183 : i1 to vector<16xi1>
    %masked_cumsum3A_1185 = tpu.scan <sum>, %convert_element_type3A_1182 masked %broadcast_in_dim3A_1184 : vector<16xi32>, vector<16xi1> -> vector<16xi32>
    %sub3A_1186 = arith.constant 1 : i32
    %sub3A_1187 = vector.broadcast %sub3A_1186 : i32 to vector<16xi32>
    %sub3A_1188 = arith.subi %masked_cumsum3A_1185, %sub3A_1187 : vector<16xi32>
    %eq3A_1189 = arith.constant 2 : i32
    %eq3A_1190 = vector.broadcast %eq3A_1189 : i32 to vector<16xi32>
    %eq3A_1191 = arith.cmpi eq, %iota3A, %eq3A_1190 : vector<16xi32>
    %jit3A_1192 = arith.constant 0 : i32
    %broadcast_in_dim3A_1193 = vector.broadcast %jit3A_1192 : i32 to vector<16xi32>
    %select_n3A_1194 = arith.select %eq3A_1191, %add3A_1178, %broadcast_in_dim3A_1193 : vector<16xi1>, vector<16xi32>
    %reduce_sum3A_1195 = arith.constant true
    %reduce_sum3A_1196 = vector.broadcast %reduce_sum3A_1195 : i1 to vector<16xi1>
    %reduce_sum3A_1197 = tpu.scan <sum>, %select_n3A_1194 masked %reduce_sum3A_1196 : vector<16xi32>, vector<16xi1> -> vector<16xi32>
    %reduce_sum3A_1198 = vector.extract %reduce_sum3A_1197[15] : i32 from vector<16xi32>
    %add3A_1199 = vector.broadcast %reduce_sum3A_1198 : i32 to vector<16xi32>
    %add3A_1200 = arith.addi %add3A_1199, %sub3A_1188 : vector<16xi32>
    %select_n3A_1201 = arith.select %eq3A_1181, %add3A_1200, %select_n3A_1166 : vector<16xi1>, vector<16xi32>
    %eq3A_1202 = arith.constant 2 : i32
    %eq3A_1203 = vector.broadcast %eq3A_1202 : i32 to vector<16xi32>
    %eq3A_1204 = arith.cmpi eq, %iota3A, %eq3A_1203 : vector<16xi32>
    %reduce_sum3A_1205 = arith.constant true
    %reduce_sum3A_1206 = vector.broadcast %reduce_sum3A_1205 : i1 to vector<16xi1>
    %reduce_sum3A_1207 = tpu.scan <sum>, %convert_element_type3A_1182 masked %reduce_sum3A_1206 : vector<16xi32>, vector<16xi1> -> vector<16xi32>
    %reduce_sum3A_1208 = vector.extract %reduce_sum3A_1207[15] : i32 from vector<16xi32>
    %jit3A_1209 = arith.constant 0 : i32
    %broadcast_in_dim3A_1210 = vector.broadcast %reduce_sum3A_1208 : i32 to vector<16xi32>
    %broadcast_in_dim3A_1211 = vector.broadcast %jit3A_1209 : i32 to vector<16xi32>
    %select_n3A_1212 = arith.select %eq3A_1204, %broadcast_in_dim3A_1210, %broadcast_in_dim3A_1211 : vector<16xi1>, vector<16xi32>
    %add3A_1213 = arith.addi %add3A_1178, %select_n3A_1212 : vector<16xi32>
    %eq3A_1214 = arith.constant 3 : i32
    %eq3A_1215 = vector.broadcast %eq3A_1214 : i32 to vector<16xi32>
    %eq3A_1216 = arith.cmpi eq, %get3A_1106, %eq3A_1215 : vector<16xi32>
    %convert_element_type3A_1217 = arith.extui %eq3A_1216 : vector<16xi1> to vector<16xi32>
    %broadcast_in_dim3A_1218 = arith.constant true
    %broadcast_in_dim3A_1219 = vector.broadcast %broadcast_in_dim3A_1218 : i1 to vector<16xi1>
    %masked_cumsum3A_1220 = tpu.scan <sum>, %convert_element_type3A_1217 masked %broadcast_in_dim3A_1219 : vector<16xi32>, vector<16xi1> -> vector<16xi32>
    %sub3A_1221 = arith.constant 1 : i32
    %sub3A_1222 = vector.broadcast %sub3A_1221 : i32 to vector<16xi32>
    %sub3A_1223 = arith.subi %masked_cumsum3A_1220, %sub3A_1222 : vector<16xi32>
    %eq3A_1224 = arith.constant 3 : i32
    %eq3A_1225 = vector.broadcast %eq3A_1224 : i32 to vector<16xi32>
    %eq3A_1226 = arith.cmpi eq, %iota3A, %eq3A_1225 : vector<16xi32>
    %jit3A_1227 = arith.constant 0 : i32
    %broadcast_in_dim3A_1228 = vector.broadcast %jit3A_1227 : i32 to vector<16xi32>
    %select_n3A_1229 = arith.select %eq3A_1226, %add3A_1213, %broadcast_in_dim3A_1228 : vector<16xi1>, vector<16xi32>
    %reduce_sum3A_1230 = arith.constant true
    %reduce_sum3A_1231 = vector.broadcast %reduce_sum3A_1230 : i1 to vector<16xi1>
    %reduce_sum3A_1232 = tpu.scan <sum>, %select_n3A_1229 masked %reduce_sum3A_1231 : vector<16xi32>, vector<16xi1> -> vector<16xi32>
    %reduce_sum3A_1233 = vector.extract %reduce_sum3A_1232[15] : i32 from vector<16xi32>
    %add3A_1234 = vector.broadcast %reduce_sum3A_1233 : i32 to vector<16xi32>
    %add3A_1235 = arith.addi %add3A_1234, %sub3A_1223 : vector<16xi32>
    %select_n3A_1236 = arith.select %eq3A_1216, %add3A_1235, %select_n3A_1201 : vector<16xi1>, vector<16xi32>
    %eq3A_1237 = arith.constant 3 : i32
    %eq3A_1238 = vector.broadcast %eq3A_1237 : i32 to vector<16xi32>
    %eq3A_1239 = arith.cmpi eq, %iota3A, %eq3A_1238 : vector<16xi32>
    %reduce_sum3A_1240 = arith.constant true
    %reduce_sum3A_1241 = vector.broadcast %reduce_sum3A_1240 : i1 to vector<16xi1>
    %reduce_sum3A_1242 = tpu.scan <sum>, %convert_element_type3A_1217 masked %reduce_sum3A_1241 : vector<16xi32>, vector<16xi1> -> vector<16xi32>
    %reduce_sum3A_1243 = vector.extract %reduce_sum3A_1242[15] : i32 from vector<16xi32>
    %jit3A_1244 = arith.constant 0 : i32
    %broadcast_in_dim3A_1245 = vector.broadcast %reduce_sum3A_1243 : i32 to vector<16xi32>
    %broadcast_in_dim3A_1246 = vector.broadcast %jit3A_1244 : i32 to vector<16xi32>
    %select_n3A_1247 = arith.select %eq3A_1239, %broadcast_in_dim3A_1245, %broadcast_in_dim3A_1246 : vector<16xi1>, vector<16xi32>
    %add3A_1248 = arith.addi %add3A_1213, %select_n3A_1247 : vector<16xi32>
    %eq3A_1249 = arith.constant 4 : i32
    %eq3A_1250 = vector.broadcast %eq3A_1249 : i32 to vector<16xi32>
    %eq3A_1251 = arith.cmpi eq, %get3A_1106, %eq3A_1250 : vector<16xi32>
    %convert_element_type3A_1252 = arith.extui %eq3A_1251 : vector<16xi1> to vector<16xi32>
    %broadcast_in_dim3A_1253 = arith.constant true
    %broadcast_in_dim3A_1254 = vector.broadcast %broadcast_in_dim3A_1253 : i1 to vector<16xi1>
    %masked_cumsum3A_1255 = tpu.scan <sum>, %convert_element_type3A_1252 masked %broadcast_in_dim3A_1254 : vector<16xi32>, vector<16xi1> -> vector<16xi32>
    %sub3A_1256 = arith.constant 1 : i32
    %sub3A_1257 = vector.broadcast %sub3A_1256 : i32 to vector<16xi32>
    %sub3A_1258 = arith.subi %masked_cumsum3A_1255, %sub3A_1257 : vector<16xi32>
    %eq3A_1259 = arith.constant 4 : i32
    %eq3A_1260 = vector.broadcast %eq3A_1259 : i32 to vector<16xi32>
    %eq3A_1261 = arith.cmpi eq, %iota3A, %eq3A_1260 : vector<16xi32>
    %jit3A_1262 = arith.constant 0 : i32
    %broadcast_in_dim3A_1263 = vector.broadcast %jit3A_1262 : i32 to vector<16xi32>
    %select_n3A_1264 = arith.select %eq3A_1261, %add3A_1248, %broadcast_in_dim3A_1263 : vector<16xi1>, vector<16xi32>
    %reduce_sum3A_1265 = arith.constant true
    %reduce_sum3A_1266 = vector.broadcast %reduce_sum3A_1265 : i1 to vector<16xi1>
    %reduce_sum3A_1267 = tpu.scan <sum>, %select_n3A_1264 masked %reduce_sum3A_1266 : vector<16xi32>, vector<16xi1> -> vector<16xi32>
    %reduce_sum3A_1268 = vector.extract %reduce_sum3A_1267[15] : i32 from vector<16xi32>
    %add3A_1269 = vector.broadcast %reduce_sum3A_1268 : i32 to vector<16xi32>
    %add3A_1270 = arith.addi %add3A_1269, %sub3A_1258 : vector<16xi32>
    %select_n3A_1271 = arith.select %eq3A_1251, %add3A_1270, %select_n3A_1236 : vector<16xi1>, vector<16xi32>
    %eq3A_1272 = arith.constant 4 : i32
    %eq3A_1273 = vector.broadcast %eq3A_1272 : i32 to vector<16xi32>
    %eq3A_1274 = arith.cmpi eq, %iota3A, %eq3A_1273 : vector<16xi32>
    %reduce_sum3A_1275 = arith.constant true
    %reduce_sum3A_1276 = vector.broadcast %reduce_sum3A_1275 : i1 to vector<16xi1>
    %reduce_sum3A_1277 = tpu.scan <sum>, %convert_element_type3A_1252 masked %reduce_sum3A_1276 : vector<16xi32>, vector<16xi1> -> vector<16xi32>
    %reduce_sum3A_1278 = vector.extract %reduce_sum3A_1277[15] : i32 from vector<16xi32>
    %jit3A_1279 = arith.constant 0 : i32
    %broadcast_in_dim3A_1280 = vector.broadcast %reduce_sum3A_1278 : i32 to vector<16xi32>
    %broadcast_in_dim3A_1281 = vector.broadcast %jit3A_1279 : i32 to vector<16xi32>
    %select_n3A_1282 = arith.select %eq3A_1274, %broadcast_in_dim3A_1280, %broadcast_in_dim3A_1281 : vector<16xi1>, vector<16xi32>
    %add3A_1283 = arith.addi %add3A_1248, %select_n3A_1282 : vector<16xi32>
    %eq3A_1284 = arith.constant 5 : i32
    %eq3A_1285 = vector.broadcast %eq3A_1284 : i32 to vector<16xi32>
    %eq3A_1286 = arith.cmpi eq, %get3A_1106, %eq3A_1285 : vector<16xi32>
    %convert_element_type3A_1287 = arith.extui %eq3A_1286 : vector<16xi1> to vector<16xi32>
    %broadcast_in_dim3A_1288 = arith.constant true
    %broadcast_in_dim3A_1289 = vector.broadcast %broadcast_in_dim3A_1288 : i1 to vector<16xi1>
    %masked_cumsum3A_1290 = tpu.scan <sum>, %convert_element_type3A_1287 masked %broadcast_in_dim3A_1289 : vector<16xi32>, vector<16xi1> -> vector<16xi32>
    %sub3A_1291 = arith.constant 1 : i32
    %sub3A_1292 = vector.broadcast %sub3A_1291 : i32 to vector<16xi32>
    %sub3A_1293 = arith.subi %masked_cumsum3A_1290, %sub3A_1292 : vector<16xi32>
    %eq3A_1294 = arith.constant 5 : i32
    %eq3A_1295 = vector.broadcast %eq3A_1294 : i32 to vector<16xi32>
    %eq3A_1296 = arith.cmpi eq, %iota3A, %eq3A_1295 : vector<16xi32>
    %jit3A_1297 = arith.constant 0 : i32
    %broadcast_in_dim3A_1298 = vector.broadcast %jit3A_1297 : i32 to vector<16xi32>
    %select_n3A_1299 = arith.select %eq3A_1296, %add3A_1283, %broadcast_in_dim3A_1298 : vector<16xi1>, vector<16xi32>
    %reduce_sum3A_1300 = arith.constant true
    %reduce_sum3A_1301 = vector.broadcast %reduce_sum3A_1300 : i1 to vector<16xi1>
    %reduce_sum3A_1302 = tpu.scan <sum>, %select_n3A_1299 masked %reduce_sum3A_1301 : vector<16xi32>, vector<16xi1> -> vector<16xi32>
    %reduce_sum3A_1303 = vector.extract %reduce_sum3A_1302[15] : i32 from vector<16xi32>
    %add3A_1304 = vector.broadcast %reduce_sum3A_1303 : i32 to vector<16xi32>
    %add3A_1305 = arith.addi %add3A_1304, %sub3A_1293 : vector<16xi32>
    %select_n3A_1306 = arith.select %eq3A_1286, %add3A_1305, %select_n3A_1271 : vector<16xi1>, vector<16xi32>
    %eq3A_1307 = arith.constant 5 : i32
    %eq3A_1308 = vector.broadcast %eq3A_1307 : i32 to vector<16xi32>
    %eq3A_1309 = arith.cmpi eq, %iota3A, %eq3A_1308 : vector<16xi32>
    %reduce_sum3A_1310 = arith.constant true
    %reduce_sum3A_1311 = vector.broadcast %reduce_sum3A_1310 : i1 to vector<16xi1>
    %reduce_sum3A_1312 = tpu.scan <sum>, %convert_element_type3A_1287 masked %reduce_sum3A_1311 : vector<16xi32>, vector<16xi1> -> vector<16xi32>
    %reduce_sum3A_1313 = vector.extract %reduce_sum3A_1312[15] : i32 from vector<16xi32>
    %jit3A_1314 = arith.constant 0 : i32
    %broadcast_in_dim3A_1315 = vector.broadcast %reduce_sum3A_1313 : i32 to vector<16xi32>
    %broadcast_in_dim3A_1316 = vector.broadcast %jit3A_1314 : i32 to vector<16xi32>
    %select_n3A_1317 = arith.select %eq3A_1309, %broadcast_in_dim3A_1315, %broadcast_in_dim3A_1316 : vector<16xi1>, vector<16xi32>
    %add3A_1318 = arith.addi %add3A_1283, %select_n3A_1317 : vector<16xi32>
    %eq3A_1319 = arith.constant 6 : i32
    %eq3A_1320 = vector.broadcast %eq3A_1319 : i32 to vector<16xi32>
    %eq3A_1321 = arith.cmpi eq, %get3A_1106, %eq3A_1320 : vector<16xi32>
    %convert_element_type3A_1322 = arith.extui %eq3A_1321 : vector<16xi1> to vector<16xi32>
    %broadcast_in_dim3A_1323 = arith.constant true
    %broadcast_in_dim3A_1324 = vector.broadcast %broadcast_in_dim3A_1323 : i1 to vector<16xi1>
    %masked_cumsum3A_1325 = tpu.scan <sum>, %convert_element_type3A_1322 masked %broadcast_in_dim3A_1324 : vector<16xi32>, vector<16xi1> -> vector<16xi32>
    %sub3A_1326 = arith.constant 1 : i32
    %sub3A_1327 = vector.broadcast %sub3A_1326 : i32 to vector<16xi32>
    %sub3A_1328 = arith.subi %masked_cumsum3A_1325, %sub3A_1327 : vector<16xi32>
    %eq3A_1329 = arith.constant 6 : i32
    %eq3A_1330 = vector.broadcast %eq3A_1329 : i32 to vector<16xi32>
    %eq3A_1331 = arith.cmpi eq, %iota3A, %eq3A_1330 : vector<16xi32>
    %jit3A_1332 = arith.constant 0 : i32
    %broadcast_in_dim3A_1333 = vector.broadcast %jit3A_1332 : i32 to vector<16xi32>
    %select_n3A_1334 = arith.select %eq3A_1331, %add3A_1318, %broadcast_in_dim3A_1333 : vector<16xi1>, vector<16xi32>
    %reduce_sum3A_1335 = arith.constant true
    %reduce_sum3A_1336 = vector.broadcast %reduce_sum3A_1335 : i1 to vector<16xi1>
    %reduce_sum3A_1337 = tpu.scan <sum>, %select_n3A_1334 masked %reduce_sum3A_1336 : vector<16xi32>, vector<16xi1> -> vector<16xi32>
    %reduce_sum3A_1338 = vector.extract %reduce_sum3A_1337[15] : i32 from vector<16xi32>
    %add3A_1339 = vector.broadcast %reduce_sum3A_1338 : i32 to vector<16xi32>
    %add3A_1340 = arith.addi %add3A_1339, %sub3A_1328 : vector<16xi32>
    %select_n3A_1341 = arith.select %eq3A_1321, %add3A_1340, %select_n3A_1306 : vector<16xi1>, vector<16xi32>
    %eq3A_1342 = arith.constant 6 : i32
    %eq3A_1343 = vector.broadcast %eq3A_1342 : i32 to vector<16xi32>
    %eq3A_1344 = arith.cmpi eq, %iota3A, %eq3A_1343 : vector<16xi32>
    %reduce_sum3A_1345 = arith.constant true
    %reduce_sum3A_1346 = vector.broadcast %reduce_sum3A_1345 : i1 to vector<16xi1>
    %reduce_sum3A_1347 = tpu.scan <sum>, %convert_element_type3A_1322 masked %reduce_sum3A_1346 : vector<16xi32>, vector<16xi1> -> vector<16xi32>
    %reduce_sum3A_1348 = vector.extract %reduce_sum3A_1347[15] : i32 from vector<16xi32>
    %jit3A_1349 = arith.constant 0 : i32
    %broadcast_in_dim3A_1350 = vector.broadcast %reduce_sum3A_1348 : i32 to vector<16xi32>
    %broadcast_in_dim3A_1351 = vector.broadcast %jit3A_1349 : i32 to vector<16xi32>
    %select_n3A_1352 = arith.select %eq3A_1344, %broadcast_in_dim3A_1350, %broadcast_in_dim3A_1351 : vector<16xi1>, vector<16xi32>
    %add3A_1353 = arith.addi %add3A_1318, %select_n3A_1352 : vector<16xi32>
    %eq3A_1354 = arith.constant 7 : i32
    %eq3A_1355 = vector.broadcast %eq3A_1354 : i32 to vector<16xi32>
    %eq3A_1356 = arith.cmpi eq, %get3A_1106, %eq3A_1355 : vector<16xi32>
    %convert_element_type3A_1357 = arith.extui %eq3A_1356 : vector<16xi1> to vector<16xi32>
    %broadcast_in_dim3A_1358 = arith.constant true
    %broadcast_in_dim3A_1359 = vector.broadcast %broadcast_in_dim3A_1358 : i1 to vector<16xi1>
    %masked_cumsum3A_1360 = tpu.scan <sum>, %convert_element_type3A_1357 masked %broadcast_in_dim3A_1359 : vector<16xi32>, vector<16xi1> -> vector<16xi32>
    %sub3A_1361 = arith.constant 1 : i32
    %sub3A_1362 = vector.broadcast %sub3A_1361 : i32 to vector<16xi32>
    %sub3A_1363 = arith.subi %masked_cumsum3A_1360, %sub3A_1362 : vector<16xi32>
    %eq3A_1364 = arith.constant 7 : i32
    %eq3A_1365 = vector.broadcast %eq3A_1364 : i32 to vector<16xi32>
    %eq3A_1366 = arith.cmpi eq, %iota3A, %eq3A_1365 : vector<16xi32>
    %jit3A_1367 = arith.constant 0 : i32
    %broadcast_in_dim3A_1368 = vector.broadcast %jit3A_1367 : i32 to vector<16xi32>
    %select_n3A_1369 = arith.select %eq3A_1366, %add3A_1353, %broadcast_in_dim3A_1368 : vector<16xi1>, vector<16xi32>
    %reduce_sum3A_1370 = arith.constant true
    %reduce_sum3A_1371 = vector.broadcast %reduce_sum3A_1370 : i1 to vector<16xi1>
    %reduce_sum3A_1372 = tpu.scan <sum>, %select_n3A_1369 masked %reduce_sum3A_1371 : vector<16xi32>, vector<16xi1> -> vector<16xi32>
    %reduce_sum3A_1373 = vector.extract %reduce_sum3A_1372[15] : i32 from vector<16xi32>
    %add3A_1374 = vector.broadcast %reduce_sum3A_1373 : i32 to vector<16xi32>
    %add3A_1375 = arith.addi %add3A_1374, %sub3A_1363 : vector<16xi32>
    %select_n3A_1376 = arith.select %eq3A_1356, %add3A_1375, %select_n3A_1341 : vector<16xi1>, vector<16xi32>
    %eq3A_1377 = arith.constant 7 : i32
    %eq3A_1378 = vector.broadcast %eq3A_1377 : i32 to vector<16xi32>
    %eq3A_1379 = arith.cmpi eq, %iota3A, %eq3A_1378 : vector<16xi32>
    %reduce_sum3A_1380 = arith.constant true
    %reduce_sum3A_1381 = vector.broadcast %reduce_sum3A_1380 : i1 to vector<16xi1>
    %reduce_sum3A_1382 = tpu.scan <sum>, %convert_element_type3A_1357 masked %reduce_sum3A_1381 : vector<16xi32>, vector<16xi1> -> vector<16xi32>
    %reduce_sum3A_1383 = vector.extract %reduce_sum3A_1382[15] : i32 from vector<16xi32>
    %jit3A_1384 = arith.constant 0 : i32
    %broadcast_in_dim3A_1385 = vector.broadcast %reduce_sum3A_1383 : i32 to vector<16xi32>
    %broadcast_in_dim3A_1386 = vector.broadcast %jit3A_1384 : i32 to vector<16xi32>
    %select_n3A_1387 = arith.select %eq3A_1379, %broadcast_in_dim3A_1385, %broadcast_in_dim3A_1386 : vector<16xi1>, vector<16xi32>
    %add3A_1388 = arith.addi %add3A_1353, %select_n3A_1387 : vector<16xi32>
    %swap3A_1389 = arith.constant 48 : index
    %swap3A_1390 = tpu.vector_load %arg8[%swap3A_1389] {strides = array<i32>} : memref<128xi32, #tpu.memory_space<vmem>>, vector<16xi32>,
    tpu.vector_store %arg8[%swap3A_1389], %select_n3A_1376 {strides = array<i32>} : memref<128xi32, #tpu.memory_space<vmem>>, vector<16xi32>,
    %mul3A_1391 = arith.constant 128 : i32
    %mul3A_1392 = arith.muli %add3A, %mul3A_1391 : i32
    %add3A_1393 = arith.constant 64 : i32
    %add3A_1394 = arith.addi %mul3A_1392, %add3A_1393 : i32
    %get3A_1395 = arith.index_cast %add3A_1394 : i32 to index
    %get3A_1396 = tpu.vector_load %arg7[%get3A_1395] {strides = array<i32>} : memref<4096xi32, #tpu.memory_space<vmem>>, vector<16xi32>,
    %broadcast_in_dim3A_1397 = arith.constant 0 : i32
    %broadcast_in_dim3A_1398 = vector.broadcast %broadcast_in_dim3A_1397 : i32 to vector<16xi32>
    %eq3A_1399 = arith.constant 0 : i32
    %eq3A_1400 = vector.broadcast %eq3A_1399 : i32 to vector<16xi32>
    %eq3A_1401 = arith.cmpi eq, %get3A_1396, %eq3A_1400 : vector<16xi32>
    %convert_element_type3A_1402 = arith.extui %eq3A_1401 : vector<16xi1> to vector<16xi32>
    %broadcast_in_dim3A_1403 = arith.constant true
    %broadcast_in_dim3A_1404 = vector.broadcast %broadcast_in_dim3A_1403 : i1 to vector<16xi1>
    %masked_cumsum3A_1405 = tpu.scan <sum>, %convert_element_type3A_1402 masked %broadcast_in_dim3A_1404 : vector<16xi32>, vector<16xi1> -> vector<16xi32>
    %sub3A_1406 = arith.constant 1 : i32
    %sub3A_1407 = vector.broadcast %sub3A_1406 : i32 to vector<16xi32>
    %sub3A_1408 = arith.subi %masked_cumsum3A_1405, %sub3A_1407 : vector<16xi32>
    %eq3A_1409 = arith.constant 0 : i32
    %eq3A_1410 = vector.broadcast %eq3A_1409 : i32 to vector<16xi32>
    %eq3A_1411 = arith.cmpi eq, %iota3A, %eq3A_1410 : vector<16xi32>
    %jit3A_1412 = arith.constant 0 : i32
    %broadcast_in_dim3A_1413 = vector.broadcast %jit3A_1412 : i32 to vector<16xi32>
    %select_n3A_1414 = arith.select %eq3A_1411, %add3A_1388, %broadcast_in_dim3A_1413 : vector<16xi1>, vector<16xi32>
    %reduce_sum3A_1415 = arith.constant true
    %reduce_sum3A_1416 = vector.broadcast %reduce_sum3A_1415 : i1 to vector<16xi1>
    %reduce_sum3A_1417 = tpu.scan <sum>, %select_n3A_1414 masked %reduce_sum3A_1416 : vector<16xi32>, vector<16xi1> -> vector<16xi32>
    %reduce_sum3A_1418 = vector.extract %reduce_sum3A_1417[15] : i32 from vector<16xi32>
    %add3A_1419 = vector.broadcast %reduce_sum3A_1418 : i32 to vector<16xi32>
    %add3A_1420 = arith.addi %add3A_1419, %sub3A_1408 : vector<16xi32>
    %select_n3A_1421 = arith.select %eq3A_1401, %add3A_1420, %broadcast_in_dim3A_1398 : vector<16xi1>, vector<16xi32>
    %eq3A_1422 = arith.constant 0 : i32
    %eq3A_1423 = vector.broadcast %eq3A_1422 : i32 to vector<16xi32>
    %eq3A_1424 = arith.cmpi eq, %iota3A, %eq3A_1423 : vector<16xi32>
    %reduce_sum3A_1425 = arith.constant true
    %reduce_sum3A_1426 = vector.broadcast %reduce_sum3A_1425 : i1 to vector<16xi1>
    %reduce_sum3A_1427 = tpu.scan <sum>, %convert_element_type3A_1402 masked %reduce_sum3A_1426 : vector<16xi32>, vector<16xi1> -> vector<16xi32>
    %reduce_sum3A_1428 = vector.extract %reduce_sum3A_1427[15] : i32 from vector<16xi32>
    %jit3A_1429 = arith.constant 0 : i32
    %broadcast_in_dim3A_1430 = vector.broadcast %reduce_sum3A_1428 : i32 to vector<16xi32>
    %broadcast_in_dim3A_1431 = vector.broadcast %jit3A_1429 : i32 to vector<16xi32>
    %select_n3A_1432 = arith.select %eq3A_1424, %broadcast_in_dim3A_1430, %broadcast_in_dim3A_1431 : vector<16xi1>, vector<16xi32>
    %add3A_1433 = arith.addi %add3A_1388, %select_n3A_1432 : vector<16xi32>
    %eq3A_1434 = arith.constant 1 : i32
    %eq3A_1435 = vector.broadcast %eq3A_1434 : i32 to vector<16xi32>
    %eq3A_1436 = arith.cmpi eq, %get3A_1396, %eq3A_1435 : vector<16xi32>
    %convert_element_type3A_1437 = arith.extui %eq3A_1436 : vector<16xi1> to vector<16xi32>
    %broadcast_in_dim3A_1438 = arith.constant true
    %broadcast_in_dim3A_1439 = vector.broadcast %broadcast_in_dim3A_1438 : i1 to vector<16xi1>
    %masked_cumsum3A_1440 = tpu.scan <sum>, %convert_element_type3A_1437 masked %broadcast_in_dim3A_1439 : vector<16xi32>, vector<16xi1> -> vector<16xi32>
    %sub3A_1441 = arith.constant 1 : i32
    %sub3A_1442 = vector.broadcast %sub3A_1441 : i32 to vector<16xi32>
    %sub3A_1443 = arith.subi %masked_cumsum3A_1440, %sub3A_1442 : vector<16xi32>
    %eq3A_1444 = arith.constant 1 : i32
    %eq3A_1445 = vector.broadcast %eq3A_1444 : i32 to vector<16xi32>
    %eq3A_1446 = arith.cmpi eq, %iota3A, %eq3A_1445 : vector<16xi32>
    %jit3A_1447 = arith.constant 0 : i32
    %broadcast_in_dim3A_1448 = vector.broadcast %jit3A_1447 : i32 to vector<16xi32>
    %select_n3A_1449 = arith.select %eq3A_1446, %add3A_1433, %broadcast_in_dim3A_1448 : vector<16xi1>, vector<16xi32>
    %reduce_sum3A_1450 = arith.constant true
    %reduce_sum3A_1451 = vector.broadcast %reduce_sum3A_1450 : i1 to vector<16xi1>
    %reduce_sum3A_1452 = tpu.scan <sum>, %select_n3A_1449 masked %reduce_sum3A_1451 : vector<16xi32>, vector<16xi1> -> vector<16xi32>
    %reduce_sum3A_1453 = vector.extract %reduce_sum3A_1452[15] : i32 from vector<16xi32>
    %add3A_1454 = vector.broadcast %reduce_sum3A_1453 : i32 to vector<16xi32>
    %add3A_1455 = arith.addi %add3A_1454, %sub3A_1443 : vector<16xi32>
    %select_n3A_1456 = arith.select %eq3A_1436, %add3A_1455, %select_n3A_1421 : vector<16xi1>, vector<16xi32>
    %eq3A_1457 = arith.constant 1 : i32
    %eq3A_1458 = vector.broadcast %eq3A_1457 : i32 to vector<16xi32>
    %eq3A_1459 = arith.cmpi eq, %iota3A, %eq3A_1458 : vector<16xi32>
    %reduce_sum3A_1460 = arith.constant true
    %reduce_sum3A_1461 = vector.broadcast %reduce_sum3A_1460 : i1 to vector<16xi1>
    %reduce_sum3A_1462 = tpu.scan <sum>, %convert_element_type3A_1437 masked %reduce_sum3A_1461 : vector<16xi32>, vector<16xi1> -> vector<16xi32>
    %reduce_sum3A_1463 = vector.extract %reduce_sum3A_1462[15] : i32 from vector<16xi32>
    %jit3A_1464 = arith.constant 0 : i32
    %broadcast_in_dim3A_1465 = vector.broadcast %reduce_sum3A_1463 : i32 to vector<16xi32>
    %broadcast_in_dim3A_1466 = vector.broadcast %jit3A_1464 : i32 to vector<16xi32>
    %select_n3A_1467 = arith.select %eq3A_1459, %broadcast_in_dim3A_1465, %broadcast_in_dim3A_1466 : vector<16xi1>, vector<16xi32>
    %add3A_1468 = arith.addi %add3A_1433, %select_n3A_1467 : vector<16xi32>
    %eq3A_1469 = arith.constant 2 : i32
    %eq3A_1470 = vector.broadcast %eq3A_1469 : i32 to vector<16xi32>
    %eq3A_1471 = arith.cmpi eq, %get3A_1396, %eq3A_1470 : vector<16xi32>
    %convert_element_type3A_1472 = arith.extui %eq3A_1471 : vector<16xi1> to vector<16xi32>
    %broadcast_in_dim3A_1473 = arith.constant true
    %broadcast_in_dim3A_1474 = vector.broadcast %broadcast_in_dim3A_1473 : i1 to vector<16xi1>
    %masked_cumsum3A_1475 = tpu.scan <sum>, %convert_element_type3A_1472 masked %broadcast_in_dim3A_1474 : vector<16xi32>, vector<16xi1> -> vector<16xi32>
    %sub3A_1476 = arith.constant 1 : i32
    %sub3A_1477 = vector.broadcast %sub3A_1476 : i32 to vector<16xi32>
    %sub3A_1478 = arith.subi %masked_cumsum3A_1475, %sub3A_1477 : vector<16xi32>
    %eq3A_1479 = arith.constant 2 : i32
    %eq3A_1480 = vector.broadcast %eq3A_1479 : i32 to vector<16xi32>
    %eq3A_1481 = arith.cmpi eq, %iota3A, %eq3A_1480 : vector<16xi32>
    %jit3A_1482 = arith.constant 0 : i32
    %broadcast_in_dim3A_1483 = vector.broadcast %jit3A_1482 : i32 to vector<16xi32>
    %select_n3A_1484 = arith.select %eq3A_1481, %add3A_1468, %broadcast_in_dim3A_1483 : vector<16xi1>, vector<16xi32>
    %reduce_sum3A_1485 = arith.constant true
    %reduce_sum3A_1486 = vector.broadcast %reduce_sum3A_1485 : i1 to vector<16xi1>
    %reduce_sum3A_1487 = tpu.scan <sum>, %select_n3A_1484 masked %reduce_sum3A_1486 : vector<16xi32>, vector<16xi1> -> vector<16xi32>
    %reduce_sum3A_1488 = vector.extract %reduce_sum3A_1487[15] : i32 from vector<16xi32>
    %add3A_1489 = vector.broadcast %reduce_sum3A_1488 : i32 to vector<16xi32>
    %add3A_1490 = arith.addi %add3A_1489, %sub3A_1478 : vector<16xi32>
    %select_n3A_1491 = arith.select %eq3A_1471, %add3A_1490, %select_n3A_1456 : vector<16xi1>, vector<16xi32>
    %eq3A_1492 = arith.constant 2 : i32
    %eq3A_1493 = vector.broadcast %eq3A_1492 : i32 to vector<16xi32>
    %eq3A_1494 = arith.cmpi eq, %iota3A, %eq3A_1493 : vector<16xi32>
    %reduce_sum3A_1495 = arith.constant true
    %reduce_sum3A_1496 = vector.broadcast %reduce_sum3A_1495 : i1 to vector<16xi1>
    %reduce_sum3A_1497 = tpu.scan <sum>, %convert_element_type3A_1472 masked %reduce_sum3A_1496 : vector<16xi32>, vector<16xi1> -> vector<16xi32>
    %reduce_sum3A_1498 = vector.extract %reduce_sum3A_1497[15] : i32 from vector<16xi32>
    %jit3A_1499 = arith.constant 0 : i32
    %broadcast_in_dim3A_1500 = vector.broadcast %reduce_sum3A_1498 : i32 to vector<16xi32>
    %broadcast_in_dim3A_1501 = vector.broadcast %jit3A_1499 : i32 to vector<16xi32>
    %select_n3A_1502 = arith.select %eq3A_1494, %broadcast_in_dim3A_1500, %broadcast_in_dim3A_1501 : vector<16xi1>, vector<16xi32>
    %add3A_1503 = arith.addi %add3A_1468, %select_n3A_1502 : vector<16xi32>
    %eq3A_1504 = arith.constant 3 : i32
    %eq3A_1505 = vector.broadcast %eq3A_1504 : i32 to vector<16xi32>
    %eq3A_1506 = arith.cmpi eq, %get3A_1396, %eq3A_1505 : vector<16xi32>
    %convert_element_type3A_1507 = arith.extui %eq3A_1506 : vector<16xi1> to vector<16xi32>
    %broadcast_in_dim3A_1508 = arith.constant true
    %broadcast_in_dim3A_1509 = vector.broadcast %broadcast_in_dim3A_1508 : i1 to vector<16xi1>
    %masked_cumsum3A_1510 = tpu.scan <sum>, %convert_element_type3A_1507 masked %broadcast_in_dim3A_1509 : vector<16xi32>, vector<16xi1> -> vector<16xi32>
    %sub3A_1511 = arith.constant 1 : i32
    %sub3A_1512 = vector.broadcast %sub3A_1511 : i32 to vector<16xi32>
    %sub3A_1513 = arith.subi %masked_cumsum3A_1510, %sub3A_1512 : vector<16xi32>
    %eq3A_1514 = arith.constant 3 : i32
    %eq3A_1515 = vector.broadcast %eq3A_1514 : i32 to vector<16xi32>
    %eq3A_1516 = arith.cmpi eq, %iota3A, %eq3A_1515 : vector<16xi32>
    %jit3A_1517 = arith.constant 0 : i32
    %broadcast_in_dim3A_1518 = vector.broadcast %jit3A_1517 : i32 to vector<16xi32>
    %select_n3A_1519 = arith.select %eq3A_1516, %add3A_1503, %broadcast_in_dim3A_1518 : vector<16xi1>, vector<16xi32>
    %reduce_sum3A_1520 = arith.constant true
    %reduce_sum3A_1521 = vector.broadcast %reduce_sum3A_1520 : i1 to vector<16xi1>
    %reduce_sum3A_1522 = tpu.scan <sum>, %select_n3A_1519 masked %reduce_sum3A_1521 : vector<16xi32>, vector<16xi1> -> vector<16xi32>
    %reduce_sum3A_1523 = vector.extract %reduce_sum3A_1522[15] : i32 from vector<16xi32>
    %add3A_1524 = vector.broadcast %reduce_sum3A_1523 : i32 to vector<16xi32>
    %add3A_1525 = arith.addi %add3A_1524, %sub3A_1513 : vector<16xi32>
    %select_n3A_1526 = arith.select %eq3A_1506, %add3A_1525, %select_n3A_1491 : vector<16xi1>, vector<16xi32>
    %eq3A_1527 = arith.constant 3 : i32
    %eq3A_1528 = vector.broadcast %eq3A_1527 : i32 to vector<16xi32>
    %eq3A_1529 = arith.cmpi eq, %iota3A, %eq3A_1528 : vector<16xi32>
    %reduce_sum3A_1530 = arith.constant true
    %reduce_sum3A_1531 = vector.broadcast %reduce_sum3A_1530 : i1 to vector<16xi1>
    %reduce_sum3A_1532 = tpu.scan <sum>, %convert_element_type3A_1507 masked %reduce_sum3A_1531 : vector<16xi32>, vector<16xi1> -> vector<16xi32>
    %reduce_sum3A_1533 = vector.extract %reduce_sum3A_1532[15] : i32 from vector<16xi32>
    %jit3A_1534 = arith.constant 0 : i32
    %broadcast_in_dim3A_1535 = vector.broadcast %reduce_sum3A_1533 : i32 to vector<16xi32>
    %broadcast_in_dim3A_1536 = vector.broadcast %jit3A_1534 : i32 to vector<16xi32>
    %select_n3A_1537 = arith.select %eq3A_1529, %broadcast_in_dim3A_1535, %broadcast_in_dim3A_1536 : vector<16xi1>, vector<16xi32>
    %add3A_1538 = arith.addi %add3A_1503, %select_n3A_1537 : vector<16xi32>
    %eq3A_1539 = arith.constant 4 : i32
    %eq3A_1540 = vector.broadcast %eq3A_1539 : i32 to vector<16xi32>
    %eq3A_1541 = arith.cmpi eq, %get3A_1396, %eq3A_1540 : vector<16xi32>
    %convert_element_type3A_1542 = arith.extui %eq3A_1541 : vector<16xi1> to vector<16xi32>
    %broadcast_in_dim3A_1543 = arith.constant true
    %broadcast_in_dim3A_1544 = vector.broadcast %broadcast_in_dim3A_1543 : i1 to vector<16xi1>
    %masked_cumsum3A_1545 = tpu.scan <sum>, %convert_element_type3A_1542 masked %broadcast_in_dim3A_1544 : vector<16xi32>, vector<16xi1> -> vector<16xi32>
    %sub3A_1546 = arith.constant 1 : i32
    %sub3A_1547 = vector.broadcast %sub3A_1546 : i32 to vector<16xi32>
    %sub3A_1548 = arith.subi %masked_cumsum3A_1545, %sub3A_1547 : vector<16xi32>
    %eq3A_1549 = arith.constant 4 : i32
    %eq3A_1550 = vector.broadcast %eq3A_1549 : i32 to vector<16xi32>
    %eq3A_1551 = arith.cmpi eq, %iota3A, %eq3A_1550 : vector<16xi32>
    %jit3A_1552 = arith.constant 0 : i32
    %broadcast_in_dim3A_1553 = vector.broadcast %jit3A_1552 : i32 to vector<16xi32>
    %select_n3A_1554 = arith.select %eq3A_1551, %add3A_1538, %broadcast_in_dim3A_1553 : vector<16xi1>, vector<16xi32>
    %reduce_sum3A_1555 = arith.constant true
    %reduce_sum3A_1556 = vector.broadcast %reduce_sum3A_1555 : i1 to vector<16xi1>
    %reduce_sum3A_1557 = tpu.scan <sum>, %select_n3A_1554 masked %reduce_sum3A_1556 : vector<16xi32>, vector<16xi1> -> vector<16xi32>
    %reduce_sum3A_1558 = vector.extract %reduce_sum3A_1557[15] : i32 from vector<16xi32>
    %add3A_1559 = vector.broadcast %reduce_sum3A_1558 : i32 to vector<16xi32>
    %add3A_1560 = arith.addi %add3A_1559, %sub3A_1548 : vector<16xi32>
    %select_n3A_1561 = arith.select %eq3A_1541, %add3A_1560, %select_n3A_1526 : vector<16xi1>, vector<16xi32>
    %eq3A_1562 = arith.constant 4 : i32
    %eq3A_1563 = vector.broadcast %eq3A_1562 : i32 to vector<16xi32>
    %eq3A_1564 = arith.cmpi eq, %iota3A, %eq3A_1563 : vector<16xi32>
    %reduce_sum3A_1565 = arith.constant true
    %reduce_sum3A_1566 = vector.broadcast %reduce_sum3A_1565 : i1 to vector<16xi1>
    %reduce_sum3A_1567 = tpu.scan <sum>, %convert_element_type3A_1542 masked %reduce_sum3A_1566 : vector<16xi32>, vector<16xi1> -> vector<16xi32>
    %reduce_sum3A_1568 = vector.extract %reduce_sum3A_1567[15] : i32 from vector<16xi32>
    %jit3A_1569 = arith.constant 0 : i32
    %broadcast_in_dim3A_1570 = vector.broadcast %reduce_sum3A_1568 : i32 to vector<16xi32>
    %broadcast_in_dim3A_1571 = vector.broadcast %jit3A_1569 : i32 to vector<16xi32>
    %select_n3A_1572 = arith.select %eq3A_1564, %broadcast_in_dim3A_1570, %broadcast_in_dim3A_1571 : vector<16xi1>, vector<16xi32>
    %add3A_1573 = arith.addi %add3A_1538, %select_n3A_1572 : vector<16xi32>
    %eq3A_1574 = arith.constant 5 : i32
    %eq3A_1575 = vector.broadcast %eq3A_1574 : i32 to vector<16xi32>
    %eq3A_1576 = arith.cmpi eq, %get3A_1396, %eq3A_1575 : vector<16xi32>
    %convert_element_type3A_1577 = arith.extui %eq3A_1576 : vector<16xi1> to vector<16xi32>
    %broadcast_in_dim3A_1578 = arith.constant true
    %broadcast_in_dim3A_1579 = vector.broadcast %broadcast_in_dim3A_1578 : i1 to vector<16xi1>
    %masked_cumsum3A_1580 = tpu.scan <sum>, %convert_element_type3A_1577 masked %broadcast_in_dim3A_1579 : vector<16xi32>, vector<16xi1> -> vector<16xi32>
    %sub3A_1581 = arith.constant 1 : i32
    %sub3A_1582 = vector.broadcast %sub3A_1581 : i32 to vector<16xi32>
    %sub3A_1583 = arith.subi %masked_cumsum3A_1580, %sub3A_1582 : vector<16xi32>
    %eq3A_1584 = arith.constant 5 : i32
    %eq3A_1585 = vector.broadcast %eq3A_1584 : i32 to vector<16xi32>
    %eq3A_1586 = arith.cmpi eq, %iota3A, %eq3A_1585 : vector<16xi32>
    %jit3A_1587 = arith.constant 0 : i32
    %broadcast_in_dim3A_1588 = vector.broadcast %jit3A_1587 : i32 to vector<16xi32>
    %select_n3A_1589 = arith.select %eq3A_1586, %add3A_1573, %broadcast_in_dim3A_1588 : vector<16xi1>, vector<16xi32>
    %reduce_sum3A_1590 = arith.constant true
    %reduce_sum3A_1591 = vector.broadcast %reduce_sum3A_1590 : i1 to vector<16xi1>
    %reduce_sum3A_1592 = tpu.scan <sum>, %select_n3A_1589 masked %reduce_sum3A_1591 : vector<16xi32>, vector<16xi1> -> vector<16xi32>
    %reduce_sum3A_1593 = vector.extract %reduce_sum3A_1592[15] : i32 from vector<16xi32>
    %add3A_1594 = vector.broadcast %reduce_sum3A_1593 : i32 to vector<16xi32>
    %add3A_1595 = arith.addi %add3A_1594, %sub3A_1583 : vector<16xi32>
    %select_n3A_1596 = arith.select %eq3A_1576, %add3A_1595, %select_n3A_1561 : vector<16xi1>, vector<16xi32>
    %eq3A_1597 = arith.constant 5 : i32
    %eq3A_1598 = vector.broadcast %eq3A_1597 : i32 to vector<16xi32>
    %eq3A_1599 = arith.cmpi eq, %iota3A, %eq3A_1598 : vector<16xi32>
    %reduce_sum3A_1600 = arith.constant true
    %reduce_sum3A_1601 = vector.broadcast %reduce_sum3A_1600 : i1 to vector<16xi1>
    %reduce_sum3A_1602 = tpu.scan <sum>, %convert_element_type3A_1577 masked %reduce_sum3A_1601 : vector<16xi32>, vector<16xi1> -> vector<16xi32>
    %reduce_sum3A_1603 = vector.extract %reduce_sum3A_1602[15] : i32 from vector<16xi32>
    %jit3A_1604 = arith.constant 0 : i32
    %broadcast_in_dim3A_1605 = vector.broadcast %reduce_sum3A_1603 : i32 to vector<16xi32>
    %broadcast_in_dim3A_1606 = vector.broadcast %jit3A_1604 : i32 to vector<16xi32>
    %select_n3A_1607 = arith.select %eq3A_1599, %broadcast_in_dim3A_1605, %broadcast_in_dim3A_1606 : vector<16xi1>, vector<16xi32>
    %add3A_1608 = arith.addi %add3A_1573, %select_n3A_1607 : vector<16xi32>
    %eq3A_1609 = arith.constant 6 : i32
    %eq3A_1610 = vector.broadcast %eq3A_1609 : i32 to vector<16xi32>
    %eq3A_1611 = arith.cmpi eq, %get3A_1396, %eq3A_1610 : vector<16xi32>
    %convert_element_type3A_1612 = arith.extui %eq3A_1611 : vector<16xi1> to vector<16xi32>
    %broadcast_in_dim3A_1613 = arith.constant true
    %broadcast_in_dim3A_1614 = vector.broadcast %broadcast_in_dim3A_1613 : i1 to vector<16xi1>
    %masked_cumsum3A_1615 = tpu.scan <sum>, %convert_element_type3A_1612 masked %broadcast_in_dim3A_1614 : vector<16xi32>, vector<16xi1> -> vector<16xi32>
    %sub3A_1616 = arith.constant 1 : i32
    %sub3A_1617 = vector.broadcast %sub3A_1616 : i32 to vector<16xi32>
    %sub3A_1618 = arith.subi %masked_cumsum3A_1615, %sub3A_1617 : vector<16xi32>
    %eq3A_1619 = arith.constant 6 : i32
    %eq3A_1620 = vector.broadcast %eq3A_1619 : i32 to vector<16xi32>
    %eq3A_1621 = arith.cmpi eq, %iota3A, %eq3A_1620 : vector<16xi32>
    %jit3A_1622 = arith.constant 0 : i32
    %broadcast_in_dim3A_1623 = vector.broadcast %jit3A_1622 : i32 to vector<16xi32>
    %select_n3A_1624 = arith.select %eq3A_1621, %add3A_1608, %broadcast_in_dim3A_1623 : vector<16xi1>, vector<16xi32>
    %reduce_sum3A_1625 = arith.constant true
    %reduce_sum3A_1626 = vector.broadcast %reduce_sum3A_1625 : i1 to vector<16xi1>
    %reduce_sum3A_1627 = tpu.scan <sum>, %select_n3A_1624 masked %reduce_sum3A_1626 : vector<16xi32>, vector<16xi1> -> vector<16xi32>
    %reduce_sum3A_1628 = vector.extract %reduce_sum3A_1627[15] : i32 from vector<16xi32>
    %add3A_1629 = vector.broadcast %reduce_sum3A_1628 : i32 to vector<16xi32>
    %add3A_1630 = arith.addi %add3A_1629, %sub3A_1618 : vector<16xi32>
    %select_n3A_1631 = arith.select %eq3A_1611, %add3A_1630, %select_n3A_1596 : vector<16xi1>, vector<16xi32>
    %eq3A_1632 = arith.constant 6 : i32
    %eq3A_1633 = vector.broadcast %eq3A_1632 : i32 to vector<16xi32>
    %eq3A_1634 = arith.cmpi eq, %iota3A, %eq3A_1633 : vector<16xi32>
    %reduce_sum3A_1635 = arith.constant true
    %reduce_sum3A_1636 = vector.broadcast %reduce_sum3A_1635 : i1 to vector<16xi1>
    %reduce_sum3A_1637 = tpu.scan <sum>, %convert_element_type3A_1612 masked %reduce_sum3A_1636 : vector<16xi32>, vector<16xi1> -> vector<16xi32>
    %reduce_sum3A_1638 = vector.extract %reduce_sum3A_1637[15] : i32 from vector<16xi32>
    %jit3A_1639 = arith.constant 0 : i32
    %broadcast_in_dim3A_1640 = vector.broadcast %reduce_sum3A_1638 : i32 to vector<16xi32>
    %broadcast_in_dim3A_1641 = vector.broadcast %jit3A_1639 : i32 to vector<16xi32>
    %select_n3A_1642 = arith.select %eq3A_1634, %broadcast_in_dim3A_1640, %broadcast_in_dim3A_1641 : vector<16xi1>, vector<16xi32>
    %add3A_1643 = arith.addi %add3A_1608, %select_n3A_1642 : vector<16xi32>
    %eq3A_1644 = arith.constant 7 : i32
    %eq3A_1645 = vector.broadcast %eq3A_1644 : i32 to vector<16xi32>
    %eq3A_1646 = arith.cmpi eq, %get3A_1396, %eq3A_1645 : vector<16xi32>
    %convert_element_type3A_1647 = arith.extui %eq3A_1646 : vector<16xi1> to vector<16xi32>
    %broadcast_in_dim3A_1648 = arith.constant true
    %broadcast_in_dim3A_1649 = vector.broadcast %broadcast_in_dim3A_1648 : i1 to vector<16xi1>
    %masked_cumsum3A_1650 = tpu.scan <sum>, %convert_element_type3A_1647 masked %broadcast_in_dim3A_1649 : vector<16xi32>, vector<16xi1> -> vector<16xi32>
    %sub3A_1651 = arith.constant 1 : i32
    %sub3A_1652 = vector.broadcast %sub3A_1651 : i32 to vector<16xi32>
    %sub3A_1653 = arith.subi %masked_cumsum3A_1650, %sub3A_1652 : vector<16xi32>
    %eq3A_1654 = arith.constant 7 : i32
    %eq3A_1655 = vector.broadcast %eq3A_1654 : i32 to vector<16xi32>
    %eq3A_1656 = arith.cmpi eq, %iota3A, %eq3A_1655 : vector<16xi32>
    %jit3A_1657 = arith.constant 0 : i32
    %broadcast_in_dim3A_1658 = vector.broadcast %jit3A_1657 : i32 to vector<16xi32>
    %select_n3A_1659 = arith.select %eq3A_1656, %add3A_1643, %broadcast_in_dim3A_1658 : vector<16xi1>, vector<16xi32>
    %reduce_sum3A_1660 = arith.constant true
    %reduce_sum3A_1661 = vector.broadcast %reduce_sum3A_1660 : i1 to vector<16xi1>
    %reduce_sum3A_1662 = tpu.scan <sum>, %select_n3A_1659 masked %reduce_sum3A_1661 : vector<16xi32>, vector<16xi1> -> vector<16xi32>
    %reduce_sum3A_1663 = vector.extract %reduce_sum3A_1662[15] : i32 from vector<16xi32>
    %add3A_1664 = vector.broadcast %reduce_sum3A_1663 : i32 to vector<16xi32>
    %add3A_1665 = arith.addi %add3A_1664, %sub3A_1653 : vector<16xi32>
    %select_n3A_1666 = arith.select %eq3A_1646, %add3A_1665, %select_n3A_1631 : vector<16xi1>, vector<16xi32>
    %eq3A_1667 = arith.constant 7 : i32
    %eq3A_1668 = vector.broadcast %eq3A_1667 : i32 to vector<16xi32>
    %eq3A_1669 = arith.cmpi eq, %iota3A, %eq3A_1668 : vector<16xi32>
    %reduce_sum3A_1670 = arith.constant true
    %reduce_sum3A_1671 = vector.broadcast %reduce_sum3A_1670 : i1 to vector<16xi1>
    %reduce_sum3A_1672 = tpu.scan <sum>, %convert_element_type3A_1647 masked %reduce_sum3A_1671 : vector<16xi32>, vector<16xi1> -> vector<16xi32>
    %reduce_sum3A_1673 = vector.extract %reduce_sum3A_1672[15] : i32 from vector<16xi32>
    %jit3A_1674 = arith.constant 0 : i32
    %broadcast_in_dim3A_1675 = vector.broadcast %reduce_sum3A_1673 : i32 to vector<16xi32>
    %broadcast_in_dim3A_1676 = vector.broadcast %jit3A_1674 : i32 to vector<16xi32>
    %select_n3A_1677 = arith.select %eq3A_1669, %broadcast_in_dim3A_1675, %broadcast_in_dim3A_1676 : vector<16xi1>, vector<16xi32>
    %add3A_1678 = arith.addi %add3A_1643, %select_n3A_1677 : vector<16xi32>
    %swap3A_1679 = arith.constant 64 : index
    %swap3A_1680 = tpu.vector_load %arg8[%swap3A_1679] {strides = array<i32>} : memref<128xi32, #tpu.memory_space<vmem>>, vector<16xi32>,
    tpu.vector_store %arg8[%swap3A_1679], %select_n3A_1666 {strides = array<i32>} : memref<128xi32, #tpu.memory_space<vmem>>, vector<16xi32>,
    %mul3A_1681 = arith.constant 128 : i32
    %mul3A_1682 = arith.muli %add3A, %mul3A_1681 : i32
    %add3A_1683 = arith.constant 80 : i32
    %add3A_1684 = arith.addi %mul3A_1682, %add3A_1683 : i32
    %get3A_1685 = arith.index_cast %add3A_1684 : i32 to index
    %get3A_1686 = tpu.vector_load %arg7[%get3A_1685] {strides = array<i32>} : memref<4096xi32, #tpu.memory_space<vmem>>, vector<16xi32>,
    %broadcast_in_dim3A_1687 = arith.constant 0 : i32
    %broadcast_in_dim3A_1688 = vector.broadcast %broadcast_in_dim3A_1687 : i32 to vector<16xi32>
    %eq3A_1689 = arith.constant 0 : i32
    %eq3A_1690 = vector.broadcast %eq3A_1689 : i32 to vector<16xi32>
    %eq3A_1691 = arith.cmpi eq, %get3A_1686, %eq3A_1690 : vector<16xi32>
    %convert_element_type3A_1692 = arith.extui %eq3A_1691 : vector<16xi1> to vector<16xi32>
    %broadcast_in_dim3A_1693 = arith.constant true
    %broadcast_in_dim3A_1694 = vector.broadcast %broadcast_in_dim3A_1693 : i1 to vector<16xi1>
    %masked_cumsum3A_1695 = tpu.scan <sum>, %convert_element_type3A_1692 masked %broadcast_in_dim3A_1694 : vector<16xi32>, vector<16xi1> -> vector<16xi32>
    %sub3A_1696 = arith.constant 1 : i32
    %sub3A_1697 = vector.broadcast %sub3A_1696 : i32 to vector<16xi32>
    %sub3A_1698 = arith.subi %masked_cumsum3A_1695, %sub3A_1697 : vector<16xi32>
    %eq3A_1699 = arith.constant 0 : i32
    %eq3A_1700 = vector.broadcast %eq3A_1699 : i32 to vector<16xi32>
    %eq3A_1701 = arith.cmpi eq, %iota3A, %eq3A_1700 : vector<16xi32>
    %jit3A_1702 = arith.constant 0 : i32
    %broadcast_in_dim3A_1703 = vector.broadcast %jit3A_1702 : i32 to vector<16xi32>
    %select_n3A_1704 = arith.select %eq3A_1701, %add3A_1678, %broadcast_in_dim3A_1703 : vector<16xi1>, vector<16xi32>
    %reduce_sum3A_1705 = arith.constant true
    %reduce_sum3A_1706 = vector.broadcast %reduce_sum3A_1705 : i1 to vector<16xi1>
    %reduce_sum3A_1707 = tpu.scan <sum>, %select_n3A_1704 masked %reduce_sum3A_1706 : vector<16xi32>, vector<16xi1> -> vector<16xi32>
    %reduce_sum3A_1708 = vector.extract %reduce_sum3A_1707[15] : i32 from vector<16xi32>
    %add3A_1709 = vector.broadcast %reduce_sum3A_1708 : i32 to vector<16xi32>
    %add3A_1710 = arith.addi %add3A_1709, %sub3A_1698 : vector<16xi32>
    %select_n3A_1711 = arith.select %eq3A_1691, %add3A_1710, %broadcast_in_dim3A_1688 : vector<16xi1>, vector<16xi32>
    %eq3A_1712 = arith.constant 0 : i32
    %eq3A_1713 = vector.broadcast %eq3A_1712 : i32 to vector<16xi32>
    %eq3A_1714 = arith.cmpi eq, %iota3A, %eq3A_1713 : vector<16xi32>
    %reduce_sum3A_1715 = arith.constant true
    %reduce_sum3A_1716 = vector.broadcast %reduce_sum3A_1715 : i1 to vector<16xi1>
    %reduce_sum3A_1717 = tpu.scan <sum>, %convert_element_type3A_1692 masked %reduce_sum3A_1716 : vector<16xi32>, vector<16xi1> -> vector<16xi32>
    %reduce_sum3A_1718 = vector.extract %reduce_sum3A_1717[15] : i32 from vector<16xi32>
    %jit3A_1719 = arith.constant 0 : i32
    %broadcast_in_dim3A_1720 = vector.broadcast %reduce_sum3A_1718 : i32 to vector<16xi32>
    %broadcast_in_dim3A_1721 = vector.broadcast %jit3A_1719 : i32 to vector<16xi32>
    %select_n3A_1722 = arith.select %eq3A_1714, %broadcast_in_dim3A_1720, %broadcast_in_dim3A_1721 : vector<16xi1>, vector<16xi32>
    %add3A_1723 = arith.addi %add3A_1678, %select_n3A_1722 : vector<16xi32>
    %eq3A_1724 = arith.constant 1 : i32
    %eq3A_1725 = vector.broadcast %eq3A_1724 : i32 to vector<16xi32>
    %eq3A_1726 = arith.cmpi eq, %get3A_1686, %eq3A_1725 : vector<16xi32>
    %convert_element_type3A_1727 = arith.extui %eq3A_1726 : vector<16xi1> to vector<16xi32>
    %broadcast_in_dim3A_1728 = arith.constant true
    %broadcast_in_dim3A_1729 = vector.broadcast %broadcast_in_dim3A_1728 : i1 to vector<16xi1>
    %masked_cumsum3A_1730 = tpu.scan <sum>, %convert_element_type3A_1727 masked %broadcast_in_dim3A_1729 : vector<16xi32>, vector<16xi1> -> vector<16xi32>
    %sub3A_1731 = arith.constant 1 : i32
    %sub3A_1732 = vector.broadcast %sub3A_1731 : i32 to vector<16xi32>
    %sub3A_1733 = arith.subi %masked_cumsum3A_1730, %sub3A_1732 : vector<16xi32>
    %eq3A_1734 = arith.constant 1 : i32
    %eq3A_1735 = vector.broadcast %eq3A_1734 : i32 to vector<16xi32>
    %eq3A_1736 = arith.cmpi eq, %iota3A, %eq3A_1735 : vector<16xi32>
    %jit3A_1737 = arith.constant 0 : i32
    %broadcast_in_dim3A_1738 = vector.broadcast %jit3A_1737 : i32 to vector<16xi32>
    %select_n3A_1739 = arith.select %eq3A_1736, %add3A_1723, %broadcast_in_dim3A_1738 : vector<16xi1>, vector<16xi32>
    %reduce_sum3A_1740 = arith.constant true
    %reduce_sum3A_1741 = vector.broadcast %reduce_sum3A_1740 : i1 to vector<16xi1>
    %reduce_sum3A_1742 = tpu.scan <sum>, %select_n3A_1739 masked %reduce_sum3A_1741 : vector<16xi32>, vector<16xi1> -> vector<16xi32>
    %reduce_sum3A_1743 = vector.extract %reduce_sum3A_1742[15] : i32 from vector<16xi32>
    %add3A_1744 = vector.broadcast %reduce_sum3A_1743 : i32 to vector<16xi32>
    %add3A_1745 = arith.addi %add3A_1744, %sub3A_1733 : vector<16xi32>
    %select_n3A_1746 = arith.select %eq3A_1726, %add3A_1745, %select_n3A_1711 : vector<16xi1>, vector<16xi32>
    %eq3A_1747 = arith.constant 1 : i32
    %eq3A_1748 = vector.broadcast %eq3A_1747 : i32 to vector<16xi32>
    %eq3A_1749 = arith.cmpi eq, %iota3A, %eq3A_1748 : vector<16xi32>
    %reduce_sum3A_1750 = arith.constant true
    %reduce_sum3A_1751 = vector.broadcast %reduce_sum3A_1750 : i1 to vector<16xi1>
    %reduce_sum3A_1752 = tpu.scan <sum>, %convert_element_type3A_1727 masked %reduce_sum3A_1751 : vector<16xi32>, vector<16xi1> -> vector<16xi32>
    %reduce_sum3A_1753 = vector.extract %reduce_sum3A_1752[15] : i32 from vector<16xi32>
    %jit3A_1754 = arith.constant 0 : i32
    %broadcast_in_dim3A_1755 = vector.broadcast %reduce_sum3A_1753 : i32 to vector<16xi32>
    %broadcast_in_dim3A_1756 = vector.broadcast %jit3A_1754 : i32 to vector<16xi32>
    %select_n3A_1757 = arith.select %eq3A_1749, %broadcast_in_dim3A_1755, %broadcast_in_dim3A_1756 : vector<16xi1>, vector<16xi32>
    %add3A_1758 = arith.addi %add3A_1723, %select_n3A_1757 : vector<16xi32>
    %eq3A_1759 = arith.constant 2 : i32
    %eq3A_1760 = vector.broadcast %eq3A_1759 : i32 to vector<16xi32>
    %eq3A_1761 = arith.cmpi eq, %get3A_1686, %eq3A_1760 : vector<16xi32>
    %convert_element_type3A_1762 = arith.extui %eq3A_1761 : vector<16xi1> to vector<16xi32>
    %broadcast_in_dim3A_1763 = arith.constant true
    %broadcast_in_dim3A_1764 = vector.broadcast %broadcast_in_dim3A_1763 : i1 to vector<16xi1>
    %masked_cumsum3A_1765 = tpu.scan <sum>, %convert_element_type3A_1762 masked %broadcast_in_dim3A_1764 : vector<16xi32>, vector<16xi1> -> vector<16xi32>
    %sub3A_1766 = arith.constant 1 : i32
    %sub3A_1767 = vector.broadcast %sub3A_1766 : i32 to vector<16xi32>
    %sub3A_1768 = arith.subi %masked_cumsum3A_1765, %sub3A_1767 : vector<16xi32>
    %eq3A_1769 = arith.constant 2 : i32
    %eq3A_1770 = vector.broadcast %eq3A_1769 : i32 to vector<16xi32>
    %eq3A_1771 = arith.cmpi eq, %iota3A, %eq3A_1770 : vector<16xi32>
    %jit3A_1772 = arith.constant 0 : i32
    %broadcast_in_dim3A_1773 = vector.broadcast %jit3A_1772 : i32 to vector<16xi32>
    %select_n3A_1774 = arith.select %eq3A_1771, %add3A_1758, %broadcast_in_dim3A_1773 : vector<16xi1>, vector<16xi32>
    %reduce_sum3A_1775 = arith.constant true
    %reduce_sum3A_1776 = vector.broadcast %reduce_sum3A_1775 : i1 to vector<16xi1>
    %reduce_sum3A_1777 = tpu.scan <sum>, %select_n3A_1774 masked %reduce_sum3A_1776 : vector<16xi32>, vector<16xi1> -> vector<16xi32>
    %reduce_sum3A_1778 = vector.extract %reduce_sum3A_1777[15] : i32 from vector<16xi32>
    %add3A_1779 = vector.broadcast %reduce_sum3A_1778 : i32 to vector<16xi32>
    %add3A_1780 = arith.addi %add3A_1779, %sub3A_1768 : vector<16xi32>
    %select_n3A_1781 = arith.select %eq3A_1761, %add3A_1780, %select_n3A_1746 : vector<16xi1>, vector<16xi32>
    %eq3A_1782 = arith.constant 2 : i32
    %eq3A_1783 = vector.broadcast %eq3A_1782 : i32 to vector<16xi32>
    %eq3A_1784 = arith.cmpi eq, %iota3A, %eq3A_1783 : vector<16xi32>
    %reduce_sum3A_1785 = arith.constant true
    %reduce_sum3A_1786 = vector.broadcast %reduce_sum3A_1785 : i1 to vector<16xi1>
    %reduce_sum3A_1787 = tpu.scan <sum>, %convert_element_type3A_1762 masked %reduce_sum3A_1786 : vector<16xi32>, vector<16xi1> -> vector<16xi32>
    %reduce_sum3A_1788 = vector.extract %reduce_sum3A_1787[15] : i32 from vector<16xi32>
    %jit3A_1789 = arith.constant 0 : i32
    %broadcast_in_dim3A_1790 = vector.broadcast %reduce_sum3A_1788 : i32 to vector<16xi32>
    %broadcast_in_dim3A_1791 = vector.broadcast %jit3A_1789 : i32 to vector<16xi32>
    %select_n3A_1792 = arith.select %eq3A_1784, %broadcast_in_dim3A_1790, %broadcast_in_dim3A_1791 : vector<16xi1>, vector<16xi32>
    %add3A_1793 = arith.addi %add3A_1758, %select_n3A_1792 : vector<16xi32>
    %eq3A_1794 = arith.constant 3 : i32
    %eq3A_1795 = vector.broadcast %eq3A_1794 : i32 to vector<16xi32>
    %eq3A_1796 = arith.cmpi eq, %get3A_1686, %eq3A_1795 : vector<16xi32>
    %convert_element_type3A_1797 = arith.extui %eq3A_1796 : vector<16xi1> to vector<16xi32>
    %broadcast_in_dim3A_1798 = arith.constant true
    %broadcast_in_dim3A_1799 = vector.broadcast %broadcast_in_dim3A_1798 : i1 to vector<16xi1>
    %masked_cumsum3A_1800 = tpu.scan <sum>, %convert_element_type3A_1797 masked %broadcast_in_dim3A_1799 : vector<16xi32>, vector<16xi1> -> vector<16xi32>
    %sub3A_1801 = arith.constant 1 : i32
    %sub3A_1802 = vector.broadcast %sub3A_1801 : i32 to vector<16xi32>
    %sub3A_1803 = arith.subi %masked_cumsum3A_1800, %sub3A_1802 : vector<16xi32>
    %eq3A_1804 = arith.constant 3 : i32
    %eq3A_1805 = vector.broadcast %eq3A_1804 : i32 to vector<16xi32>
    %eq3A_1806 = arith.cmpi eq, %iota3A, %eq3A_1805 : vector<16xi32>
    %jit3A_1807 = arith.constant 0 : i32
    %broadcast_in_dim3A_1808 = vector.broadcast %jit3A_1807 : i32 to vector<16xi32>
    %select_n3A_1809 = arith.select %eq3A_1806, %add3A_1793, %broadcast_in_dim3A_1808 : vector<16xi1>, vector<16xi32>
    %reduce_sum3A_1810 = arith.constant true
    %reduce_sum3A_1811 = vector.broadcast %reduce_sum3A_1810 : i1 to vector<16xi1>
    %reduce_sum3A_1812 = tpu.scan <sum>, %select_n3A_1809 masked %reduce_sum3A_1811 : vector<16xi32>, vector<16xi1> -> vector<16xi32>
    %reduce_sum3A_1813 = vector.extract %reduce_sum3A_1812[15] : i32 from vector<16xi32>
    %add3A_1814 = vector.broadcast %reduce_sum3A_1813 : i32 to vector<16xi32>
    %add3A_1815 = arith.addi %add3A_1814, %sub3A_1803 : vector<16xi32>
    %select_n3A_1816 = arith.select %eq3A_1796, %add3A_1815, %select_n3A_1781 : vector<16xi1>, vector<16xi32>
    %eq3A_1817 = arith.constant 3 : i32
    %eq3A_1818 = vector.broadcast %eq3A_1817 : i32 to vector<16xi32>
    %eq3A_1819 = arith.cmpi eq, %iota3A, %eq3A_1818 : vector<16xi32>
    %reduce_sum3A_1820 = arith.constant true
    %reduce_sum3A_1821 = vector.broadcast %reduce_sum3A_1820 : i1 to vector<16xi1>
    %reduce_sum3A_1822 = tpu.scan <sum>, %convert_element_type3A_1797 masked %reduce_sum3A_1821 : vector<16xi32>, vector<16xi1> -> vector<16xi32>
    %reduce_sum3A_1823 = vector.extract %reduce_sum3A_1822[15] : i32 from vector<16xi32>
    %jit3A_1824 = arith.constant 0 : i32
    %broadcast_in_dim3A_1825 = vector.broadcast %reduce_sum3A_1823 : i32 to vector<16xi32>
    %broadcast_in_dim3A_1826 = vector.broadcast %jit3A_1824 : i32 to vector<16xi32>
    %select_n3A_1827 = arith.select %eq3A_1819, %broadcast_in_dim3A_1825, %broadcast_in_dim3A_1826 : vector<16xi1>, vector<16xi32>
    %add3A_1828 = arith.addi %add3A_1793, %select_n3A_1827 : vector<16xi32>
    %eq3A_1829 = arith.constant 4 : i32
    %eq3A_1830 = vector.broadcast %eq3A_1829 : i32 to vector<16xi32>
    %eq3A_1831 = arith.cmpi eq, %get3A_1686, %eq3A_1830 : vector<16xi32>
    %convert_element_type3A_1832 = arith.extui %eq3A_1831 : vector<16xi1> to vector<16xi32>
    %broadcast_in_dim3A_1833 = arith.constant true
    %broadcast_in_dim3A_1834 = vector.broadcast %broadcast_in_dim3A_1833 : i1 to vector<16xi1>
    %masked_cumsum3A_1835 = tpu.scan <sum>, %convert_element_type3A_1832 masked %broadcast_in_dim3A_1834 : vector<16xi32>, vector<16xi1> -> vector<16xi32>
    %sub3A_1836 = arith.constant 1 : i32
    %sub3A_1837 = vector.broadcast %sub3A_1836 : i32 to vector<16xi32>
    %sub3A_1838 = arith.subi %masked_cumsum3A_1835, %sub3A_1837 : vector<16xi32>
    %eq3A_1839 = arith.constant 4 : i32
    %eq3A_1840 = vector.broadcast %eq3A_1839 : i32 to vector<16xi32>
    %eq3A_1841 = arith.cmpi eq, %iota3A, %eq3A_1840 : vector<16xi32>
    %jit3A_1842 = arith.constant 0 : i32
    %broadcast_in_dim3A_1843 = vector.broadcast %jit3A_1842 : i32 to vector<16xi32>
    %select_n3A_1844 = arith.select %eq3A_1841, %add3A_1828, %broadcast_in_dim3A_1843 : vector<16xi1>, vector<16xi32>
    %reduce_sum3A_1845 = arith.constant true
    %reduce_sum3A_1846 = vector.broadcast %reduce_sum3A_1845 : i1 to vector<16xi1>
    %reduce_sum3A_1847 = tpu.scan <sum>, %select_n3A_1844 masked %reduce_sum3A_1846 : vector<16xi32>, vector<16xi1> -> vector<16xi32>
    %reduce_sum3A_1848 = vector.extract %reduce_sum3A_1847[15] : i32 from vector<16xi32>
    %add3A_1849 = vector.broadcast %reduce_sum3A_1848 : i32 to vector<16xi32>
    %add3A_1850 = arith.addi %add3A_1849, %sub3A_1838 : vector<16xi32>
    %select_n3A_1851 = arith.select %eq3A_1831, %add3A_1850, %select_n3A_1816 : vector<16xi1>, vector<16xi32>
    %eq3A_1852 = arith.constant 4 : i32
    %eq3A_1853 = vector.broadcast %eq3A_1852 : i32 to vector<16xi32>
    %eq3A_1854 = arith.cmpi eq, %iota3A, %eq3A_1853 : vector<16xi32>
    %reduce_sum3A_1855 = arith.constant true
    %reduce_sum3A_1856 = vector.broadcast %reduce_sum3A_1855 : i1 to vector<16xi1>
    %reduce_sum3A_1857 = tpu.scan <sum>, %convert_element_type3A_1832 masked %reduce_sum3A_1856 : vector<16xi32>, vector<16xi1> -> vector<16xi32>
    %reduce_sum3A_1858 = vector.extract %reduce_sum3A_1857[15] : i32 from vector<16xi32>
    %jit3A_1859 = arith.constant 0 : i32
    %broadcast_in_dim3A_1860 = vector.broadcast %reduce_sum3A_1858 : i32 to vector<16xi32>
    %broadcast_in_dim3A_1861 = vector.broadcast %jit3A_1859 : i32 to vector<16xi32>
    %select_n3A_1862 = arith.select %eq3A_1854, %broadcast_in_dim3A_1860, %broadcast_in_dim3A_1861 : vector<16xi1>, vector<16xi32>
    %add3A_1863 = arith.addi %add3A_1828, %select_n3A_1862 : vector<16xi32>
    %eq3A_1864 = arith.constant 5 : i32
    %eq3A_1865 = vector.broadcast %eq3A_1864 : i32 to vector<16xi32>
    %eq3A_1866 = arith.cmpi eq, %get3A_1686, %eq3A_1865 : vector<16xi32>
    %convert_element_type3A_1867 = arith.extui %eq3A_1866 : vector<16xi1> to vector<16xi32>
    %broadcast_in_dim3A_1868 = arith.constant true
    %broadcast_in_dim3A_1869 = vector.broadcast %broadcast_in_dim3A_1868 : i1 to vector<16xi1>
    %masked_cumsum3A_1870 = tpu.scan <sum>, %convert_element_type3A_1867 masked %broadcast_in_dim3A_1869 : vector<16xi32>, vector<16xi1> -> vector<16xi32>
    %sub3A_1871 = arith.constant 1 : i32
    %sub3A_1872 = vector.broadcast %sub3A_1871 : i32 to vector<16xi32>
    %sub3A_1873 = arith.subi %masked_cumsum3A_1870, %sub3A_1872 : vector<16xi32>
    %eq3A_1874 = arith.constant 5 : i32
    %eq3A_1875 = vector.broadcast %eq3A_1874 : i32 to vector<16xi32>
    %eq3A_1876 = arith.cmpi eq, %iota3A, %eq3A_1875 : vector<16xi32>
    %jit3A_1877 = arith.constant 0 : i32
    %broadcast_in_dim3A_1878 = vector.broadcast %jit3A_1877 : i32 to vector<16xi32>
    %select_n3A_1879 = arith.select %eq3A_1876, %add3A_1863, %broadcast_in_dim3A_1878 : vector<16xi1>, vector<16xi32>
    %reduce_sum3A_1880 = arith.constant true
    %reduce_sum3A_1881 = vector.broadcast %reduce_sum3A_1880 : i1 to vector<16xi1>
    %reduce_sum3A_1882 = tpu.scan <sum>, %select_n3A_1879 masked %reduce_sum3A_1881 : vector<16xi32>, vector<16xi1> -> vector<16xi32>
    %reduce_sum3A_1883 = vector.extract %reduce_sum3A_1882[15] : i32 from vector<16xi32>
    %add3A_1884 = vector.broadcast %reduce_sum3A_1883 : i32 to vector<16xi32>
    %add3A_1885 = arith.addi %add3A_1884, %sub3A_1873 : vector<16xi32>
    %select_n3A_1886 = arith.select %eq3A_1866, %add3A_1885, %select_n3A_1851 : vector<16xi1>, vector<16xi32>
    %eq3A_1887 = arith.constant 5 : i32
    %eq3A_1888 = vector.broadcast %eq3A_1887 : i32 to vector<16xi32>
    %eq3A_1889 = arith.cmpi eq, %iota3A, %eq3A_1888 : vector<16xi32>
    %reduce_sum3A_1890 = arith.constant true
    %reduce_sum3A_1891 = vector.broadcast %reduce_sum3A_1890 : i1 to vector<16xi1>
    %reduce_sum3A_1892 = tpu.scan <sum>, %convert_element_type3A_1867 masked %reduce_sum3A_1891 : vector<16xi32>, vector<16xi1> -> vector<16xi32>
    %reduce_sum3A_1893 = vector.extract %reduce_sum3A_1892[15] : i32 from vector<16xi32>
    %jit3A_1894 = arith.constant 0 : i32
    %broadcast_in_dim3A_1895 = vector.broadcast %reduce_sum3A_1893 : i32 to vector<16xi32>
    %broadcast_in_dim3A_1896 = vector.broadcast %jit3A_1894 : i32 to vector<16xi32>
    %select_n3A_1897 = arith.select %eq3A_1889, %broadcast_in_dim3A_1895, %broadcast_in_dim3A_1896 : vector<16xi1>, vector<16xi32>
    %add3A_1898 = arith.addi %add3A_1863, %select_n3A_1897 : vector<16xi32>
    %eq3A_1899 = arith.constant 6 : i32
    %eq3A_1900 = vector.broadcast %eq3A_1899 : i32 to vector<16xi32>
    %eq3A_1901 = arith.cmpi eq, %get3A_1686, %eq3A_1900 : vector<16xi32>
    %convert_element_type3A_1902 = arith.extui %eq3A_1901 : vector<16xi1> to vector<16xi32>
    %broadcast_in_dim3A_1903 = arith.constant true
    %broadcast_in_dim3A_1904 = vector.broadcast %broadcast_in_dim3A_1903 : i1 to vector<16xi1>
    %masked_cumsum3A_1905 = tpu.scan <sum>, %convert_element_type3A_1902 masked %broadcast_in_dim3A_1904 : vector<16xi32>, vector<16xi1> -> vector<16xi32>
    %sub3A_1906 = arith.constant 1 : i32
    %sub3A_1907 = vector.broadcast %sub3A_1906 : i32 to vector<16xi32>
    %sub3A_1908 = arith.subi %masked_cumsum3A_1905, %sub3A_1907 : vector<16xi32>
    %eq3A_1909 = arith.constant 6 : i32
    %eq3A_1910 = vector.broadcast %eq3A_1909 : i32 to vector<16xi32>
    %eq3A_1911 = arith.cmpi eq, %iota3A, %eq3A_1910 : vector<16xi32>
    %jit3A_1912 = arith.constant 0 : i32
    %broadcast_in_dim3A_1913 = vector.broadcast %jit3A_1912 : i32 to vector<16xi32>
    %select_n3A_1914 = arith.select %eq3A_1911, %add3A_1898, %broadcast_in_dim3A_1913 : vector<16xi1>, vector<16xi32>
    %reduce_sum3A_1915 = arith.constant true
    %reduce_sum3A_1916 = vector.broadcast %reduce_sum3A_1915 : i1 to vector<16xi1>
    %reduce_sum3A_1917 = tpu.scan <sum>, %select_n3A_1914 masked %reduce_sum3A_1916 : vector<16xi32>, vector<16xi1> -> vector<16xi32>
    %reduce_sum3A_1918 = vector.extract %reduce_sum3A_1917[15] : i32 from vector<16xi32>
    %add3A_1919 = vector.broadcast %reduce_sum3A_1918 : i32 to vector<16xi32>
    %add3A_1920 = arith.addi %add3A_1919, %sub3A_1908 : vector<16xi32>
    %select_n3A_1921 = arith.select %eq3A_1901, %add3A_1920, %select_n3A_1886 : vector<16xi1>, vector<16xi32>
    %eq3A_1922 = arith.constant 6 : i32
    %eq3A_1923 = vector.broadcast %eq3A_1922 : i32 to vector<16xi32>
    %eq3A_1924 = arith.cmpi eq, %iota3A, %eq3A_1923 : vector<16xi32>
    %reduce_sum3A_1925 = arith.constant true
    %reduce_sum3A_1926 = vector.broadcast %reduce_sum3A_1925 : i1 to vector<16xi1>
    %reduce_sum3A_1927 = tpu.scan <sum>, %convert_element_type3A_1902 masked %reduce_sum3A_1926 : vector<16xi32>, vector<16xi1> -> vector<16xi32>
    %reduce_sum3A_1928 = vector.extract %reduce_sum3A_1927[15] : i32 from vector<16xi32>
    %jit3A_1929 = arith.constant 0 : i32
    %broadcast_in_dim3A_1930 = vector.broadcast %reduce_sum3A_1928 : i32 to vector<16xi32>
    %broadcast_in_dim3A_1931 = vector.broadcast %jit3A_1929 : i32 to vector<16xi32>
    %select_n3A_1932 = arith.select %eq3A_1924, %broadcast_in_dim3A_1930, %broadcast_in_dim3A_1931 : vector<16xi1>, vector<16xi32>
    %add3A_1933 = arith.addi %add3A_1898, %select_n3A_1932 : vector<16xi32>
    %eq3A_1934 = arith.constant 7 : i32
    %eq3A_1935 = vector.broadcast %eq3A_1934 : i32 to vector<16xi32>
    %eq3A_1936 = arith.cmpi eq, %get3A_1686, %eq3A_1935 : vector<16xi32>
    %convert_element_type3A_1937 = arith.extui %eq3A_1936 : vector<16xi1> to vector<16xi32>
    %broadcast_in_dim3A_1938 = arith.constant true
    %broadcast_in_dim3A_1939 = vector.broadcast %broadcast_in_dim3A_1938 : i1 to vector<16xi1>
    %masked_cumsum3A_1940 = tpu.scan <sum>, %convert_element_type3A_1937 masked %broadcast_in_dim3A_1939 : vector<16xi32>, vector<16xi1> -> vector<16xi32>
    %sub3A_1941 = arith.constant 1 : i32
    %sub3A_1942 = vector.broadcast %sub3A_1941 : i32 to vector<16xi32>
    %sub3A_1943 = arith.subi %masked_cumsum3A_1940, %sub3A_1942 : vector<16xi32>
    %eq3A_1944 = arith.constant 7 : i32
    %eq3A_1945 = vector.broadcast %eq3A_1944 : i32 to vector<16xi32>
    %eq3A_1946 = arith.cmpi eq, %iota3A, %eq3A_1945 : vector<16xi32>
    %jit3A_1947 = arith.constant 0 : i32
    %broadcast_in_dim3A_1948 = vector.broadcast %jit3A_1947 : i32 to vector<16xi32>
    %select_n3A_1949 = arith.select %eq3A_1946, %add3A_1933, %broadcast_in_dim3A_1948 : vector<16xi1>, vector<16xi32>
    %reduce_sum3A_1950 = arith.constant true
    %reduce_sum3A_1951 = vector.broadcast %reduce_sum3A_1950 : i1 to vector<16xi1>
    %reduce_sum3A_1952 = tpu.scan <sum>, %select_n3A_1949 masked %reduce_sum3A_1951 : vector<16xi32>, vector<16xi1> -> vector<16xi32>
    %reduce_sum3A_1953 = vector.extract %reduce_sum3A_1952[15] : i32 from vector<16xi32>
    %add3A_1954 = vector.broadcast %reduce_sum3A_1953 : i32 to vector<16xi32>
    %add3A_1955 = arith.addi %add3A_1954, %sub3A_1943 : vector<16xi32>
    %select_n3A_1956 = arith.select %eq3A_1936, %add3A_1955, %select_n3A_1921 : vector<16xi1>, vector<16xi32>
    %eq3A_1957 = arith.constant 7 : i32
    %eq3A_1958 = vector.broadcast %eq3A_1957 : i32 to vector<16xi32>
    %eq3A_1959 = arith.cmpi eq, %iota3A, %eq3A_1958 : vector<16xi32>
    %reduce_sum3A_1960 = arith.constant true
    %reduce_sum3A_1961 = vector.broadcast %reduce_sum3A_1960 : i1 to vector<16xi1>
    %reduce_sum3A_1962 = tpu.scan <sum>, %convert_element_type3A_1937 masked %reduce_sum3A_1961 : vector<16xi32>, vector<16xi1> -> vector<16xi32>
    %reduce_sum3A_1963 = vector.extract %reduce_sum3A_1962[15] : i32 from vector<16xi32>
    %jit3A_1964 = arith.constant 0 : i32
    %broadcast_in_dim3A_1965 = vector.broadcast %reduce_sum3A_1963 : i32 to vector<16xi32>
    %broadcast_in_dim3A_1966 = vector.broadcast %jit3A_1964 : i32 to vector<16xi32>
    %select_n3A_1967 = arith.select %eq3A_1959, %broadcast_in_dim3A_1965, %broadcast_in_dim3A_1966 : vector<16xi1>, vector<16xi32>
    %add3A_1968 = arith.addi %add3A_1933, %select_n3A_1967 : vector<16xi32>
    %swap3A_1969 = arith.constant 80 : index
    %swap3A_1970 = tpu.vector_load %arg8[%swap3A_1969] {strides = array<i32>} : memref<128xi32, #tpu.memory_space<vmem>>, vector<16xi32>,
    tpu.vector_store %arg8[%swap3A_1969], %select_n3A_1956 {strides = array<i32>} : memref<128xi32, #tpu.memory_space<vmem>>, vector<16xi32>,
    %mul3A_1971 = arith.constant 128 : i32
    %mul3A_1972 = arith.muli %add3A, %mul3A_1971 : i32
    %add3A_1973 = arith.constant 96 : i32
    %add3A_1974 = arith.addi %mul3A_1972, %add3A_1973 : i32
    %get3A_1975 = arith.index_cast %add3A_1974 : i32 to index
    %get3A_1976 = tpu.vector_load %arg7[%get3A_1975] {strides = array<i32>} : memref<4096xi32, #tpu.memory_space<vmem>>, vector<16xi32>,
    %broadcast_in_dim3A_1977 = arith.constant 0 : i32
    %broadcast_in_dim3A_1978 = vector.broadcast %broadcast_in_dim3A_1977 : i32 to vector<16xi32>
    %eq3A_1979 = arith.constant 0 : i32
    %eq3A_1980 = vector.broadcast %eq3A_1979 : i32 to vector<16xi32>
    %eq3A_1981 = arith.cmpi eq, %get3A_1976, %eq3A_1980 : vector<16xi32>
    %convert_element_type3A_1982 = arith.extui %eq3A_1981 : vector<16xi1> to vector<16xi32>
    %broadcast_in_dim3A_1983 = arith.constant true
    %broadcast_in_dim3A_1984 = vector.broadcast %broadcast_in_dim3A_1983 : i1 to vector<16xi1>
    %masked_cumsum3A_1985 = tpu.scan <sum>, %convert_element_type3A_1982 masked %broadcast_in_dim3A_1984 : vector<16xi32>, vector<16xi1> -> vector<16xi32>
    %sub3A_1986 = arith.constant 1 : i32
    %sub3A_1987 = vector.broadcast %sub3A_1986 : i32 to vector<16xi32>
    %sub3A_1988 = arith.subi %masked_cumsum3A_1985, %sub3A_1987 : vector<16xi32>
    %eq3A_1989 = arith.constant 0 : i32
    %eq3A_1990 = vector.broadcast %eq3A_1989 : i32 to vector<16xi32>
    %eq3A_1991 = arith.cmpi eq, %iota3A, %eq3A_1990 : vector<16xi32>
    %jit3A_1992 = arith.constant 0 : i32
    %broadcast_in_dim3A_1993 = vector.broadcast %jit3A_1992 : i32 to vector<16xi32>
    %select_n3A_1994 = arith.select %eq3A_1991, %add3A_1968, %broadcast_in_dim3A_1993 : vector<16xi1>, vector<16xi32>
    %reduce_sum3A_1995 = arith.constant true
    %reduce_sum3A_1996 = vector.broadcast %reduce_sum3A_1995 : i1 to vector<16xi1>
    %reduce_sum3A_1997 = tpu.scan <sum>, %select_n3A_1994 masked %reduce_sum3A_1996 : vector<16xi32>, vector<16xi1> -> vector<16xi32>
    %reduce_sum3A_1998 = vector.extract %reduce_sum3A_1997[15] : i32 from vector<16xi32>
    %add3A_1999 = vector.broadcast %reduce_sum3A_1998 : i32 to vector<16xi32>
    %add3A_2000 = arith.addi %add3A_1999, %sub3A_1988 : vector<16xi32>
    %select_n3A_2001 = arith.select %eq3A_1981, %add3A_2000, %broadcast_in_dim3A_1978 : vector<16xi1>, vector<16xi32>
    %eq3A_2002 = arith.constant 0 : i32
    %eq3A_2003 = vector.broadcast %eq3A_2002 : i32 to vector<16xi32>
    %eq3A_2004 = arith.cmpi eq, %iota3A, %eq3A_2003 : vector<16xi32>
    %reduce_sum3A_2005 = arith.constant true
    %reduce_sum3A_2006 = vector.broadcast %reduce_sum3A_2005 : i1 to vector<16xi1>
    %reduce_sum3A_2007 = tpu.scan <sum>, %convert_element_type3A_1982 masked %reduce_sum3A_2006 : vector<16xi32>, vector<16xi1> -> vector<16xi32>
    %reduce_sum3A_2008 = vector.extract %reduce_sum3A_2007[15] : i32 from vector<16xi32>
    %jit3A_2009 = arith.constant 0 : i32
    %broadcast_in_dim3A_2010 = vector.broadcast %reduce_sum3A_2008 : i32 to vector<16xi32>
    %broadcast_in_dim3A_2011 = vector.broadcast %jit3A_2009 : i32 to vector<16xi32>
    %select_n3A_2012 = arith.select %eq3A_2004, %broadcast_in_dim3A_2010, %broadcast_in_dim3A_2011 : vector<16xi1>, vector<16xi32>
    %add3A_2013 = arith.addi %add3A_1968, %select_n3A_2012 : vector<16xi32>
    %eq3A_2014 = arith.constant 1 : i32
    %eq3A_2015 = vector.broadcast %eq3A_2014 : i32 to vector<16xi32>
    %eq3A_2016 = arith.cmpi eq, %get3A_1976, %eq3A_2015 : vector<16xi32>
    %convert_element_type3A_2017 = arith.extui %eq3A_2016 : vector<16xi1> to vector<16xi32>
    %broadcast_in_dim3A_2018 = arith.constant true
    %broadcast_in_dim3A_2019 = vector.broadcast %broadcast_in_dim3A_2018 : i1 to vector<16xi1>
    %masked_cumsum3A_2020 = tpu.scan <sum>, %convert_element_type3A_2017 masked %broadcast_in_dim3A_2019 : vector<16xi32>, vector<16xi1> -> vector<16xi32>
    %sub3A_2021 = arith.constant 1 : i32
    %sub3A_2022 = vector.broadcast %sub3A_2021 : i32 to vector<16xi32>
    %sub3A_2023 = arith.subi %masked_cumsum3A_2020, %sub3A_2022 : vector<16xi32>
    %eq3A_2024 = arith.constant 1 : i32
    %eq3A_2025 = vector.broadcast %eq3A_2024 : i32 to vector<16xi32>
    %eq3A_2026 = arith.cmpi eq, %iota3A, %eq3A_2025 : vector<16xi32>
    %jit3A_2027 = arith.constant 0 : i32
    %broadcast_in_dim3A_2028 = vector.broadcast %jit3A_2027 : i32 to vector<16xi32>
    %select_n3A_2029 = arith.select %eq3A_2026, %add3A_2013, %broadcast_in_dim3A_2028 : vector<16xi1>, vector<16xi32>
    %reduce_sum3A_2030 = arith.constant true
    %reduce_sum3A_2031 = vector.broadcast %reduce_sum3A_2030 : i1 to vector<16xi1>
    %reduce_sum3A_2032 = tpu.scan <sum>, %select_n3A_2029 masked %reduce_sum3A_2031 : vector<16xi32>, vector<16xi1> -> vector<16xi32>
    %reduce_sum3A_2033 = vector.extract %reduce_sum3A_2032[15] : i32 from vector<16xi32>
    %add3A_2034 = vector.broadcast %reduce_sum3A_2033 : i32 to vector<16xi32>
    %add3A_2035 = arith.addi %add3A_2034, %sub3A_2023 : vector<16xi32>
    %select_n3A_2036 = arith.select %eq3A_2016, %add3A_2035, %select_n3A_2001 : vector<16xi1>, vector<16xi32>
    %eq3A_2037 = arith.constant 1 : i32
    %eq3A_2038 = vector.broadcast %eq3A_2037 : i32 to vector<16xi32>
    %eq3A_2039 = arith.cmpi eq, %iota3A, %eq3A_2038 : vector<16xi32>
    %reduce_sum3A_2040 = arith.constant true
    %reduce_sum3A_2041 = vector.broadcast %reduce_sum3A_2040 : i1 to vector<16xi1>
    %reduce_sum3A_2042 = tpu.scan <sum>, %convert_element_type3A_2017 masked %reduce_sum3A_2041 : vector<16xi32>, vector<16xi1> -> vector<16xi32>
    %reduce_sum3A_2043 = vector.extract %reduce_sum3A_2042[15] : i32 from vector<16xi32>
    %jit3A_2044 = arith.constant 0 : i32
    %broadcast_in_dim3A_2045 = vector.broadcast %reduce_sum3A_2043 : i32 to vector<16xi32>
    %broadcast_in_dim3A_2046 = vector.broadcast %jit3A_2044 : i32 to vector<16xi32>
    %select_n3A_2047 = arith.select %eq3A_2039, %broadcast_in_dim3A_2045, %broadcast_in_dim3A_2046 : vector<16xi1>, vector<16xi32>
    %add3A_2048 = arith.addi %add3A_2013, %select_n3A_2047 : vector<16xi32>
    %eq3A_2049 = arith.constant 2 : i32
    %eq3A_2050 = vector.broadcast %eq3A_2049 : i32 to vector<16xi32>
    %eq3A_2051 = arith.cmpi eq, %get3A_1976, %eq3A_2050 : vector<16xi32>
    %convert_element_type3A_2052 = arith.extui %eq3A_2051 : vector<16xi1> to vector<16xi32>
    %broadcast_in_dim3A_2053 = arith.constant true
    %broadcast_in_dim3A_2054 = vector.broadcast %broadcast_in_dim3A_2053 : i1 to vector<16xi1>
    %masked_cumsum3A_2055 = tpu.scan <sum>, %convert_element_type3A_2052 masked %broadcast_in_dim3A_2054 : vector<16xi32>, vector<16xi1> -> vector<16xi32>
    %sub3A_2056 = arith.constant 1 : i32
    %sub3A_2057 = vector.broadcast %sub3A_2056 : i32 to vector<16xi32>
    %sub3A_2058 = arith.subi %masked_cumsum3A_2055, %sub3A_2057 : vector<16xi32>
    %eq3A_2059 = arith.constant 2 : i32
    %eq3A_2060 = vector.broadcast %eq3A_2059 : i32 to vector<16xi32>
    %eq3A_2061 = arith.cmpi eq, %iota3A, %eq3A_2060 : vector<16xi32>
    %jit3A_2062 = arith.constant 0 : i32
    %broadcast_in_dim3A_2063 = vector.broadcast %jit3A_2062 : i32 to vector<16xi32>
    %select_n3A_2064 = arith.select %eq3A_2061, %add3A_2048, %broadcast_in_dim3A_2063 : vector<16xi1>, vector<16xi32>
    %reduce_sum3A_2065 = arith.constant true
    %reduce_sum3A_2066 = vector.broadcast %reduce_sum3A_2065 : i1 to vector<16xi1>
    %reduce_sum3A_2067 = tpu.scan <sum>, %select_n3A_2064 masked %reduce_sum3A_2066 : vector<16xi32>, vector<16xi1> -> vector<16xi32>
    %reduce_sum3A_2068 = vector.extract %reduce_sum3A_2067[15] : i32 from vector<16xi32>
    %add3A_2069 = vector.broadcast %reduce_sum3A_2068 : i32 to vector<16xi32>
    %add3A_2070 = arith.addi %add3A_2069, %sub3A_2058 : vector<16xi32>
    %select_n3A_2071 = arith.select %eq3A_2051, %add3A_2070, %select_n3A_2036 : vector<16xi1>, vector<16xi32>
    %eq3A_2072 = arith.constant 2 : i32
    %eq3A_2073 = vector.broadcast %eq3A_2072 : i32 to vector<16xi32>
    %eq3A_2074 = arith.cmpi eq, %iota3A, %eq3A_2073 : vector<16xi32>
    %reduce_sum3A_2075 = arith.constant true
    %reduce_sum3A_2076 = vector.broadcast %reduce_sum3A_2075 : i1 to vector<16xi1>
    %reduce_sum3A_2077 = tpu.scan <sum>, %convert_element_type3A_2052 masked %reduce_sum3A_2076 : vector<16xi32>, vector<16xi1> -> vector<16xi32>
    %reduce_sum3A_2078 = vector.extract %reduce_sum3A_2077[15] : i32 from vector<16xi32>
    %jit3A_2079 = arith.constant 0 : i32
    %broadcast_in_dim3A_2080 = vector.broadcast %reduce_sum3A_2078 : i32 to vector<16xi32>
    %broadcast_in_dim3A_2081 = vector.broadcast %jit3A_2079 : i32 to vector<16xi32>
    %select_n3A_2082 = arith.select %eq3A_2074, %broadcast_in_dim3A_2080, %broadcast_in_dim3A_2081 : vector<16xi1>, vector<16xi32>
    %add3A_2083 = arith.addi %add3A_2048, %select_n3A_2082 : vector<16xi32>
    %eq3A_2084 = arith.constant 3 : i32
    %eq3A_2085 = vector.broadcast %eq3A_2084 : i32 to vector<16xi32>
    %eq3A_2086 = arith.cmpi eq, %get3A_1976, %eq3A_2085 : vector<16xi32>
    %convert_element_type3A_2087 = arith.extui %eq3A_2086 : vector<16xi1> to vector<16xi32>
    %broadcast_in_dim3A_2088 = arith.constant true
    %broadcast_in_dim3A_2089 = vector.broadcast %broadcast_in_dim3A_2088 : i1 to vector<16xi1>
    %masked_cumsum3A_2090 = tpu.scan <sum>, %convert_element_type3A_2087 masked %broadcast_in_dim3A_2089 : vector<16xi32>, vector<16xi1> -> vector<16xi32>
    %sub3A_2091 = arith.constant 1 : i32
    %sub3A_2092 = vector.broadcast %sub3A_2091 : i32 to vector<16xi32>
    %sub3A_2093 = arith.subi %masked_cumsum3A_2090, %sub3A_2092 : vector<16xi32>
    %eq3A_2094 = arith.constant 3 : i32
    %eq3A_2095 = vector.broadcast %eq3A_2094 : i32 to vector<16xi32>
    %eq3A_2096 = arith.cmpi eq, %iota3A, %eq3A_2095 : vector<16xi32>
    %jit3A_2097 = arith.constant 0 : i32
    %broadcast_in_dim3A_2098 = vector.broadcast %jit3A_2097 : i32 to vector<16xi32>
    %select_n3A_2099 = arith.select %eq3A_2096, %add3A_2083, %broadcast_in_dim3A_2098 : vector<16xi1>, vector<16xi32>
    %reduce_sum3A_2100 = arith.constant true
    %reduce_sum3A_2101 = vector.broadcast %reduce_sum3A_2100 : i1 to vector<16xi1>
    %reduce_sum3A_2102 = tpu.scan <sum>, %select_n3A_2099 masked %reduce_sum3A_2101 : vector<16xi32>, vector<16xi1> -> vector<16xi32>
    %reduce_sum3A_2103 = vector.extract %reduce_sum3A_2102[15] : i32 from vector<16xi32>
    %add3A_2104 = vector.broadcast %reduce_sum3A_2103 : i32 to vector<16xi32>
    %add3A_2105 = arith.addi %add3A_2104, %sub3A_2093 : vector<16xi32>
    %select_n3A_2106 = arith.select %eq3A_2086, %add3A_2105, %select_n3A_2071 : vector<16xi1>, vector<16xi32>
    %eq3A_2107 = arith.constant 3 : i32
    %eq3A_2108 = vector.broadcast %eq3A_2107 : i32 to vector<16xi32>
    %eq3A_2109 = arith.cmpi eq, %iota3A, %eq3A_2108 : vector<16xi32>
    %reduce_sum3A_2110 = arith.constant true
    %reduce_sum3A_2111 = vector.broadcast %reduce_sum3A_2110 : i1 to vector<16xi1>
    %reduce_sum3A_2112 = tpu.scan <sum>, %convert_element_type3A_2087 masked %reduce_sum3A_2111 : vector<16xi32>, vector<16xi1> -> vector<16xi32>
    %reduce_sum3A_2113 = vector.extract %reduce_sum3A_2112[15] : i32 from vector<16xi32>
    %jit3A_2114 = arith.constant 0 : i32
    %broadcast_in_dim3A_2115 = vector.broadcast %reduce_sum3A_2113 : i32 to vector<16xi32>
    %broadcast_in_dim3A_2116 = vector.broadcast %jit3A_2114 : i32 to vector<16xi32>
    %select_n3A_2117 = arith.select %eq3A_2109, %broadcast_in_dim3A_2115, %broadcast_in_dim3A_2116 : vector<16xi1>, vector<16xi32>
    %add3A_2118 = arith.addi %add3A_2083, %select_n3A_2117 : vector<16xi32>
    %eq3A_2119 = arith.constant 4 : i32
    %eq3A_2120 = vector.broadcast %eq3A_2119 : i32 to vector<16xi32>
    %eq3A_2121 = arith.cmpi eq, %get3A_1976, %eq3A_2120 : vector<16xi32>
    %convert_element_type3A_2122 = arith.extui %eq3A_2121 : vector<16xi1> to vector<16xi32>
    %broadcast_in_dim3A_2123 = arith.constant true
    %broadcast_in_dim3A_2124 = vector.broadcast %broadcast_in_dim3A_2123 : i1 to vector<16xi1>
    %masked_cumsum3A_2125 = tpu.scan <sum>, %convert_element_type3A_2122 masked %broadcast_in_dim3A_2124 : vector<16xi32>, vector<16xi1> -> vector<16xi32>
    %sub3A_2126 = arith.constant 1 : i32
    %sub3A_2127 = vector.broadcast %sub3A_2126 : i32 to vector<16xi32>
    %sub3A_2128 = arith.subi %masked_cumsum3A_2125, %sub3A_2127 : vector<16xi32>
    %eq3A_2129 = arith.constant 4 : i32
    %eq3A_2130 = vector.broadcast %eq3A_2129 : i32 to vector<16xi32>
    %eq3A_2131 = arith.cmpi eq, %iota3A, %eq3A_2130 : vector<16xi32>
    %jit3A_2132 = arith.constant 0 : i32
    %broadcast_in_dim3A_2133 = vector.broadcast %jit3A_2132 : i32 to vector<16xi32>
    %select_n3A_2134 = arith.select %eq3A_2131, %add3A_2118, %broadcast_in_dim3A_2133 : vector<16xi1>, vector<16xi32>
    %reduce_sum3A_2135 = arith.constant true
    %reduce_sum3A_2136 = vector.broadcast %reduce_sum3A_2135 : i1 to vector<16xi1>
    %reduce_sum3A_2137 = tpu.scan <sum>, %select_n3A_2134 masked %reduce_sum3A_2136 : vector<16xi32>, vector<16xi1> -> vector<16xi32>
    %reduce_sum3A_2138 = vector.extract %reduce_sum3A_2137[15] : i32 from vector<16xi32>
    %add3A_2139 = vector.broadcast %reduce_sum3A_2138 : i32 to vector<16xi32>
    %add3A_2140 = arith.addi %add3A_2139, %sub3A_2128 : vector<16xi32>
    %select_n3A_2141 = arith.select %eq3A_2121, %add3A_2140, %select_n3A_2106 : vector<16xi1>, vector<16xi32>
    %eq3A_2142 = arith.constant 4 : i32
    %eq3A_2143 = vector.broadcast %eq3A_2142 : i32 to vector<16xi32>
    %eq3A_2144 = arith.cmpi eq, %iota3A, %eq3A_2143 : vector<16xi32>
    %reduce_sum3A_2145 = arith.constant true
    %reduce_sum3A_2146 = vector.broadcast %reduce_sum3A_2145 : i1 to vector<16xi1>
    %reduce_sum3A_2147 = tpu.scan <sum>, %convert_element_type3A_2122 masked %reduce_sum3A_2146 : vector<16xi32>, vector<16xi1> -> vector<16xi32>
    %reduce_sum3A_2148 = vector.extract %reduce_sum3A_2147[15] : i32 from vector<16xi32>
    %jit3A_2149 = arith.constant 0 : i32
    %broadcast_in_dim3A_2150 = vector.broadcast %reduce_sum3A_2148 : i32 to vector<16xi32>
    %broadcast_in_dim3A_2151 = vector.broadcast %jit3A_2149 : i32 to vector<16xi32>
    %select_n3A_2152 = arith.select %eq3A_2144, %broadcast_in_dim3A_2150, %broadcast_in_dim3A_2151 : vector<16xi1>, vector<16xi32>
    %add3A_2153 = arith.addi %add3A_2118, %select_n3A_2152 : vector<16xi32>
    %eq3A_2154 = arith.constant 5 : i32
    %eq3A_2155 = vector.broadcast %eq3A_2154 : i32 to vector<16xi32>
    %eq3A_2156 = arith.cmpi eq, %get3A_1976, %eq3A_2155 : vector<16xi32>
    %convert_element_type3A_2157 = arith.extui %eq3A_2156 : vector<16xi1> to vector<16xi32>
    %broadcast_in_dim3A_2158 = arith.constant true
    %broadcast_in_dim3A_2159 = vector.broadcast %broadcast_in_dim3A_2158 : i1 to vector<16xi1>
    %masked_cumsum3A_2160 = tpu.scan <sum>, %convert_element_type3A_2157 masked %broadcast_in_dim3A_2159 : vector<16xi32>, vector<16xi1> -> vector<16xi32>
    %sub3A_2161 = arith.constant 1 : i32
    %sub3A_2162 = vector.broadcast %sub3A_2161 : i32 to vector<16xi32>
    %sub3A_2163 = arith.subi %masked_cumsum3A_2160, %sub3A_2162 : vector<16xi32>
    %eq3A_2164 = arith.constant 5 : i32
    %eq3A_2165 = vector.broadcast %eq3A_2164 : i32 to vector<16xi32>
    %eq3A_2166 = arith.cmpi eq, %iota3A, %eq3A_2165 : vector<16xi32>
    %jit3A_2167 = arith.constant 0 : i32
    %broadcast_in_dim3A_2168 = vector.broadcast %jit3A_2167 : i32 to vector<16xi32>
    %select_n3A_2169 = arith.select %eq3A_2166, %add3A_2153, %broadcast_in_dim3A_2168 : vector<16xi1>, vector<16xi32>
    %reduce_sum3A_2170 = arith.constant true
    %reduce_sum3A_2171 = vector.broadcast %reduce_sum3A_2170 : i1 to vector<16xi1>
    %reduce_sum3A_2172 = tpu.scan <sum>, %select_n3A_2169 masked %reduce_sum3A_2171 : vector<16xi32>, vector<16xi1> -> vector<16xi32>
    %reduce_sum3A_2173 = vector.extract %reduce_sum3A_2172[15] : i32 from vector<16xi32>
    %add3A_2174 = vector.broadcast %reduce_sum3A_2173 : i32 to vector<16xi32>
    %add3A_2175 = arith.addi %add3A_2174, %sub3A_2163 : vector<16xi32>
    %select_n3A_2176 = arith.select %eq3A_2156, %add3A_2175, %select_n3A_2141 : vector<16xi1>, vector<16xi32>
    %eq3A_2177 = arith.constant 5 : i32
    %eq3A_2178 = vector.broadcast %eq3A_2177 : i32 to vector<16xi32>
    %eq3A_2179 = arith.cmpi eq, %iota3A, %eq3A_2178 : vector<16xi32>
    %reduce_sum3A_2180 = arith.constant true
    %reduce_sum3A_2181 = vector.broadcast %reduce_sum3A_2180 : i1 to vector<16xi1>
    %reduce_sum3A_2182 = tpu.scan <sum>, %convert_element_type3A_2157 masked %reduce_sum3A_2181 : vector<16xi32>, vector<16xi1> -> vector<16xi32>
    %reduce_sum3A_2183 = vector.extract %reduce_sum3A_2182[15] : i32 from vector<16xi32>
    %jit3A_2184 = arith.constant 0 : i32
    %broadcast_in_dim3A_2185 = vector.broadcast %reduce_sum3A_2183 : i32 to vector<16xi32>
    %broadcast_in_dim3A_2186 = vector.broadcast %jit3A_2184 : i32 to vector<16xi32>
    %select_n3A_2187 = arith.select %eq3A_2179, %broadcast_in_dim3A_2185, %broadcast_in_dim3A_2186 : vector<16xi1>, vector<16xi32>
    %add3A_2188 = arith.addi %add3A_2153, %select_n3A_2187 : vector<16xi32>
    %eq3A_2189 = arith.constant 6 : i32
    %eq3A_2190 = vector.broadcast %eq3A_2189 : i32 to vector<16xi32>
    %eq3A_2191 = arith.cmpi eq, %get3A_1976, %eq3A_2190 : vector<16xi32>
    %convert_element_type3A_2192 = arith.extui %eq3A_2191 : vector<16xi1> to vector<16xi32>
    %broadcast_in_dim3A_2193 = arith.constant true
    %broadcast_in_dim3A_2194 = vector.broadcast %broadcast_in_dim3A_2193 : i1 to vector<16xi1>
    %masked_cumsum3A_2195 = tpu.scan <sum>, %convert_element_type3A_2192 masked %broadcast_in_dim3A_2194 : vector<16xi32>, vector<16xi1> -> vector<16xi32>
    %sub3A_2196 = arith.constant 1 : i32
    %sub3A_2197 = vector.broadcast %sub3A_2196 : i32 to vector<16xi32>
    %sub3A_2198 = arith.subi %masked_cumsum3A_2195, %sub3A_2197 : vector<16xi32>
    %eq3A_2199 = arith.constant 6 : i32
    %eq3A_2200 = vector.broadcast %eq3A_2199 : i32 to vector<16xi32>
    %eq3A_2201 = arith.cmpi eq, %iota3A, %eq3A_2200 : vector<16xi32>
    %jit3A_2202 = arith.constant 0 : i32
    %broadcast_in_dim3A_2203 = vector.broadcast %jit3A_2202 : i32 to vector<16xi32>
    %select_n3A_2204 = arith.select %eq3A_2201, %add3A_2188, %broadcast_in_dim3A_2203 : vector<16xi1>, vector<16xi32>
    %reduce_sum3A_2205 = arith.constant true
    %reduce_sum3A_2206 = vector.broadcast %reduce_sum3A_2205 : i1 to vector<16xi1>
    %reduce_sum3A_2207 = tpu.scan <sum>, %select_n3A_2204 masked %reduce_sum3A_2206 : vector<16xi32>, vector<16xi1> -> vector<16xi32>
    %reduce_sum3A_2208 = vector.extract %reduce_sum3A_2207[15] : i32 from vector<16xi32>
    %add3A_2209 = vector.broadcast %reduce_sum3A_2208 : i32 to vector<16xi32>
    %add3A_2210 = arith.addi %add3A_2209, %sub3A_2198 : vector<16xi32>
    %select_n3A_2211 = arith.select %eq3A_2191, %add3A_2210, %select_n3A_2176 : vector<16xi1>, vector<16xi32>
    %eq3A_2212 = arith.constant 6 : i32
    %eq3A_2213 = vector.broadcast %eq3A_2212 : i32 to vector<16xi32>
    %eq3A_2214 = arith.cmpi eq, %iota3A, %eq3A_2213 : vector<16xi32>
    %reduce_sum3A_2215 = arith.constant true
    %reduce_sum3A_2216 = vector.broadcast %reduce_sum3A_2215 : i1 to vector<16xi1>
    %reduce_sum3A_2217 = tpu.scan <sum>, %convert_element_type3A_2192 masked %reduce_sum3A_2216 : vector<16xi32>, vector<16xi1> -> vector<16xi32>
    %reduce_sum3A_2218 = vector.extract %reduce_sum3A_2217[15] : i32 from vector<16xi32>
    %jit3A_2219 = arith.constant 0 : i32
    %broadcast_in_dim3A_2220 = vector.broadcast %reduce_sum3A_2218 : i32 to vector<16xi32>
    %broadcast_in_dim3A_2221 = vector.broadcast %jit3A_2219 : i32 to vector<16xi32>
    %select_n3A_2222 = arith.select %eq3A_2214, %broadcast_in_dim3A_2220, %broadcast_in_dim3A_2221 : vector<16xi1>, vector<16xi32>
    %add3A_2223 = arith.addi %add3A_2188, %select_n3A_2222 : vector<16xi32>
    %eq3A_2224 = arith.constant 7 : i32
    %eq3A_2225 = vector.broadcast %eq3A_2224 : i32 to vector<16xi32>
    %eq3A_2226 = arith.cmpi eq, %get3A_1976, %eq3A_2225 : vector<16xi32>
    %convert_element_type3A_2227 = arith.extui %eq3A_2226 : vector<16xi1> to vector<16xi32>
    %broadcast_in_dim3A_2228 = arith.constant true
    %broadcast_in_dim3A_2229 = vector.broadcast %broadcast_in_dim3A_2228 : i1 to vector<16xi1>
    %masked_cumsum3A_2230 = tpu.scan <sum>, %convert_element_type3A_2227 masked %broadcast_in_dim3A_2229 : vector<16xi32>, vector<16xi1> -> vector<16xi32>
    %sub3A_2231 = arith.constant 1 : i32
    %sub3A_2232 = vector.broadcast %sub3A_2231 : i32 to vector<16xi32>
    %sub3A_2233 = arith.subi %masked_cumsum3A_2230, %sub3A_2232 : vector<16xi32>
    %eq3A_2234 = arith.constant 7 : i32
    %eq3A_2235 = vector.broadcast %eq3A_2234 : i32 to vector<16xi32>
    %eq3A_2236 = arith.cmpi eq, %iota3A, %eq3A_2235 : vector<16xi32>
    %jit3A_2237 = arith.constant 0 : i32
    %broadcast_in_dim3A_2238 = vector.broadcast %jit3A_2237 : i32 to vector<16xi32>
    %select_n3A_2239 = arith.select %eq3A_2236, %add3A_2223, %broadcast_in_dim3A_2238 : vector<16xi1>, vector<16xi32>
    %reduce_sum3A_2240 = arith.constant true
    %reduce_sum3A_2241 = vector.broadcast %reduce_sum3A_2240 : i1 to vector<16xi1>
    %reduce_sum3A_2242 = tpu.scan <sum>, %select_n3A_2239 masked %reduce_sum3A_2241 : vector<16xi32>, vector<16xi1> -> vector<16xi32>
    %reduce_sum3A_2243 = vector.extract %reduce_sum3A_2242[15] : i32 from vector<16xi32>
    %add3A_2244 = vector.broadcast %reduce_sum3A_2243 : i32 to vector<16xi32>
    %add3A_2245 = arith.addi %add3A_2244, %sub3A_2233 : vector<16xi32>
    %select_n3A_2246 = arith.select %eq3A_2226, %add3A_2245, %select_n3A_2211 : vector<16xi1>, vector<16xi32>
    %eq3A_2247 = arith.constant 7 : i32
    %eq3A_2248 = vector.broadcast %eq3A_2247 : i32 to vector<16xi32>
    %eq3A_2249 = arith.cmpi eq, %iota3A, %eq3A_2248 : vector<16xi32>
    %reduce_sum3A_2250 = arith.constant true
    %reduce_sum3A_2251 = vector.broadcast %reduce_sum3A_2250 : i1 to vector<16xi1>
    %reduce_sum3A_2252 = tpu.scan <sum>, %convert_element_type3A_2227 masked %reduce_sum3A_2251 : vector<16xi32>, vector<16xi1> -> vector<16xi32>
    %reduce_sum3A_2253 = vector.extract %reduce_sum3A_2252[15] : i32 from vector<16xi32>
    %jit3A_2254 = arith.constant 0 : i32
    %broadcast_in_dim3A_2255 = vector.broadcast %reduce_sum3A_2253 : i32 to vector<16xi32>
    %broadcast_in_dim3A_2256 = vector.broadcast %jit3A_2254 : i32 to vector<16xi32>
    %select_n3A_2257 = arith.select %eq3A_2249, %broadcast_in_dim3A_2255, %broadcast_in_dim3A_2256 : vector<16xi1>, vector<16xi32>
    %add3A_2258 = arith.addi %add3A_2223, %select_n3A_2257 : vector<16xi32>
    %swap3A_2259 = arith.constant 96 : index
    %swap3A_2260 = tpu.vector_load %arg8[%swap3A_2259] {strides = array<i32>} : memref<128xi32, #tpu.memory_space<vmem>>, vector<16xi32>,
    tpu.vector_store %arg8[%swap3A_2259], %select_n3A_2246 {strides = array<i32>} : memref<128xi32, #tpu.memory_space<vmem>>, vector<16xi32>,
    %mul3A_2261 = arith.constant 128 : i32
    %mul3A_2262 = arith.muli %add3A, %mul3A_2261 : i32
    %add3A_2263 = arith.constant 112 : i32
    %add3A_2264 = arith.addi %mul3A_2262, %add3A_2263 : i32
    %get3A_2265 = arith.index_cast %add3A_2264 : i32 to index
    %get3A_2266 = tpu.vector_load %arg7[%get3A_2265] {strides = array<i32>} : memref<4096xi32, #tpu.memory_space<vmem>>, vector<16xi32>,
    %broadcast_in_dim3A_2267 = arith.constant 0 : i32
    %broadcast_in_dim3A_2268 = vector.broadcast %broadcast_in_dim3A_2267 : i32 to vector<16xi32>
    %eq3A_2269 = arith.constant 0 : i32
    %eq3A_2270 = vector.broadcast %eq3A_2269 : i32 to vector<16xi32>
    %eq3A_2271 = arith.cmpi eq, %get3A_2266, %eq3A_2270 : vector<16xi32>
    %convert_element_type3A_2272 = arith.extui %eq3A_2271 : vector<16xi1> to vector<16xi32>
    %broadcast_in_dim3A_2273 = arith.constant true
    %broadcast_in_dim3A_2274 = vector.broadcast %broadcast_in_dim3A_2273 : i1 to vector<16xi1>
    %masked_cumsum3A_2275 = tpu.scan <sum>, %convert_element_type3A_2272 masked %broadcast_in_dim3A_2274 : vector<16xi32>, vector<16xi1> -> vector<16xi32>
    %sub3A_2276 = arith.constant 1 : i32
    %sub3A_2277 = vector.broadcast %sub3A_2276 : i32 to vector<16xi32>
    %sub3A_2278 = arith.subi %masked_cumsum3A_2275, %sub3A_2277 : vector<16xi32>
    %eq3A_2279 = arith.constant 0 : i32
    %eq3A_2280 = vector.broadcast %eq3A_2279 : i32 to vector<16xi32>
    %eq3A_2281 = arith.cmpi eq, %iota3A, %eq3A_2280 : vector<16xi32>
    %jit3A_2282 = arith.constant 0 : i32
    %broadcast_in_dim3A_2283 = vector.broadcast %jit3A_2282 : i32 to vector<16xi32>
    %select_n3A_2284 = arith.select %eq3A_2281, %add3A_2258, %broadcast_in_dim3A_2283 : vector<16xi1>, vector<16xi32>
    %reduce_sum3A_2285 = arith.constant true
    %reduce_sum3A_2286 = vector.broadcast %reduce_sum3A_2285 : i1 to vector<16xi1>
    %reduce_sum3A_2287 = tpu.scan <sum>, %select_n3A_2284 masked %reduce_sum3A_2286 : vector<16xi32>, vector<16xi1> -> vector<16xi32>
    %reduce_sum3A_2288 = vector.extract %reduce_sum3A_2287[15] : i32 from vector<16xi32>
    %add3A_2289 = vector.broadcast %reduce_sum3A_2288 : i32 to vector<16xi32>
    %add3A_2290 = arith.addi %add3A_2289, %sub3A_2278 : vector<16xi32>
    %select_n3A_2291 = arith.select %eq3A_2271, %add3A_2290, %broadcast_in_dim3A_2268 : vector<16xi1>, vector<16xi32>
    %eq3A_2292 = arith.constant 0 : i32
    %eq3A_2293 = vector.broadcast %eq3A_2292 : i32 to vector<16xi32>
    %eq3A_2294 = arith.cmpi eq, %iota3A, %eq3A_2293 : vector<16xi32>
    %reduce_sum3A_2295 = arith.constant true
    %reduce_sum3A_2296 = vector.broadcast %reduce_sum3A_2295 : i1 to vector<16xi1>
    %reduce_sum3A_2297 = tpu.scan <sum>, %convert_element_type3A_2272 masked %reduce_sum3A_2296 : vector<16xi32>, vector<16xi1> -> vector<16xi32>
    %reduce_sum3A_2298 = vector.extract %reduce_sum3A_2297[15] : i32 from vector<16xi32>
    %jit3A_2299 = arith.constant 0 : i32
    %broadcast_in_dim3A_2300 = vector.broadcast %reduce_sum3A_2298 : i32 to vector<16xi32>
    %broadcast_in_dim3A_2301 = vector.broadcast %jit3A_2299 : i32 to vector<16xi32>
    %select_n3A_2302 = arith.select %eq3A_2294, %broadcast_in_dim3A_2300, %broadcast_in_dim3A_2301 : vector<16xi1>, vector<16xi32>
    %add3A_2303 = arith.addi %add3A_2258, %select_n3A_2302 : vector<16xi32>
    %eq3A_2304 = arith.constant 1 : i32
    %eq3A_2305 = vector.broadcast %eq3A_2304 : i32 to vector<16xi32>
    %eq3A_2306 = arith.cmpi eq, %get3A_2266, %eq3A_2305 : vector<16xi32>
    %convert_element_type3A_2307 = arith.extui %eq3A_2306 : vector<16xi1> to vector<16xi32>
    %broadcast_in_dim3A_2308 = arith.constant true
    %broadcast_in_dim3A_2309 = vector.broadcast %broadcast_in_dim3A_2308 : i1 to vector<16xi1>
    %masked_cumsum3A_2310 = tpu.scan <sum>, %convert_element_type3A_2307 masked %broadcast_in_dim3A_2309 : vector<16xi32>, vector<16xi1> -> vector<16xi32>
    %sub3A_2311 = arith.constant 1 : i32
    %sub3A_2312 = vector.broadcast %sub3A_2311 : i32 to vector<16xi32>
    %sub3A_2313 = arith.subi %masked_cumsum3A_2310, %sub3A_2312 : vector<16xi32>
    %eq3A_2314 = arith.constant 1 : i32
    %eq3A_2315 = vector.broadcast %eq3A_2314 : i32 to vector<16xi32>
    %eq3A_2316 = arith.cmpi eq, %iota3A, %eq3A_2315 : vector<16xi32>
    %jit3A_2317 = arith.constant 0 : i32
    %broadcast_in_dim3A_2318 = vector.broadcast %jit3A_2317 : i32 to vector<16xi32>
    %select_n3A_2319 = arith.select %eq3A_2316, %add3A_2303, %broadcast_in_dim3A_2318 : vector<16xi1>, vector<16xi32>
    %reduce_sum3A_2320 = arith.constant true
    %reduce_sum3A_2321 = vector.broadcast %reduce_sum3A_2320 : i1 to vector<16xi1>
    %reduce_sum3A_2322 = tpu.scan <sum>, %select_n3A_2319 masked %reduce_sum3A_2321 : vector<16xi32>, vector<16xi1> -> vector<16xi32>
    %reduce_sum3A_2323 = vector.extract %reduce_sum3A_2322[15] : i32 from vector<16xi32>
    %add3A_2324 = vector.broadcast %reduce_sum3A_2323 : i32 to vector<16xi32>
    %add3A_2325 = arith.addi %add3A_2324, %sub3A_2313 : vector<16xi32>
    %select_n3A_2326 = arith.select %eq3A_2306, %add3A_2325, %select_n3A_2291 : vector<16xi1>, vector<16xi32>
    %eq3A_2327 = arith.constant 1 : i32
    %eq3A_2328 = vector.broadcast %eq3A_2327 : i32 to vector<16xi32>
    %eq3A_2329 = arith.cmpi eq, %iota3A, %eq3A_2328 : vector<16xi32>
    %reduce_sum3A_2330 = arith.constant true
    %reduce_sum3A_2331 = vector.broadcast %reduce_sum3A_2330 : i1 to vector<16xi1>
    %reduce_sum3A_2332 = tpu.scan <sum>, %convert_element_type3A_2307 masked %reduce_sum3A_2331 : vector<16xi32>, vector<16xi1> -> vector<16xi32>
    %reduce_sum3A_2333 = vector.extract %reduce_sum3A_2332[15] : i32 from vector<16xi32>
    %jit3A_2334 = arith.constant 0 : i32
    %broadcast_in_dim3A_2335 = vector.broadcast %reduce_sum3A_2333 : i32 to vector<16xi32>
    %broadcast_in_dim3A_2336 = vector.broadcast %jit3A_2334 : i32 to vector<16xi32>
    %select_n3A_2337 = arith.select %eq3A_2329, %broadcast_in_dim3A_2335, %broadcast_in_dim3A_2336 : vector<16xi1>, vector<16xi32>
    %add3A_2338 = arith.addi %add3A_2303, %select_n3A_2337 : vector<16xi32>
    %eq3A_2339 = arith.constant 2 : i32
    %eq3A_2340 = vector.broadcast %eq3A_2339 : i32 to vector<16xi32>
    %eq3A_2341 = arith.cmpi eq, %get3A_2266, %eq3A_2340 : vector<16xi32>
    %convert_element_type3A_2342 = arith.extui %eq3A_2341 : vector<16xi1> to vector<16xi32>
    %broadcast_in_dim3A_2343 = arith.constant true
    %broadcast_in_dim3A_2344 = vector.broadcast %broadcast_in_dim3A_2343 : i1 to vector<16xi1>
    %masked_cumsum3A_2345 = tpu.scan <sum>, %convert_element_type3A_2342 masked %broadcast_in_dim3A_2344 : vector<16xi32>, vector<16xi1> -> vector<16xi32>
    %sub3A_2346 = arith.constant 1 : i32
    %sub3A_2347 = vector.broadcast %sub3A_2346 : i32 to vector<16xi32>
    %sub3A_2348 = arith.subi %masked_cumsum3A_2345, %sub3A_2347 : vector<16xi32>
    %eq3A_2349 = arith.constant 2 : i32
    %eq3A_2350 = vector.broadcast %eq3A_2349 : i32 to vector<16xi32>
    %eq3A_2351 = arith.cmpi eq, %iota3A, %eq3A_2350 : vector<16xi32>
    %jit3A_2352 = arith.constant 0 : i32
    %broadcast_in_dim3A_2353 = vector.broadcast %jit3A_2352 : i32 to vector<16xi32>
    %select_n3A_2354 = arith.select %eq3A_2351, %add3A_2338, %broadcast_in_dim3A_2353 : vector<16xi1>, vector<16xi32>
    %reduce_sum3A_2355 = arith.constant true
    %reduce_sum3A_2356 = vector.broadcast %reduce_sum3A_2355 : i1 to vector<16xi1>
    %reduce_sum3A_2357 = tpu.scan <sum>, %select_n3A_2354 masked %reduce_sum3A_2356 : vector<16xi32>, vector<16xi1> -> vector<16xi32>
    %reduce_sum3A_2358 = vector.extract %reduce_sum3A_2357[15] : i32 from vector<16xi32>
    %add3A_2359 = vector.broadcast %reduce_sum3A_2358 : i32 to vector<16xi32>
    %add3A_2360 = arith.addi %add3A_2359, %sub3A_2348 : vector<16xi32>
    %select_n3A_2361 = arith.select %eq3A_2341, %add3A_2360, %select_n3A_2326 : vector<16xi1>, vector<16xi32>
    %eq3A_2362 = arith.constant 2 : i32
    %eq3A_2363 = vector.broadcast %eq3A_2362 : i32 to vector<16xi32>
    %eq3A_2364 = arith.cmpi eq, %iota3A, %eq3A_2363 : vector<16xi32>
    %reduce_sum3A_2365 = arith.constant true
    %reduce_sum3A_2366 = vector.broadcast %reduce_sum3A_2365 : i1 to vector<16xi1>
    %reduce_sum3A_2367 = tpu.scan <sum>, %convert_element_type3A_2342 masked %reduce_sum3A_2366 : vector<16xi32>, vector<16xi1> -> vector<16xi32>
    %reduce_sum3A_2368 = vector.extract %reduce_sum3A_2367[15] : i32 from vector<16xi32>
    %jit3A_2369 = arith.constant 0 : i32
    %broadcast_in_dim3A_2370 = vector.broadcast %reduce_sum3A_2368 : i32 to vector<16xi32>
    %broadcast_in_dim3A_2371 = vector.broadcast %jit3A_2369 : i32 to vector<16xi32>
    %select_n3A_2372 = arith.select %eq3A_2364, %broadcast_in_dim3A_2370, %broadcast_in_dim3A_2371 : vector<16xi1>, vector<16xi32>
    %add3A_2373 = arith.addi %add3A_2338, %select_n3A_2372 : vector<16xi32>
    %eq3A_2374 = arith.constant 3 : i32
    %eq3A_2375 = vector.broadcast %eq3A_2374 : i32 to vector<16xi32>
    %eq3A_2376 = arith.cmpi eq, %get3A_2266, %eq3A_2375 : vector<16xi32>
    %convert_element_type3A_2377 = arith.extui %eq3A_2376 : vector<16xi1> to vector<16xi32>
    %broadcast_in_dim3A_2378 = arith.constant true
    %broadcast_in_dim3A_2379 = vector.broadcast %broadcast_in_dim3A_2378 : i1 to vector<16xi1>
    %masked_cumsum3A_2380 = tpu.scan <sum>, %convert_element_type3A_2377 masked %broadcast_in_dim3A_2379 : vector<16xi32>, vector<16xi1> -> vector<16xi32>
    %sub3A_2381 = arith.constant 1 : i32
    %sub3A_2382 = vector.broadcast %sub3A_2381 : i32 to vector<16xi32>
    %sub3A_2383 = arith.subi %masked_cumsum3A_2380, %sub3A_2382 : vector<16xi32>
    %eq3A_2384 = arith.constant 3 : i32
    %eq3A_2385 = vector.broadcast %eq3A_2384 : i32 to vector<16xi32>
    %eq3A_2386 = arith.cmpi eq, %iota3A, %eq3A_2385 : vector<16xi32>
    %jit3A_2387 = arith.constant 0 : i32
    %broadcast_in_dim3A_2388 = vector.broadcast %jit3A_2387 : i32 to vector<16xi32>
    %select_n3A_2389 = arith.select %eq3A_2386, %add3A_2373, %broadcast_in_dim3A_2388 : vector<16xi1>, vector<16xi32>
    %reduce_sum3A_2390 = arith.constant true
    %reduce_sum3A_2391 = vector.broadcast %reduce_sum3A_2390 : i1 to vector<16xi1>
    %reduce_sum3A_2392 = tpu.scan <sum>, %select_n3A_2389 masked %reduce_sum3A_2391 : vector<16xi32>, vector<16xi1> -> vector<16xi32>
    %reduce_sum3A_2393 = vector.extract %reduce_sum3A_2392[15] : i32 from vector<16xi32>
    %add3A_2394 = vector.broadcast %reduce_sum3A_2393 : i32 to vector<16xi32>
    %add3A_2395 = arith.addi %add3A_2394, %sub3A_2383 : vector<16xi32>
    %select_n3A_2396 = arith.select %eq3A_2376, %add3A_2395, %select_n3A_2361 : vector<16xi1>, vector<16xi32>
    %eq3A_2397 = arith.constant 3 : i32
    %eq3A_2398 = vector.broadcast %eq3A_2397 : i32 to vector<16xi32>
    %eq3A_2399 = arith.cmpi eq, %iota3A, %eq3A_2398 : vector<16xi32>
    %reduce_sum3A_2400 = arith.constant true
    %reduce_sum3A_2401 = vector.broadcast %reduce_sum3A_2400 : i1 to vector<16xi1>
    %reduce_sum3A_2402 = tpu.scan <sum>, %convert_element_type3A_2377 masked %reduce_sum3A_2401 : vector<16xi32>, vector<16xi1> -> vector<16xi32>
    %reduce_sum3A_2403 = vector.extract %reduce_sum3A_2402[15] : i32 from vector<16xi32>
    %jit3A_2404 = arith.constant 0 : i32
    %broadcast_in_dim3A_2405 = vector.broadcast %reduce_sum3A_2403 : i32 to vector<16xi32>
    %broadcast_in_dim3A_2406 = vector.broadcast %jit3A_2404 : i32 to vector<16xi32>
    %select_n3A_2407 = arith.select %eq3A_2399, %broadcast_in_dim3A_2405, %broadcast_in_dim3A_2406 : vector<16xi1>, vector<16xi32>
    %add3A_2408 = arith.addi %add3A_2373, %select_n3A_2407 : vector<16xi32>
    %eq3A_2409 = arith.constant 4 : i32
    %eq3A_2410 = vector.broadcast %eq3A_2409 : i32 to vector<16xi32>
    %eq3A_2411 = arith.cmpi eq, %get3A_2266, %eq3A_2410 : vector<16xi32>
    %convert_element_type3A_2412 = arith.extui %eq3A_2411 : vector<16xi1> to vector<16xi32>
    %broadcast_in_dim3A_2413 = arith.constant true
    %broadcast_in_dim3A_2414 = vector.broadcast %broadcast_in_dim3A_2413 : i1 to vector<16xi1>
    %masked_cumsum3A_2415 = tpu.scan <sum>, %convert_element_type3A_2412 masked %broadcast_in_dim3A_2414 : vector<16xi32>, vector<16xi1> -> vector<16xi32>
    %sub3A_2416 = arith.constant 1 : i32
    %sub3A_2417 = vector.broadcast %sub3A_2416 : i32 to vector<16xi32>
    %sub3A_2418 = arith.subi %masked_cumsum3A_2415, %sub3A_2417 : vector<16xi32>
    %eq3A_2419 = arith.constant 4 : i32
    %eq3A_2420 = vector.broadcast %eq3A_2419 : i32 to vector<16xi32>
    %eq3A_2421 = arith.cmpi eq, %iota3A, %eq3A_2420 : vector<16xi32>
    %jit3A_2422 = arith.constant 0 : i32
    %broadcast_in_dim3A_2423 = vector.broadcast %jit3A_2422 : i32 to vector<16xi32>
    %select_n3A_2424 = arith.select %eq3A_2421, %add3A_2408, %broadcast_in_dim3A_2423 : vector<16xi1>, vector<16xi32>
    %reduce_sum3A_2425 = arith.constant true
    %reduce_sum3A_2426 = vector.broadcast %reduce_sum3A_2425 : i1 to vector<16xi1>
    %reduce_sum3A_2427 = tpu.scan <sum>, %select_n3A_2424 masked %reduce_sum3A_2426 : vector<16xi32>, vector<16xi1> -> vector<16xi32>
    %reduce_sum3A_2428 = vector.extract %reduce_sum3A_2427[15] : i32 from vector<16xi32>
    %add3A_2429 = vector.broadcast %reduce_sum3A_2428 : i32 to vector<16xi32>
    %add3A_2430 = arith.addi %add3A_2429, %sub3A_2418 : vector<16xi32>
    %select_n3A_2431 = arith.select %eq3A_2411, %add3A_2430, %select_n3A_2396 : vector<16xi1>, vector<16xi32>
    %eq3A_2432 = arith.constant 4 : i32
    %eq3A_2433 = vector.broadcast %eq3A_2432 : i32 to vector<16xi32>
    %eq3A_2434 = arith.cmpi eq, %iota3A, %eq3A_2433 : vector<16xi32>
    %reduce_sum3A_2435 = arith.constant true
    %reduce_sum3A_2436 = vector.broadcast %reduce_sum3A_2435 : i1 to vector<16xi1>
    %reduce_sum3A_2437 = tpu.scan <sum>, %convert_element_type3A_2412 masked %reduce_sum3A_2436 : vector<16xi32>, vector<16xi1> -> vector<16xi32>
    %reduce_sum3A_2438 = vector.extract %reduce_sum3A_2437[15] : i32 from vector<16xi32>
    %jit3A_2439 = arith.constant 0 : i32
    %broadcast_in_dim3A_2440 = vector.broadcast %reduce_sum3A_2438 : i32 to vector<16xi32>
    %broadcast_in_dim3A_2441 = vector.broadcast %jit3A_2439 : i32 to vector<16xi32>
    %select_n3A_2442 = arith.select %eq3A_2434, %broadcast_in_dim3A_2440, %broadcast_in_dim3A_2441 : vector<16xi1>, vector<16xi32>
    %add3A_2443 = arith.addi %add3A_2408, %select_n3A_2442 : vector<16xi32>
    %eq3A_2444 = arith.constant 5 : i32
    %eq3A_2445 = vector.broadcast %eq3A_2444 : i32 to vector<16xi32>
    %eq3A_2446 = arith.cmpi eq, %get3A_2266, %eq3A_2445 : vector<16xi32>
    %convert_element_type3A_2447 = arith.extui %eq3A_2446 : vector<16xi1> to vector<16xi32>
    %broadcast_in_dim3A_2448 = arith.constant true
    %broadcast_in_dim3A_2449 = vector.broadcast %broadcast_in_dim3A_2448 : i1 to vector<16xi1>
    %masked_cumsum3A_2450 = tpu.scan <sum>, %convert_element_type3A_2447 masked %broadcast_in_dim3A_2449 : vector<16xi32>, vector<16xi1> -> vector<16xi32>
    %sub3A_2451 = arith.constant 1 : i32
    %sub3A_2452 = vector.broadcast %sub3A_2451 : i32 to vector<16xi32>
    %sub3A_2453 = arith.subi %masked_cumsum3A_2450, %sub3A_2452 : vector<16xi32>
    %eq3A_2454 = arith.constant 5 : i32
    %eq3A_2455 = vector.broadcast %eq3A_2454 : i32 to vector<16xi32>
    %eq3A_2456 = arith.cmpi eq, %iota3A, %eq3A_2455 : vector<16xi32>
    %jit3A_2457 = arith.constant 0 : i32
    %broadcast_in_dim3A_2458 = vector.broadcast %jit3A_2457 : i32 to vector<16xi32>
    %select_n3A_2459 = arith.select %eq3A_2456, %add3A_2443, %broadcast_in_dim3A_2458 : vector<16xi1>, vector<16xi32>
    %reduce_sum3A_2460 = arith.constant true
    %reduce_sum3A_2461 = vector.broadcast %reduce_sum3A_2460 : i1 to vector<16xi1>
    %reduce_sum3A_2462 = tpu.scan <sum>, %select_n3A_2459 masked %reduce_sum3A_2461 : vector<16xi32>, vector<16xi1> -> vector<16xi32>
    %reduce_sum3A_2463 = vector.extract %reduce_sum3A_2462[15] : i32 from vector<16xi32>
    %add3A_2464 = vector.broadcast %reduce_sum3A_2463 : i32 to vector<16xi32>
    %add3A_2465 = arith.addi %add3A_2464, %sub3A_2453 : vector<16xi32>
    %select_n3A_2466 = arith.select %eq3A_2446, %add3A_2465, %select_n3A_2431 : vector<16xi1>, vector<16xi32>
    %eq3A_2467 = arith.constant 5 : i32
    %eq3A_2468 = vector.broadcast %eq3A_2467 : i32 to vector<16xi32>
    %eq3A_2469 = arith.cmpi eq, %iota3A, %eq3A_2468 : vector<16xi32>
    %reduce_sum3A_2470 = arith.constant true
    %reduce_sum3A_2471 = vector.broadcast %reduce_sum3A_2470 : i1 to vector<16xi1>
    %reduce_sum3A_2472 = tpu.scan <sum>, %convert_element_type3A_2447 masked %reduce_sum3A_2471 : vector<16xi32>, vector<16xi1> -> vector<16xi32>
    %reduce_sum3A_2473 = vector.extract %reduce_sum3A_2472[15] : i32 from vector<16xi32>
    %jit3A_2474 = arith.constant 0 : i32
    %broadcast_in_dim3A_2475 = vector.broadcast %reduce_sum3A_2473 : i32 to vector<16xi32>
    %broadcast_in_dim3A_2476 = vector.broadcast %jit3A_2474 : i32 to vector<16xi32>
    %select_n3A_2477 = arith.select %eq3A_2469, %broadcast_in_dim3A_2475, %broadcast_in_dim3A_2476 : vector<16xi1>, vector<16xi32>
    %add3A_2478 = arith.addi %add3A_2443, %select_n3A_2477 : vector<16xi32>
    %eq3A_2479 = arith.constant 6 : i32
    %eq3A_2480 = vector.broadcast %eq3A_2479 : i32 to vector<16xi32>
    %eq3A_2481 = arith.cmpi eq, %get3A_2266, %eq3A_2480 : vector<16xi32>
    %convert_element_type3A_2482 = arith.extui %eq3A_2481 : vector<16xi1> to vector<16xi32>
    %broadcast_in_dim3A_2483 = arith.constant true
    %broadcast_in_dim3A_2484 = vector.broadcast %broadcast_in_dim3A_2483 : i1 to vector<16xi1>
    %masked_cumsum3A_2485 = tpu.scan <sum>, %convert_element_type3A_2482 masked %broadcast_in_dim3A_2484 : vector<16xi32>, vector<16xi1> -> vector<16xi32>
    %sub3A_2486 = arith.constant 1 : i32
    %sub3A_2487 = vector.broadcast %sub3A_2486 : i32 to vector<16xi32>
    %sub3A_2488 = arith.subi %masked_cumsum3A_2485, %sub3A_2487 : vector<16xi32>
    %eq3A_2489 = arith.constant 6 : i32
    %eq3A_2490 = vector.broadcast %eq3A_2489 : i32 to vector<16xi32>
    %eq3A_2491 = arith.cmpi eq, %iota3A, %eq3A_2490 : vector<16xi32>
    %jit3A_2492 = arith.constant 0 : i32
    %broadcast_in_dim3A_2493 = vector.broadcast %jit3A_2492 : i32 to vector<16xi32>
    %select_n3A_2494 = arith.select %eq3A_2491, %add3A_2478, %broadcast_in_dim3A_2493 : vector<16xi1>, vector<16xi32>
    %reduce_sum3A_2495 = arith.constant true
    %reduce_sum3A_2496 = vector.broadcast %reduce_sum3A_2495 : i1 to vector<16xi1>
    %reduce_sum3A_2497 = tpu.scan <sum>, %select_n3A_2494 masked %reduce_sum3A_2496 : vector<16xi32>, vector<16xi1> -> vector<16xi32>
    %reduce_sum3A_2498 = vector.extract %reduce_sum3A_2497[15] : i32 from vector<16xi32>
    %add3A_2499 = vector.broadcast %reduce_sum3A_2498 : i32 to vector<16xi32>
    %add3A_2500 = arith.addi %add3A_2499, %sub3A_2488 : vector<16xi32>
    %select_n3A_2501 = arith.select %eq3A_2481, %add3A_2500, %select_n3A_2466 : vector<16xi1>, vector<16xi32>
    %eq3A_2502 = arith.constant 6 : i32
    %eq3A_2503 = vector.broadcast %eq3A_2502 : i32 to vector<16xi32>
    %eq3A_2504 = arith.cmpi eq, %iota3A, %eq3A_2503 : vector<16xi32>
    %reduce_sum3A_2505 = arith.constant true
    %reduce_sum3A_2506 = vector.broadcast %reduce_sum3A_2505 : i1 to vector<16xi1>
    %reduce_sum3A_2507 = tpu.scan <sum>, %convert_element_type3A_2482 masked %reduce_sum3A_2506 : vector<16xi32>, vector<16xi1> -> vector<16xi32>
    %reduce_sum3A_2508 = vector.extract %reduce_sum3A_2507[15] : i32 from vector<16xi32>
    %jit3A_2509 = arith.constant 0 : i32
    %broadcast_in_dim3A_2510 = vector.broadcast %reduce_sum3A_2508 : i32 to vector<16xi32>
    %broadcast_in_dim3A_2511 = vector.broadcast %jit3A_2509 : i32 to vector<16xi32>
    %select_n3A_2512 = arith.select %eq3A_2504, %broadcast_in_dim3A_2510, %broadcast_in_dim3A_2511 : vector<16xi1>, vector<16xi32>
    %add3A_2513 = arith.addi %add3A_2478, %select_n3A_2512 : vector<16xi32>
    %eq3A_2514 = arith.constant 7 : i32
    %eq3A_2515 = vector.broadcast %eq3A_2514 : i32 to vector<16xi32>
    %eq3A_2516 = arith.cmpi eq, %get3A_2266, %eq3A_2515 : vector<16xi32>
    %convert_element_type3A_2517 = arith.extui %eq3A_2516 : vector<16xi1> to vector<16xi32>
    %broadcast_in_dim3A_2518 = arith.constant true
    %broadcast_in_dim3A_2519 = vector.broadcast %broadcast_in_dim3A_2518 : i1 to vector<16xi1>
    %masked_cumsum3A_2520 = tpu.scan <sum>, %convert_element_type3A_2517 masked %broadcast_in_dim3A_2519 : vector<16xi32>, vector<16xi1> -> vector<16xi32>
    %sub3A_2521 = arith.constant 1 : i32
    %sub3A_2522 = vector.broadcast %sub3A_2521 : i32 to vector<16xi32>
    %sub3A_2523 = arith.subi %masked_cumsum3A_2520, %sub3A_2522 : vector<16xi32>
    %eq3A_2524 = arith.constant 7 : i32
    %eq3A_2525 = vector.broadcast %eq3A_2524 : i32 to vector<16xi32>
    %eq3A_2526 = arith.cmpi eq, %iota3A, %eq3A_2525 : vector<16xi32>
    %jit3A_2527 = arith.constant 0 : i32
    %broadcast_in_dim3A_2528 = vector.broadcast %jit3A_2527 : i32 to vector<16xi32>
    %select_n3A_2529 = arith.select %eq3A_2526, %add3A_2513, %broadcast_in_dim3A_2528 : vector<16xi1>, vector<16xi32>
    %reduce_sum3A_2530 = arith.constant true
    %reduce_sum3A_2531 = vector.broadcast %reduce_sum3A_2530 : i1 to vector<16xi1>
    %reduce_sum3A_2532 = tpu.scan <sum>, %select_n3A_2529 masked %reduce_sum3A_2531 : vector<16xi32>, vector<16xi1> -> vector<16xi32>
    %reduce_sum3A_2533 = vector.extract %reduce_sum3A_2532[15] : i32 from vector<16xi32>
    %add3A_2534 = vector.broadcast %reduce_sum3A_2533 : i32 to vector<16xi32>
    %add3A_2535 = arith.addi %add3A_2534, %sub3A_2523 : vector<16xi32>
    %select_n3A_2536 = arith.select %eq3A_2516, %add3A_2535, %select_n3A_2501 : vector<16xi1>, vector<16xi32>
    %eq3A_2537 = arith.constant 7 : i32
    %eq3A_2538 = vector.broadcast %eq3A_2537 : i32 to vector<16xi32>
    %eq3A_2539 = arith.cmpi eq, %iota3A, %eq3A_2538 : vector<16xi32>
    %reduce_sum3A_2540 = arith.constant true
    %reduce_sum3A_2541 = vector.broadcast %reduce_sum3A_2540 : i1 to vector<16xi1>
    %reduce_sum3A_2542 = tpu.scan <sum>, %convert_element_type3A_2517 masked %reduce_sum3A_2541 : vector<16xi32>, vector<16xi1> -> vector<16xi32>
    %reduce_sum3A_2543 = vector.extract %reduce_sum3A_2542[15] : i32 from vector<16xi32>
    %jit3A_2544 = arith.constant 0 : i32
    %broadcast_in_dim3A_2545 = vector.broadcast %reduce_sum3A_2543 : i32 to vector<16xi32>
    %broadcast_in_dim3A_2546 = vector.broadcast %jit3A_2544 : i32 to vector<16xi32>
    %select_n3A_2547 = arith.select %eq3A_2539, %broadcast_in_dim3A_2545, %broadcast_in_dim3A_2546 : vector<16xi1>, vector<16xi32>
    %add3A_2548 = arith.addi %add3A_2513, %select_n3A_2547 : vector<16xi32>
    %swap3A_2549 = arith.constant 112 : index
    %swap3A_2550 = tpu.vector_load %arg8[%swap3A_2549] {strides = array<i32>} : memref<128xi32, #tpu.memory_space<vmem>>, vector<16xi32>,
    tpu.vector_store %arg8[%swap3A_2549], %select_n3A_2536 {strides = array<i32>} : memref<128xi32, #tpu.memory_space<vmem>>, vector<16xi32>,
    %mul3A_2551 = arith.constant 128 : i32
    %mul3A_2552 = arith.muli %add3A, %mul3A_2551 : i32
    "tpu.region"() ({
      %run_scoped3A = tpu.sem_alloc : memref<!tpu.dma_semaphore, #tpu.memory_space<semaphore_mem>>
      %dma_start3A_2655 = tpu.memref_slice %arg5[%mul3A_2552] : memref<4096xi32, #tpu.memory_space<hbm>> -> memref<128xi32, #tpu.memory_space<hbm>>
      %dma_start3A_2656 = tpu.memref_slice %arg5[%mul3A_2552] : memref<4096xi32, #tpu.memory_space<hbm>> -> memref<128xi32, #tpu.memory_space<hbm>>
      tpu.enqueue_dma source(%arg8 : memref<128xi32, #tpu.memory_space<vmem>>) target(%dma_start3A_2656 : memref<128xi32, #tpu.memory_space<hbm>>) target_semaphore(%run_scoped3A : memref<!tpu.dma_semaphore, #tpu.memory_space<semaphore_mem>>)
      %dma_wait3A_2657 = tpu.memref_slice %arg5[%mul3A_2552] : memref<4096xi32, #tpu.memory_space<hbm>> -> memref<128xi32, #tpu.memory_space<hbm>>
      %dma_wait3A_2658 = tpu.memref_slice %arg5[%mul3A_2552] : memref<4096xi32, #tpu.memory_space<hbm>> -> memref<128xi32, #tpu.memory_space<hbm>>
      tpu.wait_dma2 semaphore(%run_scoped3A : memref<!tpu.dma_semaphore, #tpu.memory_space<semaphore_mem>>) src(%arg8 : memref<128xi32, #tpu.memory_space<vmem>>) dst(%dma_wait3A_2658 : memref<128xi32, #tpu.memory_space<hbm>>)
      tpu.yield
    }) : () -> ()
    %mul3A_2553 = arith.constant 2 : i32
    %mul3A_2554 = vector.broadcast %mul3A_2553 : i32 to vector<16xi32>
    %mul3A_2555 = arith.muli %iota3A, %mul3A_2554 : vector<16xi32>
    %add3A_2556 = arith.constant 0 : i32
    %add3A_2557 = vector.broadcast %add3A_2556 : i32 to vector<16xi32>
    %add3A_2558 = arith.addi %add3A_2557, %mul3A_2555 : vector<16xi32>
    %gather3A = tpu.vector_load_idx %arg8[%add3A_2558] : memref<128xi32, #tpu.memory_space<vmem>>[vector<16xi32>], vector<16xi32>,
    %swap3A_2559 = arith.constant 0 : index
    %swap3A_2560 = tpu.vector_load %arg9[%swap3A_2559] {strides = array<i32>} : memref<64xi32, #tpu.memory_space<vmem>>, vector<16xi32>,
    tpu.vector_store %arg9[%swap3A_2559], %gather3A {strides = array<i32>} : memref<64xi32, #tpu.memory_space<vmem>>, vector<16xi32>,
    %mul3A_2561 = arith.constant 2 : i32
    %mul3A_2562 = vector.broadcast %mul3A_2561 : i32 to vector<16xi32>
    %mul3A_2563 = arith.muli %iota3A, %mul3A_2562 : vector<16xi32>
    %add3A_2564 = arith.constant 0 : i32
    %add3A_2565 = vector.broadcast %add3A_2564 : i32 to vector<16xi32>
    %add3A_2566 = arith.addi %add3A_2565, %mul3A_2563 : vector<16xi32>
    %add3A_2567 = arith.constant 1 : i32
    %add3A_2568 = vector.broadcast %add3A_2567 : i32 to vector<16xi32>
    %add3A_2569 = arith.addi %add3A_2566, %add3A_2568 : vector<16xi32>
    %gather3A_2570 = tpu.vector_load_idx %arg8[%add3A_2569] : memref<128xi32, #tpu.memory_space<vmem>>[vector<16xi32>], vector<16xi32>,
    %swap3A_2571 = arith.constant 0 : index
    %swap3A_2572 = tpu.vector_load %arg10[%swap3A_2571] {strides = array<i32>} : memref<64xi32, #tpu.memory_space<vmem>>, vector<16xi32>,
    tpu.vector_store %arg10[%swap3A_2571], %gather3A_2570 {strides = array<i32>} : memref<64xi32, #tpu.memory_space<vmem>>, vector<16xi32>,
    %mul3A_2573 = arith.constant 2 : i32
    %mul3A_2574 = vector.broadcast %mul3A_2573 : i32 to vector<16xi32>
    %mul3A_2575 = arith.muli %iota3A, %mul3A_2574 : vector<16xi32>
    %add3A_2576 = arith.constant 32 : i32
    %add3A_2577 = vector.broadcast %add3A_2576 : i32 to vector<16xi32>
    %add3A_2578 = arith.addi %add3A_2577, %mul3A_2575 : vector<16xi32>
    %gather3A_2579 = tpu.vector_load_idx %arg8[%add3A_2578] : memref<128xi32, #tpu.memory_space<vmem>>[vector<16xi32>], vector<16xi32>,
    %swap3A_2580 = arith.constant 16 : index
    %swap3A_2581 = tpu.vector_load %arg9[%swap3A_2580] {strides = array<i32>} : memref<64xi32, #tpu.memory_space<vmem>>, vector<16xi32>,
    tpu.vector_store %arg9[%swap3A_2580], %gather3A_2579 {strides = array<i32>} : memref<64xi32, #tpu.memory_space<vmem>>, vector<16xi32>,
    %mul3A_2582 = arith.constant 2 : i32
    %mul3A_2583 = vector.broadcast %mul3A_2582 : i32 to vector<16xi32>
    %mul3A_2584 = arith.muli %iota3A, %mul3A_2583 : vector<16xi32>
    %add3A_2585 = arith.constant 32 : i32
    %add3A_2586 = vector.broadcast %add3A_2585 : i32 to vector<16xi32>
    %add3A_2587 = arith.addi %add3A_2586, %mul3A_2584 : vector<16xi32>
    %add3A_2588 = arith.constant 1 : i32
    %add3A_2589 = vector.broadcast %add3A_2588 : i32 to vector<16xi32>
    %add3A_2590 = arith.addi %add3A_2587, %add3A_2589 : vector<16xi32>
    %gather3A_2591 = tpu.vector_load_idx %arg8[%add3A_2590] : memref<128xi32, #tpu.memory_space<vmem>>[vector<16xi32>], vector<16xi32>,
    %swap3A_2592 = arith.constant 16 : index
    %swap3A_2593 = tpu.vector_load %arg10[%swap3A_2592] {strides = array<i32>} : memref<64xi32, #tpu.memory_space<vmem>>, vector<16xi32>,
    tpu.vector_store %arg10[%swap3A_2592], %gather3A_2591 {strides = array<i32>} : memref<64xi32, #tpu.memory_space<vmem>>, vector<16xi32>,
    %mul3A_2594 = arith.constant 2 : i32
    %mul3A_2595 = vector.broadcast %mul3A_2594 : i32 to vector<16xi32>
    %mul3A_2596 = arith.muli %iota3A, %mul3A_2595 : vector<16xi32>
    %add3A_2597 = arith.constant 64 : i32
    %add3A_2598 = vector.broadcast %add3A_2597 : i32 to vector<16xi32>
    %add3A_2599 = arith.addi %add3A_2598, %mul3A_2596 : vector<16xi32>
    %gather3A_2600 = tpu.vector_load_idx %arg8[%add3A_2599] : memref<128xi32, #tpu.memory_space<vmem>>[vector<16xi32>], vector<16xi32>,
    %swap3A_2601 = arith.constant 32 : index
    %swap3A_2602 = tpu.vector_load %arg9[%swap3A_2601] {strides = array<i32>} : memref<64xi32, #tpu.memory_space<vmem>>, vector<16xi32>,
    tpu.vector_store %arg9[%swap3A_2601], %gather3A_2600 {strides = array<i32>} : memref<64xi32, #tpu.memory_space<vmem>>, vector<16xi32>,
    %mul3A_2603 = arith.constant 2 : i32
    %mul3A_2604 = vector.broadcast %mul3A_2603 : i32 to vector<16xi32>
    %mul3A_2605 = arith.muli %iota3A, %mul3A_2604 : vector<16xi32>
    %add3A_2606 = arith.constant 64 : i32
    %add3A_2607 = vector.broadcast %add3A_2606 : i32 to vector<16xi32>
    %add3A_2608 = arith.addi %add3A_2607, %mul3A_2605 : vector<16xi32>
    %add3A_2609 = arith.constant 1 : i32
    %add3A_2610 = vector.broadcast %add3A_2609 : i32 to vector<16xi32>
    %add3A_2611 = arith.addi %add3A_2608, %add3A_2610 : vector<16xi32>
    %gather3A_2612 = tpu.vector_load_idx %arg8[%add3A_2611] : memref<128xi32, #tpu.memory_space<vmem>>[vector<16xi32>], vector<16xi32>,
    %swap3A_2613 = arith.constant 32 : index
    %swap3A_2614 = tpu.vector_load %arg10[%swap3A_2613] {strides = array<i32>} : memref<64xi32, #tpu.memory_space<vmem>>, vector<16xi32>,
    tpu.vector_store %arg10[%swap3A_2613], %gather3A_2612 {strides = array<i32>} : memref<64xi32, #tpu.memory_space<vmem>>, vector<16xi32>,
    %mul3A_2615 = arith.constant 2 : i32
    %mul3A_2616 = vector.broadcast %mul3A_2615 : i32 to vector<16xi32>
    %mul3A_2617 = arith.muli %iota3A, %mul3A_2616 : vector<16xi32>
    %add3A_2618 = arith.constant 96 : i32
    %add3A_2619 = vector.broadcast %add3A_2618 : i32 to vector<16xi32>
    %add3A_2620 = arith.addi %add3A_2619, %mul3A_2617 : vector<16xi32>
    %gather3A_2621 = tpu.vector_load_idx %arg8[%add3A_2620] : memref<128xi32, #tpu.memory_space<vmem>>[vector<16xi32>], vector<16xi32>,
    %swap3A_2622 = arith.constant 48 : index
    %swap3A_2623 = tpu.vector_load %arg9[%swap3A_2622] {strides = array<i32>} : memref<64xi32, #tpu.memory_space<vmem>>, vector<16xi32>,
    tpu.vector_store %arg9[%swap3A_2622], %gather3A_2621 {strides = array<i32>} : memref<64xi32, #tpu.memory_space<vmem>>, vector<16xi32>,
    %mul3A_2624 = arith.constant 2 : i32
    %mul3A_2625 = vector.broadcast %mul3A_2624 : i32 to vector<16xi32>
    %mul3A_2626 = arith.muli %iota3A, %mul3A_2625 : vector<16xi32>
    %add3A_2627 = arith.constant 96 : i32
    %add3A_2628 = vector.broadcast %add3A_2627 : i32 to vector<16xi32>
    %add3A_2629 = arith.addi %add3A_2628, %mul3A_2626 : vector<16xi32>
    %add3A_2630 = arith.constant 1 : i32
    %add3A_2631 = vector.broadcast %add3A_2630 : i32 to vector<16xi32>
    %add3A_2632 = arith.addi %add3A_2629, %add3A_2631 : vector<16xi32>
    %gather3A_2633 = tpu.vector_load_idx %arg8[%add3A_2632] : memref<128xi32, #tpu.memory_space<vmem>>[vector<16xi32>], vector<16xi32>,
    %swap3A_2634 = arith.constant 48 : index
    %swap3A_2635 = tpu.vector_load %arg10[%swap3A_2634] {strides = array<i32>} : memref<64xi32, #tpu.memory_space<vmem>>, vector<16xi32>,
    tpu.vector_store %arg10[%swap3A_2634], %gather3A_2633 {strides = array<i32>} : memref<64xi32, #tpu.memory_space<vmem>>, vector<16xi32>,
    %dma_wait3A = arith.constant 0 : i32
    %dma_wait3A_2636 = tpu.memref_slice %arg3[%mul3A_2, %dma_wait3A] : memref<2048x768xf32, #tpu.memory_space<hbm>> -> memref<64x768xf32, #tpu.memory_space<hbm>>
    %dma_wait3A_2637 = arith.constant 0 : i32
    %dma_wait3A_2638 = tpu.memref_slice %arg3[%mul3A_2, %dma_wait3A_2637] : memref<2048x768xf32, #tpu.memory_space<hbm>> -> memref<64x768xf32, #tpu.memory_space<hbm>>
    tpu.wait_dma2 semaphore(%arg13 : memref<!tpu.dma_semaphore, #tpu.memory_space<semaphore_mem>>) src(%dma_wait3A_2638 : memref<64x768xf32, #tpu.memory_space<hbm>>) dst(%arg11 : memref<64x768xf32, #tpu.memory_space<vmem>>)
    %dma_start3A_2639 = arith.constant 0 : i32
    %dma_start3A_2640 = arith.constant 0 : i32
    %dma_start3A_2641 = tpu.memref_slice %arg4[%dma_start3A_2639, %dma_start3A_2640] : memref<8192x768xf32, #tpu.memory_space<hbm>> -> memref<8192x768xf32, #tpu.memory_space<hbm>>
    tpu.enqueue_indirect_dma source(%arg11 : memref<64x768xf32, #tpu.memory_space<vmem>>) target(%dma_start3A_2641 : memref<8192x768xf32, #tpu.memory_space<hbm>>) offsets(%arg9 : memref<64xi32, #tpu.memory_space<vmem>>) semaphore(%arg13 : memref<!tpu.dma_semaphore, #tpu.memory_space<semaphore_mem>>)
    %dma_start3A_2642 = arith.constant 0 : i32
    %dma_start3A_2643 = arith.constant 0 : i32
    %dma_start3A_2644 = tpu.memref_slice %arg4[%dma_start3A_2642, %dma_start3A_2643] : memref<8192x768xf32, #tpu.memory_space<hbm>> -> memref<8192x768xf32, #tpu.memory_space<hbm>>
    tpu.enqueue_indirect_dma source(%arg11 : memref<64x768xf32, #tpu.memory_space<vmem>>) target(%dma_start3A_2644 : memref<8192x768xf32, #tpu.memory_space<hbm>>) offsets(%arg10 : memref<64xi32, #tpu.memory_space<vmem>>) semaphore(%arg13 : memref<!tpu.dma_semaphore, #tpu.memory_space<semaphore_mem>>)
    %dma_wait3A_2645 = arith.constant 0 : i32
    %dma_wait3A_2646 = arith.constant 0 : i32
    %dma_wait3A_2647 = tpu.memref_slice %arg4[%dma_wait3A_2645, %dma_wait3A_2646] : memref<8192x768xf32, #tpu.memory_space<hbm>> -> memref<8192x768xf32, #tpu.memory_space<hbm>>
    tpu.wait_indirect_dma semaphore(%arg13 : memref<!tpu.dma_semaphore, #tpu.memory_space<semaphore_mem>>) src(%arg11 : memref<64x768xf32, #tpu.memory_space<vmem>>) dst(%dma_wait3A_2647 : memref<8192x768xf32, #tpu.memory_space<hbm>>)
    %dma_wait3A_2648 = arith.constant 0 : i32
    %dma_wait3A_2649 = arith.constant 0 : i32
    %dma_wait3A_2650 = tpu.memref_slice %arg4[%dma_wait3A_2648, %dma_wait3A_2649] : memref<8192x768xf32, #tpu.memory_space<hbm>> -> memref<8192x768xf32, #tpu.memory_space<hbm>>
    tpu.wait_indirect_dma semaphore(%arg13 : memref<!tpu.dma_semaphore, #tpu.memory_space<semaphore_mem>>) src(%arg11 : memref<64x768xf32, #tpu.memory_space<vmem>>) dst(%dma_wait3A_2650 : memref<8192x768xf32, #tpu.memory_space<hbm>>)
    %eq3A_2651 = arith.constant 0 : i32
    %eq3A_2652 = arith.cmpi eq, %add3A, %eq3A_2651 : i32
    %convert_element_type3A_2653 = arith.extui %eq3A_2652 : i1 to i32
    %cond3A = arith.constant 0 : i32
    %cond3A_2654 = arith.cmpi ne, %convert_element_type3A_2653, %cond3A : i32
    scf.if %cond3A_2654 {
      %gt3A = arith.constant 0 : i32
      %gt3A_2655 = vector.broadcast %gt3A : i32 to vector<16xi32>
      %gt3A_2656 = arith.cmpi sgt, %add3A_223, %gt3A_2655 : vector<16xi32>
      %jit3A_2657 = arith.constant 0 : i32
      %broadcast_in_dim3A_2658 = vector.broadcast %jit3A_2657 : i32 to vector<16xi32>
      %select_n3A_2659 = arith.select %gt3A_2656, %iota3A, %broadcast_in_dim3A_2658 : vector<16xi1>, vector<16xi32>
      %reduce_max3A = arith.constant true
      %reduce_max3A_2660 = vector.broadcast %reduce_max3A : i1 to vector<16xi1>
      %reduce_max3A_2661 = arith.constant -2147483648 : i32
      %reduce_max3A_2662 = vector.broadcast %reduce_max3A_2661 : i32 to vector<16xi32>
      %reduce_max3A_2663 = arith.xori %select_n3A_2659, %reduce_max3A_2662 : vector<16xi32>
      %reduce_max3A_2664 = tpu.scan <max>, %reduce_max3A_2663 masked %reduce_max3A_2660 : vector<16xi32>, vector<16xi1> -> vector<16xi32>
      %reduce_max3A_2665 = arith.xori %reduce_max3A_2664, %reduce_max3A_2662 : vector<16xi32>
      %reduce_max3A_2666 = vector.extract %reduce_max3A_2665[15] : i32 from vector<16xi32>
      %reduce_sum3A_2667 = arith.constant true
      %reduce_sum3A_2668 = vector.broadcast %reduce_sum3A_2667 : i1 to vector<16xi1>
      %reduce_sum3A_2669 = tpu.scan <sum>, %shift_left3A_230 masked %reduce_sum3A_2668 : vector<16xi32>, vector<16xi1> -> vector<16xi32>
      %reduce_sum3A_2670 = vector.extract %reduce_sum3A_2669[15] : i32 from vector<16xi32>
      %shift_right_arithmetic3A_2671 = arith.constant 9 : i32
      %shift_right_arithmetic3A_2672 = arith.shrsi %reduce_sum3A_2670, %shift_right_arithmetic3A_2671 : i32
      %add3A_2673 = arith.constant 0 : i32
      %add3A_2674 = vector.broadcast %add3A_2673 : i32 to vector<16xi32>
      %add3A_2675 = arith.addi %iota3A, %add3A_2674 : vector<16xi32>
      %mul3A_2676 = arith.constant 512 : i32
      %mul3A_2677 = vector.broadcast %mul3A_2676 : i32 to vector<16xi32>
      %mul3A_2678 = arith.muli %add3A_2675, %mul3A_2677 : vector<16xi32>
      %broadcast_in_dim3A_2679 = arith.constant 0 : i32
      %broadcast_in_dim3A_2680 = vector.broadcast %broadcast_in_dim3A_2679 : i32 to vector<16xi32>
      %eq3A_2681 = arith.constant 0 : i32
      %eq3A_2682 = vector.broadcast %eq3A_2681 : i32 to vector<16xi32>
      %eq3A_2683 = arith.cmpi eq, %iota3A, %eq3A_2682 : vector<16xi32>
      %jit3A_2684 = arith.constant 0 : i32
      %broadcast_in_dim3A_2685 = vector.broadcast %jit3A_2684 : i32 to vector<16xi32>
      %select_n3A_2686 = arith.select %eq3A_2683, %masked_cumsum3A, %broadcast_in_dim3A_2685 : vector<16xi1>, vector<16xi32>
      %reduce_sum3A_2687 = arith.constant true
      %reduce_sum3A_2688 = vector.broadcast %reduce_sum3A_2687 : i1 to vector<16xi1>
      %reduce_sum3A_2689 = tpu.scan <sum>, %select_n3A_2686 masked %reduce_sum3A_2688 : vector<16xi32>, vector<16xi1> -> vector<16xi32>
      %reduce_sum3A_2690 = vector.extract %reduce_sum3A_2689[15] : i32 from vector<16xi32>
      %ge3A = vector.broadcast %reduce_sum3A_2690 : i32 to vector<16xi32>
      %ge3A_2691 = arith.cmpi sge, %mul3A_2678, %ge3A : vector<16xi32>
      %convert_element_type3A_2692 = arith.extui %ge3A_2691 : vector<16xi1> to vector<16xi32>
      %add3A_2693 = arith.addi %broadcast_in_dim3A_2680, %convert_element_type3A_2692 : vector<16xi32>
      %eq3A_2694 = arith.constant 1 : i32
      %eq3A_2695 = vector.broadcast %eq3A_2694 : i32 to vector<16xi32>
      %eq3A_2696 = arith.cmpi eq, %iota3A, %eq3A_2695 : vector<16xi32>
      %jit3A_2697 = arith.constant 0 : i32
      %broadcast_in_dim3A_2698 = vector.broadcast %jit3A_2697 : i32 to vector<16xi32>
      %select_n3A_2699 = arith.select %eq3A_2696, %masked_cumsum3A, %broadcast_in_dim3A_2698 : vector<16xi1>, vector<16xi32>
      %reduce_sum3A_2700 = arith.constant true
      %reduce_sum3A_2701 = vector.broadcast %reduce_sum3A_2700 : i1 to vector<16xi1>
      %reduce_sum3A_2702 = tpu.scan <sum>, %select_n3A_2699 masked %reduce_sum3A_2701 : vector<16xi32>, vector<16xi1> -> vector<16xi32>
      %reduce_sum3A_2703 = vector.extract %reduce_sum3A_2702[15] : i32 from vector<16xi32>
      %ge3A_2704 = vector.broadcast %reduce_sum3A_2703 : i32 to vector<16xi32>
      %ge3A_2705 = arith.cmpi sge, %mul3A_2678, %ge3A_2704 : vector<16xi32>
      %convert_element_type3A_2706 = arith.extui %ge3A_2705 : vector<16xi1> to vector<16xi32>
      %add3A_2707 = arith.addi %add3A_2693, %convert_element_type3A_2706 : vector<16xi32>
      %eq3A_2708 = arith.constant 2 : i32
      %eq3A_2709 = vector.broadcast %eq3A_2708 : i32 to vector<16xi32>
      %eq3A_2710 = arith.cmpi eq, %iota3A, %eq3A_2709 : vector<16xi32>
      %jit3A_2711 = arith.constant 0 : i32
      %broadcast_in_dim3A_2712 = vector.broadcast %jit3A_2711 : i32 to vector<16xi32>
      %select_n3A_2713 = arith.select %eq3A_2710, %masked_cumsum3A, %broadcast_in_dim3A_2712 : vector<16xi1>, vector<16xi32>
      %reduce_sum3A_2714 = arith.constant true
      %reduce_sum3A_2715 = vector.broadcast %reduce_sum3A_2714 : i1 to vector<16xi1>
      %reduce_sum3A_2716 = tpu.scan <sum>, %select_n3A_2713 masked %reduce_sum3A_2715 : vector<16xi32>, vector<16xi1> -> vector<16xi32>
      %reduce_sum3A_2717 = vector.extract %reduce_sum3A_2716[15] : i32 from vector<16xi32>
      %ge3A_2718 = vector.broadcast %reduce_sum3A_2717 : i32 to vector<16xi32>
      %ge3A_2719 = arith.cmpi sge, %mul3A_2678, %ge3A_2718 : vector<16xi32>
      %convert_element_type3A_2720 = arith.extui %ge3A_2719 : vector<16xi1> to vector<16xi32>
      %add3A_2721 = arith.addi %add3A_2707, %convert_element_type3A_2720 : vector<16xi32>
      %eq3A_2722 = arith.constant 3 : i32
      %eq3A_2723 = vector.broadcast %eq3A_2722 : i32 to vector<16xi32>
      %eq3A_2724 = arith.cmpi eq, %iota3A, %eq3A_2723 : vector<16xi32>
      %jit3A_2725 = arith.constant 0 : i32
      %broadcast_in_dim3A_2726 = vector.broadcast %jit3A_2725 : i32 to vector<16xi32>
      %select_n3A_2727 = arith.select %eq3A_2724, %masked_cumsum3A, %broadcast_in_dim3A_2726 : vector<16xi1>, vector<16xi32>
      %reduce_sum3A_2728 = arith.constant true
      %reduce_sum3A_2729 = vector.broadcast %reduce_sum3A_2728 : i1 to vector<16xi1>
      %reduce_sum3A_2730 = tpu.scan <sum>, %select_n3A_2727 masked %reduce_sum3A_2729 : vector<16xi32>, vector<16xi1> -> vector<16xi32>
      %reduce_sum3A_2731 = vector.extract %reduce_sum3A_2730[15] : i32 from vector<16xi32>
      %ge3A_2732 = vector.broadcast %reduce_sum3A_2731 : i32 to vector<16xi32>
      %ge3A_2733 = arith.cmpi sge, %mul3A_2678, %ge3A_2732 : vector<16xi32>
      %convert_element_type3A_2734 = arith.extui %ge3A_2733 : vector<16xi1> to vector<16xi32>
      %add3A_2735 = arith.addi %add3A_2721, %convert_element_type3A_2734 : vector<16xi32>
      %eq3A_2736 = arith.constant 4 : i32
      %eq3A_2737 = vector.broadcast %eq3A_2736 : i32 to vector<16xi32>
      %eq3A_2738 = arith.cmpi eq, %iota3A, %eq3A_2737 : vector<16xi32>
      %jit3A_2739 = arith.constant 0 : i32
      %broadcast_in_dim3A_2740 = vector.broadcast %jit3A_2739 : i32 to vector<16xi32>
      %select_n3A_2741 = arith.select %eq3A_2738, %masked_cumsum3A, %broadcast_in_dim3A_2740 : vector<16xi1>, vector<16xi32>
      %reduce_sum3A_2742 = arith.constant true
      %reduce_sum3A_2743 = vector.broadcast %reduce_sum3A_2742 : i1 to vector<16xi1>
      %reduce_sum3A_2744 = tpu.scan <sum>, %select_n3A_2741 masked %reduce_sum3A_2743 : vector<16xi32>, vector<16xi1> -> vector<16xi32>
      %reduce_sum3A_2745 = vector.extract %reduce_sum3A_2744[15] : i32 from vector<16xi32>
      %ge3A_2746 = vector.broadcast %reduce_sum3A_2745 : i32 to vector<16xi32>
      %ge3A_2747 = arith.cmpi sge, %mul3A_2678, %ge3A_2746 : vector<16xi32>
      %convert_element_type3A_2748 = arith.extui %ge3A_2747 : vector<16xi1> to vector<16xi32>
      %add3A_2749 = arith.addi %add3A_2735, %convert_element_type3A_2748 : vector<16xi32>
      %eq3A_2750 = arith.constant 5 : i32
      %eq3A_2751 = vector.broadcast %eq3A_2750 : i32 to vector<16xi32>
      %eq3A_2752 = arith.cmpi eq, %iota3A, %eq3A_2751 : vector<16xi32>
      %jit3A_2753 = arith.constant 0 : i32
      %broadcast_in_dim3A_2754 = vector.broadcast %jit3A_2753 : i32 to vector<16xi32>
      %select_n3A_2755 = arith.select %eq3A_2752, %masked_cumsum3A, %broadcast_in_dim3A_2754 : vector<16xi1>, vector<16xi32>
      %reduce_sum3A_2756 = arith.constant true
      %reduce_sum3A_2757 = vector.broadcast %reduce_sum3A_2756 : i1 to vector<16xi1>
      %reduce_sum3A_2758 = tpu.scan <sum>, %select_n3A_2755 masked %reduce_sum3A_2757 : vector<16xi32>, vector<16xi1> -> vector<16xi32>
      %reduce_sum3A_2759 = vector.extract %reduce_sum3A_2758[15] : i32 from vector<16xi32>
      %ge3A_2760 = vector.broadcast %reduce_sum3A_2759 : i32 to vector<16xi32>
      %ge3A_2761 = arith.cmpi sge, %mul3A_2678, %ge3A_2760 : vector<16xi32>
      %convert_element_type3A_2762 = arith.extui %ge3A_2761 : vector<16xi1> to vector<16xi32>
      %add3A_2763 = arith.addi %add3A_2749, %convert_element_type3A_2762 : vector<16xi32>
      %eq3A_2764 = arith.constant 6 : i32
      %eq3A_2765 = vector.broadcast %eq3A_2764 : i32 to vector<16xi32>
      %eq3A_2766 = arith.cmpi eq, %iota3A, %eq3A_2765 : vector<16xi32>
      %jit3A_2767 = arith.constant 0 : i32
      %broadcast_in_dim3A_2768 = vector.broadcast %jit3A_2767 : i32 to vector<16xi32>
      %select_n3A_2769 = arith.select %eq3A_2766, %masked_cumsum3A, %broadcast_in_dim3A_2768 : vector<16xi1>, vector<16xi32>
      %reduce_sum3A_2770 = arith.constant true
      %reduce_sum3A_2771 = vector.broadcast %reduce_sum3A_2770 : i1 to vector<16xi1>
      %reduce_sum3A_2772 = tpu.scan <sum>, %select_n3A_2769 masked %reduce_sum3A_2771 : vector<16xi32>, vector<16xi1> -> vector<16xi32>
      %reduce_sum3A_2773 = vector.extract %reduce_sum3A_2772[15] : i32 from vector<16xi32>
      %ge3A_2774 = vector.broadcast %reduce_sum3A_2773 : i32 to vector<16xi32>
      %ge3A_2775 = arith.cmpi sge, %mul3A_2678, %ge3A_2774 : vector<16xi32>
      %convert_element_type3A_2776 = arith.extui %ge3A_2775 : vector<16xi1> to vector<16xi32>
      %add3A_2777 = arith.addi %add3A_2763, %convert_element_type3A_2776 : vector<16xi32>
      %eq3A_2778 = arith.constant 7 : i32
      %eq3A_2779 = vector.broadcast %eq3A_2778 : i32 to vector<16xi32>
      %eq3A_2780 = arith.cmpi eq, %iota3A, %eq3A_2779 : vector<16xi32>
      %jit3A_2781 = arith.constant 0 : i32
      %broadcast_in_dim3A_2782 = vector.broadcast %jit3A_2781 : i32 to vector<16xi32>
      %select_n3A_2783 = arith.select %eq3A_2780, %masked_cumsum3A, %broadcast_in_dim3A_2782 : vector<16xi1>, vector<16xi32>
      %reduce_sum3A_2784 = arith.constant true
      %reduce_sum3A_2785 = vector.broadcast %reduce_sum3A_2784 : i1 to vector<16xi1>
      %reduce_sum3A_2786 = tpu.scan <sum>, %select_n3A_2783 masked %reduce_sum3A_2785 : vector<16xi32>, vector<16xi1> -> vector<16xi32>
      %reduce_sum3A_2787 = vector.extract %reduce_sum3A_2786[15] : i32 from vector<16xi32>
      %ge3A_2788 = vector.broadcast %reduce_sum3A_2787 : i32 to vector<16xi32>
      %ge3A_2789 = arith.cmpi sge, %mul3A_2678, %ge3A_2788 : vector<16xi32>
      %convert_element_type3A_2790 = arith.extui %ge3A_2789 : vector<16xi1> to vector<16xi32>
      %add3A_2791 = arith.addi %add3A_2777, %convert_element_type3A_2790 : vector<16xi32>
      %min3A = vector.broadcast %reduce_max3A_2666 : i32 to vector<16xi32>
      %min3A_2792 = arith.minsi %add3A_2791, %min3A : vector<16xi32>
      %swap3A_2793 = arith.constant 0 : index
      %swap3A_2794 = tpu.vector_load %arg12[%swap3A_2793] {strides = array<i32>} : memref<32xi32, #tpu.memory_space<vmem>>, vector<16xi32>,
      tpu.vector_store %arg12[%swap3A_2793], %min3A_2792 {strides = array<i32>} : memref<32xi32, #tpu.memory_space<vmem>>, vector<16xi32>,
      %add3A_2795 = arith.constant 16 : i32
      %add3A_2796 = vector.broadcast %add3A_2795 : i32 to vector<16xi32>
      %add3A_2797 = arith.addi %iota3A, %add3A_2796 : vector<16xi32>
      %mul3A_2798 = arith.constant 512 : i32
      %mul3A_2799 = vector.broadcast %mul3A_2798 : i32 to vector<16xi32>
      %mul3A_2800 = arith.muli %add3A_2797, %mul3A_2799 : vector<16xi32>
      %broadcast_in_dim3A_2801 = arith.constant 0 : i32
      %broadcast_in_dim3A_2802 = vector.broadcast %broadcast_in_dim3A_2801 : i32 to vector<16xi32>
      %eq3A_2803 = arith.constant 0 : i32
      %eq3A_2804 = vector.broadcast %eq3A_2803 : i32 to vector<16xi32>
      %eq3A_2805 = arith.cmpi eq, %iota3A, %eq3A_2804 : vector<16xi32>
      %jit3A_2806 = arith.constant 0 : i32
      %broadcast_in_dim3A_2807 = vector.broadcast %jit3A_2806 : i32 to vector<16xi32>
      %select_n3A_2808 = arith.select %eq3A_2805, %masked_cumsum3A, %broadcast_in_dim3A_2807 : vector<16xi1>, vector<16xi32>
      %reduce_sum3A_2809 = arith.constant true
      %reduce_sum3A_2810 = vector.broadcast %reduce_sum3A_2809 : i1 to vector<16xi1>
      %reduce_sum3A_2811 = tpu.scan <sum>, %select_n3A_2808 masked %reduce_sum3A_2810 : vector<16xi32>, vector<16xi1> -> vector<16xi32>
      %reduce_sum3A_2812 = vector.extract %reduce_sum3A_2811[15] : i32 from vector<16xi32>
      %ge3A_2813 = vector.broadcast %reduce_sum3A_2812 : i32 to vector<16xi32>
      %ge3A_2814 = arith.cmpi sge, %mul3A_2800, %ge3A_2813 : vector<16xi32>
      %convert_element_type3A_2815 = arith.extui %ge3A_2814 : vector<16xi1> to vector<16xi32>
      %add3A_2816 = arith.addi %broadcast_in_dim3A_2802, %convert_element_type3A_2815 : vector<16xi32>
      %eq3A_2817 = arith.constant 1 : i32
      %eq3A_2818 = vector.broadcast %eq3A_2817 : i32 to vector<16xi32>
      %eq3A_2819 = arith.cmpi eq, %iota3A, %eq3A_2818 : vector<16xi32>
      %jit3A_2820 = arith.constant 0 : i32
      %broadcast_in_dim3A_2821 = vector.broadcast %jit3A_2820 : i32 to vector<16xi32>
      %select_n3A_2822 = arith.select %eq3A_2819, %masked_cumsum3A, %broadcast_in_dim3A_2821 : vector<16xi1>, vector<16xi32>
      %reduce_sum3A_2823 = arith.constant true
      %reduce_sum3A_2824 = vector.broadcast %reduce_sum3A_2823 : i1 to vector<16xi1>
      %reduce_sum3A_2825 = tpu.scan <sum>, %select_n3A_2822 masked %reduce_sum3A_2824 : vector<16xi32>, vector<16xi1> -> vector<16xi32>
      %reduce_sum3A_2826 = vector.extract %reduce_sum3A_2825[15] : i32 from vector<16xi32>
      %ge3A_2827 = vector.broadcast %reduce_sum3A_2826 : i32 to vector<16xi32>
      %ge3A_2828 = arith.cmpi sge, %mul3A_2800, %ge3A_2827 : vector<16xi32>
      %convert_element_type3A_2829 = arith.extui %ge3A_2828 : vector<16xi1> to vector<16xi32>
      %add3A_2830 = arith.addi %add3A_2816, %convert_element_type3A_2829 : vector<16xi32>
      %eq3A_2831 = arith.constant 2 : i32
      %eq3A_2832 = vector.broadcast %eq3A_2831 : i32 to vector<16xi32>
      %eq3A_2833 = arith.cmpi eq, %iota3A, %eq3A_2832 : vector<16xi32>
      %jit3A_2834 = arith.constant 0 : i32
      %broadcast_in_dim3A_2835 = vector.broadcast %jit3A_2834 : i32 to vector<16xi32>
      %select_n3A_2836 = arith.select %eq3A_2833, %masked_cumsum3A, %broadcast_in_dim3A_2835 : vector<16xi1>, vector<16xi32>
      %reduce_sum3A_2837 = arith.constant true
      %reduce_sum3A_2838 = vector.broadcast %reduce_sum3A_2837 : i1 to vector<16xi1>
      %reduce_sum3A_2839 = tpu.scan <sum>, %select_n3A_2836 masked %reduce_sum3A_2838 : vector<16xi32>, vector<16xi1> -> vector<16xi32>
      %reduce_sum3A_2840 = vector.extract %reduce_sum3A_2839[15] : i32 from vector<16xi32>
      %ge3A_2841 = vector.broadcast %reduce_sum3A_2840 : i32 to vector<16xi32>
      %ge3A_2842 = arith.cmpi sge, %mul3A_2800, %ge3A_2841 : vector<16xi32>
      %convert_element_type3A_2843 = arith.extui %ge3A_2842 : vector<16xi1> to vector<16xi32>
      %add3A_2844 = arith.addi %add3A_2830, %convert_element_type3A_2843 : vector<16xi32>
      %eq3A_2845 = arith.constant 3 : i32
      %eq3A_2846 = vector.broadcast %eq3A_2845 : i32 to vector<16xi32>
      %eq3A_2847 = arith.cmpi eq, %iota3A, %eq3A_2846 : vector<16xi32>
      %jit3A_2848 = arith.constant 0 : i32
      %broadcast_in_dim3A_2849 = vector.broadcast %jit3A_2848 : i32 to vector<16xi32>
      %select_n3A_2850 = arith.select %eq3A_2847, %masked_cumsum3A, %broadcast_in_dim3A_2849 : vector<16xi1>, vector<16xi32>
      %reduce_sum3A_2851 = arith.constant true
      %reduce_sum3A_2852 = vector.broadcast %reduce_sum3A_2851 : i1 to vector<16xi1>
      %reduce_sum3A_2853 = tpu.scan <sum>, %select_n3A_2850 masked %reduce_sum3A_2852 : vector<16xi32>, vector<16xi1> -> vector<16xi32>
      %reduce_sum3A_2854 = vector.extract %reduce_sum3A_2853[15] : i32 from vector<16xi32>
      %ge3A_2855 = vector.broadcast %reduce_sum3A_2854 : i32 to vector<16xi32>
      %ge3A_2856 = arith.cmpi sge, %mul3A_2800, %ge3A_2855 : vector<16xi32>
      %convert_element_type3A_2857 = arith.extui %ge3A_2856 : vector<16xi1> to vector<16xi32>
      %add3A_2858 = arith.addi %add3A_2844, %convert_element_type3A_2857 : vector<16xi32>
      %eq3A_2859 = arith.constant 4 : i32
      %eq3A_2860 = vector.broadcast %eq3A_2859 : i32 to vector<16xi32>
      %eq3A_2861 = arith.cmpi eq, %iota3A, %eq3A_2860 : vector<16xi32>
      %jit3A_2862 = arith.constant 0 : i32
      %broadcast_in_dim3A_2863 = vector.broadcast %jit3A_2862 : i32 to vector<16xi32>
      %select_n3A_2864 = arith.select %eq3A_2861, %masked_cumsum3A, %broadcast_in_dim3A_2863 : vector<16xi1>, vector<16xi32>
      %reduce_sum3A_2865 = arith.constant true
      %reduce_sum3A_2866 = vector.broadcast %reduce_sum3A_2865 : i1 to vector<16xi1>
      %reduce_sum3A_2867 = tpu.scan <sum>, %select_n3A_2864 masked %reduce_sum3A_2866 : vector<16xi32>, vector<16xi1> -> vector<16xi32>
      %reduce_sum3A_2868 = vector.extract %reduce_sum3A_2867[15] : i32 from vector<16xi32>
      %ge3A_2869 = vector.broadcast %reduce_sum3A_2868 : i32 to vector<16xi32>
      %ge3A_2870 = arith.cmpi sge, %mul3A_2800, %ge3A_2869 : vector<16xi32>
      %convert_element_type3A_2871 = arith.extui %ge3A_2870 : vector<16xi1> to vector<16xi32>
      %add3A_2872 = arith.addi %add3A_2858, %convert_element_type3A_2871 : vector<16xi32>
      %eq3A_2873 = arith.constant 5 : i32
      %eq3A_2874 = vector.broadcast %eq3A_2873 : i32 to vector<16xi32>
      %eq3A_2875 = arith.cmpi eq, %iota3A, %eq3A_2874 : vector<16xi32>
      %jit3A_2876 = arith.constant 0 : i32
      %broadcast_in_dim3A_2877 = vector.broadcast %jit3A_2876 : i32 to vector<16xi32>
      %select_n3A_2878 = arith.select %eq3A_2875, %masked_cumsum3A, %broadcast_in_dim3A_2877 : vector<16xi1>, vector<16xi32>
      %reduce_sum3A_2879 = arith.constant true
      %reduce_sum3A_2880 = vector.broadcast %reduce_sum3A_2879 : i1 to vector<16xi1>
      %reduce_sum3A_2881 = tpu.scan <sum>, %select_n3A_2878 masked %reduce_sum3A_2880 : vector<16xi32>, vector<16xi1> -> vector<16xi32>
      %reduce_sum3A_2882 = vector.extract %reduce_sum3A_2881[15] : i32 from vector<16xi32>
      %ge3A_2883 = vector.broadcast %reduce_sum3A_2882 : i32 to vector<16xi32>
      %ge3A_2884 = arith.cmpi sge, %mul3A_2800, %ge3A_2883 : vector<16xi32>
      %convert_element_type3A_2885 = arith.extui %ge3A_2884 : vector<16xi1> to vector<16xi32>
      %add3A_2886 = arith.addi %add3A_2872, %convert_element_type3A_2885 : vector<16xi32>
      %eq3A_2887 = arith.constant 6 : i32
      %eq3A_2888 = vector.broadcast %eq3A_2887 : i32 to vector<16xi32>
      %eq3A_2889 = arith.cmpi eq, %iota3A, %eq3A_2888 : vector<16xi32>
      %jit3A_2890 = arith.constant 0 : i32
      %broadcast_in_dim3A_2891 = vector.broadcast %jit3A_2890 : i32 to vector<16xi32>
      %select_n3A_2892 = arith.select %eq3A_2889, %masked_cumsum3A, %broadcast_in_dim3A_2891 : vector<16xi1>, vector<16xi32>
      %reduce_sum3A_2893 = arith.constant true
      %reduce_sum3A_2894 = vector.broadcast %reduce_sum3A_2893 : i1 to vector<16xi1>
      %reduce_sum3A_2895 = tpu.scan <sum>, %select_n3A_2892 masked %reduce_sum3A_2894 : vector<16xi32>, vector<16xi1> -> vector<16xi32>
      %reduce_sum3A_2896 = vector.extract %reduce_sum3A_2895[15] : i32 from vector<16xi32>
      %ge3A_2897 = vector.broadcast %reduce_sum3A_2896 : i32 to vector<16xi32>
      %ge3A_2898 = arith.cmpi sge, %mul3A_2800, %ge3A_2897 : vector<16xi32>
      %convert_element_type3A_2899 = arith.extui %ge3A_2898 : vector<16xi1> to vector<16xi32>
      %add3A_2900 = arith.addi %add3A_2886, %convert_element_type3A_2899 : vector<16xi32>
      %eq3A_2901 = arith.constant 7 : i32
      %eq3A_2902 = vector.broadcast %eq3A_2901 : i32 to vector<16xi32>
      %eq3A_2903 = arith.cmpi eq, %iota3A, %eq3A_2902 : vector<16xi32>
      %jit3A_2904 = arith.constant 0 : i32
      %broadcast_in_dim3A_2905 = vector.broadcast %jit3A_2904 : i32 to vector<16xi32>
      %select_n3A_2906 = arith.select %eq3A_2903, %masked_cumsum3A, %broadcast_in_dim3A_2905 : vector<16xi1>, vector<16xi32>
      %reduce_sum3A_2907 = arith.constant true
      %reduce_sum3A_2908 = vector.broadcast %reduce_sum3A_2907 : i1 to vector<16xi1>
      %reduce_sum3A_2909 = tpu.scan <sum>, %select_n3A_2906 masked %reduce_sum3A_2908 : vector<16xi32>, vector<16xi1> -> vector<16xi32>
      %reduce_sum3A_2910 = vector.extract %reduce_sum3A_2909[15] : i32 from vector<16xi32>
      %ge3A_2911 = vector.broadcast %reduce_sum3A_2910 : i32 to vector<16xi32>
      %ge3A_2912 = arith.cmpi sge, %mul3A_2800, %ge3A_2911 : vector<16xi32>
      %convert_element_type3A_2913 = arith.extui %ge3A_2912 : vector<16xi1> to vector<16xi32>
      %add3A_2914 = arith.addi %add3A_2900, %convert_element_type3A_2913 : vector<16xi32>
      %min3A_2915 = vector.broadcast %reduce_max3A_2666 : i32 to vector<16xi32>
      %min3A_2916 = arith.minsi %add3A_2914, %min3A_2915 : vector<16xi32>
      %eq3A_2917 = arith.constant 15 : i32
      %eq3A_2918 = vector.broadcast %eq3A_2917 : i32 to vector<16xi32>
      %eq3A_2919 = arith.cmpi eq, %iota3A, %eq3A_2918 : vector<16xi32>
      %broadcast_in_dim3A_2920 = vector.broadcast %shift_right_arithmetic3A_2672 : i32 to vector<16xi32>
      %select_n3A_2921 = arith.select %eq3A_2919, %broadcast_in_dim3A_2920, %min3A_2916 : vector<16xi1>, vector<16xi32>
      %swap3A_2922 = arith.constant 16 : index
      %swap3A_2923 = tpu.vector_load %arg12[%swap3A_2922] {strides = array<i32>} : memref<32xi32, #tpu.memory_space<vmem>>, vector<16xi32>,
      tpu.vector_store %arg12[%swap3A_2922], %select_n3A_2921 {strides = array<i32>} : memref<32xi32, #tpu.memory_space<vmem>>, vector<16xi32>,
      "tpu.region"() ({
        %run_scoped3A = tpu.sem_alloc : memref<!tpu.dma_semaphore, #tpu.memory_space<semaphore_mem>>
        tpu.enqueue_dma source(%arg12 : memref<32xi32, #tpu.memory_space<vmem>>) target(%arg6 : memref<32xi32, #tpu.memory_space<hbm>>) target_semaphore(%run_scoped3A : memref<!tpu.dma_semaphore, #tpu.memory_space<semaphore_mem>>)
        tpu.wait_dma2 semaphore(%run_scoped3A : memref<!tpu.dma_semaphore, #tpu.memory_space<semaphore_mem>>) src(%arg12 : memref<32xi32, #tpu.memory_space<vmem>>) dst(%arg6 : memref<32xi32, #tpu.memory_space<hbm>>)
        tpu.yield
      }) : () -> ()
    } else {
    }
    return
  }
}

#map = affine_map<(d0, d1) -> (0, 0)>
#map1 = affine_map<(d0, d1) -> (0)>
module attributes {stable_mosaic.version = 14 : i64} {
  func.func @_combine_body(%arg0: i32, %arg1: i32, %arg2: memref<8192x768xf32, #tpu.memory_space<hbm>>, %arg3: memref<4096xi32, #tpu.memory_space<hbm>>, %arg4: memref<4096xf32, #tpu.memory_space<hbm>>, %arg5: memref<2048x768xf32, #tpu.memory_space<hbm>>, %arg6: memref<128xi32, #tpu.memory_space<vmem>>, %arg7: memref<144xf32, #tpu.memory_space<vmem>>, %arg8: memref<64xi32, #tpu.memory_space<vmem>>, %arg9: memref<64xi32, #tpu.memory_space<vmem>>, %arg10: memref<64x768xf32, #tpu.memory_space<vmem>>, %arg11: memref<64x768xf32, #tpu.memory_space<vmem>>, %arg12: memref<!tpu.dma_semaphore, #tpu.memory_space<semaphore_mem>>) attributes {dimension_semantics = [#tpu.dimension_semantics<core_parallel>, #tpu.dimension_semantics<subcore_parallel>], iteration_bounds = array<i64: 2, 16>, scalar_prefetch = 0 : i64, scratch_operands = 7 : i64, tpu.core_type = #tpu.core_type<sc_vector_subcore>, window_params = [{transform_indices = #map}, {transform_indices = #map1}, {transform_indices = #map1}, {transform_indices = #map}]} {
    %mul3A = arith.constant 2 : i32
    %mul3A_0 = arith.muli %arg1, %mul3A : i32
    %add3A = arith.addi %mul3A_0, %arg0 : i32
    %iota3A = tpu.iota {dimensions = array<i32: 0>} : vector<16xi32>
    %mul3A_1 = arith.constant 128 : i32
    %mul3A_2 = arith.muli %add3A, %mul3A_1 : i32
    "tpu.region"() ({
      %run_scoped3A = tpu.sem_alloc : memref<!tpu.dma_semaphore, #tpu.memory_space<semaphore_mem>>
      %dma_start3A_104 = tpu.memref_slice %arg3[%mul3A_2] : memref<4096xi32, #tpu.memory_space<hbm>> -> memref<128xi32, #tpu.memory_space<hbm>>
      %dma_start3A_105 = tpu.memref_slice %arg3[%mul3A_2] : memref<4096xi32, #tpu.memory_space<hbm>> -> memref<128xi32, #tpu.memory_space<hbm>>
      tpu.enqueue_dma source(%dma_start3A_105 : memref<128xi32, #tpu.memory_space<hbm>>) target(%arg6 : memref<128xi32, #tpu.memory_space<vmem>>) target_semaphore(%run_scoped3A : memref<!tpu.dma_semaphore, #tpu.memory_space<semaphore_mem>>)
      %dma_wait3A_106 = tpu.memref_slice %arg3[%mul3A_2] : memref<4096xi32, #tpu.memory_space<hbm>> -> memref<128xi32, #tpu.memory_space<hbm>>
      %dma_wait3A_107 = tpu.memref_slice %arg3[%mul3A_2] : memref<4096xi32, #tpu.memory_space<hbm>> -> memref<128xi32, #tpu.memory_space<hbm>>
      tpu.wait_dma2 semaphore(%run_scoped3A : memref<!tpu.dma_semaphore, #tpu.memory_space<semaphore_mem>>) src(%dma_wait3A_107 : memref<128xi32, #tpu.memory_space<hbm>>) dst(%arg6 : memref<128xi32, #tpu.memory_space<vmem>>)
      tpu.yield
    }) : () -> ()
    %mul3A_3 = arith.constant 128 : i32
    %mul3A_4 = arith.muli %add3A, %mul3A_3 : i32
    "tpu.region"() ({
      %run_scoped3A = tpu.sem_alloc : memref<!tpu.dma_semaphore, #tpu.memory_space<semaphore_mem>>
      %dma_start3A_104 = arith.constant 0 : i32
      %dma_start3A_105 = tpu.memref_slice %arg7[%dma_start3A_104] : memref<144xf32, #tpu.memory_space<vmem>> -> memref<128xf32, #tpu.memory_space<vmem>>
      %dma_start3A_106 = tpu.memref_slice %arg4[%mul3A_4] : memref<4096xf32, #tpu.memory_space<hbm>> -> memref<128xf32, #tpu.memory_space<hbm>>
      %dma_start3A_107 = arith.constant 0 : i32
      %dma_start3A_108 = tpu.memref_slice %arg7[%dma_start3A_107] : memref<144xf32, #tpu.memory_space<vmem>> -> memref<128xf32, #tpu.memory_space<vmem>>
      %dma_start3A_109 = tpu.memref_slice %arg4[%mul3A_4] : memref<4096xf32, #tpu.memory_space<hbm>> -> memref<128xf32, #tpu.memory_space<hbm>>
      tpu.enqueue_dma source(%dma_start3A_109 : memref<128xf32, #tpu.memory_space<hbm>>) target(%dma_start3A_108 : memref<128xf32, #tpu.memory_space<vmem>>) target_semaphore(%run_scoped3A : memref<!tpu.dma_semaphore, #tpu.memory_space<semaphore_mem>>)
      %dma_wait3A_110 = arith.constant 0 : i32
      %dma_wait3A_111 = tpu.memref_slice %arg7[%dma_wait3A_110] : memref<144xf32, #tpu.memory_space<vmem>> -> memref<128xf32, #tpu.memory_space<vmem>>
      %dma_wait3A_112 = tpu.memref_slice %arg4[%mul3A_4] : memref<4096xf32, #tpu.memory_space<hbm>> -> memref<128xf32, #tpu.memory_space<hbm>>
      %dma_wait3A_113 = arith.constant 0 : i32
      %dma_wait3A_114 = tpu.memref_slice %arg7[%dma_wait3A_113] : memref<144xf32, #tpu.memory_space<vmem>> -> memref<128xf32, #tpu.memory_space<vmem>>
      %dma_wait3A_115 = tpu.memref_slice %arg4[%mul3A_4] : memref<4096xf32, #tpu.memory_space<hbm>> -> memref<128xf32, #tpu.memory_space<hbm>>
      tpu.wait_dma2 semaphore(%run_scoped3A : memref<!tpu.dma_semaphore, #tpu.memory_space<semaphore_mem>>) src(%dma_wait3A_115 : memref<128xf32, #tpu.memory_space<hbm>>) dst(%dma_wait3A_114 : memref<128xf32, #tpu.memory_space<vmem>>)
      tpu.yield
    }) : () -> ()
    %mul3A_5 = arith.constant 2 : i32
    %mul3A_6 = vector.broadcast %mul3A_5 : i32 to vector<16xi32>
    %mul3A_7 = arith.muli %iota3A, %mul3A_6 : vector<16xi32>
    %add3A_8 = arith.constant 0 : i32
    %add3A_9 = vector.broadcast %add3A_8 : i32 to vector<16xi32>
    %add3A_10 = arith.addi %add3A_9, %mul3A_7 : vector<16xi32>
    %gather3A = tpu.vector_load_idx %arg6[%add3A_10] : memref<128xi32, #tpu.memory_space<vmem>>[vector<16xi32>], vector<16xi32>,
    %swap3A = arith.constant 0 : index
    %swap3A_11 = tpu.vector_load %arg8[%swap3A] {strides = array<i32>} : memref<64xi32, #tpu.memory_space<vmem>>, vector<16xi32>,
    tpu.vector_store %arg8[%swap3A], %gather3A {strides = array<i32>} : memref<64xi32, #tpu.memory_space<vmem>>, vector<16xi32>,
    %mul3A_12 = arith.constant 2 : i32
    %mul3A_13 = vector.broadcast %mul3A_12 : i32 to vector<16xi32>
    %mul3A_14 = arith.muli %iota3A, %mul3A_13 : vector<16xi32>
    %add3A_15 = arith.constant 0 : i32
    %add3A_16 = vector.broadcast %add3A_15 : i32 to vector<16xi32>
    %add3A_17 = arith.addi %add3A_16, %mul3A_14 : vector<16xi32>
    %add3A_18 = arith.constant 1 : i32
    %add3A_19 = vector.broadcast %add3A_18 : i32 to vector<16xi32>
    %add3A_20 = arith.addi %add3A_17, %add3A_19 : vector<16xi32>
    %gather3A_21 = tpu.vector_load_idx %arg6[%add3A_20] : memref<128xi32, #tpu.memory_space<vmem>>[vector<16xi32>], vector<16xi32>,
    %swap3A_22 = arith.constant 0 : index
    %swap3A_23 = tpu.vector_load %arg9[%swap3A_22] {strides = array<i32>} : memref<64xi32, #tpu.memory_space<vmem>>, vector<16xi32>,
    tpu.vector_store %arg9[%swap3A_22], %gather3A_21 {strides = array<i32>} : memref<64xi32, #tpu.memory_space<vmem>>, vector<16xi32>,
    %mul3A_24 = arith.constant 2 : i32
    %mul3A_25 = vector.broadcast %mul3A_24 : i32 to vector<16xi32>
    %mul3A_26 = arith.muli %iota3A, %mul3A_25 : vector<16xi32>
    %add3A_27 = arith.constant 32 : i32
    %add3A_28 = vector.broadcast %add3A_27 : i32 to vector<16xi32>
    %add3A_29 = arith.addi %add3A_28, %mul3A_26 : vector<16xi32>
    %gather3A_30 = tpu.vector_load_idx %arg6[%add3A_29] : memref<128xi32, #tpu.memory_space<vmem>>[vector<16xi32>], vector<16xi32>,
    %swap3A_31 = arith.constant 16 : index
    %swap3A_32 = tpu.vector_load %arg8[%swap3A_31] {strides = array<i32>} : memref<64xi32, #tpu.memory_space<vmem>>, vector<16xi32>,
    tpu.vector_store %arg8[%swap3A_31], %gather3A_30 {strides = array<i32>} : memref<64xi32, #tpu.memory_space<vmem>>, vector<16xi32>,
    %mul3A_33 = arith.constant 2 : i32
    %mul3A_34 = vector.broadcast %mul3A_33 : i32 to vector<16xi32>
    %mul3A_35 = arith.muli %iota3A, %mul3A_34 : vector<16xi32>
    %add3A_36 = arith.constant 32 : i32
    %add3A_37 = vector.broadcast %add3A_36 : i32 to vector<16xi32>
    %add3A_38 = arith.addi %add3A_37, %mul3A_35 : vector<16xi32>
    %add3A_39 = arith.constant 1 : i32
    %add3A_40 = vector.broadcast %add3A_39 : i32 to vector<16xi32>
    %add3A_41 = arith.addi %add3A_38, %add3A_40 : vector<16xi32>
    %gather3A_42 = tpu.vector_load_idx %arg6[%add3A_41] : memref<128xi32, #tpu.memory_space<vmem>>[vector<16xi32>], vector<16xi32>,
    %swap3A_43 = arith.constant 16 : index
    %swap3A_44 = tpu.vector_load %arg9[%swap3A_43] {strides = array<i32>} : memref<64xi32, #tpu.memory_space<vmem>>, vector<16xi32>,
    tpu.vector_store %arg9[%swap3A_43], %gather3A_42 {strides = array<i32>} : memref<64xi32, #tpu.memory_space<vmem>>, vector<16xi32>,
    %mul3A_45 = arith.constant 2 : i32
    %mul3A_46 = vector.broadcast %mul3A_45 : i32 to vector<16xi32>
    %mul3A_47 = arith.muli %iota3A, %mul3A_46 : vector<16xi32>
    %add3A_48 = arith.constant 64 : i32
    %add3A_49 = vector.broadcast %add3A_48 : i32 to vector<16xi32>
    %add3A_50 = arith.addi %add3A_49, %mul3A_47 : vector<16xi32>
    %gather3A_51 = tpu.vector_load_idx %arg6[%add3A_50] : memref<128xi32, #tpu.memory_space<vmem>>[vector<16xi32>], vector<16xi32>,
    %swap3A_52 = arith.constant 32 : index
    %swap3A_53 = tpu.vector_load %arg8[%swap3A_52] {strides = array<i32>} : memref<64xi32, #tpu.memory_space<vmem>>, vector<16xi32>,
    tpu.vector_store %arg8[%swap3A_52], %gather3A_51 {strides = array<i32>} : memref<64xi32, #tpu.memory_space<vmem>>, vector<16xi32>,
    %mul3A_54 = arith.constant 2 : i32
    %mul3A_55 = vector.broadcast %mul3A_54 : i32 to vector<16xi32>
    %mul3A_56 = arith.muli %iota3A, %mul3A_55 : vector<16xi32>
    %add3A_57 = arith.constant 64 : i32
    %add3A_58 = vector.broadcast %add3A_57 : i32 to vector<16xi32>
    %add3A_59 = arith.addi %add3A_58, %mul3A_56 : vector<16xi32>
    %add3A_60 = arith.constant 1 : i32
    %add3A_61 = vector.broadcast %add3A_60 : i32 to vector<16xi32>
    %add3A_62 = arith.addi %add3A_59, %add3A_61 : vector<16xi32>
    %gather3A_63 = tpu.vector_load_idx %arg6[%add3A_62] : memref<128xi32, #tpu.memory_space<vmem>>[vector<16xi32>], vector<16xi32>,
    %swap3A_64 = arith.constant 32 : index
    %swap3A_65 = tpu.vector_load %arg9[%swap3A_64] {strides = array<i32>} : memref<64xi32, #tpu.memory_space<vmem>>, vector<16xi32>,
    tpu.vector_store %arg9[%swap3A_64], %gather3A_63 {strides = array<i32>} : memref<64xi32, #tpu.memory_space<vmem>>, vector<16xi32>,
    %mul3A_66 = arith.constant 2 : i32
    %mul3A_67 = vector.broadcast %mul3A_66 : i32 to vector<16xi32>
    %mul3A_68 = arith.muli %iota3A, %mul3A_67 : vector<16xi32>
    %add3A_69 = arith.constant 96 : i32
    %add3A_70 = vector.broadcast %add3A_69 : i32 to vector<16xi32>
    %add3A_71 = arith.addi %add3A_70, %mul3A_68 : vector<16xi32>
    %gather3A_72 = tpu.vector_load_idx %arg6[%add3A_71] : memref<128xi32, #tpu.memory_space<vmem>>[vector<16xi32>], vector<16xi32>,
    %swap3A_73 = arith.constant 48 : index
    %swap3A_74 = tpu.vector_load %arg8[%swap3A_73] {strides = array<i32>} : memref<64xi32, #tpu.memory_space<vmem>>, vector<16xi32>,
    tpu.vector_store %arg8[%swap3A_73], %gather3A_72 {strides = array<i32>} : memref<64xi32, #tpu.memory_space<vmem>>, vector<16xi32>,
    %mul3A_75 = arith.constant 2 : i32
    %mul3A_76 = vector.broadcast %mul3A_75 : i32 to vector<16xi32>
    %mul3A_77 = arith.muli %iota3A, %mul3A_76 : vector<16xi32>
    %add3A_78 = arith.constant 96 : i32
    %add3A_79 = vector.broadcast %add3A_78 : i32 to vector<16xi32>
    %add3A_80 = arith.addi %add3A_79, %mul3A_77 : vector<16xi32>
    %add3A_81 = arith.constant 1 : i32
    %add3A_82 = vector.broadcast %add3A_81 : i32 to vector<16xi32>
    %add3A_83 = arith.addi %add3A_80, %add3A_82 : vector<16xi32>
    %gather3A_84 = tpu.vector_load_idx %arg6[%add3A_83] : memref<128xi32, #tpu.memory_space<vmem>>[vector<16xi32>], vector<16xi32>,
    %swap3A_85 = arith.constant 48 : index
    %swap3A_86 = tpu.vector_load %arg9[%swap3A_85] {strides = array<i32>} : memref<64xi32, #tpu.memory_space<vmem>>, vector<16xi32>,
    tpu.vector_store %arg9[%swap3A_85], %gather3A_84 {strides = array<i32>} : memref<64xi32, #tpu.memory_space<vmem>>, vector<16xi32>,
    %dma_start3A = arith.constant 0 : i32
    %dma_start3A_87 = arith.constant 0 : i32
    %dma_start3A_88 = tpu.memref_slice %arg2[%dma_start3A, %dma_start3A_87] : memref<8192x768xf32, #tpu.memory_space<hbm>> -> memref<8192x768xf32, #tpu.memory_space<hbm>>
    tpu.enqueue_indirect_dma source(%dma_start3A_88 : memref<8192x768xf32, #tpu.memory_space<hbm>>) target(%arg10 : memref<64x768xf32, #tpu.memory_space<vmem>>) offsets(%arg8 : memref<64xi32, #tpu.memory_space<vmem>>) semaphore(%arg12 : memref<!tpu.dma_semaphore, #tpu.memory_space<semaphore_mem>>)
    %dma_start3A_89 = arith.constant 0 : i32
    %dma_start3A_90 = arith.constant 0 : i32
    %dma_start3A_91 = tpu.memref_slice %arg2[%dma_start3A_89, %dma_start3A_90] : memref<8192x768xf32, #tpu.memory_space<hbm>> -> memref<8192x768xf32, #tpu.memory_space<hbm>>
    tpu.enqueue_indirect_dma source(%dma_start3A_91 : memref<8192x768xf32, #tpu.memory_space<hbm>>) target(%arg11 : memref<64x768xf32, #tpu.memory_space<vmem>>) offsets(%arg9 : memref<64xi32, #tpu.memory_space<vmem>>) semaphore(%arg12 : memref<!tpu.dma_semaphore, #tpu.memory_space<semaphore_mem>>)
    %dma_wait3A = arith.constant 0 : i32
    %dma_wait3A_92 = arith.constant 0 : i32
    %dma_wait3A_93 = tpu.memref_slice %arg2[%dma_wait3A, %dma_wait3A_92] : memref<8192x768xf32, #tpu.memory_space<hbm>> -> memref<8192x768xf32, #tpu.memory_space<hbm>>
    tpu.wait_indirect_dma semaphore(%arg12 : memref<!tpu.dma_semaphore, #tpu.memory_space<semaphore_mem>>) src(%dma_wait3A_93 : memref<8192x768xf32, #tpu.memory_space<hbm>>) dst(%arg10 : memref<64x768xf32, #tpu.memory_space<vmem>>)
    %dma_wait3A_94 = arith.constant 0 : i32
    %dma_wait3A_95 = arith.constant 0 : i32
    %dma_wait3A_96 = tpu.memref_slice %arg2[%dma_wait3A_94, %dma_wait3A_95] : memref<8192x768xf32, #tpu.memory_space<hbm>> -> memref<8192x768xf32, #tpu.memory_space<hbm>>
    tpu.wait_indirect_dma semaphore(%arg12 : memref<!tpu.dma_semaphore, #tpu.memory_space<semaphore_mem>>) src(%dma_wait3A_96 : memref<8192x768xf32, #tpu.memory_space<hbm>>) dst(%arg11 : memref<64x768xf32, #tpu.memory_space<vmem>>)
    %scan3A = arith.constant 0 : i32
    %scan3A_97 = arith.constant 0 : i32
    %scan3A_98 = arith.constant 64 : i32
    %scan3A_99 = arith.addi %scan3A_97, %scan3A_98 : i32
    %scan3A_100 = arith.constant 1 : i32
    scf.for %scan3A_104 = %scan3A_97 to %scan3A_99 step %scan3A_100  : i32 {
      %mul3A_105 = arith.constant 2 : i32
      %mul3A_106 = arith.muli %mul3A_105, %scan3A_104 : i32
      %get3A = arith.index_cast %mul3A_106 : i32 to index
      %get3A_107 = tpu.vector_load %arg7[%get3A] {strides = array<i32>} : memref<144xf32, #tpu.memory_space<vmem>>, vector<16xf32>,
      %slice3A = vector.extract_strided_slice %get3A_107 {offsets = [0], sizes = [1], strides = [1]} : vector<16xf32> to vector<1xf32>
      %squeeze3A = vector.extract %slice3A[0] : f32 from vector<1xf32>
      %slice3A_108 = vector.extract_strided_slice %get3A_107 {offsets = [1], sizes = [1], strides = [1]} : vector<16xf32> to vector<1xf32>
      %squeeze3A_109 = vector.extract %slice3A_108[0] : f32 from vector<1xf32>
      %get3A_110 = arith.index_cast %scan3A_104 : i32 to index
      %get3A_111 = arith.constant 0 : index
      %get3A_112 = tpu.vector_load %arg10[%get3A_110, %get3A_111] {strides = array<i32>} : memref<64x768xf32, #tpu.memory_space<vmem>>, vector<16xf32>,
      %mul3A_113 = vector.broadcast %squeeze3A : f32 to vector<16xf32>
      %mul3A_114 = arith.mulf %mul3A_113, %get3A_112 : vector<16xf32>
      %get3A_115 = arith.index_cast %scan3A_104 : i32 to index
      %get3A_116 = arith.constant 0 : index
      %get3A_117 = tpu.vector_load %arg11[%get3A_115, %get3A_116] {strides = array<i32>} : memref<64x768xf32, #tpu.memory_space<vmem>>, vector<16xf32>,
      %mul3A_118 = vector.broadcast %squeeze3A_109 : f32 to vector<16xf32>
      %mul3A_119 = arith.mulf %mul3A_118, %get3A_117 : vector<16xf32>
      %add3A_120 = arith.addf %mul3A_114, %mul3A_119 : vector<16xf32>
      %swap3A_121 = arith.index_cast %scan3A_104 : i32 to index
      %swap3A_122 = arith.constant 0 : index
      %swap3A_123 = tpu.vector_load %arg10[%swap3A_121, %swap3A_122] {strides = array<i32>} : memref<64x768xf32, #tpu.memory_space<vmem>>, vector<16xf32>,
      tpu.vector_store %arg10[%swap3A_121, %swap3A_122], %add3A_120 {strides = array<i32>} : memref<64x768xf32, #tpu.memory_space<vmem>>, vector<16xf32>,
      %get3A_124 = arith.index_cast %scan3A_104 : i32 to index
      %get3A_125 = arith.constant 16 : index
      %get3A_126 = tpu.vector_load %arg10[%get3A_124, %get3A_125] {strides = array<i32>} : memref<64x768xf32, #tpu.memory_space<vmem>>, vector<16xf32>,
      %mul3A_127 = vector.broadcast %squeeze3A : f32 to vector<16xf32>
      %mul3A_128 = arith.mulf %mul3A_127, %get3A_126 : vector<16xf32>
      %get3A_129 = arith.index_cast %scan3A_104 : i32 to index
      %get3A_130 = arith.constant 16 : index
      %get3A_131 = tpu.vector_load %arg11[%get3A_129, %get3A_130] {strides = array<i32>} : memref<64x768xf32, #tpu.memory_space<vmem>>, vector<16xf32>,
      %mul3A_132 = vector.broadcast %squeeze3A_109 : f32 to vector<16xf32>
      %mul3A_133 = arith.mulf %mul3A_132, %get3A_131 : vector<16xf32>
      %add3A_134 = arith.addf %mul3A_128, %mul3A_133 : vector<16xf32>
      %swap3A_135 = arith.index_cast %scan3A_104 : i32 to index
      %swap3A_136 = arith.constant 16 : index
      %swap3A_137 = tpu.vector_load %arg10[%swap3A_135, %swap3A_136] {strides = array<i32>} : memref<64x768xf32, #tpu.memory_space<vmem>>, vector<16xf32>,
      tpu.vector_store %arg10[%swap3A_135, %swap3A_136], %add3A_134 {strides = array<i32>} : memref<64x768xf32, #tpu.memory_space<vmem>>, vector<16xf32>,
      %get3A_138 = arith.index_cast %scan3A_104 : i32 to index
      %get3A_139 = arith.constant 32 : index
      %get3A_140 = tpu.vector_load %arg10[%get3A_138, %get3A_139] {strides = array<i32>} : memref<64x768xf32, #tpu.memory_space<vmem>>, vector<16xf32>,
      %mul3A_141 = vector.broadcast %squeeze3A : f32 to vector<16xf32>
      %mul3A_142 = arith.mulf %mul3A_141, %get3A_140 : vector<16xf32>
      %get3A_143 = arith.index_cast %scan3A_104 : i32 to index
      %get3A_144 = arith.constant 32 : index
      %get3A_145 = tpu.vector_load %arg11[%get3A_143, %get3A_144] {strides = array<i32>} : memref<64x768xf32, #tpu.memory_space<vmem>>, vector<16xf32>,
      %mul3A_146 = vector.broadcast %squeeze3A_109 : f32 to vector<16xf32>
      %mul3A_147 = arith.mulf %mul3A_146, %get3A_145 : vector<16xf32>
      %add3A_148 = arith.addf %mul3A_142, %mul3A_147 : vector<16xf32>
      %swap3A_149 = arith.index_cast %scan3A_104 : i32 to index
      %swap3A_150 = arith.constant 32 : index
      %swap3A_151 = tpu.vector_load %arg10[%swap3A_149, %swap3A_150] {strides = array<i32>} : memref<64x768xf32, #tpu.memory_space<vmem>>, vector<16xf32>,
      tpu.vector_store %arg10[%swap3A_149, %swap3A_150], %add3A_148 {strides = array<i32>} : memref<64x768xf32, #tpu.memory_space<vmem>>, vector<16xf32>,
      %get3A_152 = arith.index_cast %scan3A_104 : i32 to index
      %get3A_153 = arith.constant 48 : index
      %get3A_154 = tpu.vector_load %arg10[%get3A_152, %get3A_153] {strides = array<i32>} : memref<64x768xf32, #tpu.memory_space<vmem>>, vector<16xf32>,
      %mul3A_155 = vector.broadcast %squeeze3A : f32 to vector<16xf32>
      %mul3A_156 = arith.mulf %mul3A_155, %get3A_154 : vector<16xf32>
      %get3A_157 = arith.index_cast %scan3A_104 : i32 to index
      %get3A_158 = arith.constant 48 : index
      %get3A_159 = tpu.vector_load %arg11[%get3A_157, %get3A_158] {strides = array<i32>} : memref<64x768xf32, #tpu.memory_space<vmem>>, vector<16xf32>,
      %mul3A_160 = vector.broadcast %squeeze3A_109 : f32 to vector<16xf32>
      %mul3A_161 = arith.mulf %mul3A_160, %get3A_159 : vector<16xf32>
      %add3A_162 = arith.addf %mul3A_156, %mul3A_161 : vector<16xf32>
      %swap3A_163 = arith.index_cast %scan3A_104 : i32 to index
      %swap3A_164 = arith.constant 48 : index
      %swap3A_165 = tpu.vector_load %arg10[%swap3A_163, %swap3A_164] {strides = array<i32>} : memref<64x768xf32, #tpu.memory_space<vmem>>, vector<16xf32>,
      tpu.vector_store %arg10[%swap3A_163, %swap3A_164], %add3A_162 {strides = array<i32>} : memref<64x768xf32, #tpu.memory_space<vmem>>, vector<16xf32>,
      %get3A_166 = arith.index_cast %scan3A_104 : i32 to index
      %get3A_167 = arith.constant 64 : index
      %get3A_168 = tpu.vector_load %arg10[%get3A_166, %get3A_167] {strides = array<i32>} : memref<64x768xf32, #tpu.memory_space<vmem>>, vector<16xf32>,
      %mul3A_169 = vector.broadcast %squeeze3A : f32 to vector<16xf32>
      %mul3A_170 = arith.mulf %mul3A_169, %get3A_168 : vector<16xf32>
      %get3A_171 = arith.index_cast %scan3A_104 : i32 to index
      %get3A_172 = arith.constant 64 : index
      %get3A_173 = tpu.vector_load %arg11[%get3A_171, %get3A_172] {strides = array<i32>} : memref<64x768xf32, #tpu.memory_space<vmem>>, vector<16xf32>,
      %mul3A_174 = vector.broadcast %squeeze3A_109 : f32 to vector<16xf32>
      %mul3A_175 = arith.mulf %mul3A_174, %get3A_173 : vector<16xf32>
      %add3A_176 = arith.addf %mul3A_170, %mul3A_175 : vector<16xf32>
      %swap3A_177 = arith.index_cast %scan3A_104 : i32 to index
      %swap3A_178 = arith.constant 64 : index
      %swap3A_179 = tpu.vector_load %arg10[%swap3A_177, %swap3A_178] {strides = array<i32>} : memref<64x768xf32, #tpu.memory_space<vmem>>, vector<16xf32>,
      tpu.vector_store %arg10[%swap3A_177, %swap3A_178], %add3A_176 {strides = array<i32>} : memref<64x768xf32, #tpu.memory_space<vmem>>, vector<16xf32>,
      %get3A_180 = arith.index_cast %scan3A_104 : i32 to index
      %get3A_181 = arith.constant 80 : index
      %get3A_182 = tpu.vector_load %arg10[%get3A_180, %get3A_181] {strides = array<i32>} : memref<64x768xf32, #tpu.memory_space<vmem>>, vector<16xf32>,
      %mul3A_183 = vector.broadcast %squeeze3A : f32 to vector<16xf32>
      %mul3A_184 = arith.mulf %mul3A_183, %get3A_182 : vector<16xf32>
      %get3A_185 = arith.index_cast %scan3A_104 : i32 to index
      %get3A_186 = arith.constant 80 : index
      %get3A_187 = tpu.vector_load %arg11[%get3A_185, %get3A_186] {strides = array<i32>} : memref<64x768xf32, #tpu.memory_space<vmem>>, vector<16xf32>,
      %mul3A_188 = vector.broadcast %squeeze3A_109 : f32 to vector<16xf32>
      %mul3A_189 = arith.mulf %mul3A_188, %get3A_187 : vector<16xf32>
      %add3A_190 = arith.addf %mul3A_184, %mul3A_189 : vector<16xf32>
      %swap3A_191 = arith.index_cast %scan3A_104 : i32 to index
      %swap3A_192 = arith.constant 80 : index
      %swap3A_193 = tpu.vector_load %arg10[%swap3A_191, %swap3A_192] {strides = array<i32>} : memref<64x768xf32, #tpu.memory_space<vmem>>, vector<16xf32>,
      tpu.vector_store %arg10[%swap3A_191, %swap3A_192], %add3A_190 {strides = array<i32>} : memref<64x768xf32, #tpu.memory_space<vmem>>, vector<16xf32>,
      %get3A_194 = arith.index_cast %scan3A_104 : i32 to index
      %get3A_195 = arith.constant 96 : index
      %get3A_196 = tpu.vector_load %arg10[%get3A_194, %get3A_195] {strides = array<i32>} : memref<64x768xf32, #tpu.memory_space<vmem>>, vector<16xf32>,
      %mul3A_197 = vector.broadcast %squeeze3A : f32 to vector<16xf32>
      %mul3A_198 = arith.mulf %mul3A_197, %get3A_196 : vector<16xf32>
      %get3A_199 = arith.index_cast %scan3A_104 : i32 to index
      %get3A_200 = arith.constant 96 : index
      %get3A_201 = tpu.vector_load %arg11[%get3A_199, %get3A_200] {strides = array<i32>} : memref<64x768xf32, #tpu.memory_space<vmem>>, vector<16xf32>,
      %mul3A_202 = vector.broadcast %squeeze3A_109 : f32 to vector<16xf32>
      %mul3A_203 = arith.mulf %mul3A_202, %get3A_201 : vector<16xf32>
      %add3A_204 = arith.addf %mul3A_198, %mul3A_203 : vector<16xf32>
      %swap3A_205 = arith.index_cast %scan3A_104 : i32 to index
      %swap3A_206 = arith.constant 96 : index
      %swap3A_207 = tpu.vector_load %arg10[%swap3A_205, %swap3A_206] {strides = array<i32>} : memref<64x768xf32, #tpu.memory_space<vmem>>, vector<16xf32>,
      tpu.vector_store %arg10[%swap3A_205, %swap3A_206], %add3A_204 {strides = array<i32>} : memref<64x768xf32, #tpu.memory_space<vmem>>, vector<16xf32>,
      %get3A_208 = arith.index_cast %scan3A_104 : i32 to index
      %get3A_209 = arith.constant 112 : index
      %get3A_210 = tpu.vector_load %arg10[%get3A_208, %get3A_209] {strides = array<i32>} : memref<64x768xf32, #tpu.memory_space<vmem>>, vector<16xf32>,
      %mul3A_211 = vector.broadcast %squeeze3A : f32 to vector<16xf32>
      %mul3A_212 = arith.mulf %mul3A_211, %get3A_210 : vector<16xf32>
      %get3A_213 = arith.index_cast %scan3A_104 : i32 to index
      %get3A_214 = arith.constant 112 : index
      %get3A_215 = tpu.vector_load %arg11[%get3A_213, %get3A_214] {strides = array<i32>} : memref<64x768xf32, #tpu.memory_space<vmem>>, vector<16xf32>,
      %mul3A_216 = vector.broadcast %squeeze3A_109 : f32 to vector<16xf32>
      %mul3A_217 = arith.mulf %mul3A_216, %get3A_215 : vector<16xf32>
      %add3A_218 = arith.addf %mul3A_212, %mul3A_217 : vector<16xf32>
      %swap3A_219 = arith.index_cast %scan3A_104 : i32 to index
      %swap3A_220 = arith.constant 112 : index
      %swap3A_221 = tpu.vector_load %arg10[%swap3A_219, %swap3A_220] {strides = array<i32>} : memref<64x768xf32, #tpu.memory_space<vmem>>, vector<16xf32>,
      tpu.vector_store %arg10[%swap3A_219, %swap3A_220], %add3A_218 {strides = array<i32>} : memref<64x768xf32, #tpu.memory_space<vmem>>, vector<16xf32>,
      %get3A_222 = arith.index_cast %scan3A_104 : i32 to index
      %get3A_223 = arith.constant 128 : index
      %get3A_224 = tpu.vector_load %arg10[%get3A_222, %get3A_223] {strides = array<i32>} : memref<64x768xf32, #tpu.memory_space<vmem>>, vector<16xf32>,
      %mul3A_225 = vector.broadcast %squeeze3A : f32 to vector<16xf32>
      %mul3A_226 = arith.mulf %mul3A_225, %get3A_224 : vector<16xf32>
      %get3A_227 = arith.index_cast %scan3A_104 : i32 to index
      %get3A_228 = arith.constant 128 : index
      %get3A_229 = tpu.vector_load %arg11[%get3A_227, %get3A_228] {strides = array<i32>} : memref<64x768xf32, #tpu.memory_space<vmem>>, vector<16xf32>,
      %mul3A_230 = vector.broadcast %squeeze3A_109 : f32 to vector<16xf32>
      %mul3A_231 = arith.mulf %mul3A_230, %get3A_229 : vector<16xf32>
      %add3A_232 = arith.addf %mul3A_226, %mul3A_231 : vector<16xf32>
      %swap3A_233 = arith.index_cast %scan3A_104 : i32 to index
      %swap3A_234 = arith.constant 128 : index
      %swap3A_235 = tpu.vector_load %arg10[%swap3A_233, %swap3A_234] {strides = array<i32>} : memref<64x768xf32, #tpu.memory_space<vmem>>, vector<16xf32>,
      tpu.vector_store %arg10[%swap3A_233, %swap3A_234], %add3A_232 {strides = array<i32>} : memref<64x768xf32, #tpu.memory_space<vmem>>, vector<16xf32>,
      %get3A_236 = arith.index_cast %scan3A_104 : i32 to index
      %get3A_237 = arith.constant 144 : index
      %get3A_238 = tpu.vector_load %arg10[%get3A_236, %get3A_237] {strides = array<i32>} : memref<64x768xf32, #tpu.memory_space<vmem>>, vector<16xf32>,
      %mul3A_239 = vector.broadcast %squeeze3A : f32 to vector<16xf32>
      %mul3A_240 = arith.mulf %mul3A_239, %get3A_238 : vector<16xf32>
      %get3A_241 = arith.index_cast %scan3A_104 : i32 to index
      %get3A_242 = arith.constant 144 : index
      %get3A_243 = tpu.vector_load %arg11[%get3A_241, %get3A_242] {strides = array<i32>} : memref<64x768xf32, #tpu.memory_space<vmem>>, vector<16xf32>,
      %mul3A_244 = vector.broadcast %squeeze3A_109 : f32 to vector<16xf32>
      %mul3A_245 = arith.mulf %mul3A_244, %get3A_243 : vector<16xf32>
      %add3A_246 = arith.addf %mul3A_240, %mul3A_245 : vector<16xf32>
      %swap3A_247 = arith.index_cast %scan3A_104 : i32 to index
      %swap3A_248 = arith.constant 144 : index
      %swap3A_249 = tpu.vector_load %arg10[%swap3A_247, %swap3A_248] {strides = array<i32>} : memref<64x768xf32, #tpu.memory_space<vmem>>, vector<16xf32>,
      tpu.vector_store %arg10[%swap3A_247, %swap3A_248], %add3A_246 {strides = array<i32>} : memref<64x768xf32, #tpu.memory_space<vmem>>, vector<16xf32>,
      %get3A_250 = arith.index_cast %scan3A_104 : i32 to index
      %get3A_251 = arith.constant 160 : index
      %get3A_252 = tpu.vector_load %arg10[%get3A_250, %get3A_251] {strides = array<i32>} : memref<64x768xf32, #tpu.memory_space<vmem>>, vector<16xf32>,
      %mul3A_253 = vector.broadcast %squeeze3A : f32 to vector<16xf32>
      %mul3A_254 = arith.mulf %mul3A_253, %get3A_252 : vector<16xf32>
      %get3A_255 = arith.index_cast %scan3A_104 : i32 to index
      %get3A_256 = arith.constant 160 : index
      %get3A_257 = tpu.vector_load %arg11[%get3A_255, %get3A_256] {strides = array<i32>} : memref<64x768xf32, #tpu.memory_space<vmem>>, vector<16xf32>,
      %mul3A_258 = vector.broadcast %squeeze3A_109 : f32 to vector<16xf32>
      %mul3A_259 = arith.mulf %mul3A_258, %get3A_257 : vector<16xf32>
      %add3A_260 = arith.addf %mul3A_254, %mul3A_259 : vector<16xf32>
      %swap3A_261 = arith.index_cast %scan3A_104 : i32 to index
      %swap3A_262 = arith.constant 160 : index
      %swap3A_263 = tpu.vector_load %arg10[%swap3A_261, %swap3A_262] {strides = array<i32>} : memref<64x768xf32, #tpu.memory_space<vmem>>, vector<16xf32>,
      tpu.vector_store %arg10[%swap3A_261, %swap3A_262], %add3A_260 {strides = array<i32>} : memref<64x768xf32, #tpu.memory_space<vmem>>, vector<16xf32>,
      %get3A_264 = arith.index_cast %scan3A_104 : i32 to index
      %get3A_265 = arith.constant 176 : index
      %get3A_266 = tpu.vector_load %arg10[%get3A_264, %get3A_265] {strides = array<i32>} : memref<64x768xf32, #tpu.memory_space<vmem>>, vector<16xf32>,
      %mul3A_267 = vector.broadcast %squeeze3A : f32 to vector<16xf32>
      %mul3A_268 = arith.mulf %mul3A_267, %get3A_266 : vector<16xf32>
      %get3A_269 = arith.index_cast %scan3A_104 : i32 to index
      %get3A_270 = arith.constant 176 : index
      %get3A_271 = tpu.vector_load %arg11[%get3A_269, %get3A_270] {strides = array<i32>} : memref<64x768xf32, #tpu.memory_space<vmem>>, vector<16xf32>,
      %mul3A_272 = vector.broadcast %squeeze3A_109 : f32 to vector<16xf32>
      %mul3A_273 = arith.mulf %mul3A_272, %get3A_271 : vector<16xf32>
      %add3A_274 = arith.addf %mul3A_268, %mul3A_273 : vector<16xf32>
      %swap3A_275 = arith.index_cast %scan3A_104 : i32 to index
      %swap3A_276 = arith.constant 176 : index
      %swap3A_277 = tpu.vector_load %arg10[%swap3A_275, %swap3A_276] {strides = array<i32>} : memref<64x768xf32, #tpu.memory_space<vmem>>, vector<16xf32>,
      tpu.vector_store %arg10[%swap3A_275, %swap3A_276], %add3A_274 {strides = array<i32>} : memref<64x768xf32, #tpu.memory_space<vmem>>, vector<16xf32>,
      %get3A_278 = arith.index_cast %scan3A_104 : i32 to index
      %get3A_279 = arith.constant 192 : index
      %get3A_280 = tpu.vector_load %arg10[%get3A_278, %get3A_279] {strides = array<i32>} : memref<64x768xf32, #tpu.memory_space<vmem>>, vector<16xf32>,
      %mul3A_281 = vector.broadcast %squeeze3A : f32 to vector<16xf32>
      %mul3A_282 = arith.mulf %mul3A_281, %get3A_280 : vector<16xf32>
      %get3A_283 = arith.index_cast %scan3A_104 : i32 to index
      %get3A_284 = arith.constant 192 : index
      %get3A_285 = tpu.vector_load %arg11[%get3A_283, %get3A_284] {strides = array<i32>} : memref<64x768xf32, #tpu.memory_space<vmem>>, vector<16xf32>,
      %mul3A_286 = vector.broadcast %squeeze3A_109 : f32 to vector<16xf32>
      %mul3A_287 = arith.mulf %mul3A_286, %get3A_285 : vector<16xf32>
      %add3A_288 = arith.addf %mul3A_282, %mul3A_287 : vector<16xf32>
      %swap3A_289 = arith.index_cast %scan3A_104 : i32 to index
      %swap3A_290 = arith.constant 192 : index
      %swap3A_291 = tpu.vector_load %arg10[%swap3A_289, %swap3A_290] {strides = array<i32>} : memref<64x768xf32, #tpu.memory_space<vmem>>, vector<16xf32>,
      tpu.vector_store %arg10[%swap3A_289, %swap3A_290], %add3A_288 {strides = array<i32>} : memref<64x768xf32, #tpu.memory_space<vmem>>, vector<16xf32>,
      %get3A_292 = arith.index_cast %scan3A_104 : i32 to index
      %get3A_293 = arith.constant 208 : index
      %get3A_294 = tpu.vector_load %arg10[%get3A_292, %get3A_293] {strides = array<i32>} : memref<64x768xf32, #tpu.memory_space<vmem>>, vector<16xf32>,
      %mul3A_295 = vector.broadcast %squeeze3A : f32 to vector<16xf32>
      %mul3A_296 = arith.mulf %mul3A_295, %get3A_294 : vector<16xf32>
      %get3A_297 = arith.index_cast %scan3A_104 : i32 to index
      %get3A_298 = arith.constant 208 : index
      %get3A_299 = tpu.vector_load %arg11[%get3A_297, %get3A_298] {strides = array<i32>} : memref<64x768xf32, #tpu.memory_space<vmem>>, vector<16xf32>,
      %mul3A_300 = vector.broadcast %squeeze3A_109 : f32 to vector<16xf32>
      %mul3A_301 = arith.mulf %mul3A_300, %get3A_299 : vector<16xf32>
      %add3A_302 = arith.addf %mul3A_296, %mul3A_301 : vector<16xf32>
      %swap3A_303 = arith.index_cast %scan3A_104 : i32 to index
      %swap3A_304 = arith.constant 208 : index
      %swap3A_305 = tpu.vector_load %arg10[%swap3A_303, %swap3A_304] {strides = array<i32>} : memref<64x768xf32, #tpu.memory_space<vmem>>, vector<16xf32>,
      tpu.vector_store %arg10[%swap3A_303, %swap3A_304], %add3A_302 {strides = array<i32>} : memref<64x768xf32, #tpu.memory_space<vmem>>, vector<16xf32>,
      %get3A_306 = arith.index_cast %scan3A_104 : i32 to index
      %get3A_307 = arith.constant 224 : index
      %get3A_308 = tpu.vector_load %arg10[%get3A_306, %get3A_307] {strides = array<i32>} : memref<64x768xf32, #tpu.memory_space<vmem>>, vector<16xf32>,
      %mul3A_309 = vector.broadcast %squeeze3A : f32 to vector<16xf32>
      %mul3A_310 = arith.mulf %mul3A_309, %get3A_308 : vector<16xf32>
      %get3A_311 = arith.index_cast %scan3A_104 : i32 to index
      %get3A_312 = arith.constant 224 : index
      %get3A_313 = tpu.vector_load %arg11[%get3A_311, %get3A_312] {strides = array<i32>} : memref<64x768xf32, #tpu.memory_space<vmem>>, vector<16xf32>,
      %mul3A_314 = vector.broadcast %squeeze3A_109 : f32 to vector<16xf32>
      %mul3A_315 = arith.mulf %mul3A_314, %get3A_313 : vector<16xf32>
      %add3A_316 = arith.addf %mul3A_310, %mul3A_315 : vector<16xf32>
      %swap3A_317 = arith.index_cast %scan3A_104 : i32 to index
      %swap3A_318 = arith.constant 224 : index
      %swap3A_319 = tpu.vector_load %arg10[%swap3A_317, %swap3A_318] {strides = array<i32>} : memref<64x768xf32, #tpu.memory_space<vmem>>, vector<16xf32>,
      tpu.vector_store %arg10[%swap3A_317, %swap3A_318], %add3A_316 {strides = array<i32>} : memref<64x768xf32, #tpu.memory_space<vmem>>, vector<16xf32>,
      %get3A_320 = arith.index_cast %scan3A_104 : i32 to index
      %get3A_321 = arith.constant 240 : index
      %get3A_322 = tpu.vector_load %arg10[%get3A_320, %get3A_321] {strides = array<i32>} : memref<64x768xf32, #tpu.memory_space<vmem>>, vector<16xf32>,
      %mul3A_323 = vector.broadcast %squeeze3A : f32 to vector<16xf32>
      %mul3A_324 = arith.mulf %mul3A_323, %get3A_322 : vector<16xf32>
      %get3A_325 = arith.index_cast %scan3A_104 : i32 to index
      %get3A_326 = arith.constant 240 : index
      %get3A_327 = tpu.vector_load %arg11[%get3A_325, %get3A_326] {strides = array<i32>} : memref<64x768xf32, #tpu.memory_space<vmem>>, vector<16xf32>,
      %mul3A_328 = vector.broadcast %squeeze3A_109 : f32 to vector<16xf32>
      %mul3A_329 = arith.mulf %mul3A_328, %get3A_327 : vector<16xf32>
      %add3A_330 = arith.addf %mul3A_324, %mul3A_329 : vector<16xf32>
      %swap3A_331 = arith.index_cast %scan3A_104 : i32 to index
      %swap3A_332 = arith.constant 240 : index
      %swap3A_333 = tpu.vector_load %arg10[%swap3A_331, %swap3A_332] {strides = array<i32>} : memref<64x768xf32, #tpu.memory_space<vmem>>, vector<16xf32>,
      tpu.vector_store %arg10[%swap3A_331, %swap3A_332], %add3A_330 {strides = array<i32>} : memref<64x768xf32, #tpu.memory_space<vmem>>, vector<16xf32>,
      %get3A_334 = arith.index_cast %scan3A_104 : i32 to index
      %get3A_335 = arith.constant 256 : index
      %get3A_336 = tpu.vector_load %arg10[%get3A_334, %get3A_335] {strides = array<i32>} : memref<64x768xf32, #tpu.memory_space<vmem>>, vector<16xf32>,
      %mul3A_337 = vector.broadcast %squeeze3A : f32 to vector<16xf32>
      %mul3A_338 = arith.mulf %mul3A_337, %get3A_336 : vector<16xf32>
      %get3A_339 = arith.index_cast %scan3A_104 : i32 to index
      %get3A_340 = arith.constant 256 : index
      %get3A_341 = tpu.vector_load %arg11[%get3A_339, %get3A_340] {strides = array<i32>} : memref<64x768xf32, #tpu.memory_space<vmem>>, vector<16xf32>,
      %mul3A_342 = vector.broadcast %squeeze3A_109 : f32 to vector<16xf32>
      %mul3A_343 = arith.mulf %mul3A_342, %get3A_341 : vector<16xf32>
      %add3A_344 = arith.addf %mul3A_338, %mul3A_343 : vector<16xf32>
      %swap3A_345 = arith.index_cast %scan3A_104 : i32 to index
      %swap3A_346 = arith.constant 256 : index
      %swap3A_347 = tpu.vector_load %arg10[%swap3A_345, %swap3A_346] {strides = array<i32>} : memref<64x768xf32, #tpu.memory_space<vmem>>, vector<16xf32>,
      tpu.vector_store %arg10[%swap3A_345, %swap3A_346], %add3A_344 {strides = array<i32>} : memref<64x768xf32, #tpu.memory_space<vmem>>, vector<16xf32>,
      %get3A_348 = arith.index_cast %scan3A_104 : i32 to index
      %get3A_349 = arith.constant 272 : index
      %get3A_350 = tpu.vector_load %arg10[%get3A_348, %get3A_349] {strides = array<i32>} : memref<64x768xf32, #tpu.memory_space<vmem>>, vector<16xf32>,
      %mul3A_351 = vector.broadcast %squeeze3A : f32 to vector<16xf32>
      %mul3A_352 = arith.mulf %mul3A_351, %get3A_350 : vector<16xf32>
      %get3A_353 = arith.index_cast %scan3A_104 : i32 to index
      %get3A_354 = arith.constant 272 : index
      %get3A_355 = tpu.vector_load %arg11[%get3A_353, %get3A_354] {strides = array<i32>} : memref<64x768xf32, #tpu.memory_space<vmem>>, vector<16xf32>,
      %mul3A_356 = vector.broadcast %squeeze3A_109 : f32 to vector<16xf32>
      %mul3A_357 = arith.mulf %mul3A_356, %get3A_355 : vector<16xf32>
      %add3A_358 = arith.addf %mul3A_352, %mul3A_357 : vector<16xf32>
      %swap3A_359 = arith.index_cast %scan3A_104 : i32 to index
      %swap3A_360 = arith.constant 272 : index
      %swap3A_361 = tpu.vector_load %arg10[%swap3A_359, %swap3A_360] {strides = array<i32>} : memref<64x768xf32, #tpu.memory_space<vmem>>, vector<16xf32>,
      tpu.vector_store %arg10[%swap3A_359, %swap3A_360], %add3A_358 {strides = array<i32>} : memref<64x768xf32, #tpu.memory_space<vmem>>, vector<16xf32>,
      %get3A_362 = arith.index_cast %scan3A_104 : i32 to index
      %get3A_363 = arith.constant 288 : index
      %get3A_364 = tpu.vector_load %arg10[%get3A_362, %get3A_363] {strides = array<i32>} : memref<64x768xf32, #tpu.memory_space<vmem>>, vector<16xf32>,
      %mul3A_365 = vector.broadcast %squeeze3A : f32 to vector<16xf32>
      %mul3A_366 = arith.mulf %mul3A_365, %get3A_364 : vector<16xf32>
      %get3A_367 = arith.index_cast %scan3A_104 : i32 to index
      %get3A_368 = arith.constant 288 : index
      %get3A_369 = tpu.vector_load %arg11[%get3A_367, %get3A_368] {strides = array<i32>} : memref<64x768xf32, #tpu.memory_space<vmem>>, vector<16xf32>,
      %mul3A_370 = vector.broadcast %squeeze3A_109 : f32 to vector<16xf32>
      %mul3A_371 = arith.mulf %mul3A_370, %get3A_369 : vector<16xf32>
      %add3A_372 = arith.addf %mul3A_366, %mul3A_371 : vector<16xf32>
      %swap3A_373 = arith.index_cast %scan3A_104 : i32 to index
      %swap3A_374 = arith.constant 288 : index
      %swap3A_375 = tpu.vector_load %arg10[%swap3A_373, %swap3A_374] {strides = array<i32>} : memref<64x768xf32, #tpu.memory_space<vmem>>, vector<16xf32>,
      tpu.vector_store %arg10[%swap3A_373, %swap3A_374], %add3A_372 {strides = array<i32>} : memref<64x768xf32, #tpu.memory_space<vmem>>, vector<16xf32>,
      %get3A_376 = arith.index_cast %scan3A_104 : i32 to index
      %get3A_377 = arith.constant 304 : index
      %get3A_378 = tpu.vector_load %arg10[%get3A_376, %get3A_377] {strides = array<i32>} : memref<64x768xf32, #tpu.memory_space<vmem>>, vector<16xf32>,
      %mul3A_379 = vector.broadcast %squeeze3A : f32 to vector<16xf32>
      %mul3A_380 = arith.mulf %mul3A_379, %get3A_378 : vector<16xf32>
      %get3A_381 = arith.index_cast %scan3A_104 : i32 to index
      %get3A_382 = arith.constant 304 : index
      %get3A_383 = tpu.vector_load %arg11[%get3A_381, %get3A_382] {strides = array<i32>} : memref<64x768xf32, #tpu.memory_space<vmem>>, vector<16xf32>,
      %mul3A_384 = vector.broadcast %squeeze3A_109 : f32 to vector<16xf32>
      %mul3A_385 = arith.mulf %mul3A_384, %get3A_383 : vector<16xf32>
      %add3A_386 = arith.addf %mul3A_380, %mul3A_385 : vector<16xf32>
      %swap3A_387 = arith.index_cast %scan3A_104 : i32 to index
      %swap3A_388 = arith.constant 304 : index
      %swap3A_389 = tpu.vector_load %arg10[%swap3A_387, %swap3A_388] {strides = array<i32>} : memref<64x768xf32, #tpu.memory_space<vmem>>, vector<16xf32>,
      tpu.vector_store %arg10[%swap3A_387, %swap3A_388], %add3A_386 {strides = array<i32>} : memref<64x768xf32, #tpu.memory_space<vmem>>, vector<16xf32>,
      %get3A_390 = arith.index_cast %scan3A_104 : i32 to index
      %get3A_391 = arith.constant 320 : index
      %get3A_392 = tpu.vector_load %arg10[%get3A_390, %get3A_391] {strides = array<i32>} : memref<64x768xf32, #tpu.memory_space<vmem>>, vector<16xf32>,
      %mul3A_393 = vector.broadcast %squeeze3A : f32 to vector<16xf32>
      %mul3A_394 = arith.mulf %mul3A_393, %get3A_392 : vector<16xf32>
      %get3A_395 = arith.index_cast %scan3A_104 : i32 to index
      %get3A_396 = arith.constant 320 : index
      %get3A_397 = tpu.vector_load %arg11[%get3A_395, %get3A_396] {strides = array<i32>} : memref<64x768xf32, #tpu.memory_space<vmem>>, vector<16xf32>,
      %mul3A_398 = vector.broadcast %squeeze3A_109 : f32 to vector<16xf32>
      %mul3A_399 = arith.mulf %mul3A_398, %get3A_397 : vector<16xf32>
      %add3A_400 = arith.addf %mul3A_394, %mul3A_399 : vector<16xf32>
      %swap3A_401 = arith.index_cast %scan3A_104 : i32 to index
      %swap3A_402 = arith.constant 320 : index
      %swap3A_403 = tpu.vector_load %arg10[%swap3A_401, %swap3A_402] {strides = array<i32>} : memref<64x768xf32, #tpu.memory_space<vmem>>, vector<16xf32>,
      tpu.vector_store %arg10[%swap3A_401, %swap3A_402], %add3A_400 {strides = array<i32>} : memref<64x768xf32, #tpu.memory_space<vmem>>, vector<16xf32>,
      %get3A_404 = arith.index_cast %scan3A_104 : i32 to index
      %get3A_405 = arith.constant 336 : index
      %get3A_406 = tpu.vector_load %arg10[%get3A_404, %get3A_405] {strides = array<i32>} : memref<64x768xf32, #tpu.memory_space<vmem>>, vector<16xf32>,
      %mul3A_407 = vector.broadcast %squeeze3A : f32 to vector<16xf32>
      %mul3A_408 = arith.mulf %mul3A_407, %get3A_406 : vector<16xf32>
      %get3A_409 = arith.index_cast %scan3A_104 : i32 to index
      %get3A_410 = arith.constant 336 : index
      %get3A_411 = tpu.vector_load %arg11[%get3A_409, %get3A_410] {strides = array<i32>} : memref<64x768xf32, #tpu.memory_space<vmem>>, vector<16xf32>,
      %mul3A_412 = vector.broadcast %squeeze3A_109 : f32 to vector<16xf32>
      %mul3A_413 = arith.mulf %mul3A_412, %get3A_411 : vector<16xf32>
      %add3A_414 = arith.addf %mul3A_408, %mul3A_413 : vector<16xf32>
      %swap3A_415 = arith.index_cast %scan3A_104 : i32 to index
      %swap3A_416 = arith.constant 336 : index
      %swap3A_417 = tpu.vector_load %arg10[%swap3A_415, %swap3A_416] {strides = array<i32>} : memref<64x768xf32, #tpu.memory_space<vmem>>, vector<16xf32>,
      tpu.vector_store %arg10[%swap3A_415, %swap3A_416], %add3A_414 {strides = array<i32>} : memref<64x768xf32, #tpu.memory_space<vmem>>, vector<16xf32>,
      %get3A_418 = arith.index_cast %scan3A_104 : i32 to index
      %get3A_419 = arith.constant 352 : index
      %get3A_420 = tpu.vector_load %arg10[%get3A_418, %get3A_419] {strides = array<i32>} : memref<64x768xf32, #tpu.memory_space<vmem>>, vector<16xf32>,
      %mul3A_421 = vector.broadcast %squeeze3A : f32 to vector<16xf32>
      %mul3A_422 = arith.mulf %mul3A_421, %get3A_420 : vector<16xf32>
      %get3A_423 = arith.index_cast %scan3A_104 : i32 to index
      %get3A_424 = arith.constant 352 : index
      %get3A_425 = tpu.vector_load %arg11[%get3A_423, %get3A_424] {strides = array<i32>} : memref<64x768xf32, #tpu.memory_space<vmem>>, vector<16xf32>,
      %mul3A_426 = vector.broadcast %squeeze3A_109 : f32 to vector<16xf32>
      %mul3A_427 = arith.mulf %mul3A_426, %get3A_425 : vector<16xf32>
      %add3A_428 = arith.addf %mul3A_422, %mul3A_427 : vector<16xf32>
      %swap3A_429 = arith.index_cast %scan3A_104 : i32 to index
      %swap3A_430 = arith.constant 352 : index
      %swap3A_431 = tpu.vector_load %arg10[%swap3A_429, %swap3A_430] {strides = array<i32>} : memref<64x768xf32, #tpu.memory_space<vmem>>, vector<16xf32>,
      tpu.vector_store %arg10[%swap3A_429, %swap3A_430], %add3A_428 {strides = array<i32>} : memref<64x768xf32, #tpu.memory_space<vmem>>, vector<16xf32>,
      %get3A_432 = arith.index_cast %scan3A_104 : i32 to index
      %get3A_433 = arith.constant 368 : index
      %get3A_434 = tpu.vector_load %arg10[%get3A_432, %get3A_433] {strides = array<i32>} : memref<64x768xf32, #tpu.memory_space<vmem>>, vector<16xf32>,
      %mul3A_435 = vector.broadcast %squeeze3A : f32 to vector<16xf32>
      %mul3A_436 = arith.mulf %mul3A_435, %get3A_434 : vector<16xf32>
      %get3A_437 = arith.index_cast %scan3A_104 : i32 to index
      %get3A_438 = arith.constant 368 : index
      %get3A_439 = tpu.vector_load %arg11[%get3A_437, %get3A_438] {strides = array<i32>} : memref<64x768xf32, #tpu.memory_space<vmem>>, vector<16xf32>,
      %mul3A_440 = vector.broadcast %squeeze3A_109 : f32 to vector<16xf32>
      %mul3A_441 = arith.mulf %mul3A_440, %get3A_439 : vector<16xf32>
      %add3A_442 = arith.addf %mul3A_436, %mul3A_441 : vector<16xf32>
      %swap3A_443 = arith.index_cast %scan3A_104 : i32 to index
      %swap3A_444 = arith.constant 368 : index
      %swap3A_445 = tpu.vector_load %arg10[%swap3A_443, %swap3A_444] {strides = array<i32>} : memref<64x768xf32, #tpu.memory_space<vmem>>, vector<16xf32>,
      tpu.vector_store %arg10[%swap3A_443, %swap3A_444], %add3A_442 {strides = array<i32>} : memref<64x768xf32, #tpu.memory_space<vmem>>, vector<16xf32>,
      %get3A_446 = arith.index_cast %scan3A_104 : i32 to index
      %get3A_447 = arith.constant 384 : index
      %get3A_448 = tpu.vector_load %arg10[%get3A_446, %get3A_447] {strides = array<i32>} : memref<64x768xf32, #tpu.memory_space<vmem>>, vector<16xf32>,
      %mul3A_449 = vector.broadcast %squeeze3A : f32 to vector<16xf32>
      %mul3A_450 = arith.mulf %mul3A_449, %get3A_448 : vector<16xf32>
      %get3A_451 = arith.index_cast %scan3A_104 : i32 to index
      %get3A_452 = arith.constant 384 : index
      %get3A_453 = tpu.vector_load %arg11[%get3A_451, %get3A_452] {strides = array<i32>} : memref<64x768xf32, #tpu.memory_space<vmem>>, vector<16xf32>,
      %mul3A_454 = vector.broadcast %squeeze3A_109 : f32 to vector<16xf32>
      %mul3A_455 = arith.mulf %mul3A_454, %get3A_453 : vector<16xf32>
      %add3A_456 = arith.addf %mul3A_450, %mul3A_455 : vector<16xf32>
      %swap3A_457 = arith.index_cast %scan3A_104 : i32 to index
      %swap3A_458 = arith.constant 384 : index
      %swap3A_459 = tpu.vector_load %arg10[%swap3A_457, %swap3A_458] {strides = array<i32>} : memref<64x768xf32, #tpu.memory_space<vmem>>, vector<16xf32>,
      tpu.vector_store %arg10[%swap3A_457, %swap3A_458], %add3A_456 {strides = array<i32>} : memref<64x768xf32, #tpu.memory_space<vmem>>, vector<16xf32>,
      %get3A_460 = arith.index_cast %scan3A_104 : i32 to index
      %get3A_461 = arith.constant 400 : index
      %get3A_462 = tpu.vector_load %arg10[%get3A_460, %get3A_461] {strides = array<i32>} : memref<64x768xf32, #tpu.memory_space<vmem>>, vector<16xf32>,
      %mul3A_463 = vector.broadcast %squeeze3A : f32 to vector<16xf32>
      %mul3A_464 = arith.mulf %mul3A_463, %get3A_462 : vector<16xf32>
      %get3A_465 = arith.index_cast %scan3A_104 : i32 to index
      %get3A_466 = arith.constant 400 : index
      %get3A_467 = tpu.vector_load %arg11[%get3A_465, %get3A_466] {strides = array<i32>} : memref<64x768xf32, #tpu.memory_space<vmem>>, vector<16xf32>,
      %mul3A_468 = vector.broadcast %squeeze3A_109 : f32 to vector<16xf32>
      %mul3A_469 = arith.mulf %mul3A_468, %get3A_467 : vector<16xf32>
      %add3A_470 = arith.addf %mul3A_464, %mul3A_469 : vector<16xf32>
      %swap3A_471 = arith.index_cast %scan3A_104 : i32 to index
      %swap3A_472 = arith.constant 400 : index
      %swap3A_473 = tpu.vector_load %arg10[%swap3A_471, %swap3A_472] {strides = array<i32>} : memref<64x768xf32, #tpu.memory_space<vmem>>, vector<16xf32>,
      tpu.vector_store %arg10[%swap3A_471, %swap3A_472], %add3A_470 {strides = array<i32>} : memref<64x768xf32, #tpu.memory_space<vmem>>, vector<16xf32>,
      %get3A_474 = arith.index_cast %scan3A_104 : i32 to index
      %get3A_475 = arith.constant 416 : index
      %get3A_476 = tpu.vector_load %arg10[%get3A_474, %get3A_475] {strides = array<i32>} : memref<64x768xf32, #tpu.memory_space<vmem>>, vector<16xf32>,
      %mul3A_477 = vector.broadcast %squeeze3A : f32 to vector<16xf32>
      %mul3A_478 = arith.mulf %mul3A_477, %get3A_476 : vector<16xf32>
      %get3A_479 = arith.index_cast %scan3A_104 : i32 to index
      %get3A_480 = arith.constant 416 : index
      %get3A_481 = tpu.vector_load %arg11[%get3A_479, %get3A_480] {strides = array<i32>} : memref<64x768xf32, #tpu.memory_space<vmem>>, vector<16xf32>,
      %mul3A_482 = vector.broadcast %squeeze3A_109 : f32 to vector<16xf32>
      %mul3A_483 = arith.mulf %mul3A_482, %get3A_481 : vector<16xf32>
      %add3A_484 = arith.addf %mul3A_478, %mul3A_483 : vector<16xf32>
      %swap3A_485 = arith.index_cast %scan3A_104 : i32 to index
      %swap3A_486 = arith.constant 416 : index
      %swap3A_487 = tpu.vector_load %arg10[%swap3A_485, %swap3A_486] {strides = array<i32>} : memref<64x768xf32, #tpu.memory_space<vmem>>, vector<16xf32>,
      tpu.vector_store %arg10[%swap3A_485, %swap3A_486], %add3A_484 {strides = array<i32>} : memref<64x768xf32, #tpu.memory_space<vmem>>, vector<16xf32>,
      %get3A_488 = arith.index_cast %scan3A_104 : i32 to index
      %get3A_489 = arith.constant 432 : index
      %get3A_490 = tpu.vector_load %arg10[%get3A_488, %get3A_489] {strides = array<i32>} : memref<64x768xf32, #tpu.memory_space<vmem>>, vector<16xf32>,
      %mul3A_491 = vector.broadcast %squeeze3A : f32 to vector<16xf32>
      %mul3A_492 = arith.mulf %mul3A_491, %get3A_490 : vector<16xf32>
      %get3A_493 = arith.index_cast %scan3A_104 : i32 to index
      %get3A_494 = arith.constant 432 : index
      %get3A_495 = tpu.vector_load %arg11[%get3A_493, %get3A_494] {strides = array<i32>} : memref<64x768xf32, #tpu.memory_space<vmem>>, vector<16xf32>,
      %mul3A_496 = vector.broadcast %squeeze3A_109 : f32 to vector<16xf32>
      %mul3A_497 = arith.mulf %mul3A_496, %get3A_495 : vector<16xf32>
      %add3A_498 = arith.addf %mul3A_492, %mul3A_497 : vector<16xf32>
      %swap3A_499 = arith.index_cast %scan3A_104 : i32 to index
      %swap3A_500 = arith.constant 432 : index
      %swap3A_501 = tpu.vector_load %arg10[%swap3A_499, %swap3A_500] {strides = array<i32>} : memref<64x768xf32, #tpu.memory_space<vmem>>, vector<16xf32>,
      tpu.vector_store %arg10[%swap3A_499, %swap3A_500], %add3A_498 {strides = array<i32>} : memref<64x768xf32, #tpu.memory_space<vmem>>, vector<16xf32>,
      %get3A_502 = arith.index_cast %scan3A_104 : i32 to index
      %get3A_503 = arith.constant 448 : index
      %get3A_504 = tpu.vector_load %arg10[%get3A_502, %get3A_503] {strides = array<i32>} : memref<64x768xf32, #tpu.memory_space<vmem>>, vector<16xf32>,
      %mul3A_505 = vector.broadcast %squeeze3A : f32 to vector<16xf32>
      %mul3A_506 = arith.mulf %mul3A_505, %get3A_504 : vector<16xf32>
      %get3A_507 = arith.index_cast %scan3A_104 : i32 to index
      %get3A_508 = arith.constant 448 : index
      %get3A_509 = tpu.vector_load %arg11[%get3A_507, %get3A_508] {strides = array<i32>} : memref<64x768xf32, #tpu.memory_space<vmem>>, vector<16xf32>,
      %mul3A_510 = vector.broadcast %squeeze3A_109 : f32 to vector<16xf32>
      %mul3A_511 = arith.mulf %mul3A_510, %get3A_509 : vector<16xf32>
      %add3A_512 = arith.addf %mul3A_506, %mul3A_511 : vector<16xf32>
      %swap3A_513 = arith.index_cast %scan3A_104 : i32 to index
      %swap3A_514 = arith.constant 448 : index
      %swap3A_515 = tpu.vector_load %arg10[%swap3A_513, %swap3A_514] {strides = array<i32>} : memref<64x768xf32, #tpu.memory_space<vmem>>, vector<16xf32>,
      tpu.vector_store %arg10[%swap3A_513, %swap3A_514], %add3A_512 {strides = array<i32>} : memref<64x768xf32, #tpu.memory_space<vmem>>, vector<16xf32>,
      %get3A_516 = arith.index_cast %scan3A_104 : i32 to index
      %get3A_517 = arith.constant 464 : index
      %get3A_518 = tpu.vector_load %arg10[%get3A_516, %get3A_517] {strides = array<i32>} : memref<64x768xf32, #tpu.memory_space<vmem>>, vector<16xf32>,
      %mul3A_519 = vector.broadcast %squeeze3A : f32 to vector<16xf32>
      %mul3A_520 = arith.mulf %mul3A_519, %get3A_518 : vector<16xf32>
      %get3A_521 = arith.index_cast %scan3A_104 : i32 to index
      %get3A_522 = arith.constant 464 : index
      %get3A_523 = tpu.vector_load %arg11[%get3A_521, %get3A_522] {strides = array<i32>} : memref<64x768xf32, #tpu.memory_space<vmem>>, vector<16xf32>,
      %mul3A_524 = vector.broadcast %squeeze3A_109 : f32 to vector<16xf32>
      %mul3A_525 = arith.mulf %mul3A_524, %get3A_523 : vector<16xf32>
      %add3A_526 = arith.addf %mul3A_520, %mul3A_525 : vector<16xf32>
      %swap3A_527 = arith.index_cast %scan3A_104 : i32 to index
      %swap3A_528 = arith.constant 464 : index
      %swap3A_529 = tpu.vector_load %arg10[%swap3A_527, %swap3A_528] {strides = array<i32>} : memref<64x768xf32, #tpu.memory_space<vmem>>, vector<16xf32>,
      tpu.vector_store %arg10[%swap3A_527, %swap3A_528], %add3A_526 {strides = array<i32>} : memref<64x768xf32, #tpu.memory_space<vmem>>, vector<16xf32>,
      %get3A_530 = arith.index_cast %scan3A_104 : i32 to index
      %get3A_531 = arith.constant 480 : index
      %get3A_532 = tpu.vector_load %arg10[%get3A_530, %get3A_531] {strides = array<i32>} : memref<64x768xf32, #tpu.memory_space<vmem>>, vector<16xf32>,
      %mul3A_533 = vector.broadcast %squeeze3A : f32 to vector<16xf32>
      %mul3A_534 = arith.mulf %mul3A_533, %get3A_532 : vector<16xf32>
      %get3A_535 = arith.index_cast %scan3A_104 : i32 to index
      %get3A_536 = arith.constant 480 : index
      %get3A_537 = tpu.vector_load %arg11[%get3A_535, %get3A_536] {strides = array<i32>} : memref<64x768xf32, #tpu.memory_space<vmem>>, vector<16xf32>,
      %mul3A_538 = vector.broadcast %squeeze3A_109 : f32 to vector<16xf32>
      %mul3A_539 = arith.mulf %mul3A_538, %get3A_537 : vector<16xf32>
      %add3A_540 = arith.addf %mul3A_534, %mul3A_539 : vector<16xf32>
      %swap3A_541 = arith.index_cast %scan3A_104 : i32 to index
      %swap3A_542 = arith.constant 480 : index
      %swap3A_543 = tpu.vector_load %arg10[%swap3A_541, %swap3A_542] {strides = array<i32>} : memref<64x768xf32, #tpu.memory_space<vmem>>, vector<16xf32>,
      tpu.vector_store %arg10[%swap3A_541, %swap3A_542], %add3A_540 {strides = array<i32>} : memref<64x768xf32, #tpu.memory_space<vmem>>, vector<16xf32>,
      %get3A_544 = arith.index_cast %scan3A_104 : i32 to index
      %get3A_545 = arith.constant 496 : index
      %get3A_546 = tpu.vector_load %arg10[%get3A_544, %get3A_545] {strides = array<i32>} : memref<64x768xf32, #tpu.memory_space<vmem>>, vector<16xf32>,
      %mul3A_547 = vector.broadcast %squeeze3A : f32 to vector<16xf32>
      %mul3A_548 = arith.mulf %mul3A_547, %get3A_546 : vector<16xf32>
      %get3A_549 = arith.index_cast %scan3A_104 : i32 to index
      %get3A_550 = arith.constant 496 : index
      %get3A_551 = tpu.vector_load %arg11[%get3A_549, %get3A_550] {strides = array<i32>} : memref<64x768xf32, #tpu.memory_space<vmem>>, vector<16xf32>,
      %mul3A_552 = vector.broadcast %squeeze3A_109 : f32 to vector<16xf32>
      %mul3A_553 = arith.mulf %mul3A_552, %get3A_551 : vector<16xf32>
      %add3A_554 = arith.addf %mul3A_548, %mul3A_553 : vector<16xf32>
      %swap3A_555 = arith.index_cast %scan3A_104 : i32 to index
      %swap3A_556 = arith.constant 496 : index
      %swap3A_557 = tpu.vector_load %arg10[%swap3A_555, %swap3A_556] {strides = array<i32>} : memref<64x768xf32, #tpu.memory_space<vmem>>, vector<16xf32>,
      tpu.vector_store %arg10[%swap3A_555, %swap3A_556], %add3A_554 {strides = array<i32>} : memref<64x768xf32, #tpu.memory_space<vmem>>, vector<16xf32>,
      %get3A_558 = arith.index_cast %scan3A_104 : i32 to index
      %get3A_559 = arith.constant 512 : index
      %get3A_560 = tpu.vector_load %arg10[%get3A_558, %get3A_559] {strides = array<i32>} : memref<64x768xf32, #tpu.memory_space<vmem>>, vector<16xf32>,
      %mul3A_561 = vector.broadcast %squeeze3A : f32 to vector<16xf32>
      %mul3A_562 = arith.mulf %mul3A_561, %get3A_560 : vector<16xf32>
      %get3A_563 = arith.index_cast %scan3A_104 : i32 to index
      %get3A_564 = arith.constant 512 : index
      %get3A_565 = tpu.vector_load %arg11[%get3A_563, %get3A_564] {strides = array<i32>} : memref<64x768xf32, #tpu.memory_space<vmem>>, vector<16xf32>,
      %mul3A_566 = vector.broadcast %squeeze3A_109 : f32 to vector<16xf32>
      %mul3A_567 = arith.mulf %mul3A_566, %get3A_565 : vector<16xf32>
      %add3A_568 = arith.addf %mul3A_562, %mul3A_567 : vector<16xf32>
      %swap3A_569 = arith.index_cast %scan3A_104 : i32 to index
      %swap3A_570 = arith.constant 512 : index
      %swap3A_571 = tpu.vector_load %arg10[%swap3A_569, %swap3A_570] {strides = array<i32>} : memref<64x768xf32, #tpu.memory_space<vmem>>, vector<16xf32>,
      tpu.vector_store %arg10[%swap3A_569, %swap3A_570], %add3A_568 {strides = array<i32>} : memref<64x768xf32, #tpu.memory_space<vmem>>, vector<16xf32>,
      %get3A_572 = arith.index_cast %scan3A_104 : i32 to index
      %get3A_573 = arith.constant 528 : index
      %get3A_574 = tpu.vector_load %arg10[%get3A_572, %get3A_573] {strides = array<i32>} : memref<64x768xf32, #tpu.memory_space<vmem>>, vector<16xf32>,
      %mul3A_575 = vector.broadcast %squeeze3A : f32 to vector<16xf32>
      %mul3A_576 = arith.mulf %mul3A_575, %get3A_574 : vector<16xf32>
      %get3A_577 = arith.index_cast %scan3A_104 : i32 to index
      %get3A_578 = arith.constant 528 : index
      %get3A_579 = tpu.vector_load %arg11[%get3A_577, %get3A_578] {strides = array<i32>} : memref<64x768xf32, #tpu.memory_space<vmem>>, vector<16xf32>,
      %mul3A_580 = vector.broadcast %squeeze3A_109 : f32 to vector<16xf32>
      %mul3A_581 = arith.mulf %mul3A_580, %get3A_579 : vector<16xf32>
      %add3A_582 = arith.addf %mul3A_576, %mul3A_581 : vector<16xf32>
      %swap3A_583 = arith.index_cast %scan3A_104 : i32 to index
      %swap3A_584 = arith.constant 528 : index
      %swap3A_585 = tpu.vector_load %arg10[%swap3A_583, %swap3A_584] {strides = array<i32>} : memref<64x768xf32, #tpu.memory_space<vmem>>, vector<16xf32>,
      tpu.vector_store %arg10[%swap3A_583, %swap3A_584], %add3A_582 {strides = array<i32>} : memref<64x768xf32, #tpu.memory_space<vmem>>, vector<16xf32>,
      %get3A_586 = arith.index_cast %scan3A_104 : i32 to index
      %get3A_587 = arith.constant 544 : index
      %get3A_588 = tpu.vector_load %arg10[%get3A_586, %get3A_587] {strides = array<i32>} : memref<64x768xf32, #tpu.memory_space<vmem>>, vector<16xf32>,
      %mul3A_589 = vector.broadcast %squeeze3A : f32 to vector<16xf32>
      %mul3A_590 = arith.mulf %mul3A_589, %get3A_588 : vector<16xf32>
      %get3A_591 = arith.index_cast %scan3A_104 : i32 to index
      %get3A_592 = arith.constant 544 : index
      %get3A_593 = tpu.vector_load %arg11[%get3A_591, %get3A_592] {strides = array<i32>} : memref<64x768xf32, #tpu.memory_space<vmem>>, vector<16xf32>,
      %mul3A_594 = vector.broadcast %squeeze3A_109 : f32 to vector<16xf32>
      %mul3A_595 = arith.mulf %mul3A_594, %get3A_593 : vector<16xf32>
      %add3A_596 = arith.addf %mul3A_590, %mul3A_595 : vector<16xf32>
      %swap3A_597 = arith.index_cast %scan3A_104 : i32 to index
      %swap3A_598 = arith.constant 544 : index
      %swap3A_599 = tpu.vector_load %arg10[%swap3A_597, %swap3A_598] {strides = array<i32>} : memref<64x768xf32, #tpu.memory_space<vmem>>, vector<16xf32>,
      tpu.vector_store %arg10[%swap3A_597, %swap3A_598], %add3A_596 {strides = array<i32>} : memref<64x768xf32, #tpu.memory_space<vmem>>, vector<16xf32>,
      %get3A_600 = arith.index_cast %scan3A_104 : i32 to index
      %get3A_601 = arith.constant 560 : index
      %get3A_602 = tpu.vector_load %arg10[%get3A_600, %get3A_601] {strides = array<i32>} : memref<64x768xf32, #tpu.memory_space<vmem>>, vector<16xf32>,
      %mul3A_603 = vector.broadcast %squeeze3A : f32 to vector<16xf32>
      %mul3A_604 = arith.mulf %mul3A_603, %get3A_602 : vector<16xf32>
      %get3A_605 = arith.index_cast %scan3A_104 : i32 to index
      %get3A_606 = arith.constant 560 : index
      %get3A_607 = tpu.vector_load %arg11[%get3A_605, %get3A_606] {strides = array<i32>} : memref<64x768xf32, #tpu.memory_space<vmem>>, vector<16xf32>,
      %mul3A_608 = vector.broadcast %squeeze3A_109 : f32 to vector<16xf32>
      %mul3A_609 = arith.mulf %mul3A_608, %get3A_607 : vector<16xf32>
      %add3A_610 = arith.addf %mul3A_604, %mul3A_609 : vector<16xf32>
      %swap3A_611 = arith.index_cast %scan3A_104 : i32 to index
      %swap3A_612 = arith.constant 560 : index
      %swap3A_613 = tpu.vector_load %arg10[%swap3A_611, %swap3A_612] {strides = array<i32>} : memref<64x768xf32, #tpu.memory_space<vmem>>, vector<16xf32>,
      tpu.vector_store %arg10[%swap3A_611, %swap3A_612], %add3A_610 {strides = array<i32>} : memref<64x768xf32, #tpu.memory_space<vmem>>, vector<16xf32>,
      %get3A_614 = arith.index_cast %scan3A_104 : i32 to index
      %get3A_615 = arith.constant 576 : index
      %get3A_616 = tpu.vector_load %arg10[%get3A_614, %get3A_615] {strides = array<i32>} : memref<64x768xf32, #tpu.memory_space<vmem>>, vector<16xf32>,
      %mul3A_617 = vector.broadcast %squeeze3A : f32 to vector<16xf32>
      %mul3A_618 = arith.mulf %mul3A_617, %get3A_616 : vector<16xf32>
      %get3A_619 = arith.index_cast %scan3A_104 : i32 to index
      %get3A_620 = arith.constant 576 : index
      %get3A_621 = tpu.vector_load %arg11[%get3A_619, %get3A_620] {strides = array<i32>} : memref<64x768xf32, #tpu.memory_space<vmem>>, vector<16xf32>,
      %mul3A_622 = vector.broadcast %squeeze3A_109 : f32 to vector<16xf32>
      %mul3A_623 = arith.mulf %mul3A_622, %get3A_621 : vector<16xf32>
      %add3A_624 = arith.addf %mul3A_618, %mul3A_623 : vector<16xf32>
      %swap3A_625 = arith.index_cast %scan3A_104 : i32 to index
      %swap3A_626 = arith.constant 576 : index
      %swap3A_627 = tpu.vector_load %arg10[%swap3A_625, %swap3A_626] {strides = array<i32>} : memref<64x768xf32, #tpu.memory_space<vmem>>, vector<16xf32>,
      tpu.vector_store %arg10[%swap3A_625, %swap3A_626], %add3A_624 {strides = array<i32>} : memref<64x768xf32, #tpu.memory_space<vmem>>, vector<16xf32>,
      %get3A_628 = arith.index_cast %scan3A_104 : i32 to index
      %get3A_629 = arith.constant 592 : index
      %get3A_630 = tpu.vector_load %arg10[%get3A_628, %get3A_629] {strides = array<i32>} : memref<64x768xf32, #tpu.memory_space<vmem>>, vector<16xf32>,
      %mul3A_631 = vector.broadcast %squeeze3A : f32 to vector<16xf32>
      %mul3A_632 = arith.mulf %mul3A_631, %get3A_630 : vector<16xf32>
      %get3A_633 = arith.index_cast %scan3A_104 : i32 to index
      %get3A_634 = arith.constant 592 : index
      %get3A_635 = tpu.vector_load %arg11[%get3A_633, %get3A_634] {strides = array<i32>} : memref<64x768xf32, #tpu.memory_space<vmem>>, vector<16xf32>,
      %mul3A_636 = vector.broadcast %squeeze3A_109 : f32 to vector<16xf32>
      %mul3A_637 = arith.mulf %mul3A_636, %get3A_635 : vector<16xf32>
      %add3A_638 = arith.addf %mul3A_632, %mul3A_637 : vector<16xf32>
      %swap3A_639 = arith.index_cast %scan3A_104 : i32 to index
      %swap3A_640 = arith.constant 592 : index
      %swap3A_641 = tpu.vector_load %arg10[%swap3A_639, %swap3A_640] {strides = array<i32>} : memref<64x768xf32, #tpu.memory_space<vmem>>, vector<16xf32>,
      tpu.vector_store %arg10[%swap3A_639, %swap3A_640], %add3A_638 {strides = array<i32>} : memref<64x768xf32, #tpu.memory_space<vmem>>, vector<16xf32>,
      %get3A_642 = arith.index_cast %scan3A_104 : i32 to index
      %get3A_643 = arith.constant 608 : index
      %get3A_644 = tpu.vector_load %arg10[%get3A_642, %get3A_643] {strides = array<i32>} : memref<64x768xf32, #tpu.memory_space<vmem>>, vector<16xf32>,
      %mul3A_645 = vector.broadcast %squeeze3A : f32 to vector<16xf32>
      %mul3A_646 = arith.mulf %mul3A_645, %get3A_644 : vector<16xf32>
      %get3A_647 = arith.index_cast %scan3A_104 : i32 to index
      %get3A_648 = arith.constant 608 : index
      %get3A_649 = tpu.vector_load %arg11[%get3A_647, %get3A_648] {strides = array<i32>} : memref<64x768xf32, #tpu.memory_space<vmem>>, vector<16xf32>,
      %mul3A_650 = vector.broadcast %squeeze3A_109 : f32 to vector<16xf32>
      %mul3A_651 = arith.mulf %mul3A_650, %get3A_649 : vector<16xf32>
      %add3A_652 = arith.addf %mul3A_646, %mul3A_651 : vector<16xf32>
      %swap3A_653 = arith.index_cast %scan3A_104 : i32 to index
      %swap3A_654 = arith.constant 608 : index
      %swap3A_655 = tpu.vector_load %arg10[%swap3A_653, %swap3A_654] {strides = array<i32>} : memref<64x768xf32, #tpu.memory_space<vmem>>, vector<16xf32>,
      tpu.vector_store %arg10[%swap3A_653, %swap3A_654], %add3A_652 {strides = array<i32>} : memref<64x768xf32, #tpu.memory_space<vmem>>, vector<16xf32>,
      %get3A_656 = arith.index_cast %scan3A_104 : i32 to index
      %get3A_657 = arith.constant 624 : index
      %get3A_658 = tpu.vector_load %arg10[%get3A_656, %get3A_657] {strides = array<i32>} : memref<64x768xf32, #tpu.memory_space<vmem>>, vector<16xf32>,
      %mul3A_659 = vector.broadcast %squeeze3A : f32 to vector<16xf32>
      %mul3A_660 = arith.mulf %mul3A_659, %get3A_658 : vector<16xf32>
      %get3A_661 = arith.index_cast %scan3A_104 : i32 to index
      %get3A_662 = arith.constant 624 : index
      %get3A_663 = tpu.vector_load %arg11[%get3A_661, %get3A_662] {strides = array<i32>} : memref<64x768xf32, #tpu.memory_space<vmem>>, vector<16xf32>,
      %mul3A_664 = vector.broadcast %squeeze3A_109 : f32 to vector<16xf32>
      %mul3A_665 = arith.mulf %mul3A_664, %get3A_663 : vector<16xf32>
      %add3A_666 = arith.addf %mul3A_660, %mul3A_665 : vector<16xf32>
      %swap3A_667 = arith.index_cast %scan3A_104 : i32 to index
      %swap3A_668 = arith.constant 624 : index
      %swap3A_669 = tpu.vector_load %arg10[%swap3A_667, %swap3A_668] {strides = array<i32>} : memref<64x768xf32, #tpu.memory_space<vmem>>, vector<16xf32>,
      tpu.vector_store %arg10[%swap3A_667, %swap3A_668], %add3A_666 {strides = array<i32>} : memref<64x768xf32, #tpu.memory_space<vmem>>, vector<16xf32>,
      %get3A_670 = arith.index_cast %scan3A_104 : i32 to index
      %get3A_671 = arith.constant 640 : index
      %get3A_672 = tpu.vector_load %arg10[%get3A_670, %get3A_671] {strides = array<i32>} : memref<64x768xf32, #tpu.memory_space<vmem>>, vector<16xf32>,
      %mul3A_673 = vector.broadcast %squeeze3A : f32 to vector<16xf32>
      %mul3A_674 = arith.mulf %mul3A_673, %get3A_672 : vector<16xf32>
      %get3A_675 = arith.index_cast %scan3A_104 : i32 to index
      %get3A_676 = arith.constant 640 : index
      %get3A_677 = tpu.vector_load %arg11[%get3A_675, %get3A_676] {strides = array<i32>} : memref<64x768xf32, #tpu.memory_space<vmem>>, vector<16xf32>,
      %mul3A_678 = vector.broadcast %squeeze3A_109 : f32 to vector<16xf32>
      %mul3A_679 = arith.mulf %mul3A_678, %get3A_677 : vector<16xf32>
      %add3A_680 = arith.addf %mul3A_674, %mul3A_679 : vector<16xf32>
      %swap3A_681 = arith.index_cast %scan3A_104 : i32 to index
      %swap3A_682 = arith.constant 640 : index
      %swap3A_683 = tpu.vector_load %arg10[%swap3A_681, %swap3A_682] {strides = array<i32>} : memref<64x768xf32, #tpu.memory_space<vmem>>, vector<16xf32>,
      tpu.vector_store %arg10[%swap3A_681, %swap3A_682], %add3A_680 {strides = array<i32>} : memref<64x768xf32, #tpu.memory_space<vmem>>, vector<16xf32>,
      %get3A_684 = arith.index_cast %scan3A_104 : i32 to index
      %get3A_685 = arith.constant 656 : index
      %get3A_686 = tpu.vector_load %arg10[%get3A_684, %get3A_685] {strides = array<i32>} : memref<64x768xf32, #tpu.memory_space<vmem>>, vector<16xf32>,
      %mul3A_687 = vector.broadcast %squeeze3A : f32 to vector<16xf32>
      %mul3A_688 = arith.mulf %mul3A_687, %get3A_686 : vector<16xf32>
      %get3A_689 = arith.index_cast %scan3A_104 : i32 to index
      %get3A_690 = arith.constant 656 : index
      %get3A_691 = tpu.vector_load %arg11[%get3A_689, %get3A_690] {strides = array<i32>} : memref<64x768xf32, #tpu.memory_space<vmem>>, vector<16xf32>,
      %mul3A_692 = vector.broadcast %squeeze3A_109 : f32 to vector<16xf32>
      %mul3A_693 = arith.mulf %mul3A_692, %get3A_691 : vector<16xf32>
      %add3A_694 = arith.addf %mul3A_688, %mul3A_693 : vector<16xf32>
      %swap3A_695 = arith.index_cast %scan3A_104 : i32 to index
      %swap3A_696 = arith.constant 656 : index
      %swap3A_697 = tpu.vector_load %arg10[%swap3A_695, %swap3A_696] {strides = array<i32>} : memref<64x768xf32, #tpu.memory_space<vmem>>, vector<16xf32>,
      tpu.vector_store %arg10[%swap3A_695, %swap3A_696], %add3A_694 {strides = array<i32>} : memref<64x768xf32, #tpu.memory_space<vmem>>, vector<16xf32>,
      %get3A_698 = arith.index_cast %scan3A_104 : i32 to index
      %get3A_699 = arith.constant 672 : index
      %get3A_700 = tpu.vector_load %arg10[%get3A_698, %get3A_699] {strides = array<i32>} : memref<64x768xf32, #tpu.memory_space<vmem>>, vector<16xf32>,
      %mul3A_701 = vector.broadcast %squeeze3A : f32 to vector<16xf32>
      %mul3A_702 = arith.mulf %mul3A_701, %get3A_700 : vector<16xf32>
      %get3A_703 = arith.index_cast %scan3A_104 : i32 to index
      %get3A_704 = arith.constant 672 : index
      %get3A_705 = tpu.vector_load %arg11[%get3A_703, %get3A_704] {strides = array<i32>} : memref<64x768xf32, #tpu.memory_space<vmem>>, vector<16xf32>,
      %mul3A_706 = vector.broadcast %squeeze3A_109 : f32 to vector<16xf32>
      %mul3A_707 = arith.mulf %mul3A_706, %get3A_705 : vector<16xf32>
      %add3A_708 = arith.addf %mul3A_702, %mul3A_707 : vector<16xf32>
      %swap3A_709 = arith.index_cast %scan3A_104 : i32 to index
      %swap3A_710 = arith.constant 672 : index
      %swap3A_711 = tpu.vector_load %arg10[%swap3A_709, %swap3A_710] {strides = array<i32>} : memref<64x768xf32, #tpu.memory_space<vmem>>, vector<16xf32>,
      tpu.vector_store %arg10[%swap3A_709, %swap3A_710], %add3A_708 {strides = array<i32>} : memref<64x768xf32, #tpu.memory_space<vmem>>, vector<16xf32>,
      %get3A_712 = arith.index_cast %scan3A_104 : i32 to index
      %get3A_713 = arith.constant 688 : index
      %get3A_714 = tpu.vector_load %arg10[%get3A_712, %get3A_713] {strides = array<i32>} : memref<64x768xf32, #tpu.memory_space<vmem>>, vector<16xf32>,
      %mul3A_715 = vector.broadcast %squeeze3A : f32 to vector<16xf32>
      %mul3A_716 = arith.mulf %mul3A_715, %get3A_714 : vector<16xf32>
      %get3A_717 = arith.index_cast %scan3A_104 : i32 to index
      %get3A_718 = arith.constant 688 : index
      %get3A_719 = tpu.vector_load %arg11[%get3A_717, %get3A_718] {strides = array<i32>} : memref<64x768xf32, #tpu.memory_space<vmem>>, vector<16xf32>,
      %mul3A_720 = vector.broadcast %squeeze3A_109 : f32 to vector<16xf32>
      %mul3A_721 = arith.mulf %mul3A_720, %get3A_719 : vector<16xf32>
      %add3A_722 = arith.addf %mul3A_716, %mul3A_721 : vector<16xf32>
      %swap3A_723 = arith.index_cast %scan3A_104 : i32 to index
      %swap3A_724 = arith.constant 688 : index
      %swap3A_725 = tpu.vector_load %arg10[%swap3A_723, %swap3A_724] {strides = array<i32>} : memref<64x768xf32, #tpu.memory_space<vmem>>, vector<16xf32>,
      tpu.vector_store %arg10[%swap3A_723, %swap3A_724], %add3A_722 {strides = array<i32>} : memref<64x768xf32, #tpu.memory_space<vmem>>, vector<16xf32>,
      %get3A_726 = arith.index_cast %scan3A_104 : i32 to index
      %get3A_727 = arith.constant 704 : index
      %get3A_728 = tpu.vector_load %arg10[%get3A_726, %get3A_727] {strides = array<i32>} : memref<64x768xf32, #tpu.memory_space<vmem>>, vector<16xf32>,
      %mul3A_729 = vector.broadcast %squeeze3A : f32 to vector<16xf32>
      %mul3A_730 = arith.mulf %mul3A_729, %get3A_728 : vector<16xf32>
      %get3A_731 = arith.index_cast %scan3A_104 : i32 to index
      %get3A_732 = arith.constant 704 : index
      %get3A_733 = tpu.vector_load %arg11[%get3A_731, %get3A_732] {strides = array<i32>} : memref<64x768xf32, #tpu.memory_space<vmem>>, vector<16xf32>,
      %mul3A_734 = vector.broadcast %squeeze3A_109 : f32 to vector<16xf32>
      %mul3A_735 = arith.mulf %mul3A_734, %get3A_733 : vector<16xf32>
      %add3A_736 = arith.addf %mul3A_730, %mul3A_735 : vector<16xf32>
      %swap3A_737 = arith.index_cast %scan3A_104 : i32 to index
      %swap3A_738 = arith.constant 704 : index
      %swap3A_739 = tpu.vector_load %arg10[%swap3A_737, %swap3A_738] {strides = array<i32>} : memref<64x768xf32, #tpu.memory_space<vmem>>, vector<16xf32>,
      tpu.vector_store %arg10[%swap3A_737, %swap3A_738], %add3A_736 {strides = array<i32>} : memref<64x768xf32, #tpu.memory_space<vmem>>, vector<16xf32>,
      %get3A_740 = arith.index_cast %scan3A_104 : i32 to index
      %get3A_741 = arith.constant 720 : index
      %get3A_742 = tpu.vector_load %arg10[%get3A_740, %get3A_741] {strides = array<i32>} : memref<64x768xf32, #tpu.memory_space<vmem>>, vector<16xf32>,
      %mul3A_743 = vector.broadcast %squeeze3A : f32 to vector<16xf32>
      %mul3A_744 = arith.mulf %mul3A_743, %get3A_742 : vector<16xf32>
      %get3A_745 = arith.index_cast %scan3A_104 : i32 to index
      %get3A_746 = arith.constant 720 : index
      %get3A_747 = tpu.vector_load %arg11[%get3A_745, %get3A_746] {strides = array<i32>} : memref<64x768xf32, #tpu.memory_space<vmem>>, vector<16xf32>,
      %mul3A_748 = vector.broadcast %squeeze3A_109 : f32 to vector<16xf32>
      %mul3A_749 = arith.mulf %mul3A_748, %get3A_747 : vector<16xf32>
      %add3A_750 = arith.addf %mul3A_744, %mul3A_749 : vector<16xf32>
      %swap3A_751 = arith.index_cast %scan3A_104 : i32 to index
      %swap3A_752 = arith.constant 720 : index
      %swap3A_753 = tpu.vector_load %arg10[%swap3A_751, %swap3A_752] {strides = array<i32>} : memref<64x768xf32, #tpu.memory_space<vmem>>, vector<16xf32>,
      tpu.vector_store %arg10[%swap3A_751, %swap3A_752], %add3A_750 {strides = array<i32>} : memref<64x768xf32, #tpu.memory_space<vmem>>, vector<16xf32>,
      %get3A_754 = arith.index_cast %scan3A_104 : i32 to index
      %get3A_755 = arith.constant 736 : index
      %get3A_756 = tpu.vector_load %arg10[%get3A_754, %get3A_755] {strides = array<i32>} : memref<64x768xf32, #tpu.memory_space<vmem>>, vector<16xf32>,
      %mul3A_757 = vector.broadcast %squeeze3A : f32 to vector<16xf32>
      %mul3A_758 = arith.mulf %mul3A_757, %get3A_756 : vector<16xf32>
      %get3A_759 = arith.index_cast %scan3A_104 : i32 to index
      %get3A_760 = arith.constant 736 : index
      %get3A_761 = tpu.vector_load %arg11[%get3A_759, %get3A_760] {strides = array<i32>} : memref<64x768xf32, #tpu.memory_space<vmem>>, vector<16xf32>,
      %mul3A_762 = vector.broadcast %squeeze3A_109 : f32 to vector<16xf32>
      %mul3A_763 = arith.mulf %mul3A_762, %get3A_761 : vector<16xf32>
      %add3A_764 = arith.addf %mul3A_758, %mul3A_763 : vector<16xf32>
      %swap3A_765 = arith.index_cast %scan3A_104 : i32 to index
      %swap3A_766 = arith.constant 736 : index
      %swap3A_767 = tpu.vector_load %arg10[%swap3A_765, %swap3A_766] {strides = array<i32>} : memref<64x768xf32, #tpu.memory_space<vmem>>, vector<16xf32>,
      tpu.vector_store %arg10[%swap3A_765, %swap3A_766], %add3A_764 {strides = array<i32>} : memref<64x768xf32, #tpu.memory_space<vmem>>, vector<16xf32>,
      %get3A_768 = arith.index_cast %scan3A_104 : i32 to index
      %get3A_769 = arith.constant 752 : index
      %get3A_770 = tpu.vector_load %arg10[%get3A_768, %get3A_769] {strides = array<i32>} : memref<64x768xf32, #tpu.memory_space<vmem>>, vector<16xf32>,
      %mul3A_771 = vector.broadcast %squeeze3A : f32 to vector<16xf32>
      %mul3A_772 = arith.mulf %mul3A_771, %get3A_770 : vector<16xf32>
      %get3A_773 = arith.index_cast %scan3A_104 : i32 to index
      %get3A_774 = arith.constant 752 : index
      %get3A_775 = tpu.vector_load %arg11[%get3A_773, %get3A_774] {strides = array<i32>} : memref<64x768xf32, #tpu.memory_space<vmem>>, vector<16xf32>,
      %mul3A_776 = vector.broadcast %squeeze3A_109 : f32 to vector<16xf32>
      %mul3A_777 = arith.mulf %mul3A_776, %get3A_775 : vector<16xf32>
      %add3A_778 = arith.addf %mul3A_772, %mul3A_777 : vector<16xf32>
      %swap3A_779 = arith.index_cast %scan3A_104 : i32 to index
      %swap3A_780 = arith.constant 752 : index
      %swap3A_781 = tpu.vector_load %arg10[%swap3A_779, %swap3A_780] {strides = array<i32>} : memref<64x768xf32, #tpu.memory_space<vmem>>, vector<16xf32>,
      tpu.vector_store %arg10[%swap3A_779, %swap3A_780], %add3A_778 {strides = array<i32>} : memref<64x768xf32, #tpu.memory_space<vmem>>, vector<16xf32>,
    }
    %scan3A_101 = arith.constant 64 : i32
    %mul3A_102 = arith.constant 64 : i32
    %mul3A_103 = arith.muli %add3A, %mul3A_102 : i32
    "tpu.region"() ({
      %run_scoped3A = tpu.sem_alloc : memref<!tpu.dma_semaphore, #tpu.memory_space<semaphore_mem>>
      %dma_start3A_104 = arith.constant 0 : i32
      %dma_start3A_105 = tpu.memref_slice %arg5[%mul3A_103, %dma_start3A_104] : memref<2048x768xf32, #tpu.memory_space<hbm>> -> memref<64x768xf32, #tpu.memory_space<hbm>>
      %dma_start3A_106 = arith.constant 0 : i32
      %dma_start3A_107 = tpu.memref_slice %arg5[%mul3A_103, %dma_start3A_106] : memref<2048x768xf32, #tpu.memory_space<hbm>> -> memref<64x768xf32, #tpu.memory_space<hbm>>
      tpu.enqueue_dma source(%arg10 : memref<64x768xf32, #tpu.memory_space<vmem>>) target(%dma_start3A_107 : memref<64x768xf32, #tpu.memory_space<hbm>>) target_semaphore(%run_scoped3A : memref<!tpu.dma_semaphore, #tpu.memory_space<semaphore_mem>>)
      %dma_wait3A_108 = arith.constant 0 : i32
      %dma_wait3A_109 = tpu.memref_slice %arg5[%mul3A_103, %dma_wait3A_108] : memref<2048x768xf32, #tpu.memory_space<hbm>> -> memref<64x768xf32, #tpu.memory_space<hbm>>
      %dma_wait3A_110 = arith.constant 0 : i32
      %dma_wait3A_111 = tpu.memref_slice %arg5[%mul3A_103, %dma_wait3A_110] : memref<2048x768xf32, #tpu.memory_space<hbm>> -> memref<64x768xf32, #tpu.memory_space<hbm>>
      tpu.wait_dma2 semaphore(%run_scoped3A : memref<!tpu.dma_semaphore, #tpu.memory_space<semaphore_mem>>) src(%arg10 : memref<64x768xf32, #tpu.memory_space<vmem>>) dst(%dma_wait3A_111 : memref<64x768xf32, #tpu.memory_space<hbm>>)
      tpu.yield
    }) : () -> ()
    return
  }
}

module attributes {stable_mosaic.version = 14 : i64} {
  func.func @_gemm_body(%arg0: i32, %arg1: memref<32xi32, #tpu.memory_space<smem>>, %arg2: memref<512x768xf32, #tpu.memory_space<vmem>>, %arg3: memref<1x768x1536xf32, #tpu.memory_space<vmem>>, %arg4: memref<1x1536x768xf32, #tpu.memory_space<vmem>>, %arg5: memref<1x1x1536xf32, #tpu.memory_space<vmem>>, %arg6: memref<1x1x768xf32, #tpu.memory_space<vmem>>, %arg7: memref<512x768xf32, #tpu.memory_space<vmem>>) attributes {dimension_semantics = [#tpu.dimension_semantics<arbitrary>], iteration_bounds = array<i64: 16>, scalar_prefetch = 1 : i64, scratch_operands = 0 : i64, tpu.core_type = #tpu.core_type<tc>, window_params = [{transform_indices = @transform_0, window_bounds = array<i64: 512, 768>}, {transform_indices = @transform_1, window_bounds = array<i64: 1, 768, 1536>}, {transform_indices = @transform_2, window_bounds = array<i64: 1, 1536, 768>}, {transform_indices = @transform_3, window_bounds = array<i64: 1, 1, 1536>}, {transform_indices = @transform_4, window_bounds = array<i64: 1, 1, 768>}, {transform_indices = @transform_5, window_bounds = array<i64: 512, 768>}]} {
    %get3A = arith.constant 31 : index
    %get3A_0 = memref.load %arg1[%get3A] : memref<32xi32, #tpu.memory_space<smem>>
    %lt3A = arith.cmpi slt, %arg0, %get3A_0 : i32
    %convert_element_type3A = arith.extui %lt3A : i1 to i32
    %cond3A = arith.constant 0 : i32
    %cond3A_1 = arith.cmpi ne, %convert_element_type3A, %cond3A : i32
    scf.if %cond3A_1 {
      %get3A_2 = arith.constant 0 : index
      %get3A_3 = arith.constant 0 : index
      %get3A_4 = vector.load %arg2[%get3A_2, %get3A_3] : memref<512x768xf32, #tpu.memory_space<vmem>>, vector<512x768xf32>
      %convert_element_type3A_5 = arith.truncf %get3A_4 : vector<512x768xf32> to vector<512x768xbf16>
      %get3A_6 = arith.constant 0 : index
      %get3A_7 = arith.constant 0 : index
      %get3A_8 = arith.constant 0 : index
      %get3A_9 = vector.load %arg3[%get3A_6, %get3A_7, %get3A_8] : memref<1x768x1536xf32, #tpu.memory_space<vmem>>, vector<1x768x1536xf32>
      %get3A_10 = vector.shape_cast %get3A_9 : vector<1x768x1536xf32> to vector<768x1536xf32>
      %convert_element_type3A_11 = arith.truncf %get3A_10 : vector<768x1536xf32> to vector<768x1536xbf16>
      %dot_general3A = arith.constant dense<0.000000e+00> : vector<512x1536xf32>
      %dot_general3A_12 = tpu.matmul %convert_element_type3A_5, %convert_element_type3A_11, %dot_general3A {dimension_numbers = #tpu.dot_dimension_numbers<[1], [0], [0], [1], [0, 0, 1, 1], [], []>, transpose_lhs_hint = false} : vector<512x768xbf16>, vector<768x1536xbf16>, vector<512x1536xf32> -> vector<512x1536xf32>
      %get3A_13 = arith.constant 0 : index
      %get3A_14 = arith.constant 0 : index
      %get3A_15 = arith.constant 0 : index
      %get3A_16 = vector.load %arg5[%get3A_13, %get3A_14, %get3A_15] : memref<1x1x1536xf32, #tpu.memory_space<vmem>>, vector<1x1x1536xf32>
      %get3A_17 = vector.shape_cast %get3A_16 : vector<1x1x1536xf32> to vector<1x1536xf32>
      %add3A = vector.broadcast %get3A_17 : vector<1x1536xf32> to vector<512x1536xf32>
      %add3A_18 = arith.addf %dot_general3A_12, %add3A : vector<512x1536xf32>
      %mul3A = arith.constant 5.000000e-01 : f32
      %mul3A_19 = vector.broadcast %mul3A : f32 to vector<512x1536xf32>
      %mul3A_20 = arith.mulf %mul3A_19, %add3A_18 : vector<512x1536xf32>
      %mul3A_21 = arith.constant 0.707106769 : f32
      %mul3A_22 = vector.broadcast %mul3A_21 : f32 to vector<512x1536xf32>
      %mul3A_23 = arith.mulf %add3A_18, %mul3A_22 : vector<512x1536xf32>
      %erf3A = math.erf %mul3A_23 : vector<512x1536xf32>
      %add3A_24 = arith.constant 1.000000e+00 : f32
      %add3A_25 = vector.broadcast %add3A_24 : f32 to vector<512x1536xf32>
      %add3A_26 = arith.addf %add3A_25, %erf3A : vector<512x1536xf32>
      %mul3A_27 = arith.mulf %mul3A_20, %add3A_26 : vector<512x1536xf32>
      %convert_element_type3A_28 = arith.truncf %mul3A_27 : vector<512x1536xf32> to vector<512x1536xbf16>
      %get3A_29 = arith.constant 0 : index
      %get3A_30 = arith.constant 0 : index
      %get3A_31 = arith.constant 0 : index
      %get3A_32 = vector.load %arg4[%get3A_29, %get3A_30, %get3A_31] : memref<1x1536x768xf32, #tpu.memory_space<vmem>>, vector<1x1536x768xf32>
      %get3A_33 = vector.shape_cast %get3A_32 : vector<1x1536x768xf32> to vector<1536x768xf32>
      %convert_element_type3A_34 = arith.truncf %get3A_33 : vector<1536x768xf32> to vector<1536x768xbf16>
      %dot_general3A_35 = arith.constant dense<0.000000e+00> : vector<512x768xf32>
      %dot_general3A_36 = tpu.matmul %convert_element_type3A_28, %convert_element_type3A_34, %dot_general3A_35 {dimension_numbers = #tpu.dot_dimension_numbers<[1], [0], [0], [1], [0, 0, 1, 1], [], []>, transpose_lhs_hint = false} : vector<512x1536xbf16>, vector<1536x768xbf16>, vector<512x768xf32> -> vector<512x768xf32>
      %get3A_37 = arith.constant 0 : index
      %get3A_38 = arith.constant 0 : index
      %get3A_39 = arith.constant 0 : index
      %get3A_40 = vector.load %arg6[%get3A_37, %get3A_38, %get3A_39] : memref<1x1x768xf32, #tpu.memory_space<vmem>>, vector<1x1x768xf32>
      %get3A_41 = vector.shape_cast %get3A_40 : vector<1x1x768xf32> to vector<1x768xf32>
      %add3A_42 = vector.broadcast %get3A_41 : vector<1x768xf32> to vector<512x768xf32>
      %add3A_43 = arith.addf %dot_general3A_36, %add3A_42 : vector<512x768xf32>
      %swap3A = arith.constant 0 : index
      %swap3A_44 = arith.constant 0 : index
      %swap3A_45 = vector.load %arg7[%swap3A, %swap3A_44] : memref<512x768xf32, #tpu.memory_space<vmem>>, vector<512x768xf32>
      tpu.vector_store %arg7[%swap3A, %swap3A_44], %add3A_43 {strides = array<i32>} : memref<512x768xf32, #tpu.memory_space<vmem>>, vector<512x768xf32>,
    } else {
    }
    return
  }
  func.func @transform_0(%arg0: i32, %arg1: memref<32xi32, #tpu.memory_space<smem>>) -> (i32, i32) {
    %c0_i32 = arith.constant 0 : i32
    %c0_i32_0 = arith.constant 0 : i32
    return %arg0, %c0_i32 : i32, i32
  }
  func.func @transform_1(%arg0: i32, %arg1: memref<32xi32, #tpu.memory_space<smem>>) -> (i32, i32, i32) {
    %get3A = arith.index_cast %arg0 : i32 to index
    %get3A_0 = memref.load %arg1[%get3A] : memref<32xi32, #tpu.memory_space<smem>>
    %c0_i32 = arith.constant 0 : i32
    %c0_i32_1 = arith.constant 0 : i32
    %c0_i32_2 = arith.constant 0 : i32
    return %get3A_0, %c0_i32, %c0_i32_1 : i32, i32, i32
  }
  func.func @transform_2(%arg0: i32, %arg1: memref<32xi32, #tpu.memory_space<smem>>) -> (i32, i32, i32) {
    %get3A = arith.index_cast %arg0 : i32 to index
    %get3A_0 = memref.load %arg1[%get3A] : memref<32xi32, #tpu.memory_space<smem>>
    %c0_i32 = arith.constant 0 : i32
    %c0_i32_1 = arith.constant 0 : i32
    %c0_i32_2 = arith.constant 0 : i32
    return %get3A_0, %c0_i32, %c0_i32_1 : i32, i32, i32
  }
  func.func @transform_3(%arg0: i32, %arg1: memref<32xi32, #tpu.memory_space<smem>>) -> (i32, i32, i32) {
    %get3A = arith.index_cast %arg0 : i32 to index
    %get3A_0 = memref.load %arg1[%get3A] : memref<32xi32, #tpu.memory_space<smem>>
    %c0_i32 = arith.constant 0 : i32
    %c0_i32_1 = arith.constant 0 : i32
    %c0_i32_2 = arith.constant 0 : i32
    return %get3A_0, %c0_i32, %c0_i32_1 : i32, i32, i32
  }
  func.func @transform_4(%arg0: i32, %arg1: memref<32xi32, #tpu.memory_space<smem>>) -> (i32, i32, i32) {
    %get3A = arith.index_cast %arg0 : i32 to index
    %get3A_0 = memref.load %arg1[%get3A] : memref<32xi32, #tpu.memory_space<smem>>
    %c0_i32 = arith.constant 0 : i32
    %c0_i32_1 = arith.constant 0 : i32
    %c0_i32_2 = arith.constant 0 : i32
    return %get3A_0, %c0_i32, %c0_i32_1 : i32, i32, i32
  }
  func.func @transform_5(%arg0: i32, %arg1: memref<32xi32, #tpu.memory_space<smem>>) -> (i32, i32) {
    %c0_i32 = arith.constant 0 : i32
    %c0_i32_0 = arith.constant 0 : i32
    return %arg0, %c0_i32 : i32, i32
  }
}

</mosaic_0001>

<sc_bundles>
// kernel: kernel.5.cloned.1.call-start
scs
__scs_entry_jumppad:
0x0: {  	(pc) =	sbr.rel $0x88, $3  }
0x1: {  	(tag) =	ssettag $0x0;
	lr =	simm.s32 $0x1  }
0x2: {  	[smem:$0x3F9A] =	sst lr;
	_ =	strace $0xD0000000  }
0x3: {  	_ = 	snop  }
0x4: {  	_ = 	snop  }
0x5: {  	_ = 	snop  }
0x6: {  	_ = 	snop  }
0x7: {  	_ = 	snop  }
__scs_overlays_trampoline_lowered:
0x8: {  	[smem:$0x3FA9] =	sst s0  }
0x9: {  	[smem:$0x3FAA] =	sst s1  }
0xa: {  	[smem:$0x3FAB] =	sst s2  }
0xb: {  	[smem:$0x3FAC] =	sst s3  }
0xc: {  	[smem:$0x3FAD] =	sst s4  }
0xd: {  	[smem:$0x3FAE] =	sst s5  }
0xe: {  	[smem:$0x3FAF] =	sst s6  }
0xf: {  	[smem:$0x3FB0] =	sst s7  }
0x10: {  	[smem:$0x3FB1] =	sst s8  }
0x11: {  	[smem:$0x3FB2] =	sst s9;
	s0 =	simm.s32 @!p0 $0x0  }
0x12: {  	s1 =	sld [smem:$0x3F98];
	s0 =	simm.s32 @p0 $0x1  }
0x13: {  	[smem:$0x3FB3] =	sst s0;
	s0 =	simm.s32 @!p1 $0x0  }
0x14: {  	s2 =	sld [smem:$0x3F97];
	s0 =	simm.s32 @p1 $0x1  }
0x15: {  	[smem:$0x3FB4] =	sst s0;
	s0 =	simm.s32 @!p2 $0x0  }
0x16: {  	s3 =	sld [smem:$0x3FDB];
	s0 =	simm.s32 @p2 $0x1  }
0x17: {  	s4 =	simm.s32 $0x1BF5;
	[smem:$0x3FB6] =	sst s0  }
0x18: {  	s0 =	sld [smem:$0x3F99];
	_ =	swait.ge [sflag:s4], $0x0  }
0x19: {  	s7 =	sld [smem:$0x3F9A]  }
0x1a: {  	s8 =	sadd.s32 $0xFFFFE003, lr  }
0x1b: {  	s9 =	sadd.s32 $0xFFFFFEF7, lr;
	s5 =	simm.s32 $0xFFFFFFFF;
	p2 =	slt.u32 s8, $0xFFFFF086  }
0x1c: {  	p1 =	slt.u32 s9, $0xF7A;
	s5 =	simm.s32 @!p2 $0x0  }
0x1d: {  	s5 =	simm.s32 @p1 $0x1;
	p0 =	seq.s32 s7, s2  }
0x1e: {  	s7 =	smul.u32 @!p0 $0xF7A, s2;
	p2 =	seq.s32 @!p0 s5, $0x0  }
0x1f: {  	s9 =	smul.u32 $0xF7A, s1;
	s8 =	simm.s32 @!p0 $0x1BF5;
	p2 =	por !p2, p0  }
0x20: {  	[sflag:s8] =	ssyncset.s32 @!p0 $0xFFFFF086;
	s6 =	sadd.s32 @!p0 s3, s7;
	s7 =	simm.s32 @!p0 $0x108  }
0x21: {  	s3 =	sadd.s32 s3, s9;
	s6 =	sadd.s32 @!p0 $0x88, s6;
	s7 =	simm.s32 @p2 $0x1082  }
0x22: {  	[simem:s7], [sflag:s8] =	dma.local @!p0 [hbm:s6], $0xF7A  }
0x23: {  	s9 =	sor.u32 $0xD0000000, s2;
	s6 =	simm.s32 $0x108;
	_ =	swait.ge @!p0 [sflag:s8], $0x0  }
0x24: {  	s3 =	sadd.s32 $0x88, s3;
	s6 =	simm.s32 @!p1 $0x1082;
	[sflag:s4] =	ssyncset.s32 $0xFFFFF086  }
0x25: {  	[simem:s6], [sflag:s4] =	dma.local [hbm:s3], $0xF7A  }
0x26: {  	[smem:$0x3F9A] =	sst s1;
	(tag) =	ssettag s2;
	_ =	strace s9  }
0x27: {  	s1 =	sld [smem:$0x3FAA]  }
0x28: {  	s2 =	sld [smem:$0x3FAB]  }
0x29: {  	s4 =	sld [smem:$0x3FAD]  }
0x2a: {  	p0 =	seq.s32 s5, $0x0;
	s5 =	sld [smem:$0x3FAE]  }
0x2b: {  	s6 =	sld [smem:$0x3FAF]  }
0x2c: {  	s7 =	sld [smem:$0x3FB0]  }
0x2d: {  	s3 =	simm.s32 $0x108;
	s8 =	sld [smem:$0x3FB1]  }
0x2e: {  	s3 =	simm.s32 @!p0 $0x1082;
	s9 =	sld [smem:$0x3FB2]  }
0x2f: {  	lr =	sadd.s32 s0, s3;
	s0 =	sld [smem:$0x3FA9]  }
0x30: {  	s3 =	sld [smem:$0x3FAC]  }
0x31: {  	[smem:$0x3FB5] =	sst s10  }
0x32: {  	s10 =	sld [smem:$0x3FB3];
	_ =	sdelay $0x3  }
0x33: {  	p0 =	seq.s32 s10, $0x1;
	s10 =	sld [smem:$0x3FB5];
	_ =	sdelay $0x3  }
0x34: {  	[smem:$0x3FB5] =	sst s10  }
0x35: {  	s10 =	sld [smem:$0x3FB4];
	_ =	sdelay $0x3  }
0x36: {  	p1 =	seq.s32 s10, $0x1;
	s10 =	sld [smem:$0x3FB5];
	_ =	sdelay $0x3  }
0x37: {  	[smem:$0x3FB5] =	sst s10  }
0x38: {  	s10 =	sld [smem:$0x3FB6]  }
0x39: {  	_ = 	snop;
	(pc) =	sbr.ind lr, $3  }
0x3a: {  	_ = 	snop  }
0x3b: {  	_ = 	snop  }
0x3c: {  	p2 =	seq.s32 s10, $0x1;
	s10 =	sld [smem:$0x3FB5]  }
0x3d: {  	_ =	shalt  }
0x3e: {  	_ =	shalt  }
0x3f: {  	_ =	shalt  }
0x40: {  	_ =	shalt  }
0x41: {  	_ =	shalt  }
0x42: {  	_ =	shalt  }
0x43: {  	_ =	shalt  }
0x44: {  	_ =	shalt  }
0x45: {  	_ =	shalt  }
0x46: {  	_ =	shalt  }
0x47: {  	_ =	shalt  }
0x48: {  	_ =	shalt  }
0x49: {  	_ =	shalt  }
0x4a: {  	_ =	shalt  }
0x4b: {  	_ =	shalt  }
0x4c: {  	_ =	shalt  }
0x4d: {  	_ =	shalt  }
0x4e: {  	_ =	shalt  }
0x4f: {  	_ =	shalt  }
0x50: {  	_ =	shalt  }
0x51: {  	_ =	shalt  }
0x52: {  	_ =	shalt  }
0x53: {  	_ =	shalt  }
0x54: {  	_ =	shalt  }
0x55: {  	_ =	shalt  }
0x56: {  	_ =	shalt  }
0x57: {  	_ =	shalt  }
0x58: {  	_ =	shalt  }
0x59: {  	_ =	shalt  }
0x5a: {  	_ =	shalt  }
0x5b: {  	_ =	shalt  }
0x5c: {  	_ =	shalt  }
0x5d: {  	_ =	shalt  }
0x5e: {  	_ =	shalt  }
0x5f: {  	_ =	shalt  }
0x60: {  	_ =	shalt  }
0x61: {  	_ =	shalt  }
0x62: {  	_ =	shalt  }
0x63: {  	_ =	shalt  }
0x64: {  	_ =	shalt  }
0x65: {  	_ =	shalt  }
0x66: {  	_ =	shalt  }
0x67: {  	_ =	shalt  }
0x68: {  	_ =	shalt  }
0x69: {  	_ =	shalt  }
0x6a: {  	_ =	shalt  }
0x6b: {  	_ =	shalt  }
0x6c: {  	_ =	shalt  }
0x6d: {  	_ =	shalt  }
0x6e: {  	_ =	shalt  }
0x6f: {  	_ =	shalt  }
0x70: {  	_ =	shalt  }
0x71: {  	_ =	shalt  }
0x72: {  	_ =	shalt  }
0x73: {  	_ =	shalt  }
0x74: {  	_ =	shalt  }
0x75: {  	_ =	shalt  }
0x76: {  	_ =	shalt  }
0x77: {  	_ =	shalt  }
0x78: {  	_ =	shalt  }
0x79: {  	_ =	shalt  }
0x7a: {  	_ =	shalt  }
0x7b: {  	_ =	shalt  }
0x7c: {  	_ =	shalt  }
0x7d: {  	_ =	shalt  }
0x7e: {  	_ =	shalt  }
0x7f: {  	_ =	shalt  }
0x80: {  	_ =	shalt  }
0x81: {  	_ =	shalt  }
0x82: {  	_ =	shalt  }
0x83: {  	_ =	shalt  }
0x84: {  	_ =	shalt  }
0x85: {  	_ =	shalt  }
0x86: {  	_ =	shalt  }
0x87: {  	_ =	shalt  }
.Lfunc_end0:
.L_simem_size_0:
called_computation_lowered:
.L_overlay_start_0:
0x88: {  	s2 =	sld [smem:$0x3FD9]  }
0x89: {  	s3 =	sld [smem:$0x3FFE];
	_ =	sdelay $0x1  }
0x8a: {  	s1 =	srdreg.scid  }
0x8b: {  	s0 =	sand.u32 $0x1, s1  }
0x8c: {  	s17 =	sshll.u32 s0, $0xA;
	s2 =	sadd.s32 s3, s2  }
0x8d: {  	s2 =	sadd.s32 s2, s17  }
0x8e: {  	[smem:$0x3FC1] =	sst s2  }
0x8f: {  	_ = 	snop  }
0x90: {  	s2 =	sld [smem:$0x3FC9]  }
0x91: {  	s18 =	sld [smem:$0x3FD0];
	(tm) =	ssettm $0x1  }
0x92: {  	s4 =	sld [smem:$0x3FFB];
	_ =	sdelay $0x3  }
0x93: {  	_ =	strace s4  }
0x94: {  	s4 =	sld [smem:$0x3FFC];
	_ =	sdelay $0x3  }
0x95: {  	_ =	strace s4  }
0x96: {  	s4 =	sld [smem:$0x3FFD];
	_ =	sdelay $0x3  }
0x97: {  	_ =	strace s4  }
0x98: {  	_ =	strace $0x8FFFFFFF  }
0x99: {  	s19 =	sld [smem:$0x3FDB];
	_ =	sdelay $0x1  }
0x9a: {  	s5 =	simm.s32 $_scs_section_size  }
0x9b: {  	s6 =	simm.s32 $_size__tile_overlayer_lowered;
	s7 =	simm.s32 $_tile_overlayer_lowered  }
0x9c: {  	s22 =	simm.s32 $0x1BFF;
	s21 =	sshll.u32 s7, $0x1;
	s4 =	sadd.s32 s5, s19  }
0x9d: {  	s8 =	simm.s32 $0x0;
	s20 =	sshll.u32 s6, $0x1;
	s6 =	sadd.s32 s21, s4  }
0x9e: {  	[timem:s8], [sflag:s22] =	dma.local [hbm:s6], s20  }
0x9f: {  	_ =	swait.ge [sflag:s22], s20  }
0xa0: {  	s5 =	ssub.s32 $0x0, s20;
	[sflag:s22] =	ssyncset.done $0x0  }
0xa1: {  	[sflag:s22] =	ssyncadd.s32 s5;
	_ =	sdelay $0x1  }
0xa2: {  	s23 =	simm.s32 $0x1B8B  }
0xa3: {  	_ =	swait.ge [sflag:s23], $0x1  }
0xa4: {  	[sflag:s23] =	ssyncset.done $0x0  }
0xa5: {  	s25 =	simm.s32 $0x1B8E;
	s24 =	sld [smem:$0x3FFE];
	[sflag:s23] =	ssyncadd.s32 $0xFFFFFFFF  }
0xa6: {  	s26 =	simm.s32 $execute0_lowered;
	[smem:$0x3FD2] =	sst s25  }
0xa7: {  	s6 =	sshll.u32 s26, $0x1;
	_ =	strace $0x80000046;
	[dreg:$0x1] =	wrdreg $0xFFFFFFFF  }
0xa8: {  	s28 =	simm.s32 $_size_execute0_lowered;
	s4 =	sadd.s32 s4, s6;
	[dreg:$0x0] =	wrdreg $0x0  }
0xa9: {  	s6 =	sshll.u32 s28, $0x1;
	[dreg:$0x2] =	wrdreg s4  }
0xaa: {  	[dreg:$0x3] =	wrdreg s6  }
0xab: {  	[dreg:$0x4] =	wrdreg $0xC0  }
0xac: {  	_ =	task [dreg:s8], $0x5FFFF  }
0xad: {  	[dreg:$0x1] =	wrdreg $0xFFFFFFFF  }
0xae: {  	[dreg:$0x0] =	wrdreg $0x60  }
0xaf: {  	[dreg:$0x2] =	wrdreg s18  }
0xb0: {  	[dreg:$0x3] =	wrdreg s2  }
0xb1: {  	[dreg:$0x4] =	wrdreg s24  }
0xb2: {  	[dreg:$0x5] =	wrdreg $0x9  }
0xb3: {  	_ =	task.clear_ibuf [dreg:s8], $0x6FFFF;
	_ =	strace $0x90000046  }
0xb4: {  	s29 =	simm.s32 $0x9;
	_ =	strace $0x80000048  }
0xb5: {  	_ =	swait.ge [sflag:s29], $0x1  }
0xb6: {  	[sflag:s29] =	ssyncadd.s32 $0xFFFFFFFF  }
0xb7: {  	_ =	strace $0x90000048  }
0xb8: {  	_ =	sfence  }
0xb9: {  	s30 =	sld [smem:$0x0];
	_ =	sdelay $0x2  }
0xba: {  	s31 =	sshll.u32 s1, $0xD;
	s1 =	sshrl.u32 s1, $0x2  }
0xbb: {  	s3 =	sand.u32 $0x4000, s31;
	s1 =	sadd.s32 s1, s30  }
0xbc: {  	s0 =	sor.u32 s3, s0;
	s1 =	sshll.u32 s1, $0x11  }
0xbd: {  	s0 =	sor.u32 s1, s0  }
0xbe: {  	s0 =	sadd.s32 $0x8F2B, s0  }
0xbf: {  	[sflag:s0] =	ssyncadd.remote.s32 $0x1  }
0xc0: {  	_ =	sfence.sel $0xFFFF  }
0xc1: {  	[dreg:$0x0] =	wrdreg $0xFFFFFFFF;
	(pc) =	sbr.abs _section_cstart, $3  }
0xc2: {  	[dreg:$0x1] =	wrdreg $0xFFFFFFFF  }
0xc3: {  	_ =	task.clear_ibuf [dreg:s8], $0x2FFFF;
	_ =	strace $0x9FFFFFFF  }
0xc4: {  	(tm) =	ssettm $0x7FFFFFFF  }
0xc5: {  	_ =	shalt  }
tec
execute0_lowered:
.L_overlay_start_1:
0x0: {  	(tag) =	ssettag $0x1  }
0x1: {  	s0 =	rddreg [dreg:$0x1]  }
0x2: {  	s1 =	rddreg [dreg:$0x2];
	s3 =	simm.s32 $0x0;
	s2 =	srdreg.scid  }
0x3: {  	s11 =	stileid.u32;
	s13 =	simm.s32 $0x1180;
	s14 =	simm.s32 $0x1180  }
0x4: {  	s28 =	simm.s32 $0x3180;
	s29 =	simm.s32 $0x3980;
	s30 =	simm.s32 $0x4180  }
0x5: {  	s31 =	simm.s32 $0x4980;
	s19 =	simm.s32 $0x7980;
	s12 =	simm.s32 $0xA980  }
0x6: {  	s16 =	simm.s32 $0xB180;
	s15 =	simm.s32 $0xB980;
	s17 =	simm.s32 $0xC180  }
0x7: {  	s18 =	simm.s32 $0xC980;
	[smem:$0x7FF] =	sst s3;
	s2 =	sand.u32 $0x1, s2  }
0x8: {  	s5 =	sshll.u32 s11, $0x1;
	s4 =	sadd.s32 $0x1000, s1;
	s20 =	sadd.s32 $0xE00, s1  }
0x9: {  	s22 =	sshll.u32 s11, $0x4;
	s24 =	sshll.u32 s11, $0xA;
	s11 =	simm.s32 $0xA180  }
0xa: {  	_ =	strace $0x80000047;
	s5 =	sor.u32 s2, s5;
	s6 =	ssub.s32 $0x2, s2  }
0xb: {  	[dreg:$0x4] =	wrdreg s20;
	s23 =	sshll.u32 s2, $0x3;
	s2 =	sshll.u32 s2, $0x9  }
0xc: {  	s20 =	simm.s32 $0x8980;
	s7 =	sshll.u32 s5, $0x4;
	s8 =	sshrl.u32 s6, $0x1  }
0xd: {  	vm0 =	vmmov $0xffff;
	v1 =	vimm.s32 $0x0;
	s9 =	smul.u32 $0x1800, s5;
	s25 =	sor.u32 s2, s24;
	p0 =	sne.s32 s5, $0x0  }
0xe: {  	v1 =	vsel vm0, $0xFFFFFFFF, v1;
	s2 =	simm.s32 $0x2;
	s10 =	sadd.s32 s7, s1;
	s6 =	ssub.s32 s6, s8  }
0xf: {  	vm1 =	vmmov $0x1;
	[tilespmem:$0x1FFE0] =	vst v1;
	v1 =	vimm.s32 $0x0;
	s7 =	sshll.u32 s5, $0x7;
	s5 =	simm.s32 $0x0;
	s0 =	sadd.s32 s0, s9  }
0x10: {  	v1 =	vsel vm1, $0xFFFFFFFF, v1;
	s21 =	sadd.s32 $0xC1000, s10;
	s9 =	sadd.s32 $0x1100, s1;
	[dreg:$0x5] =	wrdreg s0  }
0x11: {  	[tilespmem:$0x1FFF0] =	vst v1;
	v1 =	vlaneseq.u32;
	s10 =	sadd.s32 $0x1200, s1;
	s6 =	smax.u32 s6, $0x1;
	[dreg:$0x6] =	wrdreg s21  }
.Ltmp0:
0x12: {  	s1 =	sshrl.u32 s25, $0x2;
	v2 =	vmul.u32 $0x2, v1;
	[dreg:$0x7] =	wrdreg s6;
	(pc) =	sbr.rel .LBB2_1-.Ltmp0, $4  }
0x13: {  	v0 =	vimm.s32 $0x0;
	s8 =	simm.s32 $0x8180;
	v11 =	vshrl.u32 v1, $0x3;
	v10 =	vand.u32 $0x7, v1;
	s0 =	sor.u32 s22, s23;
	[dreg:$0xa] =	wrdreg s1  }
0x14: {  	v12 =	vor.u32 $0x8, v1;
	v11 =	vmul.u32 $0x8, v11;
	s23 =	simm.s32 $0x1;
	s6 =	simm.s32 $0x7180;
	s26 =	smax.u32 s0, $0x1;
	v3 =	vor.u32 $0x1, v2  }
0x15: {  	s21 =	simm.s32 $0x9180;
	s0 =	ssub.s32 $0x100, s0;
	v4 =	vor.u32 $0x20, v2;
	v5 =	vor.u32 $0x21, v2;
	v6 =	vor.u32 $0x40, v2;
	[dreg:$0x8] =	wrdreg s26  }
0x16: {  	s22 =	simm.s32 $0x9980;
	v7 =	vor.u32 $0x41, v2;
	v8 =	vor.u32 $0x60, v2;
	v9 =	vor.u32 $0x61, v2;
	[dreg:$0x9] =	wrdreg s0;
	s26 =	simm.s32 $0x2980  }
.LBB2_16:
0x17: {  	s5 =	sadd.s32 $0x1, s5;
	s24 =	rddreg [dreg:$0x7]  }
0x18: {  	p1 =	sne.s32 s5, s24  }
.Ltmp1:
0x19: {  	_ = 	snop;
	(pc) =	sbr.rel @!p1 .LBB2_17-.Ltmp1, $2  }
0x1a: {  	_ =	sdelay $0x2  }
0x1b: {  	s1 =	rddreg [dreg:$0xa]  }
.LBB2_1:
0x1c: {  	s24 =	rddreg [dreg:$0x0]  }
0x1d: {  	[tilespmem:s3], [sflag:$0x2] =	stream.linear.gather [hbm4b:s24+s3], $0x1000, $0x38;
	[tilespmem:$0xD200] =	vst v63  }
.Ltmp2:
0x1e: {  	_ = 	snop;
	(pc) =	sbr.rel @!p0 .LBB2_8-.Ltmp2, $4  }
0x1f: {  	_ =	swait.ge [sflag:s2], $0x1000  }
0x20: {  	v21 =	vimm.s32 $0x0;
	v19 =	vimm.s32 $0x0;
	[sflag:s2] =	ssyncset.done $0x0  }
0x21: {  	v18 =	vimm.s32 $0x0;
	v17 =	vimm.s32 $0x0;
	v16 =	vimm.s32 $0x0;
	s25 =	rddreg [dreg:$0x5];
	[sflag:s2] =	ssyncadd.s32 $0xFFFFF000  }
0x22: {  	v15 =	vimm.s32 $0x0;
	v14 =	vimm.s32 $0x0;
	v13 =	vimm.s32 $0x0;
	[tilespmem:s13], [sflag:$0x1] =	stream.linear.gather [hbm4b:s25+s3], $0xC000, $0x38;
	[tilespmem:$0xD200] =	vst v63  }
0x23: {  	s0 =	rddreg [dreg:$0x8]  }
0x24: {  	p2 =	seq.s32 s0, $0x1  }
.Ltmp3:
0x25: {  	_ = 	snop;
	(pc) =	sbr.rel @p2 .LBB2_3-.Ltmp3, $2  }
0x26: {  	_ =	sdelay $0x2  }
0x27: {  	v20 =	vld [tilespmem:s3+$0x0];
	p1 =	por $0x0, $0x0;
	s25 =	sadd.s32 $0xFFFFFFFF, s0  }
0x28: {  	_ = 	snop  }
0x29: {  	v14 =	vimm.s32 $0x0  }
0x2a: {  	p2 =	seq.s32 s25, $0x1;
	v15 =	vimm.s32 $0x0;
	v16 =	vimm.s32 $0x0;
	v17 =	vimm.s32 $0x0  }
.Ltmp4:
0x2b: {  	v18 =	vimm.s32 $0x0;
	v19 =	vimm.s32 $0x0;
	v21 =	vimm.s32 $0x0;
	(pc) =	sbr.rel @p2 .LBB2_5-.Ltmp4, $4  }
0x2c: {  	vm7 =	veq.s32 v20, $0x0;
	vm13 =	veq.s32 v20, $0x1;
	vm11 =	veq.s32 v20, $0x7  }
0x2d: {  	vm9 =	veq.s32 v20, $0x2;
	vm10 =	veq.s32 v20, $0x3;
	vm12 =	veq.s32 v20, $0x4  }
0x2e: {  	s24 =	sadd.s32 $0x10, s3;
	v13 =	vsel vm11, $0x1, v0;
	vm11 =	veq.s32 v20, $0x5;
	v23 =	vsel vm7, $0x1, v0  }
0x2f: {  	s25 =	sadd.s32 $0xFFFFFFFF, s25;
	p1 =	por $0x1, $0x1;
	v22 =	vsel vm13, $0x1, v0;
	vm13 =	veq.s32 v20, $0x6;
	v20 =	vld [tilespmem:s24+$0x0];
	v13 =	vadd.s32 v13, v0  }
.LBB2_6:
0x30: {  	p2 =	seq.s32 s25, $0x1;
	v24 =	vsel vm9, $0x1, v0;
	v25 =	vsel vm10, $0x1, v0;
	v26 =	vsel vm12, $0x1, v0  }
0x31: {  	v14 =	vadd.s32 v23, v14;
	v23 =	vsel vm11, $0x1, v0;
	v27 =	vsel vm13, $0x1, v0  }
0x32: {  	v15 =	vadd.s32 v22, v15;
	v16 =	vadd.s32 v24, v16;
	v17 =	vadd.s32 v25, v17  }
.Ltmp5:
0x33: {  	v18 =	vadd.s32 v26, v18;
	v19 =	vadd.s32 v23, v19;
	v21 =	vadd.s32 v27, v21;
	(pc) =	sbr.rel @!p2 .LBB2_6-.Ltmp5, $4  }
0x34: {  	vm7 =	veq.s32 v20, $0x0;
	vm13 =	veq.s32 v20, $0x1;
	vm11 =	veq.s32 v20, $0x7  }
0x35: {  	vm9 =	veq.s32 v20, $0x2;
	vm10 =	veq.s32 v20, $0x3;
	v22 =	vsel vm11, $0x1, v0  }
0x36: {  	s24 =	sadd.s32 $0x10, s24;
	vm12 =	veq.s32 v20, $0x4;
	vm11 =	veq.s32 v20, $0x5;
	v13 =	vadd.s32 v22, v13  }
0x37: {  	s25 =	sadd.s32 $0xFFFFFFFF, s25;
	v23 =	vsel vm7, $0x1, v0;
	v22 =	vsel vm13, $0x1, v0;
	vm13 =	veq.s32 v20, $0x6;
	v20 =	vld [tilespmem:s24+$0x0]  }
.LBB2_7:
0x38: {  	v24 =	vsel @p1 vm9, $0x1, v0  }
0x39: {  	v25 =	vsel @p1 vm10, $0x1, v0;
	v26 =	vsel @p1 vm12, $0x1, v0;
	v14 =	vadd.s32 @p1 v23, v14  }
0x3a: {  	v23 =	vsel @p1 vm11, $0x1, v0;
	v27 =	vsel @p1 vm13, $0x1, v0;
	v15 =	vadd.s32 @p1 v22, v15  }
0x3b: {  	v16 =	vadd.s32 @p1 v24, v16;
	v17 =	vadd.s32 @p1 v25, v17;
	v18 =	vadd.s32 @p1 v26, v18  }
0x3c: {  	v19 =	vadd.s32 @p1 v23, v19;
	v21 =	vadd.s32 @p1 v27, v21;
	v14 =	vpsel p1, v14, v0  }
0x3d: {  	v15 =	vpsel p1, v15, v0;
	v16 =	vpsel p1, v16, v0;
	v17 =	vpsel p1, v17, v0  }
0x3e: {  	v60 =	vpsel p1, v19, v0;
	v61 =	vpsel p1, v21, v0;
	vm7 =	veq.s32 v20, $0x0  }
0x3f: {  	vm5 =	veq.s32 v20, $0x1;
	vm6 =	veq.s32 v20, $0x7;
	vm0 =	veq.s32 v20, $0x2  }
0x40: {  	vm1 =	veq.s32 v20, $0x3;
	vm2 =	veq.s32 v20, $0x4;
	vm3 =	veq.s32 v20, $0x5  }
0x41: {  	vm15 =	veq.s32 v20, $0x6;
	v20 =	vpsel p1, v18, v0;
	v22 =	vsel vm6, $0x1, v0  }
0x42: {  	v23 =	vsel vm5, $0x1, v0;
	v18 =	vsel vm0, $0x1, v0;
	v62 =	vsel vm1, $0x1, v0  }
0x43: {  	v63 =	vsel vm2, $0x1, v0;
	v13 =	vadd.s32 v22, v13;
	v22 =	vsel vm7, $0x1, v0  }
0x44: {  	v19 =	vadd.s32 v23, v15;
	v18 =	vadd.s32 v18, v16;
	v17 =	vadd.s32 v62, v17  }
0x45: {  	v21 =	vadd.s32 v22, v14;
	v14 =	vsel vm3, $0x1, v0;
	v22 =	vsel vm15, $0x1, v0  }
0x46: {  	v16 =	vadd.s32 v63, v20;
	v15 =	vadd.s32 v14, v60;
	v14 =	vadd.s32 v22, v61  }
.LBB2_8:
0x47: {  	s0 =	rddreg [dreg:$0x9]  }
0x48: {  	p2 =	sne.s32 s0, $0x1  }
.Ltmp6:
0x49: {  	_ = 	snop;
	(pc) =	sbr.rel @!p2 .LBB2_9-.Ltmp6, $2  }
0x4a: {  	_ =	sdelay $0x2  }
0x4b: {  	v22 =	vld [tilespmem:s1+$0x0];
	p1 =	por $0x0, $0x0;
	[dreg:$0xb] =	wrdreg s5;
	s25 =	sadd.s32 $0xFFFFFFFF, s0  }
0x4c: {  	_ =	sdelay $0x1  }
0x4d: {  	p2 =	sne.s32 s25, $0x1  }
.Ltmp7:
0x4e: {  	_ = 	snop;
	(pc) =	sbr.rel @!p2 .LBB2_11-.Ltmp7, $4  }
0x4f: {  	v28 =	vmovc v21;
	vm7 =	veq.s32 v22, $0x0;
	vm10 =	veq.s32 v22, $0x1;
	vm9 =	veq.s32 v22, $0x7  }
0x50: {  	v29 =	vmovc v19;
	v27 =	vmovc v18;
	vm13 =	veq.s32 v22, $0x2;
	vm12 =	veq.s32 v22, $0x3;
	vm11 =	veq.s32 v22, $0x4  }
0x51: {  	s24 =	sadd.s32 $0x10, s1;
	v26 =	vmovc v17;
	v25 =	vmovc v16;
	v20 =	vsel vm9, $0x1, v0;
	vm9 =	veq.s32 v22, $0x5;
	v32 =	vsel vm7, $0x1, v0  }
0x52: {  	s25 =	sadd.s32 $0xFFFFFFFF, s25;
	p1 =	por $0x1, $0x1;
	v24 =	vmovc v15;
	v23 =	vmovc v14;
	v30 =	vld [tilespmem:s24+$0x0];
	v31 =	vsel vm10, $0x1, v0;
	vm10 =	veq.s32 v22, $0x6;
	v20 =	vadd.s32 v20, v13  }
.LBB2_12:
0x53: {  	p2 =	sne.s32 s25, $0x1;
	v22 =	vsel vm13, $0x1, v0;
	v33 =	vsel vm12, $0x1, v0;
	v34 =	vsel vm11, $0x1, v0  }
0x54: {  	v28 =	vadd.s32 v32, v28;
	v32 =	vsel vm9, $0x1, v0;
	v35 =	vsel vm10, $0x1, v0  }
0x55: {  	v29 =	vadd.s32 v31, v29;
	v27 =	vadd.s32 v22, v27;
	v26 =	vadd.s32 v33, v26  }
.Ltmp8:
0x56: {  	v25 =	vadd.s32 v34, v25;
	v24 =	vadd.s32 v32, v24;
	v23 =	vadd.s32 v35, v23;
	(pc) =	sbr.rel @p2 .LBB2_12-.Ltmp8, $4  }
0x57: {  	vm7 =	veq.s32 v30, $0x0;
	vm10 =	veq.s32 v30, $0x1;
	vm9 =	veq.s32 v30, $0x7  }
0x58: {  	vm13 =	veq.s32 v30, $0x2;
	vm12 =	veq.s32 v30, $0x3;
	v22 =	vsel vm9, $0x1, v0  }
0x59: {  	s24 =	sadd.s32 $0x10, s24;
	vm11 =	veq.s32 v30, $0x4;
	vm9 =	veq.s32 v30, $0x5;
	v20 =	vadd.s32 v22, v20  }
0x5a: {  	s25 =	sadd.s32 $0xFFFFFFFF, s25;
	v32 =	vsel vm7, $0x1, v0;
	v31 =	vsel vm10, $0x1, v0;
	vm10 =	veq.s32 v30, $0x6;
	v30 =	vld [tilespmem:s24+$0x0]  }
0x5b: {  	_ =	sdelay $0x3  }
0x5c: {  	v22 =	vmov v30  }
.LBB2_14:
0x5d: {  	v28 =	vadd.s32 @p1 v32, v28;
	vm7 =	veq.s32 v22, $0x0;
	v29 =	vadd.s32 @p1 v31, v29  }
0x5e: {  	vm1 =	veq.s32 v22, $0x1;
	v30 =	vsel vm7, $0x1, v0;
	v28 =	vpsel p1, v28, v21  }
0x5f: {  	(xrf0) =	vadd.scan.msk.s32 $0xffff, v21;
	vm2 =	veq.s32 v22, $0x2;
	vm3 =	veq.s32 v22, $0x3;
	v28 =	vadd.s32 v30, v28  }
0x60: {  	v21 =	vsel @p1 vm13, $0x1, v0;
	v59 =	vsel vm1, $0x1, v0;
	v29 =	vpsel p1, v29, v19;
	(xrf0) =	vadd.scan.msk.s32 $0xffff, v28  }
0x61: {  	v61 =	vsel vm2, $0x1, v0;
	v21 =	vadd.s32 @p1 v21, v27;
	v60 =	vadd.s32 v59, v29;
	(xrf0) =	vadd.scan.msk.s32 $0xffff, v19  }
0x62: {  	v62 =	vsel vm3, $0x1, v0;
	v21 =	vpsel p1, v21, v18;
	v19 =	vsel @p1 vm12, $0x1, v0;
	(xrf0) =	vadd.scan.msk.s32 $0xffff, v60  }
0x63: {  	vm13 =	veq.s32 v22, $0x6;
	v21 =	vadd.s32 v61, v21;
	v19 =	vadd.s32 @p1 v19, v26;
	(xrf0) =	vadd.scan.msk.s32 $0xffff, v18  }
0x64: {  	vm12 =	veq.s32 v22, $0x5;
	v18 =	vsel @p1 vm11, $0x1, v0;
	v19 =	vpsel p1, v19, v17;
	(xrf0) =	vadd.scan.msk.s32 $0xffff, v21  }
0x65: {  	vm11 =	veq.s32 v22, $0x4;
	v63, _, _ =	vpop (xrf0);
	v18 =	vadd.s32 @p1 v18, v25;
	v19 =	vadd.s32 v62, v19;
	(xrf0) =	vadd.scan.msk.s32 $0xffff, v17  }
0x66: {  	v28 =	vsel vm11, $0x1, v0;
	v17 =	vsel @p1 vm9, $0x1, v0;
	v18 =	vpsel p1, v18, v16;
	v29, _, _ =	vpop (xrf0);
	(xrf0) =	vadd.scan.msk.s32 $0xffff, v19  }
0x67: {  	v17 =	vadd.s32 @p1 v17, v24;
	v18 =	vadd.s32 v28, v18;
	v30, _, _ =	vpop (xrf0);
	(xrf0) =	vadd.scan.msk.s32 $0xffff, v16;
	v16 =	vsel @p1 vm10, $0x1, v0  }
0x68: {  	v31 =	vsel vm12, $0x1, v0;
	v17 =	vpsel p1, v17, v15;
	v32, _, _ =	vpop (xrf0);
	(xrf0) =	vadd.scan.msk.s32 $0xffff, v18;
	v16 =	vadd.s32 @p1 v16, v23  }
0x69: {  	v34 =	vsel vm13, $0x1, v0;
	v17 =	vadd.s32 v31, v17;
	v33, _, _ =	vpop (xrf0);
	(xrf0) =	vadd.scan.msk.s32 $0xffff, v15;
	v15 =	vpsel p1, v16, v14  }
0x6a: {  	v35, _, _ =	vpop (xrf0);
	(xrf0) =	vadd.scan.msk.s32 $0xffff, v17;
	v15 =	vadd.s32 v34, v15  }
0x6b: {  	vm14 =	veq.s32 v22, $0x7;
	v41 =	vld [tilespmem:$0x1FFF0];
	v36, _, _ =	vpop (xrf0);
	(xrf0) =	vadd.scan.msk.s32 $0xffff, v14  }
0x6c: {  	v14 =	vsel vm14, $0x1, v0;
	v37, _, _ =	vpop (xrf0);
	(xrf0) =	vadd.scan.msk.s32 $0xffff, v15  }
0x6d: {  	vm4 =	vcmask $0xB08;
	vm6 =	vcmask $0x1310;
	v14 =	vadd.s32 v14, v20;
	v15, _, _ =	vpop (xrf0);
	(xrf0) =	vadd.scan.msk.s32 $0xffff, v13  }
0x6e: {  	vm8 =	vcmask $0x1B18;
	vm0 =	vcmask $0x1F1C;
	v39 =	vbroadcast v32, $0xF;
	v13, _, _ =	vpop (xrf0);
	(xrf0) =	vadd.scan.msk.s32 $0xffff, v14  }
0x6f: {  	vm2 =	vcmask $0x1714;
	vm12 =	vcmask $0x704;
	v14 =	vbroadcast v29, $0xF;
	v38, _, _ =	vpop (xrf0)  }
0x70: {  	vm1 =	vnez.u8 v41;
	v23 =	vbroadcast v35, $0xF;
	v22 =	vnsel vm12, $0x0, v39;
	v40, _, _ =	vpop (xrf0)  }
0x71: {  	vm14 =	vcmask $0xF0C;
	v17 =	vbroadcast v37, $0xF;
	v14 =	vnsel vm1, $0x0, v14;
	v42, _, _ =	vpop (xrf0)  }
0x72: {  	v43 =	vnsel vm4, $0x0, v23;
	v13 =	vbroadcast v13, $0xF;
	v14 =	vadd.s32 v14, v22;
	v44, _, _ =	vpop (xrf0)  }
0x73: {  	v17 =	vnsel vm14, $0x0, v17;
	v45 =	vbroadcast v40, $0xF;
	v14 =	vadd.s32 v43, v14;
	v46, _, _ =	vpop (xrf0)  }
0x74: {  	v13 =	vnsel vm6, $0x0, v13;
	v14 =	vadd.s32 v17, v14;
	v47 =	vbroadcast v44, $0xF;
	v48, _, _ =	vpop (xrf0)  }
0x75: {  	v23 =	vld [tilespmem:s7+$0x0];
	v13 =	vadd.s32 v13, v14;
	v14 =	vnsel vm2, $0x0, v45;
	v49 =	vbroadcast v48, $0xF  }
0x76: {  	v19 =	vbroadcast v30, $0xF;
	v13 =	vadd.s32 v14, v13;
	v14 =	vnsel vm8, $0x0, v47  }
0x77: {  	v18 =	vbroadcast v33, $0xF;
	v13 =	vadd.s32 v14, v13;
	v14 =	vnsel vm0, $0x0, v49  }
0x78: {  	v19 =	vnsel vm12, $0x0, v19;
	v14 =	vadd.s32 v14, v13;
	v13 =	vbroadcast v63, $0xF  }
0x79: {  	v16 =	vbroadcast v36, $0xF;
	v18 =	vnsel vm4, $0x0, v18;
	v50 =	vadd.s32 $0x1FF, v14  }
0x7a: {  	vm9 =	veq.s32 v23, $0x0;
	v17 =	vand.u32 $0xFFFFFE00, v50;
	v13 =	vnsel vm1, $0x0, v13  }
0x7b: {  	v15 =	vbroadcast v15, $0xF;
	v51 =	vsel vm9, $0x1, v0;
	(xrf0) =	vadd.scan.msk.s32 $0xffff, v17;
	v13 =	vadd.s32 v13, v19  }
0x7c: {  	v16 =	vnsel vm14, $0x0, v16;
	(xrf0) =	vadd.scan.msk.s32 $0xffff, v51;
	v13 =	vadd.s32 v18, v13  }
0x7d: {  	v15 =	vnsel vm6, $0x0, v15;
	v13 =	vadd.s32 v16, v13  }
0x7e: {  	v52 =	vbroadcast v38, $0xF;
	v13 =	vadd.s32 v15, v13  }
0x7f: {  	v53 =	vbroadcast v42, $0xF  }
0x80: {  	v54 =	vbroadcast v46, $0xF;
	v15 =	vnsel vm2, $0x0, v52  }
0x81: {  	v16 =	vnsel vm8, $0x0, v53;
	v15 =	vadd.s32 v15, v13;
	v13, _, _ =	vpop (xrf0)  }
0x82: {  	v55 =	vnsel vm0, $0x0, v54;
	v15 =	vadd.s32 v16, v15;
	v56, _, _ =	vpop (xrf0)  }
0x83: {  	v15 =	vadd.s32 v55, v15;
	v57 =	vsub.s32 v13, v17;
	v58 =	vbroadcast v56, $0xF  }
0x84: {  	v15 =	vadd.s32 v57, v15  }
0x85: {  	vm10 =	veq.s32 v23, $0x1;
	v16 =	vnsel vm1, $0x0, v15;
	v17 =	vnsel vm1, $0x0, v58  }
0x86: {  	vm3 =	vcmask $0x308;
	v59 =	vsel vm10, $0x1, v0;
	(xrf0) =	vadd.scan.msk.s32 $0xffff, v16;
	v15 =	vadd.s32 v15, v17  }
0x87: {  	vm11 =	veq.s32 v23, $0x2;
	(xrf0) =	vadd.scan.msk.s32 $0xffff, v59;
	v60 =	vsel vm3, $0x0, v15  }
0x88: {  	v61 =	vsel vm11, $0x1, v0;
	(xrf0) =	vadd.scan.msk.s32 $0xffff, v60  }
0x89: {  	(xrf0) =	vadd.scan.msk.s32 $0xffff, v61;
	_ =	sdelay $0x2  }
0x8a: {  	v62, _, _ =	vpop (xrf0)  }
0x8b: {  	v63, _, _ =	vpop (xrf0)  }
0x8c: {  	v34 =	vbroadcast v63, $0xF;
	v33, _, _ =	vpop (xrf0)  }
0x8d: {  	v35, _, _ =	vpop (xrf0)  }
0x8e: {  	v20 =	vnsel vm12, $0x0, v34;
	v36 =	vbroadcast v35, $0xF  }
0x8f: {  	vm5 =	vcmask $0x70C;
	v15 =	vadd.s32 v20, v15  }
0x90: {  	vm13 =	veq.s32 v23, $0x3;
	v20 =	vsel vm5, $0x0, v15;
	v22 =	vnsel vm4, $0x0, v36  }
0x91: {  	v37 =	vsel vm13, $0x1, v0;
	(xrf0) =	vadd.scan.msk.s32 $0xffff, v20;
	vm4 =	vcmask $0xB10;
	v15 =	vadd.s32 v22, v15  }
0x92: {  	vm12 =	veq.s32 v23, $0x4;
	(xrf0) =	vadd.scan.msk.s32 $0xffff, v37;
	v38 =	vsel vm4, $0x0, v15  }
0x93: {  	v39 =	vsel vm12, $0x1, v0;
	(xrf0) =	vadd.scan.msk.s32 $0xffff, v38  }
0x94: {  	(xrf0) =	vadd.scan.msk.s32 $0xffff, v39;
	_ =	sdelay $0x2  }
0x95: {  	v40, _, _ =	vpop (xrf0)  }
0x96: {  	v41, _, _ =	vpop (xrf0)  }
0x97: {  	v43 =	vbroadcast v41, $0xF;
	v42, _, _ =	vpop (xrf0)  }
0x98: {  	v44, _, _ =	vpop (xrf0)  }
0x99: {  	v25 =	vnsel vm14, $0x0, v43;
	v45 =	vbroadcast v44, $0xF  }
0x9a: {  	vm15 =	vcmask $0xF14;
	v15 =	vadd.s32 v25, v15  }
0x9b: {  	vm14 =	veq.s32 v23, $0x5;
	v25 =	vsel vm15, $0x0, v15;
	v27 =	vnsel vm6, $0x0, v45  }
0x9c: {  	v46 =	vsel vm14, $0x1, v0;
	(xrf0) =	vadd.scan.msk.s32 $0xffff, v25;
	vm6 =	vcmask $0x1318;
	v15 =	vadd.s32 v27, v15  }
0x9d: {  	vm15 =	veq.s32 v23, $0x6;
	(xrf0) =	vadd.scan.msk.s32 $0xffff, v46;
	v47 =	vsel vm6, $0x0, v15  }
0x9e: {  	v48 =	vsel vm15, $0x1, v0;
	(xrf0) =	vadd.scan.msk.s32 $0xffff, v47  }
0x9f: {  	(xrf0) =	vadd.scan.msk.s32 $0xffff, v48;
	_ =	sdelay $0x2  }
0xa0: {  	v49, _, _ =	vpop (xrf0)  }
0xa1: {  	v50, _, _ =	vpop (xrf0)  }
0xa2: {  	v52 =	vbroadcast v50, $0xF;
	v51, _, _ =	vpop (xrf0)  }
0xa3: {  	v53, _, _ =	vpop (xrf0)  }
0xa4: {  	v29 =	vnsel vm2, $0x0, v52;
	v54 =	vbroadcast v53, $0xF  }
0xa5: {  	vm7 =	veq.s32 v23, $0x7;
	vm2 =	vcmask $0x171C;
	v15 =	vadd.s32 v29, v15  }
0xa6: {  	v16 =	vadd.s32 $0xFFFFFFFF, v62;
	v29 =	vsel vm2, $0x0, v15;
	v31 =	vnsel vm8, $0x0, v54  }
0xa7: {  	v23 =	vsel vm7, $0x1, v0;
	(xrf0) =	vadd.scan.msk.s32 $0xffff, v29;
	vm8 =	vcmask $0x1B20;
	v15 =	vadd.s32 v31, v15  }
0xa8: {  	v16 =	vbroadcast v16, $0xF;
	v19 =	vadd.s32 $0xFFFFFFFF, v33;
	(xrf0) =	vadd.scan.msk.s32 $0xffff, v23;
	v55 =	vsel vm8, $0x0, v15  }
0xa9: {  	v19 =	vbroadcast v19, $0xF;
	v20 =	vadd.s32 $0xFFFFFFFF, v40;
	(xrf0) =	vadd.scan.msk.s32 $0xffff, v55  }
0xaa: {  	v16 =	vadd.s32 v16, v56;
	v56 =	vbroadcast v20, $0xF  }
0xab: {  	v16 =	vnsel vm9, $0x0, v16;
	v17 =	vadd.s32 v63, v19;
	v57 =	vadd.s32 $0xFFFFFFFF, v42  }
0xac: {  	v16 =	vsel vm10, v17, v16;
	v58 =	vadd.s32 v35, v56;
	v59 =	vbroadcast v57, $0xF  }
0xad: {  	v16 =	vsel vm11, v58, v16;
	v60 =	vadd.s32 $0xFFFFFFFF, v49;
	v61, _, _ =	vpop (xrf0)  }
0xae: {  	v18 =	vadd.s32 v41, v59;
	v17 =	vbroadcast v60, $0xF;
	v62 =	vadd.s32 $0xFFFFFFFF, v51;
	v63, _, _ =	vpop (xrf0)  }
0xaf: {  	v16 =	vsel vm13, v18, v16;
	v24 =	vbroadcast v62, $0xF;
	v19 =	vadd.s32 $0xFFFFFFFF, v61;
	v25, _, _ =	vpop (xrf0)  }
0xb0: {  	v17 =	vadd.s32 v44, v17;
	v19 =	vbroadcast v19, $0xF;
	v20 =	vadd.s32 $0xFFFFFFFF, v25  }
0xb1: {  	v16 =	vsel vm12, v17, v16;
	v27 =	vadd.s32 v50, v24;
	v28 =	vbroadcast v20, $0xF  }
0xb2: {  	v16 =	vsel vm14, v27, v16;
	v29 =	vadd.s32 v53, v19  }
0xb3: {  	v16 =	vsel vm15, v29, v16;
	v30 =	vadd.s32 v63, v28  }
0xb4: {  	v16 =	vsel vm7, v30, v16  }
0xb5: {  	[tilespmem:$0x1000] =	vst v16  }
0xb6: {  	v16 =	vld [tilespmem:s7+$0x10];
	_ =	sdelay $0x4  }
0xb7: {  	vm9 =	veq.s32 v16, $0x0  }
0xb8: {  	v31 =	vsel vm9, $0x1, v0  }
0xb9: {  	(xrf0) =	vadd.scan.msk.s32 $0xffff, v31;
	_ =	sdelay $0x3  }
0xba: {  	v32 =	vbroadcast v63, $0xF;
	_ =	sdelay $0x1  }
0xbb: {  	v17 =	vnsel vm0, $0x0, v32;
	v33, _, _ =	vpop (xrf0)  }
0xbc: {  	v15 =	vadd.s32 v17, v15;
	v34 =	vbroadcast v33, $0xF  }
0xbd: {  	v17 =	vnsel vm1, $0x0, v15;
	vm10 =	veq.s32 v16, $0x1  }
0xbe: {  	v35 =	vsel vm10, $0x1, v0;
	(xrf0) =	vadd.scan.msk.s32 $0xffff, v17;
	v19 =	vnsel vm1, $0x0, v34  }
0xbf: {  	(xrf0) =	vadd.scan.msk.s32 $0xffff, v35;
	v15 =	vadd.s32 v19, v15  }
0xc0: {  	vm11 =	veq.s32 v16, $0x2;
	v36 =	vsel vm3, $0x0, v15  }
0xc1: {  	v37 =	vsel vm11, $0x1, v0;
	(xrf0) =	vadd.scan.msk.s32 $0xffff, v36  }
0xc2: {  	(xrf0) =	vadd.scan.msk.s32 $0xffff, v37;
	_ =	sdelay $0x1  }
0xc3: {  	v38, _, _ =	vpop (xrf0)  }
0xc4: {  	v39, _, _ =	vpop (xrf0)  }
0xc5: {  	v41 =	vbroadcast v39, $0xF  }
0xc6: {  	vm13 =	vcmask $0x704;
	v40, _, _ =	vpop (xrf0)  }
0xc7: {  	v21 =	vnsel vm13, $0x0, v41;
	v42, _, _ =	vpop (xrf0)  }
0xc8: {  	v15 =	vadd.s32 v21, v15;
	v43 =	vbroadcast v42, $0xF  }
0xc9: {  	vm13 =	veq.s32 v16, $0x3;
	v21 =	vsel vm5, $0x0, v15;
	vm5 =	vcmask $0xB08  }
0xca: {  	v44 =	vsel vm13, $0x1, v0;
	(xrf0) =	vadd.scan.msk.s32 $0xffff, v21;
	v23 =	vnsel vm5, $0x0, v43  }
0xcb: {  	(xrf0) =	vadd.scan.msk.s32 $0xffff, v44;
	v15 =	vadd.s32 v23, v15  }
0xcc: {  	vm12 =	veq.s32 v16, $0x4;
	v45 =	vsel vm4, $0x0, v15  }
0xcd: {  	v46 =	vsel vm12, $0x1, v0;
	(xrf0) =	vadd.scan.msk.s32 $0xffff, v45  }
0xce: {  	(xrf0) =	vadd.scan.msk.s32 $0xffff, v46;
	_ =	sdelay $0x1  }
0xcf: {  	v47, _, _ =	vpop (xrf0)  }
0xd0: {  	v48, _, _ =	vpop (xrf0)  }
0xd1: {  	v50 =	vbroadcast v48, $0xF  }
0xd2: {  	vm14 =	vcmask $0xF0C;
	v49, _, _ =	vpop (xrf0)  }
0xd3: {  	v25 =	vnsel vm14, $0x0, v50;
	v51, _, _ =	vpop (xrf0)  }
0xd4: {  	vm15 =	vcmask $0xF14;
	v15 =	vadd.s32 v25, v15;
	v52 =	vbroadcast v51, $0xF  }
0xd5: {  	vm8 =	vcmask $0x1310;
	vm14 =	veq.s32 v16, $0x5;
	v25 =	vsel vm15, $0x0, v15  }
0xd6: {  	v53 =	vsel vm14, $0x1, v0;
	(xrf0) =	vadd.scan.msk.s32 $0xffff, v25;
	v27 =	vnsel vm8, $0x0, v52  }
0xd7: {  	(xrf0) =	vadd.scan.msk.s32 $0xffff, v53;
	v15 =	vadd.s32 v27, v15  }
0xd8: {  	vm15 =	veq.s32 v16, $0x6;
	v54 =	vsel vm6, $0x0, v15  }
0xd9: {  	v55 =	vsel vm15, $0x1, v0;
	(xrf0) =	vadd.scan.msk.s32 $0xffff, v54  }
0xda: {  	(xrf0) =	vadd.scan.msk.s32 $0xffff, v55;
	_ =	sdelay $0x1  }
0xdb: {  	v56, _, _ =	vpop (xrf0)  }
0xdc: {  	v57, _, _ =	vpop (xrf0)  }
0xdd: {  	v59 =	vbroadcast v57, $0xF  }
0xde: {  	vm7 =	vcmask $0x1714;
	v58, _, _ =	vpop (xrf0)  }
0xdf: {  	v29 =	vnsel vm7, $0x0, v59;
	v60, _, _ =	vpop (xrf0)  }
0xe0: {  	vm7 =	vcmask $0x171C;
	v15 =	vadd.s32 v29, v15;
	v61 =	vbroadcast v60, $0xF  }
0xe1: {  	v29 =	vsel vm7, $0x0, v15;
	vm7 =	vcmask $0x1B18  }
0xe2: {  	vm2 =	vcmask $0x1B20;
	v31 =	vnsel vm7, $0x0, v61;
	vm7 =	veq.s32 v16, $0x7  }
0xe3: {  	v20 =	vadd.s32 $0xFFFFFFFF, v40;
	(xrf0) =	vadd.scan.msk.s32 $0xffff, v29;
	v15 =	vadd.s32 v31, v15;
	v63 =	vsel vm7, $0x1, v0  }
0xe4: {  	v62 =	vadd.s32 $0xFFFFFFFF, v38;
	v20 =	vbroadcast v20, $0xF;
	(xrf0) =	vadd.scan.msk.s32 $0xffff, v63;
	v29 =	vsel vm2, $0x0, v15  }
0xe5: {  	v16 =	vbroadcast v62, $0xF;
	(xrf0) =	vadd.scan.msk.s32 $0xffff, v29  }
0xe6: {  	v21 =	vadd.s32 $0xFFFFFFFF, v47;
	v32 =	vadd.s32 v39, v20  }
0xe7: {  	v35 =	vadd.s32 $0xFFFFFFFF, v56;
	v31 =	vbroadcast v21, $0xF;
	v16 =	vadd.s32 v33, v16  }
0xe8: {  	v37 =	vadd.s32 $0xFFFFFFFF, v58;
	v33 =	vadd.s32 $0xFFFFFFFF, v49;
	v16 =	vnsel vm9, $0x0, v16  }
0xe9: {  	v36, _, _ =	vpop (xrf0);
	v17 =	vadd.s32 v42, v31;
	v34 =	vbroadcast v33, $0xF;
	v16 =	vsel vm10, v32, v16  }
0xea: {  	v19 =	vadd.s32 $0xFFFFFFFF, v36;
	v16 =	vsel vm11, v17, v16;
	v17 =	vbroadcast v35, $0xF;
	v38, _, _ =	vpop (xrf0)  }
0xeb: {  	v39 =	vbroadcast v37, $0xF;
	v19 =	vbroadcast v19, $0xF;
	v18 =	vadd.s32 v48, v34;
	v40, _, _ =	vpop (xrf0)  }
0xec: {  	v16 =	vsel vm13, v18, v16;
	v17 =	vadd.s32 v51, v17;
	v20 =	vadd.s32 $0xFFFFFFFF, v40  }
0xed: {  	v41 =	vadd.s32 v57, v39;
	v16 =	vsel vm12, v17, v16;
	v42 =	vbroadcast v20, $0xF  }
0xee: {  	v43 =	vadd.s32 v60, v19;
	v16 =	vsel vm14, v41, v16  }
0xef: {  	v16 =	vsel vm15, v43, v16;
	v44 =	vadd.s32 v38, v42  }
0xf0: {  	v16 =	vsel vm7, v44, v16  }
0xf1: {  	[tilespmem:$0x1010] =	vst v16  }
0xf2: {  	v16 =	vld [tilespmem:s7+$0x20];
	_ =	sdelay $0x4  }
0xf3: {  	vm9 =	veq.s32 v16, $0x0  }
0xf4: {  	v45 =	vsel vm9, $0x1, v0  }
0xf5: {  	(xrf0) =	vadd.scan.msk.s32 $0xffff, v45;
	_ =	sdelay $0x4  }
0xf6: {  	v46 =	vbroadcast v38, $0xF  }
0xf7: {  	v47, _, _ =	vpop (xrf0)  }
0xf8: {  	v17 =	vnsel vm0, $0x0, v46;
	v48 =	vbroadcast v47, $0xF  }
0xf9: {  	v15 =	vadd.s32 v17, v15  }
0xfa: {  	v17 =	vnsel vm1, $0x0, v15;
	vm10 =	veq.s32 v16, $0x1;
	v19 =	vnsel vm1, $0x0, v48  }
0xfb: {  	v49 =	vsel vm10, $0x1, v0;
	(xrf0) =	vadd.scan.msk.s32 $0xffff, v17;
	v15 =	vadd.s32 v19, v15  }
0xfc: {  	vm11 =	veq.s32 v16, $0x2;
	(xrf0) =	vadd.scan.msk.s32 $0xffff, v49;
	v50 =	vsel vm3, $0x0, v15  }
0xfd: {  	v51 =	vsel vm11, $0x1, v0;
	(xrf0) =	vadd.scan.msk.s32 $0xffff, v50  }
0xfe: {  	(xrf0) =	vadd.scan.msk.s32 $0xffff, v51;
	_ =	sdelay $0x2  }
0xff: {  	v52, _, _ =	vpop (xrf0)  }
0x100: {  	v53, _, _ =	vpop (xrf0)  }
0x101: {  	v55 =	vbroadcast v53, $0xF;
	v54, _, _ =	vpop (xrf0)  }
0x102: {  	vm12 =	vcmask $0x704;
	v56, _, _ =	vpop (xrf0)  }
0x103: {  	v21 =	vnsel vm12, $0x0, v55;
	v57 =	vbroadcast v56, $0xF  }
0x104: {  	vm13 =	vcmask $0x70C;
	v15 =	vadd.s32 v21, v15  }
0x105: {  	v21 =	vsel vm13, $0x0, v15;
	vm13 =	veq.s32 v16, $0x3;
	v23 =	vnsel vm5, $0x0, v57  }
0x106: {  	(xrf0) =	vadd.scan.msk.s32 $0xffff, v21;
	v58 =	vsel vm13, $0x1, v0;
	v15 =	vadd.s32 v23, v15  }
0x107: {  	vm12 =	veq.s32 v16, $0x4;
	(xrf0) =	vadd.scan.msk.s32 $0xffff, v58;
	v59 =	vsel vm4, $0x0, v15  }
0x108: {  	v60 =	vsel vm12, $0x1, v0;
	(xrf0) =	vadd.scan.msk.s32 $0xffff, v59  }
0x109: {  	(xrf0) =	vadd.scan.msk.s32 $0xffff, v60;
	_ =	sdelay $0x2  }
0x10a: {  	v61, _, _ =	vpop (xrf0)  }
0x10b: {  	v62, _, _ =	vpop (xrf0)  }
0x10c: {  	v32 =	vbroadcast v62, $0xF;
	v63, _, _ =	vpop (xrf0)  }
0x10d: {  	vm14 =	vcmask $0xF0C;
	v33, _, _ =	vpop (xrf0)  }
0x10e: {  	v25 =	vnsel vm14, $0x0, v32;
	v34 =	vbroadcast v33, $0xF  }
0x10f: {  	vm15 =	vcmask $0xF14;
	v15 =	vadd.s32 v25, v15  }
0x110: {  	vm14 =	veq.s32 v16, $0x5;
	v25 =	vsel vm15, $0x0, v15;
	v27 =	vnsel vm8, $0x0, v34  }
0x111: {  	v35 =	vsel vm14, $0x1, v0;
	(xrf0) =	vadd.scan.msk.s32 $0xffff, v25;
	v15 =	vadd.s32 v27, v15  }
0x112: {  	vm15 =	veq.s32 v16, $0x6;
	(xrf0) =	vadd.scan.msk.s32 $0xffff, v35;
	v36 =	vsel vm6, $0x0, v15  }
0x113: {  	v37 =	vsel vm15, $0x1, v0;
	(xrf0) =	vadd.scan.msk.s32 $0xffff, v36  }
0x114: {  	(xrf0) =	vadd.scan.msk.s32 $0xffff, v37;
	_ =	sdelay $0x2  }
0x115: {  	v38, _, _ =	vpop (xrf0)  }
0x116: {  	v39, _, _ =	vpop (xrf0)  }
0x117: {  	v41 =	vbroadcast v39, $0xF;
	v40, _, _ =	vpop (xrf0)  }
0x118: {  	vm3 =	vcmask $0x1714;
	v42, _, _ =	vpop (xrf0)  }
0x119: {  	vm2 =	vcmask $0x171C;
	v29 =	vnsel vm3, $0x0, v41;
	v43 =	vbroadcast v42, $0xF  }
0x11a: {  	vm0 =	vcmask $0x1B20;
	vm7 =	vcmask $0x1B18;
	v15 =	vadd.s32 v29, v15  }
0x11b: {  	v29 =	vsel vm2, $0x0, v15;
	v31 =	vnsel vm7, $0x0, v43;
	vm7 =	veq.s32 v16, $0x7  }
0x11c: {  	v20 =	vadd.s32 $0xFFFFFFFF, v54;
	(xrf0) =	vadd.scan.msk.s32 $0xffff, v29;
	v15 =	vadd.s32 v31, v15;
	v45 =	vsel vm7, $0x1, v0  }
0x11d: {  	v44 =	vadd.s32 $0xFFFFFFFF, v52;
	v20 =	vbroadcast v20, $0xF;
	(xrf0) =	vadd.scan.msk.s32 $0xffff, v45;
	v46 =	vsel vm0, $0x0, v15  }
0x11e: {  	v16 =	vbroadcast v44, $0xF;
	(xrf0) =	vadd.scan.msk.s32 $0xffff, v46  }
0x11f: {  	v21 =	vadd.s32 $0xFFFFFFFF, v61;
	v48 =	vadd.s32 v53, v20  }
0x120: {  	v49 =	vadd.s32 $0xFFFFFFFF, v63;
	v16 =	vadd.s32 v47, v16;
	v47 =	vbroadcast v21, $0xF  }
0x121: {  	v50 =	vbroadcast v49, $0xF;
	v51 =	vadd.s32 $0xFFFFFFFF, v38;
	v16 =	vnsel vm9, $0x0, v16  }
0x122: {  	v53 =	vadd.s32 $0xFFFFFFFF, v40;
	v52, _, _ =	vpop (xrf0);
	v16 =	vsel vm10, v48, v16;
	v17 =	vadd.s32 v56, v47  }
0x123: {  	v19 =	vadd.s32 $0xFFFFFFFF, v52;
	v16 =	vsel vm11, v17, v16;
	v17 =	vbroadcast v51, $0xF;
	v54, _, _ =	vpop (xrf0)  }
0x124: {  	v18 =	vadd.s32 v62, v50;
	v55 =	vbroadcast v53, $0xF;
	v19 =	vbroadcast v19, $0xF;
	v56, _, _ =	vpop (xrf0)  }
0x125: {  	v16 =	vsel vm13, v18, v16;
	v17 =	vadd.s32 v33, v17;
	v20 =	vadd.s32 $0xFFFFFFFF, v56  }
0x126: {  	v57 =	vadd.s32 v39, v55;
	v16 =	vsel vm12, v17, v16;
	v58 =	vbroadcast v20, $0xF  }
0x127: {  	v59 =	vadd.s32 v42, v19;
	v16 =	vsel vm14, v57, v16  }
0x128: {  	v16 =	vsel vm15, v59, v16;
	v60 =	vadd.s32 v54, v58  }
0x129: {  	v16 =	vsel vm7, v60, v16  }
0x12a: {  	[tilespmem:$0x1020] =	vst v16  }
0x12b: {  	v16 =	vld [tilespmem:s7+$0x30];
	_ =	sdelay $0x4  }
0x12c: {  	vm9 =	veq.s32 v16, $0x0  }
0x12d: {  	v61 =	vsel vm9, $0x1, v0  }
0x12e: {  	(xrf0) =	vadd.scan.msk.s32 $0xffff, v61;
	_ =	sdelay $0x4  }
0x12f: {  	v62 =	vbroadcast v54, $0xF  }
0x130: {  	vm11 =	vcmask $0x1F1C;
	v63, _, _ =	vpop (xrf0)  }
0x131: {  	v17 =	vnsel vm11, $0x0, v62;
	v31 =	vbroadcast v63, $0xF  }
0x132: {  	v15 =	vadd.s32 v17, v15  }
0x133: {  	v17 =	vnsel vm1, $0x0, v15;
	vm10 =	veq.s32 v16, $0x1;
	v19 =	vnsel vm1, $0x0, v31  }
0x134: {  	vm12 =	vcmask $0x308;
	v32 =	vsel vm10, $0x1, v0;
	(xrf0) =	vadd.scan.msk.s32 $0xffff, v17;
	v15 =	vadd.s32 v19, v15  }
0x135: {  	vm11 =	veq.s32 v16, $0x2;
	(xrf0) =	vadd.scan.msk.s32 $0xffff, v32;
	v33 =	vsel vm12, $0x0, v15  }
0x136: {  	v34 =	vsel vm11, $0x1, v0;
	(xrf0) =	vadd.scan.msk.s32 $0xffff, v33  }
0x137: {  	(xrf0) =	vadd.scan.msk.s32 $0xffff, v34;
	_ =	sdelay $0x2  }
0x138: {  	v35, _, _ =	vpop (xrf0)  }
0x139: {  	v36, _, _ =	vpop (xrf0)  }
0x13a: {  	v38 =	vbroadcast v36, $0xF;
	v37, _, _ =	vpop (xrf0)  }
0x13b: {  	vm13 =	vcmask $0x704;
	v39, _, _ =	vpop (xrf0)  }
0x13c: {  	v21 =	vnsel vm13, $0x0, v38;
	v40 =	vbroadcast v39, $0xF  }
0x13d: {  	vm14 =	vcmask $0x70C;
	v15 =	vadd.s32 v21, v15  }
0x13e: {  	vm13 =	veq.s32 v16, $0x3;
	v21 =	vsel vm14, $0x0, v15;
	v23 =	vnsel vm5, $0x0, v40  }
0x13f: {  	v41 =	vsel vm13, $0x1, v0;
	(xrf0) =	vadd.scan.msk.s32 $0xffff, v21;
	v15 =	vadd.s32 v23, v15  }
0x140: {  	vm12 =	veq.s32 v16, $0x4;
	(xrf0) =	vadd.scan.msk.s32 $0xffff, v41;
	v42 =	vsel vm4, $0x0, v15  }
0x141: {  	v43 =	vsel vm12, $0x1, v0;
	(xrf0) =	vadd.scan.msk.s32 $0xffff, v42  }
0x142: {  	(xrf0) =	vadd.scan.msk.s32 $0xffff, v43;
	_ =	sdelay $0x2  }
0x143: {  	v44, _, _ =	vpop (xrf0)  }
0x144: {  	v45, _, _ =	vpop (xrf0)  }
0x145: {  	v47 =	vbroadcast v45, $0xF;
	v46, _, _ =	vpop (xrf0)  }
0x146: {  	vm15 =	vcmask $0xF0C;
	v48, _, _ =	vpop (xrf0)  }
0x147: {  	v25 =	vnsel vm15, $0x0, v47;
	v49 =	vbroadcast v48, $0xF  }
0x148: {  	vm7 =	vcmask $0xF14;
	v15 =	vadd.s32 v25, v15  }
0x149: {  	vm14 =	veq.s32 v16, $0x5;
	v25 =	vsel vm7, $0x0, v15;
	v27 =	vnsel vm8, $0x0, v49  }
0x14a: {  	v50 =	vsel vm14, $0x1, v0;
	(xrf0) =	vadd.scan.msk.s32 $0xffff, v25;
	v15 =	vadd.s32 v27, v15  }
0x14b: {  	vm15 =	veq.s32 v16, $0x6;
	(xrf0) =	vadd.scan.msk.s32 $0xffff, v50;
	v51 =	vsel vm6, $0x0, v15  }
0x14c: {  	v52 =	vsel vm15, $0x1, v0;
	(xrf0) =	vadd.scan.msk.s32 $0xffff, v51  }
0x14d: {  	(xrf0) =	vadd.scan.msk.s32 $0xffff, v52;
	_ =	sdelay $0x2  }
0x14e: {  	v53, _, _ =	vpop (xrf0)  }
0x14f: {  	v54, _, _ =	vpop (xrf0)  }
0x150: {  	v56 =	vbroadcast v54, $0xF;
	v55, _, _ =	vpop (xrf0)  }
0x151: {  	v57, _, _ =	vpop (xrf0)  }
0x152: {  	v29 =	vnsel vm3, $0x0, v56;
	v58 =	vbroadcast v57, $0xF  }
0x153: {  	vm0 =	vcmask $0x1B18;
	v59 =	vadd.s32 $0xFFFFFFFF, v35;
	v15 =	vadd.s32 v29, v15  }
0x154: {  	vm7 =	veq.s32 v16, $0x7;
	v29 =	vsel vm2, $0x0, v15;
	v31 =	vnsel vm0, $0x0, v58  }
0x155: {  	v60 =	vsel vm7, $0x1, v0;
	vm2 =	vcmask $0x1B20;
	(xrf0) =	vadd.scan.msk.s32 $0xffff, v29;
	v15 =	vadd.s32 v31, v15  }
0x156: {  	v20 =	vadd.s32 $0xFFFFFFFF, v37;
	v16 =	vbroadcast v59, $0xF;
	(xrf0) =	vadd.scan.msk.s32 $0xffff, v60;
	v61 =	vsel vm2, $0x0, v15  }
0x157: {  	v20 =	vbroadcast v20, $0xF;
	v21 =	vadd.s32 $0xFFFFFFFF, v44;
	(xrf0) =	vadd.scan.msk.s32 $0xffff, v61  }
0x158: {  	v62 =	vbroadcast v21, $0xF;
	v16 =	vadd.s32 v63, v16  }
0x159: {  	v63 =	vadd.s32 v36, v20;
	v16 =	vnsel vm9, $0x0, v16;
	v21 =	vadd.s32 $0xFFFFFFFF, v46  }
0x15a: {  	v17 =	vadd.s32 v39, v62;
	v16 =	vsel vm10, v63, v16;
	v22 =	vbroadcast v21, $0xF  }
0x15b: {  	v16 =	vsel vm11, v17, v16;
	v24 =	vadd.s32 $0xFFFFFFFF, v53;
	v25, _, _ =	vpop (xrf0)  }
0x15c: {  	v18 =	vadd.s32 v45, v22;
	v17 =	vbroadcast v24, $0xF;
	v29 =	vadd.s32 $0xFFFFFFFF, v55;
	v31, _, _ =	vpop (xrf0)  }
0x15d: {  	v16 =	vsel vm13, v18, v16;
	v32 =	vbroadcast v29, $0xF;
	v19 =	vadd.s32 $0xFFFFFFFF, v25;
	v33, _, _ =	vpop (xrf0)  }
0x15e: {  	v17 =	vadd.s32 v48, v17;
	v19 =	vbroadcast v19, $0xF;
	v20 =	vadd.s32 $0xFFFFFFFF, v33  }
0x15f: {  	v16 =	vsel vm12, v17, v16;
	v34 =	vadd.s32 v54, v32;
	v35 =	vbroadcast v20, $0xF  }
0x160: {  	v16 =	vsel vm14, v34, v16;
	v36 =	vadd.s32 v57, v19  }
0x161: {  	v16 =	vsel vm15, v36, v16;
	v37 =	vadd.s32 v31, v35  }
0x162: {  	v16 =	vsel vm7, v37, v16  }
0x163: {  	[tilespmem:$0x1030] =	vst v16  }
0x164: {  	v16 =	vld [tilespmem:s7+$0x40];
	_ =	sdelay $0x4  }
0x165: {  	vm9 =	veq.s32 v16, $0x0  }
0x166: {  	v38 =	vsel vm9, $0x1, v0  }
0x167: {  	(xrf0) =	vadd.scan.msk.s32 $0xffff, v38;
	_ =	sdelay $0x4  }
0x168: {  	v39 =	vbroadcast v31, $0xF  }
0x169: {  	vm10 =	vcmask $0x1F1C;
	v18, _, _ =	vpop (xrf0)  }
0x16a: {  	v17 =	vnsel vm10, $0x0, v39;
	v40 =	vbroadcast v18, $0xF  }
0x16b: {  	v15 =	vadd.s32 v17, v15  }
0x16c: {  	v17 =	vnsel vm1, $0x0, v15;
	vm10 =	veq.s32 v16, $0x1;
	v19 =	vnsel vm1, $0x0, v40  }
0x16d: {  	vm11 =	vcmask $0x308;
	v41 =	vsel vm10, $0x1, v0;
	(xrf0) =	vadd.scan.msk.s32 $0xffff, v17;
	v15 =	vadd.s32 v19, v15  }
0x16e: {  	(xrf0) =	vadd.scan.msk.s32 $0xffff, v41;
	v42 =	vsel vm11, $0x0, v15;
	vm11 =	veq.s32 v16, $0x2  }
0x16f: {  	(xrf0) =	vadd.scan.msk.s32 $0xffff, v42;
	v43 =	vsel vm11, $0x1, v0  }
0x170: {  	(xrf0) =	vadd.scan.msk.s32 $0xffff, v43;
	_ =	sdelay $0x2  }
0x171: {  	v44, _, _ =	vpop (xrf0)  }
0x172: {  	v45, _, _ =	vpop (xrf0)  }
0x173: {  	v47 =	vbroadcast v45, $0xF;
	v46, _, _ =	vpop (xrf0)  }
0x174: {  	vm12 =	vcmask $0x704;
	v48, _, _ =	vpop (xrf0)  }
0x175: {  	v21 =	vnsel vm12, $0x0, v47;
	v49 =	vbroadcast v48, $0xF  }
0x176: {  	vm13 =	vcmask $0x70C;
	v15 =	vadd.s32 v21, v15  }
0x177: {  	v21 =	vsel vm13, $0x0, v15;
	vm13 =	veq.s32 v16, $0x3;
	v23 =	vnsel vm5, $0x0, v49  }
0x178: {  	(xrf0) =	vadd.scan.msk.s32 $0xffff, v21;
	v50 =	vsel vm13, $0x1, v0;
	v15 =	vadd.s32 v23, v15  }
0x179: {  	vm12 =	veq.s32 v16, $0x4;
	(xrf0) =	vadd.scan.msk.s32 $0xffff, v50;
	v51 =	vsel vm4, $0x0, v15  }
0x17a: {  	v52 =	vsel vm12, $0x1, v0;
	(xrf0) =	vadd.scan.msk.s32 $0xffff, v51  }
0x17b: {  	(xrf0) =	vadd.scan.msk.s32 $0xffff, v52;
	_ =	sdelay $0x2  }
0x17c: {  	v53, _, _ =	vpop (xrf0)  }
0x17d: {  	v54, _, _ =	vpop (xrf0)  }
0x17e: {  	v56 =	vbroadcast v54, $0xF;
	v55, _, _ =	vpop (xrf0)  }
0x17f: {  	vm14 =	vcmask $0xF0C;
	v57, _, _ =	vpop (xrf0)  }
0x180: {  	v25 =	vnsel vm14, $0x0, v56;
	v58 =	vbroadcast v57, $0xF  }
0x181: {  	vm15 =	vcmask $0xF14;
	v15 =	vadd.s32 v25, v15  }
0x182: {  	vm14 =	veq.s32 v16, $0x5;
	v25 =	vsel vm15, $0x0, v15;
	v27 =	vnsel vm8, $0x0, v58  }
0x183: {  	v59 =	vsel vm14, $0x1, v0;
	(xrf0) =	vadd.scan.msk.s32 $0xffff, v25;
	v15 =	vadd.s32 v27, v15  }
0x184: {  	vm15 =	veq.s32 v16, $0x6;
	(xrf0) =	vadd.scan.msk.s32 $0xffff, v59;
	v60 =	vsel vm6, $0x0, v15  }
0x185: {  	v61 =	vsel vm15, $0x1, v0;
	(xrf0) =	vadd.scan.msk.s32 $0xffff, v60  }
0x186: {  	(xrf0) =	vadd.scan.msk.s32 $0xffff, v61;
	_ =	sdelay $0x2  }
0x187: {  	v62, _, _ =	vpop (xrf0)  }
0x188: {  	v63, _, _ =	vpop (xrf0)  }
0x189: {  	v34 =	vbroadcast v63, $0xF;
	v33, _, _ =	vpop (xrf0)  }
0x18a: {  	v35, _, _ =	vpop (xrf0)  }
0x18b: {  	v29 =	vnsel vm3, $0x0, v34;
	v36 =	vbroadcast v35, $0xF  }
0x18c: {  	vm3 =	vcmask $0x171C;
	v15 =	vadd.s32 v29, v15  }
0x18d: {  	v29 =	vsel vm3, $0x0, v15;
	v31 =	vnsel vm0, $0x0, v36;
	vm0 =	veq.s32 v16, $0x7  }
0x18e: {  	(xrf0) =	vadd.scan.msk.s32 $0xffff, v29;
	v15 =	vadd.s32 v31, v15;
	v38 =	vsel vm0, $0x1, v0  }
0x18f: {  	v37 =	vadd.s32 $0xFFFFFFFF, v44;
	v20 =	vadd.s32 $0xFFFFFFFF, v46;
	(xrf0) =	vadd.scan.msk.s32 $0xffff, v38;
	v39 =	vsel vm2, $0x0, v15  }
0x190: {  	v20 =	vbroadcast v20, $0xF;
	v21 =	vadd.s32 $0xFFFFFFFF, v53;
	v16 =	vbroadcast v37, $0xF;
	(xrf0) =	vadd.scan.msk.s32 $0xffff, v39  }
0x191: {  	v40 =	vbroadcast v21, $0xF  }
0x192: {  	v41 =	vadd.s32 v45, v20;
	v42 =	vadd.s32 $0xFFFFFFFF, v55;
	v16 =	vadd.s32 v18, v16  }
0x193: {  	v17 =	vadd.s32 v48, v40;
	v43 =	vbroadcast v42, $0xF;
	v16 =	vnsel vm9, $0x0, v16  }
0x194: {  	v44 =	vadd.s32 $0xFFFFFFFF, v62;
	v46 =	vadd.s32 $0xFFFFFFFF, v33;
	v45, _, _ =	vpop (xrf0);
	v16 =	vsel vm10, v41, v16  }
0x195: {  	v19 =	vadd.s32 $0xFFFFFFFF, v45;
	v16 =	vsel vm11, v17, v16;
	v17 =	vbroadcast v44, $0xF;
	v47, _, _ =	vpop (xrf0)  }
0x196: {  	v48 =	vbroadcast v46, $0xF;
	v19 =	vbroadcast v19, $0xF;
	v18 =	vadd.s32 v54, v43;
	v49, _, _ =	vpop (xrf0)  }
0x197: {  	v16 =	vsel vm13, v18, v16;
	v17 =	vadd.s32 v57, v17;
	v20 =	vadd.s32 $0xFFFFFFFF, v49  }
0x198: {  	v50 =	vadd.s32 v63, v48;
	v16 =	vsel vm12, v17, v16;
	v51 =	vbroadcast v20, $0xF  }
0x199: {  	v52 =	vadd.s32 v35, v19;
	v16 =	vsel vm14, v50, v16  }
0x19a: {  	v16 =	vsel vm15, v52, v16;
	v53 =	vadd.s32 v47, v51  }
0x19b: {  	v16 =	vsel vm0, v53, v16  }
0x19c: {  	[tilespmem:$0x1040] =	vst v16  }
0x19d: {  	v16 =	vld [tilespmem:s7+$0x50];
	_ =	sdelay $0x4  }
0x19e: {  	vm9 =	veq.s32 v16, $0x0  }
0x19f: {  	v54 =	vsel vm9, $0x1, v0  }
0x1a0: {  	(xrf0) =	vadd.scan.msk.s32 $0xffff, v54;
	_ =	sdelay $0x4  }
0x1a1: {  	v55 =	vbroadcast v47, $0xF  }
0x1a2: {  	vm12 =	vcmask $0x1F1C;
	v56, _, _ =	vpop (xrf0)  }
0x1a3: {  	v17 =	vnsel vm12, $0x0, v55;
	v57 =	vbroadcast v56, $0xF  }
0x1a4: {  	v15 =	vadd.s32 v17, v15  }
0x1a5: {  	v17 =	vnsel vm1, $0x0, v15;
	vm10 =	veq.s32 v16, $0x1;
	v19 =	vnsel vm1, $0x0, v57  }
0x1a6: {  	vm13 =	vcmask $0x308;
	v58 =	vsel vm10, $0x1, v0;
	(xrf0) =	vadd.scan.msk.s32 $0xffff, v17;
	v15 =	vadd.s32 v19, v15  }
0x1a7: {  	vm11 =	veq.s32 v16, $0x2;
	(xrf0) =	vadd.scan.msk.s32 $0xffff, v58;
	v59 =	vsel vm13, $0x0, v15  }
0x1a8: {  	v60 =	vsel vm11, $0x1, v0;
	(xrf0) =	vadd.scan.msk.s32 $0xffff, v59  }
0x1a9: {  	(xrf0) =	vadd.scan.msk.s32 $0xffff, v60;
	_ =	sdelay $0x2  }
0x1aa: {  	v61, _, _ =	vpop (xrf0)  }
0x1ab: {  	v62, _, _ =	vpop (xrf0)  }
0x1ac: {  	v32 =	vbroadcast v62, $0xF;
	v63, _, _ =	vpop (xrf0)  }
0x1ad: {  	vm14 =	vcmask $0x704;
	v33, _, _ =	vpop (xrf0)  }
0x1ae: {  	v21 =	vnsel vm14, $0x0, v32;
	v34 =	vbroadcast v33, $0xF  }
0x1af: {  	vm15 =	vcmask $0x70C;
	v15 =	vadd.s32 v21, v15  }
0x1b0: {  	vm13 =	veq.s32 v16, $0x3;
	v21 =	vsel vm15, $0x0, v15;
	v23 =	vnsel vm5, $0x0, v34  }
0x1b1: {  	v35 =	vsel vm13, $0x1, v0;
	(xrf0) =	vadd.scan.msk.s32 $0xffff, v21;
	v15 =	vadd.s32 v23, v15  }
0x1b2: {  	vm12 =	veq.s32 v16, $0x4;
	(xrf0) =	vadd.scan.msk.s32 $0xffff, v35;
	v36 =	vsel vm4, $0x0, v15  }
0x1b3: {  	v37 =	vsel vm12, $0x1, v0;
	(xrf0) =	vadd.scan.msk.s32 $0xffff, v36  }
0x1b4: {  	(xrf0) =	vadd.scan.msk.s32 $0xffff, v37;
	_ =	sdelay $0x2  }
0x1b5: {  	v38, _, _ =	vpop (xrf0)  }
0x1b6: {  	v39, _, _ =	vpop (xrf0)  }
0x1b7: {  	v41 =	vbroadcast v39, $0xF;
	v40, _, _ =	vpop (xrf0)  }
0x1b8: {  	vm4 =	vcmask $0xF0C;
	v42, _, _ =	vpop (xrf0)  }
0x1b9: {  	v25 =	vnsel vm4, $0x0, v41;
	v43 =	vbroadcast v42, $0xF  }
0x1ba: {  	vm7 =	vcmask $0xF14;
	v15 =	vadd.s32 v25, v15  }
0x1bb: {  	vm14 =	veq.s32 v16, $0x5;
	v25 =	vsel vm7, $0x0, v15;
	v27 =	vnsel vm8, $0x0, v43  }
0x1bc: {  	v44 =	vsel vm14, $0x1, v0;
	(xrf0) =	vadd.scan.msk.s32 $0xffff, v25;
	v15 =	vadd.s32 v27, v15  }
0x1bd: {  	vm15 =	veq.s32 v16, $0x6;
	(xrf0) =	vadd.scan.msk.s32 $0xffff, v44;
	v45 =	vsel vm6, $0x0, v15  }
0x1be: {  	v46 =	vsel vm15, $0x1, v0;
	(xrf0) =	vadd.scan.msk.s32 $0xffff, v45  }
0x1bf: {  	(xrf0) =	vadd.scan.msk.s32 $0xffff, v46;
	_ =	sdelay $0x2  }
0x1c0: {  	v47, _, _ =	vpop (xrf0)  }
0x1c1: {  	v48, _, _ =	vpop (xrf0)  }
0x1c2: {  	v50 =	vbroadcast v48, $0xF;
	v49, _, _ =	vpop (xrf0)  }
0x1c3: {  	vm0 =	vmmov vm8;
	vm8 =	vcmask $0x1714;
	v51, _, _ =	vpop (xrf0)  }
0x1c4: {  	v29 =	vnsel vm8, $0x0, v50;
	v52 =	vbroadcast v51, $0xF  }
0x1c5: {  	vm8 =	vcmask $0x1B18;
	v15 =	vadd.s32 v29, v15  }
0x1c6: {  	v29 =	vsel vm3, $0x0, v15;
	vm3 =	veq.s32 v16, $0x7;
	v31 =	vnsel vm8, $0x0, v52  }
0x1c7: {  	(xrf0) =	vadd.scan.msk.s32 $0xffff, v29;
	v54 =	vsel vm3, $0x1, v0;
	v15 =	vadd.s32 v31, v15  }
0x1c8: {  	v53 =	vadd.s32 $0xFFFFFFFF, v61;
	(xrf0) =	vadd.scan.msk.s32 $0xffff, v54;
	v55 =	vsel vm2, $0x0, v15  }
0x1c9: {  	v20 =	vadd.s32 $0xFFFFFFFF, v63;
	v16 =	vbroadcast v53, $0xF;
	(xrf0) =	vadd.scan.msk.s32 $0xffff, v55  }
0x1ca: {  	v20 =	vbroadcast v20, $0xF;
	v21 =	vadd.s32 $0xFFFFFFFF, v38;
	v58 =	vadd.s32 $0xFFFFFFFF, v40  }
0x1cb: {  	v59 =	vbroadcast v58, $0xF;
	v16 =	vadd.s32 v56, v16;
	v56 =	vbroadcast v21, $0xF  }
0x1cc: {  	v57 =	vadd.s32 v62, v20;
	v60 =	vadd.s32 $0xFFFFFFFF, v47;
	v16 =	vnsel vm9, $0x0, v16  }
0x1cd: {  	v18 =	vadd.s32 v39, v59;
	v16 =	vsel vm10, v57, v16;
	v17 =	vadd.s32 v33, v56;
	v61, _, _ =	vpop (xrf0)  }
0x1ce: {  	v16 =	vsel vm11, v17, v16;
	v17 =	vbroadcast v60, $0xF;
	v62 =	vadd.s32 $0xFFFFFFFF, v49;
	v63, _, _ =	vpop (xrf0)  }
0x1cf: {  	v16 =	vsel vm13, v18, v16;
	v24 =	vbroadcast v62, $0xF;
	v19 =	vadd.s32 $0xFFFFFFFF, v61;
	v25, _, _ =	vpop (xrf0)  }
0x1d0: {  	v17 =	vadd.s32 v42, v17;
	v19 =	vbroadcast v19, $0xF;
	v20 =	vadd.s32 $0xFFFFFFFF, v25  }
0x1d1: {  	v16 =	vsel vm12, v17, v16;
	v27 =	vadd.s32 v48, v24;
	v28 =	vbroadcast v20, $0xF  }
0x1d2: {  	v16 =	vsel vm14, v27, v16;
	v29 =	vadd.s32 v51, v19  }
0x1d3: {  	v16 =	vsel vm15, v29, v16;
	v30 =	vadd.s32 v63, v28  }
0x1d4: {  	v16 =	vsel vm3, v30, v16  }
0x1d5: {  	[tilespmem:$0x1050] =	vst v16  }
0x1d6: {  	v16 =	vld [tilespmem:s7+$0x60];
	_ =	sdelay $0x4  }
0x1d7: {  	vm9 =	veq.s32 v16, $0x0  }
0x1d8: {  	v31 =	vsel vm9, $0x1, v0  }
0x1d9: {  	(xrf0) =	vadd.scan.msk.s32 $0xffff, v31;
	_ =	sdelay $0x2  }
0x1da: {  	v32 =	vbroadcast v63, $0xF  }
0x1db: {  	vm8 =	vcmask $0x1F1C  }
0x1dc: {  	v17 =	vnsel vm8, $0x0, v32  }
0x1dd: {  	v15 =	vadd.s32 v17, v15;
	v33, _, _ =	vpop (xrf0)  }
0x1de: {  	v17 =	vnsel vm1, $0x0, v15;
	vm10 =	veq.s32 v16, $0x1;
	v34 =	vbroadcast v33, $0xF  }
0x1df: {  	v35 =	vsel vm10, $0x1, v0;
	(xrf0) =	vadd.scan.msk.s32 $0xffff, v17  }
0x1e0: {  	(xrf0) =	vadd.scan.msk.s32 $0xffff, v35;
	v19 =	vnsel vm1, $0x0, v34  }
0x1e1: {  	vm14 =	vcmask $0x308;
	v15 =	vadd.s32 v19, v15  }
0x1e2: {  	vm11 =	veq.s32 v16, $0x2;
	v36 =	vsel vm14, $0x0, v15  }
0x1e3: {  	v37 =	vsel vm11, $0x1, v0;
	(xrf0) =	vadd.scan.msk.s32 $0xffff, v36  }
0x1e4: {  	(xrf0) =	vadd.scan.msk.s32 $0xffff, v37  }
0x1e5: {  	v38, _, _ =	vpop (xrf0)  }
0x1e6: {  	v39, _, _ =	vpop (xrf0)  }
0x1e7: {  	v41 =	vbroadcast v39, $0xF  }
0x1e8: {  	vm2 =	vcmask $0x704  }
0x1e9: {  	v21 =	vnsel vm2, $0x0, v41;
	v40, _, _ =	vpop (xrf0)  }
0x1ea: {  	vm15 =	vcmask $0x70C;
	v15 =	vadd.s32 v21, v15;
	v42, _, _ =	vpop (xrf0)  }
0x1eb: {  	vm13 =	veq.s32 v16, $0x3;
	v21 =	vsel vm15, $0x0, v15;
	v43 =	vbroadcast v42, $0xF  }
0x1ec: {  	v44 =	vsel vm13, $0x1, v0;
	(xrf0) =	vadd.scan.msk.s32 $0xffff, v21  }
0x1ed: {  	(xrf0) =	vadd.scan.msk.s32 $0xffff, v44;
	v23 =	vnsel vm5, $0x0, v43  }
0x1ee: {  	vm6 =	vcmask $0xB10;
	v15 =	vadd.s32 v23, v15  }
0x1ef: {  	vm12 =	veq.s32 v16, $0x4;
	v45 =	vsel vm6, $0x0, v15  }
0x1f0: {  	v46 =	vsel vm12, $0x1, v0;
	(xrf0) =	vadd.scan.msk.s32 $0xffff, v45  }
0x1f1: {  	(xrf0) =	vadd.scan.msk.s32 $0xffff, v46  }
0x1f2: {  	v47, _, _ =	vpop (xrf0)  }
0x1f3: {  	v48, _, _ =	vpop (xrf0)  }
0x1f4: {  	v50 =	vbroadcast v48, $0xF  }
0x1f5: {  	vm3 =	vcmask $0xF0C  }
0x1f6: {  	v25 =	vnsel vm3, $0x0, v50;
	v49, _, _ =	vpop (xrf0)  }
0x1f7: {  	vm5 =	vcmask $0xF14;
	v15 =	vadd.s32 v25, v15;
	v51, _, _ =	vpop (xrf0)  }
0x1f8: {  	vm14 =	veq.s32 v16, $0x5;
	v25 =	vsel vm5, $0x0, v15;
	v52 =	vbroadcast v51, $0xF  }
0x1f9: {  	v53 =	vsel vm14, $0x1, v0;
	(xrf0) =	vadd.scan.msk.s32 $0xffff, v25  }
0x1fa: {  	(xrf0) =	vadd.scan.msk.s32 $0xffff, v53;
	v27 =	vnsel vm0, $0x0, v52  }
0x1fb: {  	vm7 =	vcmask $0x1318;
	v15 =	vadd.s32 v27, v15  }
0x1fc: {  	vm15 =	veq.s32 v16, $0x6;
	v54 =	vsel vm7, $0x0, v15  }
0x1fd: {  	v55 =	vsel vm15, $0x1, v0;
	(xrf0) =	vadd.scan.msk.s32 $0xffff, v54  }
0x1fe: {  	(xrf0) =	vadd.scan.msk.s32 $0xffff, v55  }
0x1ff: {  	v56, _, _ =	vpop (xrf0)  }
0x200: {  	v57, _, _ =	vpop (xrf0)  }
0x201: {  	v59 =	vbroadcast v57, $0xF  }
0x202: {  	vm0 =	vcmask $0x1714  }
0x203: {  	v29 =	vnsel vm0, $0x0, v59;
	v58, _, _ =	vpop (xrf0)  }
0x204: {  	vm6 =	vcmask $0x171C;
	v15 =	vadd.s32 v29, v15;
	v60, _, _ =	vpop (xrf0)  }
0x205: {  	v29 =	vsel vm6, $0x0, v15;
	v61 =	vbroadcast v60, $0xF  }
0x206: {  	vm7 =	vcmask $0x1B18;
	(xrf0) =	vadd.scan.msk.s32 $0xffff, v29  }
0x207: {  	v31 =	vnsel vm7, $0x0, v61;
	vm7 =	veq.s32 v16, $0x7  }
0x208: {  	vm4 =	vcmask $0x1B20;
	v15 =	vadd.s32 v31, v15;
	v63 =	vsel vm7, $0x1, v0  }
0x209: {  	v34 =	vadd.s32 $0xFFFFFFFF, v49;
	(xrf0) =	vadd.scan.msk.s32 $0xffff, v63;
	v29 =	vsel vm4, $0x0, v15  }
0x20a: {  	v62 =	vadd.s32 $0xFFFFFFFF, v38;
	v36 =	vbroadcast v34, $0xF;
	(xrf0) =	vadd.scan.msk.s32 $0xffff, v29  }
0x20b: {  	v20 =	vadd.s32 $0xFFFFFFFF, v40;
	v32 =	vadd.s32 $0xFFFFFFFF, v47;
	v16 =	vbroadcast v62, $0xF  }
0x20c: {  	v37 =	vadd.s32 $0xFFFFFFFF, v56;
	v18 =	vadd.s32 v48, v36;
	v38, _, _ =	vpop (xrf0);
	v31 =	vbroadcast v20, $0xF  }
0x20d: {  	v19 =	vadd.s32 $0xFFFFFFFF, v38;
	v16 =	vadd.s32 v33, v16;
	v33 =	vbroadcast v32, $0xF  }
0x20e: {  	v16 =	vnsel vm9, $0x0, v16;
	v17 =	vadd.s32 v39, v31;
	v39 =	vadd.s32 $0xFFFFFFFF, v58  }
0x20f: {  	v16 =	vsel vm10, v17, v16;
	v35 =	vadd.s32 v42, v33;
	v17 =	vbroadcast v37, $0xF;
	v40, _, _ =	vpop (xrf0)  }
0x210: {  	v19 =	vbroadcast v19, $0xF;
	v41 =	vbroadcast v39, $0xF;
	v16 =	vsel vm11, v35, v16;
	v42, _, _ =	vpop (xrf0)  }
0x211: {  	v16 =	vsel vm13, v18, v16;
	v17 =	vadd.s32 v51, v17;
	v20 =	vadd.s32 $0xFFFFFFFF, v42  }
0x212: {  	v43 =	vadd.s32 v57, v41;
	v16 =	vsel vm12, v17, v16;
	v44 =	vbroadcast v20, $0xF  }
0x213: {  	v45 =	vadd.s32 v60, v19;
	v16 =	vsel vm14, v43, v16  }
0x214: {  	v16 =	vsel vm15, v45, v16;
	v46 =	vadd.s32 v40, v44  }
0x215: {  	v16 =	vsel vm7, v46, v16  }
0x216: {  	[tilespmem:$0x1060] =	vst v16  }
0x217: {  	v16 =	vld [tilespmem:s7+$0x70];
	_ =	sdelay $0x2  }
0x218: {  	v47 =	vbroadcast v40, $0xF;
	_ =	sdelay $0x1  }
0x219: {  	v17 =	vnsel vm8, $0x0, v47;
	vm9 =	veq.s32 v16, $0x0  }
0x21a: {  	v15 =	vadd.s32 v17, v15;
	v48 =	vsel vm9, $0x1, v0  }
0x21b: {  	v49 =	vnsel vm1, $0x0, v15;
	vm10 =	veq.s32 v16, $0x1;
	(xrf0) =	vadd.scan.msk.s32 $0xffff, v48  }
0x21c: {  	v50 =	vsel vm10, $0x1, v0;
	(xrf0) =	vadd.scan.msk.s32 $0xffff, v49  }
0x21d: {  	(xrf0) =	vadd.scan.msk.s32 $0xffff, v50;
	_ =	sdelay $0x3  }
0x21e: {  	v51, _, _ =	vpop (xrf0)  }
0x21f: {  	v52, _, _ =	vpop (xrf0);
	v53 =	vbroadcast v51, $0xF  }
0x220: {  	v54, _, _ =	vpop (xrf0)  }
0x221: {  	v19 =	vnsel vm1, $0x0, v53;
	v55 =	vbroadcast v54, $0xF  }
0x222: {  	vm13 =	vcmask $0x308;
	v15 =	vadd.s32 v19, v15  }
0x223: {  	vm12 =	veq.s32 v16, $0x2;
	v19 =	vsel vm13, $0x0, v15;
	v21 =	vnsel vm2, $0x0, v55  }
0x224: {  	vm14 =	vcmask $0x70C;
	v56 =	vsel vm12, $0x1, v0;
	(xrf0) =	vadd.scan.msk.s32 $0xffff, v19;
	v15 =	vadd.s32 v21, v15  }
0x225: {  	vm11 =	veq.s32 v16, $0x3;
	(xrf0) =	vadd.scan.msk.s32 $0xffff, v56;
	v57 =	vsel vm14, $0x0, v15  }
0x226: {  	v58 =	vsel vm11, $0x1, v0;
	(xrf0) =	vadd.scan.msk.s32 $0xffff, v57  }
0x227: {  	(xrf0) =	vadd.scan.msk.s32 $0xffff, v58;
	_ =	sdelay $0x2  }
0x228: {  	v59, _, _ =	vpop (xrf0)  }
0x229: {  	v60, _, _ =	vpop (xrf0)  }
0x22a: {  	v61, _, _ =	vpop (xrf0);
	v62 =	vbroadcast v60, $0xF  }
0x22b: {  	vm15 =	vcmask $0xB08;
	v63, _, _ =	vpop (xrf0)  }
0x22c: {  	v23 =	vnsel vm15, $0x0, v62;
	v30 =	vbroadcast v63, $0xF  }
0x22d: {  	vm7 =	vcmask $0xB10;
	v15 =	vadd.s32 v23, v15  }
0x22e: {  	vm13 =	veq.s32 v16, $0x4;
	v23 =	vsel vm7, $0x0, v15;
	v25 =	vnsel vm3, $0x0, v30  }
0x22f: {  	v31 =	vsel vm13, $0x1, v0;
	(xrf0) =	vadd.scan.msk.s32 $0xffff, v23;
	v15 =	vadd.s32 v25, v15  }
0x230: {  	vm14 =	veq.s32 v16, $0x5;
	(xrf0) =	vadd.scan.msk.s32 $0xffff, v31;
	v32 =	vsel vm5, $0x0, v15  }
0x231: {  	v33 =	vsel vm14, $0x1, v0;
	(xrf0) =	vadd.scan.msk.s32 $0xffff, v32  }
0x232: {  	(xrf0) =	vadd.scan.msk.s32 $0xffff, v33;
	_ =	sdelay $0x2  }
0x233: {  	v34, _, _ =	vpop (xrf0)  }
0x234: {  	v35, _, _ =	vpop (xrf0)  }
0x235: {  	v36, _, _ =	vpop (xrf0);
	v37 =	vbroadcast v35, $0xF  }
0x236: {  	vm8 =	vcmask $0x1310;
	v38, _, _ =	vpop (xrf0)  }
0x237: {  	v27 =	vnsel vm8, $0x0, v37;
	v39 =	vbroadcast v38, $0xF  }
0x238: {  	vm15 =	vcmask $0x1318;
	v15 =	vadd.s32 v27, v15  }
0x239: {  	vm2 =	veq.s32 v16, $0x6;
	v27 =	vsel vm15, $0x0, v15;
	v29 =	vnsel vm0, $0x0, v39  }
0x23a: {  	v40 =	vsel vm2, $0x1, v0;
	(xrf0) =	vadd.scan.msk.s32 $0xffff, v27;
	v15 =	vadd.s32 v29, v15  }
0x23b: {  	vm3 =	veq.s32 v16, $0x7;
	(xrf0) =	vadd.scan.msk.s32 $0xffff, v40;
	v41 =	vsel vm6, $0x0, v15  }
0x23c: {  	v43 =	vsel vm3, $0x1, v0;
	(xrf0) =	vadd.scan.msk.s32 $0xffff, v41  }
0x23d: {  	v42 =	vadd.s32 $0xFFFFFFFF, v52;
	v19 =	vadd.s32 $0xFFFFFFFF, v59;
	v15 =	vsel vm4, $0x0, v15;
	(xrf0) =	vadd.scan.msk.s32 $0xffff, v43  }
0x23e: {  	v44 =	vbroadcast v19, $0xF;
	v45 =	vadd.s32 $0xFFFFFFFF, v61;
	v16 =	vbroadcast v42, $0xF;
	(xrf0) =	vadd.scan.msk.s32 $0xffff, v15  }
0x23f: {  	v46 =	vbroadcast v45, $0xF  }
0x240: {  	v18 =	vadd.s32 v54, v44;
	v48 =	vadd.s32 $0xFFFFFFFF, v34;
	v15 =	vadd.s32 v51, v16;
	v47, _, _ =	vpop (xrf0)  }
0x241: {  	v19 =	vbroadcast v48, $0xF;
	v51 =	vadd.s32 $0xFFFFFFFF, v36;
	v15 =	vnsel vm9, $0x0, v15;
	v49, _, _ =	vpop (xrf0)  }
0x242: {  	v16 =	vadd.s32 v60, v46;
	v20 =	vbroadcast v51, $0xF;
	v15 =	vsel vm10, v18, v15;
	v50, _, _ =	vpop (xrf0)  }
0x243: {  	v19 =	vadd.s32 v63, v19;
	v15 =	vsel vm12, v16, v15;
	v17 =	vadd.s32 $0xFFFFFFFF, v47;
	v52, _, _ =	vpop (xrf0)  }
0x244: {  	v20 =	vadd.s32 v35, v20;
	v17 =	vbroadcast v17, $0xF;
	v16 =	vadd.s32 $0xFFFFFFFF, v50;
	v53, _, _ =	vpop (xrf0)  }
0x245: {  	v15 =	vsel vm11, v19, v15;
	v16 =	vbroadcast v16, $0xF;
	v19 =	vadd.s32 $0xFFFFFFFF, v53  }
0x246: {  	v15 =	vsel vm13, v20, v15;
	v17 =	vadd.s32 v38, v17;
	v19 =	vbroadcast v19, $0xF  }
0x247: {  	v15 =	vsel vm14, v17, v15;
	v16 =	vadd.s32 v49, v16  }
0x248: {  	v15 =	vsel vm2, v16, v15;
	v54 =	vadd.s32 v52, v19  }
0x249: {  	v15 =	vsel vm3, v54, v15  }
0x24a: {  	s24 =	rddreg [dreg:$0x6];
	s0 =	simm.s32 $0x1000;
	[tilespmem:$0x1070] =	vst v15  }
0x24b: {  	[hbm4b:s24+s3] =	stream.linear.scatter [tilespmem:s0], [sflag:$0x2], $0x80, $0x38;
	[tilespmem:$0xD200] =	vst v63  }
0x24c: {  	_ =	swait.ge [sflag:s2], $0x80  }
0x24d: {  	[sflag:s2] =	ssyncset.done $0x0  }
0x24e: {  	[sflag:s2] =	ssyncadd.s32 $0xFFFFFF80  }
0x24f: {  	v15 =	vld.idx.msk [tilespmem:v2+s0+$0x0], $0xffff;
	_ =	sdelay $0x4  }
0x250: {  	[tilespmem:$0x1080] =	vst v15  }
0x251: {  	v15 =	vld.idx.msk [tilespmem:v3+s0+$0x0], $0xffff;
	_ =	sdelay $0x4  }
0x252: {  	[tilespmem:$0x1100] =	vst v15  }
0x253: {  	v15 =	vld.idx.msk [tilespmem:v4+s0+$0x0], $0xffff;
	_ =	sdelay $0x4  }
0x254: {  	[tilespmem:$0x1090] =	vst v15  }
0x255: {  	v15 =	vld.idx.msk [tilespmem:v5+s0+$0x0], $0xffff;
	_ =	sdelay $0x4  }
0x256: {  	[tilespmem:$0x1110] =	vst v15  }
0x257: {  	v15 =	vld.idx.msk [tilespmem:v6+s0+$0x0], $0xffff;
	_ =	sdelay $0x4  }
0x258: {  	[tilespmem:$0x10A0] =	vst v15  }
0x259: {  	v15 =	vld.idx.msk [tilespmem:v7+s0+$0x0], $0xffff;
	_ =	sdelay $0x4  }
0x25a: {  	[tilespmem:$0x1120] =	vst v15  }
0x25b: {  	v15 =	vld.idx.msk [tilespmem:v8+s0+$0x0], $0xffff;
	_ =	sdelay $0x4  }
0x25c: {  	[tilespmem:$0x10B0] =	vst v15  }
0x25d: {  	v15 =	vld.idx.msk [tilespmem:v9+s0+$0x0], $0xffff;
	_ =	sdelay $0x4  }
0x25e: {  	[tilespmem:$0x1130] =	vst v15  }
0x25f: {  	_ =	swait.ge [sflag:s23], $0xC000  }
0x260: {  	[sflag:s23] =	ssyncset.done $0x0  }
0x261: {  	[sflag:s23] =	ssyncadd.s32 $0xFFFF4000  }
0x262: {  	v15 =	vld [tilespmem:$0x1080];
	_ =	sdelay $0x4  }
0x263: {  	v55 =	vshrl.u32 v15, $0x3  }
0x264: {  	v16 =	vmul.u32 $0x30, v55  }
0x265: {  	v15 =	vand.u32 $0x7, v15  }
0x266: {  	v15 =	vor.u32 v15, v16  }
0x267: {  	v16 =	vperm.xlane v15, v10  }
0x268: {  	v56 =	vld [tilespmem:$0x1FFE0]  }
0x269: {  	v16 =	vadd.s32 v11, v16;
	_ =	sdelay $0x3  }
0x26a: {  	vm15 =	vnez.u8 v56;
	v15 =	vperm.xlane v15, v12  }
0x26b: {  	[hbm4b:s4+s3] =	stream.indirect_vreg.scatter [tilespmem:s14], [sflag:$0x1], $0x80, v16, vm15, $0xb8;
	[tilespmem:$0xD200] =	vst v63  }
0x26c: {  	s24 =	simm.s32 $0x1980;
	v15 =	vadd.s32 v11, v15  }
0x26d: {  	[hbm4b:s9+s3] =	stream.indirect_vreg.scatter [tilespmem:s24], [sflag:$0x1], $0x80, v16, vm15, $0xb8;
	[tilespmem:$0xD200] =	vst v63  }
0x26e: {  	s25 =	simm.s32 $0x2180  }
0x26f: {  	[hbm4b:s10+s3] =	stream.indirect_vreg.scatter [tilespmem:s25], [sflag:$0x1], $0x80, v16, vm15, $0xb8;
	[tilespmem:$0xD200] =	vst v63  }
0x270: {  	_ = 	snop  }
0x271: {  	[hbm4b:s4+s3] =	stream.indirect_vreg.scatter [tilespmem:s26], [sflag:$0x1], $0x80, v15, vm15, $0xb8;
	[tilespmem:$0xD200] =	vst v63  }
0x272: {  	_ = 	snop  }
0x273: {  	[hbm4b:s9+s3] =	stream.indirect_vreg.scatter [tilespmem:s28], [sflag:$0x1], $0x80, v15, vm15, $0xb8;
	[tilespmem:$0xD200] =	vst v63  }
0x274: {  	_ = 	snop  }
0x275: {  	[hbm4b:s10+s3] =	stream.indirect_vreg.scatter [tilespmem:s29], [sflag:$0x1], $0x80, v15, vm15, $0xb8;
	[tilespmem:$0xD200] =	vst v63  }
0x276: {  	v15 =	vld [tilespmem:$0x1090];
	_ =	sdelay $0x4  }
0x277: {  	v57 =	vshrl.u32 v15, $0x3  }
0x278: {  	v16 =	vmul.u32 $0x30, v57  }
0x279: {  	v15 =	vand.u32 $0x7, v15  }
0x27a: {  	v15 =	vor.u32 v15, v16  }
0x27b: {  	v16 =	vperm.xlane v15, v10;
	_ =	sdelay $0x1  }
0x27c: {  	v16 =	vadd.s32 v11, v16;
	_ =	sdelay $0x3  }
0x27d: {  	v15 =	vperm.xlane v15, v12  }
0x27e: {  	[hbm4b:s4+s3] =	stream.indirect_vreg.scatter [tilespmem:s30], [sflag:$0x1], $0x80, v16, vm15, $0xb8;
	[tilespmem:$0xD200] =	vst v63  }
0x27f: {  	v15 =	vadd.s32 v11, v15  }
0x280: {  	[hbm4b:s9+s3] =	stream.indirect_vreg.scatter [tilespmem:s31], [sflag:$0x1], $0x80, v16, vm15, $0xb8;
	[tilespmem:$0xD200] =	vst v63  }
0x281: {  	s0 =	simm.s32 $0x5180  }
0x282: {  	[hbm4b:s10+s3] =	stream.indirect_vreg.scatter [tilespmem:s0], [sflag:$0x1], $0x80, v16, vm15, $0xb8;
	[tilespmem:$0xD200] =	vst v63  }
0x283: {  	s2 =	simm.s32 $0x5980  }
0x284: {  	[hbm4b:s4+s3] =	stream.indirect_vreg.scatter [tilespmem:s2], [sflag:$0x1], $0x80, v15, vm15, $0xb8;
	[tilespmem:$0xD200] =	vst v63  }
0x285: {  	s5 =	simm.s32 $0x6180  }
0x286: {  	[hbm4b:s9+s3] =	stream.indirect_vreg.scatter [tilespmem:s5], [sflag:$0x1], $0x80, v15, vm15, $0xb8;
	[tilespmem:$0xD200] =	vst v63  }
0x287: {  	s1 =	simm.s32 $0x6980  }
0x288: {  	[hbm4b:s10+s3] =	stream.indirect_vreg.scatter [tilespmem:s1], [sflag:$0x1], $0x80, v15, vm15, $0xb8;
	[tilespmem:$0xD200] =	vst v63  }
0x289: {  	v15 =	vld [tilespmem:$0x10A0];
	_ =	sdelay $0x4  }
0x28a: {  	v58 =	vshrl.u32 v15, $0x3  }
0x28b: {  	v16 =	vmul.u32 $0x30, v58  }
0x28c: {  	v15 =	vand.u32 $0x7, v15  }
0x28d: {  	v15 =	vor.u32 v15, v16  }
0x28e: {  	v16 =	vperm.xlane v15, v10;
	_ =	sdelay $0x1  }
0x28f: {  	v16 =	vadd.s32 v11, v16;
	_ =	sdelay $0x3  }
0x290: {  	v15 =	vperm.xlane v15, v12  }
0x291: {  	[hbm4b:s4+s3] =	stream.indirect_vreg.scatter [tilespmem:s6], [sflag:$0x1], $0x80, v16, vm15, $0xb8;
	[tilespmem:$0xD200] =	vst v63  }
0x292: {  	v15 =	vadd.s32 v11, v15  }
0x293: {  	[hbm4b:s9+s3] =	stream.indirect_vreg.scatter [tilespmem:s19], [sflag:$0x1], $0x80, v16, vm15, $0xb8;
	[tilespmem:$0xD200] =	vst v63  }
0x294: {  	_ = 	snop  }
0x295: {  	[hbm4b:s10+s3] =	stream.indirect_vreg.scatter [tilespmem:s8], [sflag:$0x1], $0x80, v16, vm15, $0xb8;
	[tilespmem:$0xD200] =	vst v63  }
0x296: {  	_ = 	snop  }
0x297: {  	[hbm4b:s4+s3] =	stream.indirect_vreg.scatter [tilespmem:s20], [sflag:$0x1], $0x80, v15, vm15, $0xb8;
	[tilespmem:$0xD200] =	vst v63  }
0x298: {  	_ = 	snop  }
0x299: {  	[hbm4b:s9+s3] =	stream.indirect_vreg.scatter [tilespmem:s21], [sflag:$0x1], $0x80, v15, vm15, $0xb8;
	[tilespmem:$0xD200] =	vst v63  }
0x29a: {  	_ = 	snop  }
0x29b: {  	[hbm4b:s10+s3] =	stream.indirect_vreg.scatter [tilespmem:s22], [sflag:$0x1], $0x80, v15, vm15, $0xb8;
	[tilespmem:$0xD200] =	vst v63  }
0x29c: {  	v15 =	vld [tilespmem:$0x10B0];
	_ =	sdelay $0x4  }
0x29d: {  	v59 =	vshrl.u32 v15, $0x3  }
0x29e: {  	v16 =	vmul.u32 $0x30, v59  }
0x29f: {  	v15 =	vand.u32 $0x7, v15  }
0x2a0: {  	v15 =	vor.u32 v15, v16  }
0x2a1: {  	v16 =	vperm.xlane v15, v10;
	_ =	sdelay $0x1  }
0x2a2: {  	v16 =	vadd.s32 v11, v16;
	_ =	sdelay $0x3  }
0x2a3: {  	v15 =	vperm.xlane v15, v12  }
0x2a4: {  	[hbm4b:s4+s3] =	stream.indirect_vreg.scatter [tilespmem:s11], [sflag:$0x1], $0x80, v16, vm15, $0xb8;
	[tilespmem:$0xD200] =	vst v63  }
0x2a5: {  	v15 =	vadd.s32 v11, v15  }
0x2a6: {  	[hbm4b:s9+s3] =	stream.indirect_vreg.scatter [tilespmem:s12], [sflag:$0x1], $0x80, v16, vm15, $0xb8;
	[tilespmem:$0xD200] =	vst v63  }
0x2a7: {  	_ = 	snop  }
0x2a8: {  	[hbm4b:s10+s3] =	stream.indirect_vreg.scatter [tilespmem:s16], [sflag:$0x1], $0x80, v16, vm15, $0xb8;
	[tilespmem:$0xD200] =	vst v63  }
0x2a9: {  	_ = 	snop  }
0x2aa: {  	[hbm4b:s4+s3] =	stream.indirect_vreg.scatter [tilespmem:s15], [sflag:$0x1], $0x80, v15, vm15, $0xb8;
	[tilespmem:$0xD200] =	vst v63  }
0x2ab: {  	_ = 	snop  }
0x2ac: {  	[hbm4b:s9+s3] =	stream.indirect_vreg.scatter [tilespmem:s17], [sflag:$0x1], $0x80, v15, vm15, $0xb8;
	[tilespmem:$0xD200] =	vst v63  }
0x2ad: {  	_ = 	snop  }
0x2ae: {  	[hbm4b:s10+s3] =	stream.indirect_vreg.scatter [tilespmem:s18], [sflag:$0x1], $0x80, v15, vm15, $0xb8;
	[tilespmem:$0xD200] =	vst v63  }
0x2af: {  	v15 =	vld [tilespmem:$0x1100];
	_ =	sdelay $0x4  }
0x2b0: {  	v60 =	vshrl.u32 v15, $0x3  }
0x2b1: {  	v16 =	vmul.u32 $0x30, v60  }
0x2b2: {  	v15 =	vand.u32 $0x7, v15  }
0x2b3: {  	v15 =	vor.u32 v15, v16  }
0x2b4: {  	v16 =	vperm.xlane v15, v10;
	_ =	sdelay $0x1  }
0x2b5: {  	v16 =	vadd.s32 v11, v16;
	_ =	sdelay $0x3  }
0x2b6: {  	v15 =	vperm.xlane v15, v12  }
0x2b7: {  	[hbm4b:s4+s3] =	stream.indirect_vreg.scatter [tilespmem:s14], [sflag:$0x1], $0x80, v16, vm15, $0xb8;
	[tilespmem:$0xD200] =	vst v63  }
0x2b8: {  	v15 =	vadd.s32 v11, v15  }
0x2b9: {  	[hbm4b:s9+s3] =	stream.indirect_vreg.scatter [tilespmem:s24], [sflag:$0x1], $0x80, v16, vm15, $0xb8;
	[tilespmem:$0xD200] =	vst v63  }
0x2ba: {  	_ = 	snop  }
0x2bb: {  	[hbm4b:s10+s3] =	stream.indirect_vreg.scatter [tilespmem:s25], [sflag:$0x1], $0x80, v16, vm15, $0xb8;
	[tilespmem:$0xD200] =	vst v63  }
0x2bc: {  	_ = 	snop  }
0x2bd: {  	[hbm4b:s4+s3] =	stream.indirect_vreg.scatter [tilespmem:s26], [sflag:$0x1], $0x80, v15, vm15, $0xb8;
	[tilespmem:$0xD200] =	vst v63  }
0x2be: {  	_ = 	snop  }
0x2bf: {  	[hbm4b:s9+s3] =	stream.indirect_vreg.scatter [tilespmem:s28], [sflag:$0x1], $0x80, v15, vm15, $0xb8;
	[tilespmem:$0xD200] =	vst v63  }
0x2c0: {  	_ = 	snop  }
0x2c1: {  	[hbm4b:s10+s3] =	stream.indirect_vreg.scatter [tilespmem:s29], [sflag:$0x1], $0x80, v15, vm15, $0xb8;
	[tilespmem:$0xD200] =	vst v63  }
0x2c2: {  	v15 =	vld [tilespmem:$0x1110];
	_ =	sdelay $0x4  }
0x2c3: {  	v61 =	vshrl.u32 v15, $0x3  }
0x2c4: {  	v16 =	vmul.u32 $0x30, v61  }
0x2c5: {  	v15 =	vand.u32 $0x7, v15  }
0x2c6: {  	v15 =	vor.u32 v15, v16  }
0x2c7: {  	v16 =	vperm.xlane v15, v10;
	_ =	sdelay $0x1  }
0x2c8: {  	v16 =	vadd.s32 v11, v16;
	_ =	sdelay $0x3  }
0x2c9: {  	v15 =	vperm.xlane v15, v12  }
0x2ca: {  	[hbm4b:s4+s3] =	stream.indirect_vreg.scatter [tilespmem:s30], [sflag:$0x1], $0x80, v16, vm15, $0xb8;
	[tilespmem:$0xD200] =	vst v63  }
0x2cb: {  	v15 =	vadd.s32 v11, v15  }
0x2cc: {  	[hbm4b:s9+s3] =	stream.indirect_vreg.scatter [tilespmem:s31], [sflag:$0x1], $0x80, v16, vm15, $0xb8;
	[tilespmem:$0xD200] =	vst v63  }
0x2cd: {  	_ = 	snop  }
0x2ce: {  	[hbm4b:s10+s3] =	stream.indirect_vreg.scatter [tilespmem:s0], [sflag:$0x1], $0x80, v16, vm15, $0xb8;
	[tilespmem:$0xD200] =	vst v63  }
0x2cf: {  	_ = 	snop  }
0x2d0: {  	[hbm4b:s4+s3] =	stream.indirect_vreg.scatter [tilespmem:s2], [sflag:$0x1], $0x80, v15, vm15, $0xb8;
	[tilespmem:$0xD200] =	vst v63  }
0x2d1: {  	_ = 	snop  }
0x2d2: {  	[hbm4b:s9+s3] =	stream.indirect_vreg.scatter [tilespmem:s5], [sflag:$0x1], $0x80, v15, vm15, $0xb8;
	[tilespmem:$0xD200] =	vst v63  }
0x2d3: {  	_ = 	snop  }
0x2d4: {  	[hbm4b:s10+s3] =	stream.indirect_vreg.scatter [tilespmem:s1], [sflag:$0x1], $0x80, v15, vm15, $0xb8;
	[tilespmem:$0xD200] =	vst v63  }
0x2d5: {  	v15 =	vld [tilespmem:$0x1120];
	_ =	sdelay $0x4  }
0x2d6: {  	v62 =	vshrl.u32 v15, $0x3  }
0x2d7: {  	v16 =	vmul.u32 $0x30, v62  }
0x2d8: {  	v15 =	vand.u32 $0x7, v15  }
0x2d9: {  	v15 =	vor.u32 v15, v16  }
0x2da: {  	v16 =	vperm.xlane v15, v10;
	_ =	sdelay $0x1  }
0x2db: {  	v16 =	vadd.s32 v11, v16;
	_ =	sdelay $0x3  }
0x2dc: {  	v15 =	vperm.xlane v15, v12  }
0x2dd: {  	[hbm4b:s4+s3] =	stream.indirect_vreg.scatter [tilespmem:s6], [sflag:$0x1], $0x80, v16, vm15, $0xb8;
	[tilespmem:$0xD200] =	vst v63  }
0x2de: {  	v15 =	vadd.s32 v11, v15  }
0x2df: {  	[hbm4b:s9+s3] =	stream.indirect_vreg.scatter [tilespmem:s19], [sflag:$0x1], $0x80, v16, vm15, $0xb8;
	[tilespmem:$0xD200] =	vst v63  }
0x2e0: {  	_ = 	snop  }
0x2e1: {  	[hbm4b:s10+s3] =	stream.indirect_vreg.scatter [tilespmem:s8], [sflag:$0x1], $0x80, v16, vm15, $0xb8;
	[tilespmem:$0xD200] =	vst v63  }
0x2e2: {  	_ = 	snop  }
0x2e3: {  	[hbm4b:s4+s3] =	stream.indirect_vreg.scatter [tilespmem:s20], [sflag:$0x1], $0x80, v15, vm15, $0xb8;
	[tilespmem:$0xD200] =	vst v63  }
0x2e4: {  	_ = 	snop  }
0x2e5: {  	[hbm4b:s9+s3] =	stream.indirect_vreg.scatter [tilespmem:s21], [sflag:$0x1], $0x80, v15, vm15, $0xb8;
	[tilespmem:$0xD200] =	vst v63  }
0x2e6: {  	_ = 	snop  }
0x2e7: {  	[hbm4b:s10+s3] =	stream.indirect_vreg.scatter [tilespmem:s22], [sflag:$0x1], $0x80, v15, vm15, $0xb8;
	[tilespmem:$0xD200] =	vst v63  }
0x2e8: {  	v15 =	vld [tilespmem:$0x1130];
	_ =	sdelay $0x4  }
0x2e9: {  	v63 =	vshrl.u32 v15, $0x3  }
0x2ea: {  	v16 =	vmul.u32 $0x30, v63  }
0x2eb: {  	v15 =	vand.u32 $0x7, v15  }
0x2ec: {  	v15 =	vor.u32 v15, v16  }
0x2ed: {  	v16 =	vperm.xlane v15, v10;
	_ =	sdelay $0x1  }
0x2ee: {  	v16 =	vadd.s32 v11, v16;
	_ =	sdelay $0x3  }
0x2ef: {  	v15 =	vperm.xlane v15, v12  }
0x2f0: {  	[hbm4b:s4+s3] =	stream.indirect_vreg.scatter [tilespmem:s11], [sflag:$0x1], $0x80, v16, vm15, $0xb8;
	[tilespmem:$0xD200] =	vst v63  }
0x2f1: {  	v15 =	vadd.s32 v11, v15  }
0x2f2: {  	[hbm4b:s9+s3] =	stream.indirect_vreg.scatter [tilespmem:s12], [sflag:$0x1], $0x80, v16, vm15, $0xb8;
	[tilespmem:$0xD200] =	vst v63  }
0x2f3: {  	_ = 	snop  }
0x2f4: {  	[hbm4b:s10+s3] =	stream.indirect_vreg.scatter [tilespmem:s16], [sflag:$0x1], $0x80, v16, vm15, $0xb8;
	[tilespmem:$0xD200] =	vst v63  }
0x2f5: {  	_ = 	snop  }
0x2f6: {  	[hbm4b:s4+s3] =	stream.indirect_vreg.scatter [tilespmem:s15], [sflag:$0x1], $0x80, v15, vm15, $0xb8;
	[tilespmem:$0xD200] =	vst v63  }
0x2f7: {  	_ = 	snop  }
0x2f8: {  	[hbm4b:s9+s3] =	stream.indirect_vreg.scatter [tilespmem:s17], [sflag:$0x1], $0x80, v15, vm15, $0xb8;
	[tilespmem:$0xD200] =	vst v63  }
0x2f9: {  	_ = 	snop  }
0x2fa: {  	[hbm4b:s10+s3] =	stream.indirect_vreg.scatter [tilespmem:s18], [sflag:$0x1], $0x80, v15, vm15, $0xb8;
	[tilespmem:$0xD200] =	vst v63  }
0x2fb: {  	_ =	swait.ge [sflag:s23], $0xC000  }
.Ltmp9:
0x2fc: {  	[sflag:s23] =	ssyncset.done $0x0;
	(pc) =	sbr.rel @p0 .LBB2_16-.Ltmp9, $4  }
0x2fd: {  	[sflag:s23] =	ssyncadd.s32 $0xFFFF4000  }
0x2fe: {  	_ =	swait.ge [sflag:s23], $0xC000  }
0x2ff: {  	s13 =	simm.s32 $0x1180;
	[sflag:s23] =	ssyncset.done $0x0  }
0x300: {  	s2 =	simm.s32 $0x2;
	s5 =	rddreg [dreg:$0xb];
	[sflag:s23] =	ssyncadd.s32 $0xFFFF4000  }
0x301: {  	vm7 =	vgt.s32 v14, $0x0;
	v14 =	vor.u32 $0x80000000, v1  }
0x302: {  	v14 =	vnsel vm7, $0x80000000, v14  }
0x303: {  	(xrf0) =	vmax.scan.msk.u32 $0xffff, v14;
	v14 =	vld [tilespmem:$0x1FFF0];
	_ =	sdelay $0x4  }
0x304: {  	vm1 =	vnez.u8 v14  }
0x305: {  	vm2 =	vcmask $0x308;
	v14 =	vnsel vm1, $0x0, v13  }
0x306: {  	vm11 =	vcmask $0x70C;
	(xrf0) =	vadd.scan.msk.s32 $0xffff, v14;
	v14 =	vsel vm2, $0x0, v13  }
0x307: {  	vm12 =	vcmask $0xB10;
	(xrf0) =	vadd.scan.msk.s32 $0xffff, v14;
	v14 =	vsel vm11, $0x0, v13  }
0x308: {  	(xrf0) =	vadd.scan.msk.s32 $0xffff, v14;
	v14 =	vsel vm12, $0x0, v13  }
0x309: {  	vm13 =	vcmask $0xF14  }
0x30a: {  	v15 =	vsel vm13, $0x0, v13;
	(xrf0) =	vadd.scan.msk.s32 $0xffff, v14  }
0x30b: {  	v14, _, _ =	vpop (xrf0);
	(xrf0) =	vadd.scan.msk.s32 $0xffff, v15  }
0x30c: {  	v17 =	vmul.u32 $0x200, v1;
	vm14 =	vcmask $0x1318;
	vm15 =	vcmask $0x171C  }
0x30d: {  	vm9 =	vcmask $0x1B20;
	v19 =	vsel vm15, $0x0, v13;
	v15 =	vsel vm14, $0x0, v13;
	v16, _, _ =	vpop (xrf0)  }
0x30e: {  	v22 =	vsel vm9, $0x0, v13;
	(xrf0) =	vadd.scan.msk.s32 $0xffff, v15;
	v15 =	vor.u32 $0x1, v17;
	v16 =	vbroadcast v16, $0xF;
	v18, _, _ =	vpop (xrf0)  }
0x30f: {  	(v2sf) =	vpush v14, $0xF;
	v17 =	vor.u32 $0x2001, v17;
	v18 =	vbroadcast v18, $0xF;
	v14, _, _ =	vpop (xrf0)  }
0x310: {  	(xrf0) =	vadd.scan.msk.s32 $0xffff, v19;
	(v2sf) =	vpush v13, $0xF;
	vm2 =	vlt.s32 v16, v15;
	v55, _, _ =	vpop (xrf0);
	v14 =	vbroadcast v14, $0xF  }
0x311: {  	vm15 =	vlt.s32 v16, v17;
	v20 =	vsel vm2, $0x1, v0;
	vm3 =	vlt.s32 v18, v15;
	v56, _, _ =	vpop (xrf0);
	(xrf0) =	vadd.scan.msk.s32 $0xffff, v22  }
0x312: {  	v19 =	vbroadcast v55, $0xF;
	v16 =	vsel vm15, $0x1, v0;
	vm0 =	vlt.s32 v18, v17  }
0x313: {  	v21 =	vsel vm3, $0x1, v0;
	vm10 =	vlt.s32 v14, v15;
	vm1 =	vlt.s32 v14, v17  }
0x314: {  	v13 =	vadd.s32 v21, v20;
	v58 =	vsel vm10, $0x1, v0;
	vm11 =	vlt.s32 v19, v15  }
0x315: {  	v57, _, _ =	vpop (xrf0);
	v20 =	vbroadcast v56, $0xF;
	v13 =	vadd.s32 v58, v13;
	v59 =	vsel vm11, $0x1, v0  }
0x316: {  	vm2 =	vlt.s32 v19, v17;
	v21 =	vbroadcast v57, $0xF;
	v23, _, _ =	vpop (xrf0);
	v13 =	vadd.s32 v59, v13  }
0x317: {  	vm12 =	vlt.s32 v20, v15;
	v23 =	vbroadcast v23, $0xF;
	vm3 =	vlt.s32 v20, v17;
	v62, _, _ =	vpop (xrf0)  }
0x318: {  	v60 =	vsel vm12, $0x1, v0;
	vm13 =	vlt.s32 v21, v15;
	v22 =	vbroadcast v62, $0xF  }
0x319: {  	vm10 =	vlt.s32 v21, v17;
	v13 =	vadd.s32 v60, v13;
	v61 =	vsel vm13, $0x1, v0  }
0x31a: {  	vm14 =	vlt.s32 v23, v15;
	vm9 =	vlt.s32 v22, v15;
	v15 =	vsel vm0, $0x1, v0  }
0x31b: {  	vm11 =	vlt.s32 v23, v17;
	v14 =	vadd.s32 v15, v16;
	v15 =	vsel vm1, $0x1, v0  }
0x31c: {  	v13 =	vadd.s32 v61, v13;
	v14 =	vadd.s32 v15, v14;
	v15 =	vsel vm2, $0x1, v0  }
0x31d: {  	v24 =	vsel vm14, $0x1, v0;
	v14 =	vadd.s32 v15, v14;
	v15 =	vsel vm3, $0x1, v0  }
0x31e: {  	v13 =	vadd.s32 v24, v13;
	v14 =	vadd.s32 v15, v14;
	v15 =	vsel vm10, $0x1, v0  }
0x31f: {  	vm12 =	vlt.s32 v22, v17;
	v14 =	vadd.s32 v15, v14;
	v15 =	vsel vm11, $0x1, v0  }
0x320: {  	s24 =	spop (v2sf);
	v63 =	vsel vm9, $0x1, v0;
	v14 =	vadd.s32 v15, v14;
	v15 =	vsel vm12, $0x1, v0  }
0x321: {  	s24 =	sxor.u32 $0x80000000, s24;
	v13 =	vadd.s32 v63, v13;
	v14 =	vadd.s32 v15, v14  }
0x322: {  	s25 =	spop (v2sf);
	vm13 =	vlt.s32 v13, s24;
	vm14 =	vlt.s32 v14, s24  }
0x323: {  	vm15 =	veq.s32 v1, $0xF;
	s25 =	sshra.s32 s25, $0x9;
	v13 =	vnsel vm13, s24, v13;
	v14 =	vnsel vm14, s24, v14  }
0x324: {  	[tilespmem:$0xD180] =	vst v13;
	v13 =	vsel vm15, s25, v14  }
.Ltmp10:
0x325: {  	s0 =	simm.s32 $0xD180;
	s25 =	rddreg [dreg:$0x4];
	[tilespmem:$0xD190] =	vst v13;
	(pc) =	sbr.rel .LBB2_16-.Ltmp10, $4  }
0x326: {  	[hbm4b:s25+s3] =	stream.linear.scatter [tilespmem:s0], [sflag:$0x2], $0x80, $0x38;
	[tilespmem:$0xD200] =	vst v63  }
0x327: {  	_ =	swait.ge [sflag:s2], $0x80  }
0x328: {  	[sflag:s2] =	ssyncset.done $0x0  }
0x329: {  	[sflag:s2] =	ssyncadd.s32 $0xFFFFFF80  }
.LBB2_9:
.Ltmp11:
0x32a: {  	(pc) =	sbr.rel .LBB2_14-.Ltmp11, $3  }
0x32b: {  	_ =	sdelay $0x1  }
0x32c: {  	v28 =	vmov v21;
	v29 =	vmov v19;
	v27 =	vmov v18  }
0x32d: {  	v26 =	vmovc v17;
	v25 =	vmovc v16;
	v24 =	vmov v15;
	v23 =	vmov v14;
	v20 =	vmov v13  }
.LBB2_11:
.Ltmp12:
0x32e: {  	_ = 	snop;
	(pc) =	sbr.rel .LBB2_14-.Ltmp12, $3  }
0x32f: {  	_ =	sdelay $0x1  }
0x330: {  	v28 =	vmov v21;
	v29 =	vmov v19;
	v27 =	vmov v18  }
0x331: {  	v26 =	vmovc v17;
	v25 =	vmovc v16;
	v24 =	vmov v15;
	v23 =	vmov v14;
	v22 =	vmov v30  }
.LBB2_3:
.Ltmp13:
0x332: {  	(pc) =	sbr.rel .LBB2_7-.Ltmp13, $4  }
0x333: {  	_ = 	snop  }
0x334: {  	v14 =	vimm.s32 $0x0;
	v15 =	vimm.s32 $0x0  }
0x335: {  	v16 =	vimm.s32 $0x0;
	v17 =	vimm.s32 $0x0;
	v18 =	vimm.s32 $0x0  }
0x336: {  	v19 =	vimm.s32 $0x0;
	v21 =	vimm.s32 $0x0;
	v13 =	vimm.s32 $0x0  }
.LBB2_5:
.Ltmp14:
0x337: {  	(pc) =	sbr.rel .LBB2_7-.Ltmp14, $4  }
0x338: {  	_ = 	snop  }
0x339: {  	v14 =	vimm.s32 $0x0  }
0x33a: {  	v15 =	vimm.s32 $0x0;
	v16 =	vimm.s32 $0x0;
	v17 =	vimm.s32 $0x0  }
0x33b: {  	v18 =	vimm.s32 $0x0;
	v19 =	vimm.s32 $0x0;
	v21 =	vimm.s32 $0x0  }
.LBB2_17:
0x33c: {  	_ =	sfence.sel $0x180000  }
0x33d: {  	[bflag:$0x0] =	sbarrier.arrive $0xFFFF  }
0x33e: {  	_ =	strace $0x90000047  }
0x33f: {  	s0 =	stileid.u32;
	[bflag:$0x2] =	sbarrier.arrive $0xFFFF  }
0x340: {  	p0 =	sne.s32 s0, $0x0;
	s0 =	rddreg [dreg:$0x3]  }
0x341: {  	s0 =	sadd.s32 @!p0 $0x100000, s0  }
0x342: {  	[sflag:s0] =	ssyncadd.tile.s32 @!p0 $0x1;
	_ =	shalt  }
.Lfunc_end2:
_tile_overlayer_lowered:
.L_overlay_start_2:
0x343: {  	(tag) =	ssettag $0x2  }
0x344: {  	s0 =	rddreg [dreg:$0x0];
	s2 =	stileid.u32  }
0x345: {  	s1 =	rddreg [dreg:$0x1];
	p0 =	sne.s32 s2, $0x0  }
0x346: {  	s3 =	rddreg [dreg:$0x2];
	[bflag:$0x3] =	sbarrier.arrive $0xFFFF;
	s2 =	simm.s32 @!p0 $0x1C02  }
0x347: {  	[timem:s3], [sflag:s2] =	dma.local @!p0 [hbm:s0], s1  }
0x348: {  	s0 =	simm.s32 @!p0 $0x2  }
0x349: {  	_ =	swait.ge @!p0 [sflag:s0], s1  }
0x34a: {  	s1 =	ssub.s32 @!p0 $0x0, s1;
	[sflag:s0] =	ssyncset.done @!p0 $0x0  }
0x34b: {  	[sflag:s0] =	ssyncadd.s32 @!p0 s1  }
0x34c: {  	[bflag:$0x3] =	sbarrier.arrive $0xFFFF  }
0x34d: {  	_ =	shalt  }

// kernel: kernel.8.cloned.1.call-start
scs
__scs_entry_jumppad:
0x0: {  	(pc) =	sbr.rel $0x88, $3  }
0x1: {  	(tag) =	ssettag $0x0;
	lr =	simm.s32 $0x1  }
0x2: {  	[smem:$0x3F9A] =	sst lr;
	_ =	strace $0xD0000000  }
0x3: {  	_ = 	snop  }
0x4: {  	_ = 	snop  }
0x5: {  	_ = 	snop  }
0x6: {  	_ = 	snop  }
0x7: {  	_ = 	snop  }
__scs_overlays_trampoline_lowered:
0x8: {  	[smem:$0x3FA9] =	sst s0  }
0x9: {  	[smem:$0x3FAA] =	sst s1  }
0xa: {  	[smem:$0x3FAB] =	sst s2  }
0xb: {  	[smem:$0x3FAC] =	sst s3  }
0xc: {  	[smem:$0x3FAD] =	sst s4  }
0xd: {  	[smem:$0x3FAE] =	sst s5  }
0xe: {  	[smem:$0x3FAF] =	sst s6  }
0xf: {  	[smem:$0x3FB0] =	sst s7  }
0x10: {  	[smem:$0x3FB1] =	sst s8  }
0x11: {  	[smem:$0x3FB2] =	sst s9;
	s0 =	simm.s32 @!p0 $0x0  }
0x12: {  	s1 =	sld [smem:$0x3F98];
	s0 =	simm.s32 @p0 $0x1  }
0x13: {  	[smem:$0x3FB3] =	sst s0;
	s0 =	simm.s32 @!p1 $0x0  }
0x14: {  	s2 =	sld [smem:$0x3F97];
	s0 =	simm.s32 @p1 $0x1  }
0x15: {  	[smem:$0x3FB4] =	sst s0;
	s0 =	simm.s32 @!p2 $0x0  }
0x16: {  	s3 =	sld [smem:$0x3FDB];
	s0 =	simm.s32 @p2 $0x1  }
0x17: {  	s4 =	simm.s32 $0x1BF5;
	[smem:$0x3FB6] =	sst s0  }
0x18: {  	s0 =	sld [smem:$0x3F99];
	_ =	swait.ge [sflag:s4], $0x0  }
0x19: {  	s7 =	sld [smem:$0x3F9A]  }
0x1a: {  	s8 =	sadd.s32 $0xFFFFE003, lr  }
0x1b: {  	s9 =	sadd.s32 $0xFFFFFEF7, lr;
	s5 =	simm.s32 $0xFFFFFFFF;
	p2 =	slt.u32 s8, $0xFFFFF086  }
0x1c: {  	p1 =	slt.u32 s9, $0xF7A;
	s5 =	simm.s32 @!p2 $0x0  }
0x1d: {  	s5 =	simm.s32 @p1 $0x1;
	p0 =	seq.s32 s7, s2  }
0x1e: {  	s7 =	smul.u32 @!p0 $0xF7A, s2;
	p2 =	seq.s32 @!p0 s5, $0x0  }
0x1f: {  	s9 =	smul.u32 $0xF7A, s1;
	s8 =	simm.s32 @!p0 $0x1BF5;
	p2 =	por !p2, p0  }
0x20: {  	[sflag:s8] =	ssyncset.s32 @!p0 $0xFFFFF086;
	s6 =	sadd.s32 @!p0 s3, s7;
	s7 =	simm.s32 @!p0 $0x108  }
0x21: {  	s3 =	sadd.s32 s3, s9;
	s6 =	sadd.s32 @!p0 $0x88, s6;
	s7 =	simm.s32 @p2 $0x1082  }
0x22: {  	[simem:s7], [sflag:s8] =	dma.local @!p0 [hbm:s6], $0xF7A  }
0x23: {  	s9 =	sor.u32 $0xD0000000, s2;
	s6 =	simm.s32 $0x108;
	_ =	swait.ge @!p0 [sflag:s8], $0x0  }
0x24: {  	s3 =	sadd.s32 $0x88, s3;
	s6 =	simm.s32 @!p1 $0x1082;
	[sflag:s4] =	ssyncset.s32 $0xFFFFF086  }
0x25: {  	[simem:s6], [sflag:s4] =	dma.local [hbm:s3], $0xF7A  }
0x26: {  	[smem:$0x3F9A] =	sst s1;
	(tag) =	ssettag s2;
	_ =	strace s9  }
0x27: {  	s1 =	sld [smem:$0x3FAA]  }
0x28: {  	s2 =	sld [smem:$0x3FAB]  }
0x29: {  	s4 =	sld [smem:$0x3FAD]  }
0x2a: {  	p0 =	seq.s32 s5, $0x0;
	s5 =	sld [smem:$0x3FAE]  }
0x2b: {  	s6 =	sld [smem:$0x3FAF]  }
0x2c: {  	s7 =	sld [smem:$0x3FB0]  }
0x2d: {  	s3 =	simm.s32 $0x108;
	s8 =	sld [smem:$0x3FB1]  }
0x2e: {  	s3 =	simm.s32 @!p0 $0x1082;
	s9 =	sld [smem:$0x3FB2]  }
0x2f: {  	lr =	sadd.s32 s0, s3;
	s0 =	sld [smem:$0x3FA9]  }
0x30: {  	s3 =	sld [smem:$0x3FAC]  }
0x31: {  	[smem:$0x3FB5] =	sst s10  }
0x32: {  	s10 =	sld [smem:$0x3FB3];
	_ =	sdelay $0x3  }
0x33: {  	p0 =	seq.s32 s10, $0x1;
	s10 =	sld [smem:$0x3FB5];
	_ =	sdelay $0x3  }
0x34: {  	[smem:$0x3FB5] =	sst s10  }
0x35: {  	s10 =	sld [smem:$0x3FB4];
	_ =	sdelay $0x3  }
0x36: {  	p1 =	seq.s32 s10, $0x1;
	s10 =	sld [smem:$0x3FB5];
	_ =	sdelay $0x3  }
0x37: {  	[smem:$0x3FB5] =	sst s10  }
0x38: {  	s10 =	sld [smem:$0x3FB6]  }
0x39: {  	_ = 	snop;
	(pc) =	sbr.ind lr, $3  }
0x3a: {  	_ = 	snop  }
0x3b: {  	_ = 	snop  }
0x3c: {  	p2 =	seq.s32 s10, $0x1;
	s10 =	sld [smem:$0x3FB5]  }
0x3d: {  	_ =	shalt  }
0x3e: {  	_ =	shalt  }
0x3f: {  	_ =	shalt  }
0x40: {  	_ =	shalt  }
0x41: {  	_ =	shalt  }
0x42: {  	_ =	shalt  }
0x43: {  	_ =	shalt  }
0x44: {  	_ =	shalt  }
0x45: {  	_ =	shalt  }
0x46: {  	_ =	shalt  }
0x47: {  	_ =	shalt  }
0x48: {  	_ =	shalt  }
0x49: {  	_ =	shalt  }
0x4a: {  	_ =	shalt  }
0x4b: {  	_ =	shalt  }
0x4c: {  	_ =	shalt  }
0x4d: {  	_ =	shalt  }
0x4e: {  	_ =	shalt  }
0x4f: {  	_ =	shalt  }
0x50: {  	_ =	shalt  }
0x51: {  	_ =	shalt  }
0x52: {  	_ =	shalt  }
0x53: {  	_ =	shalt  }
0x54: {  	_ =	shalt  }
0x55: {  	_ =	shalt  }
0x56: {  	_ =	shalt  }
0x57: {  	_ =	shalt  }
0x58: {  	_ =	shalt  }
0x59: {  	_ =	shalt  }
0x5a: {  	_ =	shalt  }
0x5b: {  	_ =	shalt  }
0x5c: {  	_ =	shalt  }
0x5d: {  	_ =	shalt  }
0x5e: {  	_ =	shalt  }
0x5f: {  	_ =	shalt  }
0x60: {  	_ =	shalt  }
0x61: {  	_ =	shalt  }
0x62: {  	_ =	shalt  }
0x63: {  	_ =	shalt  }
0x64: {  	_ =	shalt  }
0x65: {  	_ =	shalt  }
0x66: {  	_ =	shalt  }
0x67: {  	_ =	shalt  }
0x68: {  	_ =	shalt  }
0x69: {  	_ =	shalt  }
0x6a: {  	_ =	shalt  }
0x6b: {  	_ =	shalt  }
0x6c: {  	_ =	shalt  }
0x6d: {  	_ =	shalt  }
0x6e: {  	_ =	shalt  }
0x6f: {  	_ =	shalt  }
0x70: {  	_ =	shalt  }
0x71: {  	_ =	shalt  }
0x72: {  	_ =	shalt  }
0x73: {  	_ =	shalt  }
0x74: {  	_ =	shalt  }
0x75: {  	_ =	shalt  }
0x76: {  	_ =	shalt  }
0x77: {  	_ =	shalt  }
0x78: {  	_ =	shalt  }
0x79: {  	_ =	shalt  }
0x7a: {  	_ =	shalt  }
0x7b: {  	_ =	shalt  }
0x7c: {  	_ =	shalt  }
0x7d: {  	_ =	shalt  }
0x7e: {  	_ =	shalt  }
0x7f: {  	_ =	shalt  }
0x80: {  	_ =	shalt  }
0x81: {  	_ =	shalt  }
0x82: {  	_ =	shalt  }
0x83: {  	_ =	shalt  }
0x84: {  	_ =	shalt  }
0x85: {  	_ =	shalt  }
0x86: {  	_ =	shalt  }
0x87: {  	_ =	shalt  }
.Lfunc_end0:
.L_simem_size_0:
called_computation.1_lowered:
.L_overlay_start_0:
0x88: {  	s2 =	sld [smem:$0x3FD9]  }
0x89: {  	s3 =	sld [smem:$0x3FFE];
	_ =	sdelay $0x1  }
0x8a: {  	s1 =	srdreg.scid  }
0x8b: {  	s0 =	sand.u32 $0x1, s1  }
0x8c: {  	s17 =	sshll.u32 s0, $0xA;
	s2 =	sadd.s32 s3, s2  }
0x8d: {  	s2 =	sadd.s32 s2, s17  }
0x8e: {  	[smem:$0x3FC1] =	sst s2  }
0x8f: {  	_ = 	snop  }
0x90: {  	s2 =	sld [smem:$0x3FD0];
	(tm) =	ssettm $0x1  }
0x91: {  	s18 =	sld [smem:$0x3FFB];
	_ =	sdelay $0x3  }
0x92: {  	_ =	strace s18  }
0x93: {  	s3 =	sld [smem:$0x3FFC];
	_ =	sdelay $0x3  }
0x94: {  	_ =	strace s3  }
0x95: {  	s3 =	sld [smem:$0x3FFD];
	_ =	sdelay $0x3  }
0x96: {  	_ =	strace s3  }
0x97: {  	_ =	strace $0x8FFFFFFF  }
0x98: {  	s19 =	sld [smem:$0x3FDB];
	_ =	sdelay $0x1  }
0x99: {  	s4 =	simm.s32 $_scs_section_size  }
0x9a: {  	s5 =	simm.s32 $_size__tile_overlayer_lowered;
	s6 =	simm.s32 $_tile_overlayer_lowered  }
0x9b: {  	s22 =	simm.s32 $0x1BFF;
	s21 =	sshll.u32 s6, $0x1;
	s3 =	sadd.s32 s4, s19  }
0x9c: {  	s7 =	simm.s32 $0x0;
	s20 =	sshll.u32 s5, $0x1;
	s5 =	sadd.s32 s21, s3  }
0x9d: {  	[timem:s7], [sflag:s22] =	dma.local [hbm:s5], s20  }
0x9e: {  	_ =	swait.ge [sflag:s22], s20  }
0x9f: {  	s4 =	ssub.s32 $0x0, s20;
	[sflag:s22] =	ssyncset.done $0x0  }
0xa0: {  	[sflag:s22] =	ssyncadd.s32 s4;
	_ =	sdelay $0x1  }
0xa1: {  	s23 =	simm.s32 $0x1B8B  }
0xa2: {  	_ =	swait.ge [sflag:s23], $0x1  }
0xa3: {  	[sflag:s23] =	ssyncset.done $0x0  }
0xa4: {  	s25 =	simm.s32 $0x1B8E;
	s24 =	sld [smem:$0x3FFE];
	[sflag:s23] =	ssyncadd.s32 $0xFFFFFFFF  }
0xa5: {  	s26 =	simm.s32 $execute0_lowered;
	[smem:$0x3FD2] =	sst s25  }
0xa6: {  	s5 =	sshll.u32 s26, $0x1;
	_ =	strace $0x80000049;
	[dreg:$0x1] =	wrdreg $0xFFFFFFFF  }
0xa7: {  	s28 =	simm.s32 $_size_execute0_lowered;
	s3 =	sadd.s32 s3, s5;
	[dreg:$0x0] =	wrdreg $0x0  }
0xa8: {  	s5 =	sshll.u32 s28, $0x1;
	[dreg:$0x2] =	wrdreg s3  }
0xa9: {  	[dreg:$0x3] =	wrdreg s5  }
0xaa: {  	[dreg:$0x4] =	wrdreg $0xC0  }
0xab: {  	_ =	task [dreg:s7], $0x5FFFF  }
0xac: {  	[dreg:$0x1] =	wrdreg $0xFFFFFFFF  }
0xad: {  	[dreg:$0x0] =	wrdreg $0x60  }
0xae: {  	[dreg:$0x2] =	wrdreg s24  }
0xaf: {  	[dreg:$0x3] =	wrdreg s2  }
0xb0: {  	[dreg:$0x4] =	wrdreg $0x9  }
0xb1: {  	_ =	task.clear_ibuf [dreg:s7], $0x5FFFF;
	_ =	strace $0x90000049  }
0xb2: {  	s29 =	simm.s32 $0x9;
	_ =	strace $0x8000004B  }
0xb3: {  	_ =	swait.ge [sflag:s29], $0x1  }
0xb4: {  	[sflag:s29] =	ssyncadd.s32 $0xFFFFFFFF  }
0xb5: {  	_ =	strace $0x9000004B  }
0xb6: {  	_ =	sfence  }
0xb7: {  	s30 =	sld [smem:$0x0];
	_ =	sdelay $0x2  }
0xb8: {  	s31 =	sshll.u32 s1, $0xD;
	s1 =	sshrl.u32 s1, $0x2  }
0xb9: {  	s3 =	sand.u32 $0x4000, s31;
	s1 =	sadd.s32 s1, s30  }
0xba: {  	s0 =	sor.u32 s3, s0;
	s1 =	sshll.u32 s1, $0x11  }
0xbb: {  	s0 =	sor.u32 s1, s0  }
0xbc: {  	s0 =	sadd.s32 $0x8F2B, s0  }
0xbd: {  	[sflag:s0] =	ssyncadd.remote.s32 $0x1  }
0xbe: {  	_ =	sfence.sel $0xFFFF  }
0xbf: {  	[dreg:$0x0] =	wrdreg $0xFFFFFFFF;
	(pc) =	sbr.abs _section_cstart, $3  }
0xc0: {  	[dreg:$0x1] =	wrdreg $0xFFFFFFFF  }
0xc1: {  	_ =	task.clear_ibuf [dreg:s7], $0x2FFFF;
	_ =	strace $0x9FFFFFFF  }
0xc2: {  	(tm) =	ssettm $0x7FFFFFFF  }
0xc3: {  	_ =	shalt  }
tec
execute0_lowered:
.L_overlay_start_1:
0x0: {  	(tag) =	ssettag $0x1  }
0x1: {  	s0 =	rddreg [dreg:$0x0]  }
0x2: {  	s1 =	rddreg [dreg:$0x1];
	s2 =	simm.s32 $0x0;
	s3 =	srdreg.scid  }
0x3: {  	s4 =	stileid.u32;
	s10 =	simm.s32 $0x2;
	s11 =	simm.s32 $0x280  }
0x4: {  	s25 =	simm.s32 $0x11A80;
	s26 =	simm.s32 $0x12280;
	s28 =	simm.s32 $0x12A80  }
0x5: {  	s29 =	simm.s32 $0x13280;
	s30 =	simm.s32 $0x13A80;
	s31 =	simm.s32 $0x14280  }
0x6: {  	s12 =	simm.s32 $0x15A80;
	s13 =	simm.s32 $0x16280;
	s14 =	simm.s32 $0x16A80  }
0x7: {  	v10 =	vlaneseq.u32;
	s15 =	simm.s32 $0x17280;
	s16 =	simm.s32 $0x17A80;
	s17 =	simm.s32 $0x1  }
0x8: {  	[smem:$0x7FF] =	sst s2;
	s3 =	sand.u32 $0x1, s3;
	s4 =	sshll.u32 s4, $0x1;
	v0 =	vmul.u32 $0x2, v10  }
0x9: {  	s18 =	simm.s32 $0x0;
	_ =	strace $0x8000004A;
	s4 =	sor.u32 s3, s4  }
0xa: {  	s5 =	ssub.s32 $0x2, s3;
	s3 =	sadd.s32 $0xC1400, s0;
	s6 =	sshll.u32 s4, $0x4;
	v1 =	vor.u32 $0x1, v0  }
0xb: {  	vm0 =	vmmov $0xffff;
	s7 =	sshrl.u32 s5, $0x1;
	s8 =	smul.u32 $0x1800, s4;
	s6 =	sadd.s32 s6, s0;
	[tilespmem:$0x1FFC0] =	vst v1;
	v1 =	vor.u32 $0x20, v0  }
0xc: {  	v9 =	vshrl.u32 v10, $0x3;
	v8 =	vand.u32 $0x7, v10;
	s9 =	ssub.s32 s5, s7;
	s7 =	sadd.s32 $0xC1600, s0;
	s4 =	sadd.s32 $0xC1000, s6;
	[tilespmem:$0x1FFD0] =	vst v1;
	v1 =	vor.u32 $0x21, v0  }
0xd: {  	v10 =	vor.u32 $0x8, v10;
	v9 =	vmul.u32 $0x8, v9;
	s5 =	sadd.s32 $0xC1200, s6;
	s6 =	sadd.s32 $0xC1500, s0;
	s8 =	sadd.s32 s1, s8;
	[tilespmem:$0x1FFE0] =	vst v1;
	v1 =	vor.u32 $0x40, v0  }
0xe: {  	v5 =	vor.u32 $0x41, v0;
	v6 =	vor.u32 $0x60, v0;
	v7 =	vor.u32 $0x61, v0;
	s9 =	smax.u32 s9, $0x1;
	s0 =	simm.s32 $0x14A80;
	s1 =	simm.s32 $0x15280;
	[tilespmem:$0x1FFF0] =	vst v1  }
.LBB2_1:
0xf: {  	[tilespmem:s2], [sflag:$0x2] =	stream.linear.gather [hbm4b:s4+s2], $0x80, $0x38;
	[tilespmem:$0x18280] =	vst v63  }
0x10: {  	_ =	swait.ge [sflag:s10], $0x80  }
0x11: {  	[sflag:s10] =	ssyncset.done $0x0  }
0x12: {  	s19 =	simm.s32 $0x80;
	[sflag:s10] =	ssyncadd.s32 $0xFFFFFF80  }
0x13: {  	[tilespmem:s19], [sflag:$0x2] =	stream.linear.gather [hbm4b:s5+s2], $0x80, $0x38;
	[tilespmem:$0x18280] =	vst v63  }
0x14: {  	_ =	swait.ge [sflag:s10], $0x80  }
0x15: {  	[sflag:s10] =	ssyncset.done $0x0;
	v1 =	vld [tilespmem:$0x1FFC0]  }
0x16: {  	[sflag:s10] =	ssyncadd.s32 $0xFFFFFF80  }
0x17: {  	v11 =	vld.idx.msk [tilespmem:v0+s2+$0x0], $0xffff;
	_ =	sdelay $0x4  }
0x18: {  	[tilespmem:$0x180] =	vst v11  }
0x19: {  	v11 =	vld.idx.msk [tilespmem:v1+s2+$0x0], $0xffff  }
0x1a: {  	v1 =	vld [tilespmem:$0x1FFD0];
	_ =	sdelay $0x6  }
0x1b: {  	[tilespmem:$0x200] =	vst v11  }
0x1c: {  	v11 =	vld.idx.msk [tilespmem:v1+s2+$0x0], $0xffff  }
0x1d: {  	v1 =	vld [tilespmem:$0x1FFE0];
	_ =	sdelay $0x6  }
0x1e: {  	[tilespmem:$0x190] =	vst v11  }
0x1f: {  	v11 =	vld.idx.msk [tilespmem:v1+s2+$0x0], $0xffff  }
0x20: {  	v1 =	vld [tilespmem:$0x1FFF0];
	_ =	sdelay $0x6  }
0x21: {  	[tilespmem:$0x210] =	vst v11  }
0x22: {  	v11 =	vld.idx.msk [tilespmem:v1+s2+$0x0], $0xffff;
	_ =	sdelay $0x4  }
0x23: {  	[tilespmem:$0x1A0] =	vst v11  }
0x24: {  	v11 =	vld.idx.msk [tilespmem:v5+s2+$0x0], $0xffff;
	_ =	sdelay $0x1  }
0x25: {  	v12 =	vld [tilespmem:$0x180];
	_ =	sdelay $0x2  }
0x26: {  	[tilespmem:$0x220] =	vst v11  }
0x27: {  	v11 =	vld.idx.msk [tilespmem:v6+s2+$0x0], $0xffff  }
0x28: {  	v13 =	vshrl.u32 v12, $0x3  }
0x29: {  	v13 =	vmul.u32 $0x30, v13  }
0x2a: {  	v12 =	vand.u32 $0x7, v12  }
0x2b: {  	v12 =	vor.u32 v12, v13  }
0x2c: {  	[tilespmem:$0x1B0] =	vst v11;
	v11 =	vperm.xlane v12, v8  }
0x2d: {  	v13 =	vld.idx.msk [tilespmem:v7+s2+$0x0], $0xffff  }
0x2e: {  	v11 =	vadd.s32 v9, v11;
	_ =	sdelay $0x3  }
0x2f: {  	v12 =	vperm.xlane v12, v10;
	[tilespmem:$0x230] =	vst v13  }
0x30: {  	[tilespmem:s11], [sflag:$0x1] =	stream.indirect_vreg.gather [hbm4b:s3+s2], $0x80, v11, vm0, $0xb8;
	[tilespmem:$0x18280] =	vst v63  }
0x31: {  	s20 =	simm.s32 $0xA80;
	v12 =	vadd.s32 v9, v12  }
0x32: {  	[tilespmem:s20], [sflag:$0x1] =	stream.indirect_vreg.gather [hbm4b:s6+s2], $0x80, v11, vm0, $0xb8;
	[tilespmem:$0x18280] =	vst v63  }
0x33: {  	s22 =	simm.s32 $0x1280  }
0x34: {  	[tilespmem:s22], [sflag:$0x1] =	stream.indirect_vreg.gather [hbm4b:s7+s2], $0x80, v11, vm0, $0xb8;
	[tilespmem:$0x18280] =	vst v63  }
0x35: {  	s23 =	simm.s32 $0x1A80  }
0x36: {  	[tilespmem:s23], [sflag:$0x1] =	stream.indirect_vreg.gather [hbm4b:s3+s2], $0x80, v12, vm0, $0xb8;
	[tilespmem:$0x18280] =	vst v63  }
0x37: {  	s24 =	simm.s32 $0x2280  }
0x38: {  	[tilespmem:s24], [sflag:$0x1] =	stream.indirect_vreg.gather [hbm4b:s6+s2], $0x80, v12, vm0, $0xb8;
	[tilespmem:$0x18280] =	vst v63  }
0x39: {  	s21 =	simm.s32 $0x2A80  }
0x3a: {  	[tilespmem:s21], [sflag:$0x1] =	stream.indirect_vreg.gather [hbm4b:s7+s2], $0x80, v12, vm0, $0xb8;
	[tilespmem:$0x18280] =	vst v63  }
0x3b: {  	v11 =	vld [tilespmem:$0x190];
	_ =	sdelay $0x4  }
0x3c: {  	v12 =	vshrl.u32 v11, $0x3  }
0x3d: {  	v12 =	vmul.u32 $0x30, v12  }
0x3e: {  	v11 =	vand.u32 $0x7, v11  }
0x3f: {  	v11 =	vor.u32 v11, v12  }
0x40: {  	v12 =	vperm.xlane v11, v8;
	_ =	sdelay $0x1  }
0x41: {  	v12 =	vadd.s32 v9, v12;
	_ =	sdelay $0x3  }
0x42: {  	s22 =	simm.s32 $0x3280;
	v11 =	vperm.xlane v11, v10  }
0x43: {  	[tilespmem:s22], [sflag:$0x1] =	stream.indirect_vreg.gather [hbm4b:s3+s2], $0x80, v12, vm0, $0xb8;
	[tilespmem:$0x18280] =	vst v63  }
0x44: {  	s23 =	simm.s32 $0x3A80;
	v11 =	vadd.s32 v9, v11  }
0x45: {  	[tilespmem:s23], [sflag:$0x1] =	stream.indirect_vreg.gather [hbm4b:s6+s2], $0x80, v12, vm0, $0xb8;
	[tilespmem:$0x18280] =	vst v63  }
0x46: {  	s24 =	simm.s32 $0x4280  }
0x47: {  	[tilespmem:s24], [sflag:$0x1] =	stream.indirect_vreg.gather [hbm4b:s7+s2], $0x80, v12, vm0, $0xb8;
	[tilespmem:$0x18280] =	vst v63  }
0x48: {  	s21 =	simm.s32 $0x4A80  }
0x49: {  	[tilespmem:s21], [sflag:$0x1] =	stream.indirect_vreg.gather [hbm4b:s3+s2], $0x80, v11, vm0, $0xb8;
	[tilespmem:$0x18280] =	vst v63  }
0x4a: {  	s22 =	simm.s32 $0x5280  }
0x4b: {  	[tilespmem:s22], [sflag:$0x1] =	stream.indirect_vreg.gather [hbm4b:s6+s2], $0x80, v11, vm0, $0xb8;
	[tilespmem:$0x18280] =	vst v63  }
0x4c: {  	s23 =	simm.s32 $0x5A80  }
0x4d: {  	[tilespmem:s23], [sflag:$0x1] =	stream.indirect_vreg.gather [hbm4b:s7+s2], $0x80, v11, vm0, $0xb8;
	[tilespmem:$0x18280] =	vst v63  }
0x4e: {  	v11 =	vld [tilespmem:$0x1A0];
	_ =	sdelay $0x4  }
0x4f: {  	v12 =	vshrl.u32 v11, $0x3  }
0x50: {  	v12 =	vmul.u32 $0x30, v12  }
0x51: {  	v11 =	vand.u32 $0x7, v11  }
0x52: {  	v11 =	vor.u32 v11, v12  }
0x53: {  	v12 =	vperm.xlane v11, v8;
	_ =	sdelay $0x1  }
0x54: {  	v12 =	vadd.s32 v9, v12;
	_ =	sdelay $0x3  }
0x55: {  	s24 =	simm.s32 $0x6280;
	v11 =	vperm.xlane v11, v10  }
0x56: {  	[tilespmem:s24], [sflag:$0x1] =	stream.indirect_vreg.gather [hbm4b:s3+s2], $0x80, v12, vm0, $0xb8;
	[tilespmem:$0x18280] =	vst v63  }
0x57: {  	s21 =	simm.s32 $0x6A80;
	v11 =	vadd.s32 v9, v11  }
0x58: {  	[tilespmem:s21], [sflag:$0x1] =	stream.indirect_vreg.gather [hbm4b:s6+s2], $0x80, v12, vm0, $0xb8;
	[tilespmem:$0x18280] =	vst v63  }
0x59: {  	s22 =	simm.s32 $0x7280  }
0x5a: {  	[tilespmem:s22], [sflag:$0x1] =	stream.indirect_vreg.gather [hbm4b:s7+s2], $0x80, v12, vm0, $0xb8;
	[tilespmem:$0x18280] =	vst v63  }
0x5b: {  	s23 =	simm.s32 $0x7A80  }
0x5c: {  	[tilespmem:s23], [sflag:$0x1] =	stream.indirect_vreg.gather [hbm4b:s3+s2], $0x80, v11, vm0, $0xb8;
	[tilespmem:$0x18280] =	vst v63  }
0x5d: {  	s24 =	simm.s32 $0x8280  }
0x5e: {  	[tilespmem:s24], [sflag:$0x1] =	stream.indirect_vreg.gather [hbm4b:s6+s2], $0x80, v11, vm0, $0xb8;
	[tilespmem:$0x18280] =	vst v63  }
0x5f: {  	s21 =	simm.s32 $0x8A80  }
0x60: {  	[tilespmem:s21], [sflag:$0x1] =	stream.indirect_vreg.gather [hbm4b:s7+s2], $0x80, v11, vm0, $0xb8;
	[tilespmem:$0x18280] =	vst v63  }
0x61: {  	v11 =	vld [tilespmem:$0x1B0];
	_ =	sdelay $0x4  }
0x62: {  	v12 =	vshrl.u32 v11, $0x3  }
0x63: {  	v12 =	vmul.u32 $0x30, v12  }
0x64: {  	v11 =	vand.u32 $0x7, v11  }
0x65: {  	v11 =	vor.u32 v11, v12  }
0x66: {  	v12 =	vperm.xlane v11, v8;
	_ =	sdelay $0x1  }
0x67: {  	v12 =	vadd.s32 v9, v12;
	_ =	sdelay $0x3  }
0x68: {  	s22 =	simm.s32 $0x9280;
	v11 =	vperm.xlane v11, v10  }
0x69: {  	[tilespmem:s22], [sflag:$0x1] =	stream.indirect_vreg.gather [hbm4b:s3+s2], $0x80, v12, vm0, $0xb8;
	[tilespmem:$0x18280] =	vst v63  }
0x6a: {  	s23 =	simm.s32 $0x9A80;
	v11 =	vadd.s32 v9, v11  }
0x6b: {  	[tilespmem:s23], [sflag:$0x1] =	stream.indirect_vreg.gather [hbm4b:s6+s2], $0x80, v12, vm0, $0xb8;
	[tilespmem:$0x18280] =	vst v63  }
0x6c: {  	s24 =	simm.s32 $0xA280  }
0x6d: {  	[tilespmem:s24], [sflag:$0x1] =	stream.indirect_vreg.gather [hbm4b:s7+s2], $0x80, v12, vm0, $0xb8;
	[tilespmem:$0x18280] =	vst v63  }
0x6e: {  	s21 =	simm.s32 $0xAA80  }
0x6f: {  	[tilespmem:s21], [sflag:$0x1] =	stream.indirect_vreg.gather [hbm4b:s3+s2], $0x80, v11, vm0, $0xb8;
	[tilespmem:$0x18280] =	vst v63  }
0x70: {  	s22 =	simm.s32 $0xB280  }
0x71: {  	[tilespmem:s22], [sflag:$0x1] =	stream.indirect_vreg.gather [hbm4b:s6+s2], $0x80, v11, vm0, $0xb8;
	[tilespmem:$0x18280] =	vst v63  }
0x72: {  	s23 =	simm.s32 $0xBA80  }
0x73: {  	[tilespmem:s23], [sflag:$0x1] =	stream.indirect_vreg.gather [hbm4b:s7+s2], $0x80, v11, vm0, $0xb8;
	[tilespmem:$0x18280] =	vst v63  }
0x74: {  	v11 =	vld [tilespmem:$0x200];
	_ =	sdelay $0x4  }
0x75: {  	v12 =	vshrl.u32 v11, $0x3  }
0x76: {  	v12 =	vmul.u32 $0x30, v12  }
0x77: {  	v11 =	vand.u32 $0x7, v11  }
0x78: {  	v11 =	vor.u32 v11, v12  }
0x79: {  	v12 =	vperm.xlane v11, v8;
	_ =	sdelay $0x1  }
0x7a: {  	v12 =	vadd.s32 v9, v12;
	_ =	sdelay $0x3  }
0x7b: {  	s24 =	simm.s32 $0xC280;
	v11 =	vperm.xlane v11, v10  }
0x7c: {  	[tilespmem:s24], [sflag:$0x1] =	stream.indirect_vreg.gather [hbm4b:s3+s2], $0x80, v12, vm0, $0xb8;
	[tilespmem:$0x18280] =	vst v63  }
0x7d: {  	s21 =	simm.s32 $0xCA80;
	v11 =	vadd.s32 v9, v11  }
0x7e: {  	[tilespmem:s21], [sflag:$0x1] =	stream.indirect_vreg.gather [hbm4b:s6+s2], $0x80, v12, vm0, $0xb8;
	[tilespmem:$0x18280] =	vst v63  }
0x7f: {  	s22 =	simm.s32 $0xD280  }
0x80: {  	[tilespmem:s22], [sflag:$0x1] =	stream.indirect_vreg.gather [hbm4b:s7+s2], $0x80, v12, vm0, $0xb8;
	[tilespmem:$0x18280] =	vst v63  }
0x81: {  	s23 =	simm.s32 $0xDA80  }
0x82: {  	[tilespmem:s23], [sflag:$0x1] =	stream.indirect_vreg.gather [hbm4b:s3+s2], $0x80, v11, vm0, $0xb8;
	[tilespmem:$0x18280] =	vst v63  }
0x83: {  	s24 =	simm.s32 $0xE280  }
0x84: {  	[tilespmem:s24], [sflag:$0x1] =	stream.indirect_vreg.gather [hbm4b:s6+s2], $0x80, v11, vm0, $0xb8;
	[tilespmem:$0x18280] =	vst v63  }
0x85: {  	s21 =	simm.s32 $0xEA80  }
0x86: {  	[tilespmem:s21], [sflag:$0x1] =	stream.indirect_vreg.gather [hbm4b:s7+s2], $0x80, v11, vm0, $0xb8;
	[tilespmem:$0x18280] =	vst v63  }
0x87: {  	v11 =	vld [tilespmem:$0x210];
	_ =	sdelay $0x4  }
0x88: {  	v12 =	vshrl.u32 v11, $0x3  }
0x89: {  	v12 =	vmul.u32 $0x30, v12  }
0x8a: {  	v11 =	vand.u32 $0x7, v11  }
0x8b: {  	v11 =	vor.u32 v11, v12  }
0x8c: {  	v12 =	vperm.xlane v11, v8;
	_ =	sdelay $0x1  }
0x8d: {  	v12 =	vadd.s32 v9, v12;
	_ =	sdelay $0x3  }
0x8e: {  	s22 =	simm.s32 $0xF280;
	v11 =	vperm.xlane v11, v10  }
0x8f: {  	[tilespmem:s22], [sflag:$0x1] =	stream.indirect_vreg.gather [hbm4b:s3+s2], $0x80, v12, vm0, $0xb8;
	[tilespmem:$0x18280] =	vst v63  }
0x90: {  	s23 =	simm.s32 $0xFA80;
	v11 =	vadd.s32 v9, v11  }
0x91: {  	[tilespmem:s23], [sflag:$0x1] =	stream.indirect_vreg.gather [hbm4b:s6+s2], $0x80, v12, vm0, $0xb8;
	[tilespmem:$0x18280] =	vst v63  }
0x92: {  	s24 =	simm.s32 $0x10280  }
0x93: {  	[tilespmem:s24], [sflag:$0x1] =	stream.indirect_vreg.gather [hbm4b:s7+s2], $0x80, v12, vm0, $0xb8;
	[tilespmem:$0x18280] =	vst v63  }
0x94: {  	s21 =	simm.s32 $0x10A80  }
0x95: {  	[tilespmem:s21], [sflag:$0x1] =	stream.indirect_vreg.gather [hbm4b:s3+s2], $0x80, v11, vm0, $0xb8;
	[tilespmem:$0x18280] =	vst v63  }
0x96: {  	s22 =	simm.s32 $0x11280  }
0x97: {  	[tilespmem:s22], [sflag:$0x1] =	stream.indirect_vreg.gather [hbm4b:s6+s2], $0x80, v11, vm0, $0xb8;
	[tilespmem:$0x18280] =	vst v63  }
0x98: {  	_ = 	snop  }
0x99: {  	[tilespmem:s25], [sflag:$0x1] =	stream.indirect_vreg.gather [hbm4b:s7+s2], $0x80, v11, vm0, $0xb8;
	[tilespmem:$0x18280] =	vst v63  }
0x9a: {  	v11 =	vld [tilespmem:$0x220];
	_ =	sdelay $0x4  }
0x9b: {  	v12 =	vshrl.u32 v11, $0x3  }
0x9c: {  	v12 =	vmul.u32 $0x30, v12  }
0x9d: {  	v11 =	vand.u32 $0x7, v11  }
0x9e: {  	v11 =	vor.u32 v11, v12  }
0x9f: {  	v12 =	vperm.xlane v11, v8;
	_ =	sdelay $0x1  }
0xa0: {  	v12 =	vadd.s32 v9, v12;
	_ =	sdelay $0x3  }
0xa1: {  	v11 =	vperm.xlane v11, v10  }
0xa2: {  	[tilespmem:s26], [sflag:$0x1] =	stream.indirect_vreg.gather [hbm4b:s3+s2], $0x80, v12, vm0, $0xb8;
	[tilespmem:$0x18280] =	vst v63  }
0xa3: {  	v11 =	vadd.s32 v9, v11  }
0xa4: {  	[tilespmem:s28], [sflag:$0x1] =	stream.indirect_vreg.gather [hbm4b:s6+s2], $0x80, v12, vm0, $0xb8;
	[tilespmem:$0x18280] =	vst v63  }
0xa5: {  	_ = 	snop  }
0xa6: {  	[tilespmem:s29], [sflag:$0x1] =	stream.indirect_vreg.gather [hbm4b:s7+s2], $0x80, v12, vm0, $0xb8;
	[tilespmem:$0x18280] =	vst v63  }
0xa7: {  	_ = 	snop  }
0xa8: {  	[tilespmem:s30], [sflag:$0x1] =	stream.indirect_vreg.gather [hbm4b:s3+s2], $0x80, v11, vm0, $0xb8;
	[tilespmem:$0x18280] =	vst v63  }
0xa9: {  	_ = 	snop  }
0xaa: {  	[tilespmem:s31], [sflag:$0x1] =	stream.indirect_vreg.gather [hbm4b:s6+s2], $0x80, v11, vm0, $0xb8;
	[tilespmem:$0x18280] =	vst v63  }
0xab: {  	_ = 	snop  }
0xac: {  	[tilespmem:s0], [sflag:$0x1] =	stream.indirect_vreg.gather [hbm4b:s7+s2], $0x80, v11, vm0, $0xb8;
	[tilespmem:$0x18280] =	vst v63  }
0xad: {  	v11 =	vld [tilespmem:$0x230];
	_ =	sdelay $0x4  }
0xae: {  	v12 =	vshrl.u32 v11, $0x3  }
0xaf: {  	v12 =	vmul.u32 $0x30, v12  }
0xb0: {  	v11 =	vand.u32 $0x7, v11  }
0xb1: {  	v11 =	vor.u32 v11, v12  }
0xb2: {  	v12 =	vperm.xlane v11, v8;
	_ =	sdelay $0x1  }
0xb3: {  	v12 =	vadd.s32 v9, v12;
	_ =	sdelay $0x3  }
0xb4: {  	v11 =	vperm.xlane v11, v10  }
0xb5: {  	[tilespmem:s1], [sflag:$0x1] =	stream.indirect_vreg.gather [hbm4b:s3+s2], $0x80, v12, vm0, $0xb8;
	[tilespmem:$0x18280] =	vst v63  }
0xb6: {  	v11 =	vadd.s32 v9, v11  }
0xb7: {  	[tilespmem:s12], [sflag:$0x1] =	stream.indirect_vreg.gather [hbm4b:s6+s2], $0x80, v12, vm0, $0xb8;
	[tilespmem:$0x18280] =	vst v63  }
0xb8: {  	_ = 	snop  }
0xb9: {  	[tilespmem:s13], [sflag:$0x1] =	stream.indirect_vreg.gather [hbm4b:s7+s2], $0x80, v12, vm0, $0xb8;
	[tilespmem:$0x18280] =	vst v63  }
0xba: {  	_ = 	snop  }
0xbb: {  	[tilespmem:s14], [sflag:$0x1] =	stream.indirect_vreg.gather [hbm4b:s3+s2], $0x80, v11, vm0, $0xb8;
	[tilespmem:$0x18280] =	vst v63  }
0xbc: {  	_ = 	snop  }
0xbd: {  	[tilespmem:s15], [sflag:$0x1] =	stream.indirect_vreg.gather [hbm4b:s6+s2], $0x80, v11, vm0, $0xb8;
	[tilespmem:$0x18280] =	vst v63  }
0xbe: {  	_ = 	snop  }
0xbf: {  	[tilespmem:s16], [sflag:$0x1] =	stream.indirect_vreg.gather [hbm4b:s7+s2], $0x80, v11, vm0, $0xb8;
	[tilespmem:$0x18280] =	vst v63  }
0xc0: {  	_ =	swait.ge [sflag:s17], $0xC000  }
0xc1: {  	[sflag:s17] =	ssyncset.done $0x0  }
0xc2: {  	s23 =	simm.s32 $0x0;
	[sflag:s17] =	ssyncadd.s32 $0xFFFF4000  }
0xc3: {  	s20 =	smul.u32 $0x1800, s23;
	_ =	swait.ge [sflag:s17], $0xC000  }
0xc4: {  	s21 =	sand.u32 $0x380, s2;
	[sflag:s17] =	ssyncset.done $0x0  }
0xc5: {  	s22 =	sor.u32 s21, s20;
	[sflag:s17] =	ssyncadd.s32 $0xFFFF4000  }
0xc6: {  	v37 =	vld [tilespmem:s22+$0xC280]  }
0xc7: {  	v38 =	vld [tilespmem:s22+$0xC290]  }
0xc8: {  	v39 =	vld [tilespmem:s22+$0xC2A0]  }
0xc9: {  	v40 =	vld [tilespmem:s22+$0xC2B0]  }
0xca: {  	v41 =	vld [tilespmem:s22+$0xC2C0]  }
0xcb: {  	v42 =	vld [tilespmem:s22+$0xC2D0]  }
0xcc: {  	v43 =	vld [tilespmem:s22+$0xC2E0]  }
0xcd: {  	v44 =	vld [tilespmem:s22+$0xC2F0]  }
0xce: {  	v45 =	vld [tilespmem:s22+$0xC680]  }
0xcf: {  	v46 =	vld [tilespmem:s22+$0xC690]  }
0xd0: {  	v47 =	vld [tilespmem:s22+$0xC6A0]  }
0xd1: {  	v48 =	vld [tilespmem:s22+$0xC6B0]  }
0xd2: {  	v49 =	vld [tilespmem:s22+$0xC6C0]  }
0xd3: {  	v50 =	vld [tilespmem:s22+$0xC6D0]  }
0xd4: {  	v51 =	vld [tilespmem:s22+$0xC6E0]  }
0xd5: {  	v52 =	vld [tilespmem:s22+$0xC6F0]  }
0xd6: {  	v53 =	vld [tilespmem:s22+$0xCA80]  }
0xd7: {  	v54 =	vld [tilespmem:s22+$0xCA90]  }
0xd8: {  	v55 =	vld [tilespmem:s22+$0xCAA0]  }
0xd9: {  	v56 =	vld [tilespmem:s22+$0xCAB0]  }
0xda: {  	v36 =	vld [tilespmem:s22+$0xCAC0]  }
0xdb: {  	v35 =	vld [tilespmem:s22+$0xCAD0]  }
0xdc: {  	v34 =	vld [tilespmem:s22+$0xCAE0]  }
0xdd: {  	v33 =	vld [tilespmem:s22+$0xCAF0]  }
0xde: {  	v32 =	vld [tilespmem:s22+$0xCE80]  }
0xdf: {  	v31 =	vld [tilespmem:s22+$0xCE90]  }
0xe0: {  	v30 =	vld [tilespmem:s22+$0xCEA0]  }
0xe1: {  	v29 =	vld [tilespmem:s22+$0xCEB0]  }
0xe2: {  	v28 =	vld [tilespmem:s22+$0xCEC0]  }
0xe3: {  	v27 =	vld [tilespmem:s22+$0xCED0]  }
0xe4: {  	v26 =	vld [tilespmem:s22+$0xCEE0]  }
0xe5: {  	v25 =	vld [tilespmem:s22+$0xCEF0]  }
0xe6: {  	v24 =	vld [tilespmem:s22+$0xD280]  }
0xe7: {  	v23 =	vld [tilespmem:s22+$0xD290]  }
0xe8: {  	v22 =	vld [tilespmem:s22+$0xD2A0]  }
0xe9: {  	v21 =	vld [tilespmem:s22+$0xD2B0]  }
0xea: {  	v20 =	vld [tilespmem:s22+$0xD2C0]  }
0xeb: {  	v19 =	vld [tilespmem:s22+$0xD2D0]  }
0xec: {  	v18 =	vld [tilespmem:s22+$0xD2E0]  }
0xed: {  	v17 =	vld [tilespmem:s22+$0xD2F0]  }
0xee: {  	v16 =	vld [tilespmem:s22+$0xD680]  }
0xef: {  	v15 =	vld [tilespmem:s22+$0xD690]  }
0xf0: {  	v14 =	vld [tilespmem:s22+$0xD6A0]  }
0xf1: {  	v12 =	vld [tilespmem:s19+$0x0]  }
0xf2: {  	v13 =	vld [tilespmem:s22+$0xD6B0]  }
0xf3: {  	v57 =	vld [tilespmem:s22+$0x280]  }
0xf4: {  	v58 =	vld [tilespmem:s22+$0x290]  }
0xf5: {  	v59 =	vld [tilespmem:s22+$0x2A0]  }
0xf6: {  	v60 =	vld [tilespmem:s22+$0x2B0];
	v11 =	vbroadcast v12, $0x0;
	v12 =	vbroadcast v12, $0x1  }
0xf7: {  	v61 =	vld [tilespmem:s22+$0x2C0]  }
0xf8: {  	v62 =	vld [tilespmem:s22+$0x2D0];
	v57 =	vmul.f32 v57, v11;
	v37 =	vmul.f32 v37, v12  }
0xf9: {  	v63 =	vld [tilespmem:s22+$0x2E0];
	v58 =	vmul.f32 v58, v11;
	v38 =	vmul.f32 v38, v12  }
0xfa: {  	v39 =	vmul.f32 v39, v12;
	v37 =	vadd.f32 v37, v57;
	v57 =	vmul.f32 v59, v11;
	v59 =	vld [tilespmem:s22+$0x2F0]  }
0xfb: {  	v40 =	vmul.f32 v40, v12;
	v38 =	vadd.f32 v38, v58;
	v58 =	vmul.f32 v60, v11;
	v60 =	vld [tilespmem:s22+$0x680]  }
0xfc: {  	v61 =	vmul.f32 v61, v11;
	v41 =	vmul.f32 v41, v12;
	[tilespmem:s22+$0x280] =	vst v37;
	v37 =	vadd.f32 v39, v57;
	v57 =	vld [tilespmem:s22+$0x690]  }
0xfd: {  	v62 =	vmul.f32 v62, v11;
	v42 =	vmul.f32 v42, v12;
	[tilespmem:s22+$0x290] =	vst v38;
	v38 =	vadd.f32 v40, v58;
	v58 =	vld [tilespmem:s22+$0x6A0]  }
0xfe: {  	v39 =	vmul.f32 v63, v11;
	[tilespmem:s22+$0x2A0] =	vst v37;
	v37 =	vadd.f32 v41, v61;
	v61 =	vmul.f32 v43, v12;
	v43 =	vld [tilespmem:s22+$0x6B0]  }
0xff: {  	v63 =	vmul.f32 v44, v12;
	v44 =	vld [tilespmem:s22+$0x6C0];
	[tilespmem:s22+$0x2B0] =	vst v38;
	v38 =	vadd.f32 v42, v62;
	v62 =	vmul.f32 v59, v11  }
0x100: {  	v60 =	vmul.f32 v60, v11;
	v59 =	vadd.f32 v61, v39;
	v61 =	vmul.f32 v45, v12;
	v45 =	vld [tilespmem:s22+$0x6D0]  }
0x101: {  	[tilespmem:s22+$0x2C0] =	vst v37;
	v62 =	vadd.f32 v63, v62;
	v63 =	vmul.f32 v57, v11;
	v57 =	vmul.f32 v46, v12;
	v46 =	vld [tilespmem:s22+$0x6E0]  }
0x102: {  	[tilespmem:s22+$0x2E0] =	vst v59;
	v59 =	vadd.f32 v61, v60;
	v61 =	vmul.f32 v47, v12;
	v47 =	vld [tilespmem:s22+$0x6F0]  }
0x103: {  	v60 =	vmul.f32 v58, v11;
	[tilespmem:s22+$0x2F0] =	vst v62;
	v62 =	vadd.f32 v57, v63;
	v63 =	vmul.f32 v43, v11;
	v43 =	vld [tilespmem:s22+$0xA80]  }
0x104: {  	v57 =	vmul.f32 v48, v12;
	[tilespmem:s22+$0x680] =	vst v59;
	v59 =	vmul.f32 v44, v11;
	v44 =	vld [tilespmem:s22+$0xA90]  }
0x105: {  	v58 =	vadd.f32 v61, v60;
	v60 =	vmul.f32 v49, v12;
	[tilespmem:s22+$0x690] =	vst v62;
	v62 =	vmul.f32 v45, v11;
	v45 =	vld [tilespmem:s22+$0xAA0]  }
0x106: {  	[tilespmem:s22+$0x2D0] =	vst v38;
	v61 =	vadd.f32 v57, v63;
	v63 =	vmul.f32 v50, v12;
	v49 =	vmul.f32 v46, v11;
	v46 =	vld [tilespmem:s22+$0xAB0]  }
0x107: {  	v50 =	vmul.f32 v51, v12;
	[tilespmem:s22+$0x6A0] =	vst v58;
	v48 =	vadd.f32 v60, v59;
	v57 =	vmul.f32 v47, v11;
	v47 =	vld [tilespmem:s22+$0xAC0]  }
0x108: {  	v58 =	vmul.f32 v52, v12;
	[tilespmem:s22+$0x6B0] =	vst v61;
	v51 =	vadd.f32 v63, v62;
	v61 =	vmul.f32 v53, v12;
	v53 =	vld [tilespmem:s22+$0xAF0]  }
0x109: {  	[tilespmem:s22+$0x6C0] =	vst v48;
	v59 =	vadd.f32 v50, v49;
	v60 =	vmul.f32 v43, v11;
	v43 =	vld [tilespmem:s22+$0xAD0]  }
0x10a: {  	v48 =	vmul.f32 v54, v12;
	v49 =	vld [tilespmem:s22+$0xAE0];
	[tilespmem:s22+$0x6D0] =	vst v51;
	v62 =	vadd.f32 v58, v57;
	v63 =	vmul.f32 v44, v11  }
0x10b: {  	v52 =	vmul.f32 v55, v12;
	v57 =	vld [tilespmem:s22+$0xE80];
	[tilespmem:s22+$0x6E0] =	vst v59;
	v50 =	vadd.f32 v61, v60;
	v51 =	vmul.f32 v45, v11  }
0x10c: {  	v56 =	vmul.f32 v56, v12;
	v60 =	vld [tilespmem:s22+$0xE90];
	[tilespmem:s22+$0x6F0] =	vst v62;
	v54 =	vadd.f32 v48, v63;
	v55 =	vmul.f32 v46, v11  }
0x10d: {  	v36 =	vmul.f32 v36, v12;
	v63 =	vld [tilespmem:s22+$0xEA0];
	[tilespmem:s22+$0xA80] =	vst v50;
	v58 =	vadd.f32 v52, v51;
	v59 =	vmul.f32 v47, v11  }
0x10e: {  	v35 =	vmul.f32 v35, v12;
	v48 =	vld [tilespmem:s22+$0xEB0];
	[tilespmem:s22+$0xA90] =	vst v54;
	v61 =	vadd.f32 v56, v55;
	v62 =	vmul.f32 v43, v11  }
0x10f: {  	v34 =	vmul.f32 v34, v12;
	v50 =	vld [tilespmem:s22+$0xEC0];
	v47 =	vmul.f32 v49, v11;
	[tilespmem:s22+$0xAA0] =	vst v58;
	v36 =	vadd.f32 v36, v59  }
0x110: {  	v33 =	vmul.f32 v33, v12;
	v52 =	vld [tilespmem:s22+$0xED0];
	v49 =	vmul.f32 v53, v11;
	[tilespmem:s22+$0xAB0] =	vst v61;
	v35 =	vadd.f32 v35, v62  }
0x111: {  	v32 =	vmul.f32 v32, v12;
	v54 =	vld [tilespmem:s22+$0xEE0];
	v51 =	vmul.f32 v57, v11;
	v34 =	vadd.f32 v34, v47;
	[tilespmem:s22+$0xAC0] =	vst v36  }
0x112: {  	v31 =	vmul.f32 v31, v12;
	v56 =	vld [tilespmem:s22+$0xEF0];
	v33 =	vadd.f32 v33, v49;
	v53 =	vmul.f32 v60, v11;
	[tilespmem:s22+$0xAD0] =	vst v35  }
0x113: {  	v30 =	vmul.f32 v30, v12;
	v58 =	vld [tilespmem:s22+$0x1280];
	v32 =	vadd.f32 v32, v51;
	v55 =	vmul.f32 v63, v11;
	[tilespmem:s22+$0xAE0] =	vst v34  }
0x114: {  	v29 =	vmul.f32 v29, v12;
	v60 =	vld [tilespmem:s22+$0x1290];
	v57 =	vmul.f32 v48, v11;
	[tilespmem:s22+$0xAF0] =	vst v33;
	v31 =	vadd.f32 v31, v53  }
0x115: {  	v28 =	vmul.f32 v28, v12;
	v61 =	vld [tilespmem:s22+$0x12A0];
	v59 =	vmul.f32 v50, v11;
	[tilespmem:s22+$0xE80] =	vst v32;
	v30 =	vadd.f32 v30, v55  }
0x116: {  	v27 =	vmul.f32 v27, v12;
	v62 =	vld [tilespmem:s22+$0x12B0];
	v29 =	vadd.f32 v29, v57;
	[tilespmem:s22+$0xE90] =	vst v31;
	v31 =	vmul.f32 v52, v11  }
0x117: {  	v26 =	vmul.f32 v26, v12;
	v63 =	vld [tilespmem:s22+$0xD6C0];
	v28 =	vadd.f32 v28, v59;
	[tilespmem:s22+$0xEA0] =	vst v30;
	v30 =	vmul.f32 v54, v11  }
0x118: {  	v25 =	vmul.f32 v25, v12;
	[tilespmem:s22+$0xEB0] =	vst v29;
	v29 =	vmul.f32 v56, v11;
	v27 =	vadd.f32 v27, v31;
	v31 =	vld [tilespmem:s22+$0x12C0]  }
0x119: {  	v24 =	vmul.f32 v24, v12;
	[tilespmem:s22+$0xEC0] =	vst v28;
	v28 =	vmul.f32 v58, v11;
	v26 =	vadd.f32 v26, v30;
	v30 =	vld [tilespmem:s22+$0x12D0]  }
0x11a: {  	v23 =	vmul.f32 v23, v12;
	v25 =	vadd.f32 v25, v29;
	v29 =	vld [tilespmem:s22+$0x12E0];
	[tilespmem:s22+$0xED0] =	vst v27;
	v27 =	vmul.f32 v60, v11  }
0x11b: {  	v22 =	vmul.f32 v22, v12;
	v24 =	vadd.f32 v24, v28;
	v28 =	vld [tilespmem:s22+$0x12F0];
	[tilespmem:s22+$0xEE0] =	vst v26;
	v26 =	vmul.f32 v61, v11  }
0x11c: {  	v21 =	vmul.f32 v21, v12;
	[tilespmem:s22+$0xEF0] =	vst v25;
	v25 =	vmul.f32 v62, v11;
	v23 =	vadd.f32 v23, v27;
	v27 =	vld [tilespmem:s22+$0xD6D0]  }
0x11d: {  	v20 =	vmul.f32 v20, v12;
	[tilespmem:s22+$0x1280] =	vst v24;
	v22 =	vadd.f32 v22, v26;
	v24 =	vmul.f32 v31, v11;
	v26 =	vld [tilespmem:s22+$0x1680]  }
0x11e: {  	v19 =	vmul.f32 v19, v12;
	v21 =	vadd.f32 v21, v25;
	v25 =	vld [tilespmem:s22+$0xD6E0];
	[tilespmem:s22+$0x1290] =	vst v23;
	v23 =	vmul.f32 v30, v11  }
0x11f: {  	v18 =	vmul.f32 v18, v12;
	[tilespmem:s22+$0x12A0] =	vst v22;
	v20 =	vadd.f32 v20, v24;
	v22 =	vmul.f32 v29, v11;
	v24 =	vld [tilespmem:s22+$0x1690]  }
0x120: {  	s24 =	simm.s32 $0x0;
	[tilespmem:s22+$0x12B0] =	vst v21;
	v21 =	vld [tilespmem:s22+$0xD6F0];
	v19 =	vadd.f32 v19, v23  }
0x121: {  	s20 =	smul.u32 $0x1800, s24;
	s21 =	simm.s32 $0x80;
	v17 =	vmul.f32 v17, v12;
	v23 =	vmul.f32 v28, v11;
	[tilespmem:s22+$0x12C0] =	vst v20;
	v18 =	vadd.f32 v18, v22;
	v20 =	vld [tilespmem:s22+$0x16A0]  }
0x122: {  	s23 =	sand.u32 $0x380, s21;
	[tilespmem:s22+$0x12D0] =	vst v19;
	v19 =	vld [tilespmem:s22+$0x16B0]  }
0x123: {  	s20 =	sor.u32 s23, s20;
	v16 =	vmul.f32 v16, v12;
	v22 =	vmul.f32 v26, v11;
	v17 =	vadd.f32 v17, v23;
	[tilespmem:s22+$0x12E0] =	vst v18;
	v18 =	vld [tilespmem:s22+$0x16C0]  }
0x124: {  	v52 =	vld [tilespmem:s20+$0xC280]  }
0x125: {  	v15 =	vmul.f32 v15, v12;
	v23 =	vmul.f32 v24, v11;
	v16 =	vadd.f32 v16, v22;
	[tilespmem:s22+$0x12F0] =	vst v17;
	v17 =	vld [tilespmem:s22+$0x16D0]  }
0x126: {  	v54 =	vld [tilespmem:s20+$0xC290]  }
0x127: {  	v15 =	vadd.f32 v15, v23;
	[tilespmem:s22+$0x1680] =	vst v16;
	v16 =	vld [tilespmem:s22+$0x16E0]  }
0x128: {  	v14 =	vmul.f32 v14, v12;
	v20 =	vmul.f32 v20, v11;
	v55 =	vld [tilespmem:s20+$0xC2A0]  }
0x129: {  	v13 =	vmul.f32 v13, v12;
	v19 =	vmul.f32 v19, v11;
	[tilespmem:s22+$0x1690] =	vst v15;
	v15 =	vld [tilespmem:s22+$0x16F0]  }
0x12a: {  	v14 =	vadd.f32 v14, v20  }
0x12b: {  	v18 =	vmul.f32 v18, v11;
	v20 =	vmul.f32 v63, v12;
	v13 =	vadd.f32 v13, v19  }
0x12c: {  	v57 =	vld [tilespmem:s20+$0xC2B0];
	[tilespmem:s22+$0x16A0] =	vst v14;
	v14 =	vmul.f32 v17, v11;
	v17 =	vmul.f32 v27, v12  }
0x12d: {  	v18 =	vadd.f32 v20, v18;
	v59 =	vld [tilespmem:s20+$0xC2C0];
	[tilespmem:s22+$0x16B0] =	vst v13;
	v13 =	vmul.f32 v16, v11;
	v16 =	vmul.f32 v25, v12  }
0x12e: {  	v12 =	vmul.f32 v21, v12;
	v14 =	vadd.f32 v17, v14;
	v11 =	vmul.f32 v15, v11  }
0x12f: {  	v60 =	vld [tilespmem:s20+$0xC2D0];
	[tilespmem:s22+$0x16C0] =	vst v18;
	v13 =	vadd.f32 v16, v13  }
0x130: {  	v58 =	vld [tilespmem:s20+$0xC2E0];
	[tilespmem:s22+$0x16D0] =	vst v14;
	v11 =	vadd.f32 v12, v11  }
0x131: {  	v56 =	vld [tilespmem:s20+$0xC2F0];
	[tilespmem:s22+$0x16E0] =	vst v13  }
0x132: {  	v53 =	vld [tilespmem:s20+$0xC680];
	[tilespmem:s22+$0x16F0] =	vst v11  }
0x133: {  	v51 =	vld [tilespmem:s20+$0xC690]  }
0x134: {  	v50 =	vld [tilespmem:s20+$0xC6A0]  }
0x135: {  	v49 =	vld [tilespmem:s20+$0xC6B0]  }
0x136: {  	v48 =	vld [tilespmem:s20+$0xC6C0]  }
0x137: {  	v47 =	vld [tilespmem:s20+$0xC6D0]  }
0x138: {  	v46 =	vld [tilespmem:s20+$0xC6E0]  }
0x139: {  	v43 =	vld [tilespmem:s20+$0xC6F0]  }
0x13a: {  	v40 =	vld [tilespmem:s20+$0xCA80]  }
0x13b: {  	v39 =	vld [tilespmem:s20+$0xCA90]  }
0x13c: {  	v38 =	vld [tilespmem:s20+$0xCAA0]  }
0x13d: {  	v37 =	vld [tilespmem:s20+$0xCAB0]  }
0x13e: {  	v36 =	vld [tilespmem:s20+$0xCAC0]  }
0x13f: {  	v35 =	vld [tilespmem:s20+$0xCAD0]  }
0x140: {  	v34 =	vld [tilespmem:s20+$0xCAE0]  }
0x141: {  	v33 =	vld [tilespmem:s20+$0xCAF0]  }
0x142: {  	v32 =	vld [tilespmem:s20+$0xCE80]  }
0x143: {  	v31 =	vld [tilespmem:s20+$0xCE90]  }
0x144: {  	v30 =	vld [tilespmem:s20+$0xCEA0]  }
0x145: {  	v29 =	vld [tilespmem:s20+$0xCEB0]  }
0x146: {  	v28 =	vld [tilespmem:s20+$0xCEC0]  }
0x147: {  	v27 =	vld [tilespmem:s20+$0xCED0]  }
0x148: {  	v26 =	vld [tilespmem:s20+$0xCEE0]  }
0x149: {  	v25 =	vld [tilespmem:s20+$0xCEF0]  }
0x14a: {  	v24 =	vld [tilespmem:s20+$0xD280]  }
0x14b: {  	v23 =	vld [tilespmem:s20+$0xD290]  }
0x14c: {  	v22 =	vld [tilespmem:s20+$0xD2A0]  }
0x14d: {  	v21 =	vld [tilespmem:s20+$0xD2B0]  }
0x14e: {  	v20 =	vld [tilespmem:s20+$0xD2C0]  }
0x14f: {  	v19 =	vld [tilespmem:s20+$0xD2D0]  }
0x150: {  	v18 =	vld [tilespmem:s20+$0xD2E0]  }
0x151: {  	v17 =	vld [tilespmem:s20+$0xD2F0]  }
0x152: {  	v16 =	vld [tilespmem:s20+$0xD680]  }
0x153: {  	v15 =	vld [tilespmem:s20+$0xD690]  }
0x154: {  	v14 =	vld [tilespmem:s20+$0xD6A0]  }
0x155: {  	v13 =	vld [tilespmem:s20+$0xD6B0]  }
0x156: {  	v12 =	vld [tilespmem:s20+$0xD6C0]  }
0x157: {  	s22 =	simm.s32 $0x2;
	v11 =	vld [tilespmem:s20+$0xD6D0]  }
.LBB2_2:
0x158: {  	p0 =	sne.s32 s22, $0x3F;
	v42 =	vld [tilespmem:s20+$0xD6E0];
	s19 =	sadd.s32 $0x2, s19  }
0x159: {  	v45 =	vld [tilespmem:s19+$0x0]  }
0x15a: {  	v41 =	vld [tilespmem:s20+$0xD6F0]  }
0x15b: {  	v61 =	vld [tilespmem:s20+$0x280]  }
0x15c: {  	v62 =	vld [tilespmem:s20+$0x290]  }
0x15d: {  	v63 =	vld [tilespmem:s20+$0x2A0]  }
0x15e: {  	v44 =	vbroadcast v45, $0x0;
	v45 =	vbroadcast v45, $0x1;
	v1 =	vld [tilespmem:s20+$0x2B0]  }
0x15f: {  	v2 =	vld [tilespmem:s20+$0x2C0]  }
0x160: {  	v61 =	vmul.f32 v61, v44;
	v52 =	vmul.f32 v52, v45;
	v3 =	vld [tilespmem:s20+$0x2D0]  }
0x161: {  	v54 =	vmul.f32 v54, v45;
	v62 =	vmul.f32 v62, v44;
	v4 =	vld [tilespmem:s20+$0x2E0]  }
0x162: {  	v55 =	vmul.f32 v55, v45;
	v52 =	vadd.f32 v52, v61;
	v61 =	vmul.f32 v63, v44;
	v63 =	vld [tilespmem:s20+$0x2F0]  }
0x163: {  	v57 =	vmul.f32 v57, v45;
	v54 =	vadd.f32 v54, v62;
	v1 =	vmul.f32 v1, v44;
	v62 =	vld [tilespmem:s20+$0x680]  }
0x164: {  	[tilespmem:s20+$0x280] =	vst v52;
	v52 =	vadd.f32 v55, v61;
	v2 =	vmul.f32 v2, v44;
	v55 =	vmul.f32 v59, v45;
	v59 =	vld [tilespmem:s20+$0x690]  }
0x165: {  	[tilespmem:s20+$0x290] =	vst v54;
	v1 =	vadd.f32 v57, v1;
	v3 =	vmul.f32 v3, v44;
	v54 =	vmul.f32 v60, v45;
	v57 =	vld [tilespmem:s20+$0x6A0]  }
0x166: {  	[tilespmem:s20+$0x2A0] =	vst v52;
	v2 =	vadd.f32 v55, v2;
	v4 =	vmul.f32 v4, v44;
	v52 =	vmul.f32 v58, v45;
	v55 =	vld [tilespmem:s20+$0x6B0]  }
0x167: {  	[tilespmem:s20+$0x2B0] =	vst v1;
	v1 =	vadd.f32 v54, v3;
	v3 =	vmul.f32 v63, v44;
	v54 =	vmul.f32 v56, v45;
	v56 =	vld [tilespmem:s20+$0x6C0]  }
0x168: {  	[tilespmem:s20+$0x2C0] =	vst v2;
	v2 =	vadd.f32 v52, v4;
	v4 =	vmul.f32 v62, v44;
	v52 =	vmul.f32 v53, v45;
	v53 =	vld [tilespmem:s20+$0x6D0]  }
0x169: {  	v51 =	vmul.f32 v51, v45;
	[tilespmem:s20+$0x2D0] =	vst v1;
	v1 =	vadd.f32 v54, v3;
	v3 =	vmul.f32 v59, v44;
	v54 =	vld [tilespmem:s20+$0x6E0]  }
0x16a: {  	v50 =	vmul.f32 v50, v45;
	[tilespmem:s20+$0x2E0] =	vst v2;
	v2 =	vadd.f32 v52, v4;
	v4 =	vmul.f32 v57, v44;
	v52 =	vld [tilespmem:s20+$0x6F0]  }
0x16b: {  	v49 =	vmul.f32 v49, v45;
	[tilespmem:s20+$0x2F0] =	vst v1;
	v1 =	vadd.f32 v51, v3;
	v3 =	vmul.f32 v55, v44;
	v51 =	vld [tilespmem:s20+$0xA80]  }
0x16c: {  	v48 =	vmul.f32 v48, v45;
	[tilespmem:s20+$0x680] =	vst v2;
	v2 =	vadd.f32 v50, v4;
	v4 =	vmul.f32 v56, v44;
	v50 =	vld [tilespmem:s20+$0xA90]  }
0x16d: {  	v47 =	vmul.f32 v47, v45;
	[tilespmem:s20+$0x690] =	vst v1;
	v1 =	vadd.f32 v49, v3;
	v3 =	vmul.f32 v53, v44;
	v49 =	vld [tilespmem:s20+$0xAA0]  }
0x16e: {  	v46 =	vmul.f32 v46, v45;
	[tilespmem:s20+$0x6A0] =	vst v2;
	v2 =	vadd.f32 v48, v4;
	v4 =	vmul.f32 v54, v44;
	v48 =	vld [tilespmem:s20+$0xAB0]  }
0x16f: {  	v43 =	vmul.f32 v43, v45;
	[tilespmem:s20+$0x6B0] =	vst v1;
	v1 =	vadd.f32 v47, v3;
	v3 =	vmul.f32 v52, v44;
	v47 =	vld [tilespmem:s20+$0xAC0]  }
0x170: {  	v40 =	vmul.f32 v40, v45;
	[tilespmem:s20+$0x6C0] =	vst v2;
	v2 =	vadd.f32 v46, v4;
	v4 =	vmul.f32 v51, v44;
	v46 =	vld [tilespmem:s20+$0xAD0]  }
0x171: {  	v39 =	vmul.f32 v39, v45;
	[tilespmem:s20+$0x6D0] =	vst v1;
	v1 =	vadd.f32 v43, v3;
	v3 =	vmul.f32 v50, v44;
	v43 =	vld [tilespmem:s20+$0xAE0]  }
0x172: {  	v38 =	vmul.f32 v38, v45;
	[tilespmem:s20+$0x6E0] =	vst v2;
	v2 =	vadd.f32 v40, v4;
	v4 =	vmul.f32 v49, v44;
	v40 =	vld [tilespmem:s20+$0xAF0]  }
0x173: {  	v37 =	vmul.f32 v37, v45;
	[tilespmem:s20+$0x6F0] =	vst v1;
	v1 =	vadd.f32 v39, v3;
	v3 =	vmul.f32 v48, v44;
	v39 =	vld [tilespmem:s20+$0xE80]  }
0x174: {  	v36 =	vmul.f32 v36, v45;
	[tilespmem:s20+$0xA80] =	vst v2;
	v2 =	vadd.f32 v38, v4;
	v4 =	vmul.f32 v47, v44;
	v38 =	vld [tilespmem:s20+$0xE90]  }
0x175: {  	v35 =	vmul.f32 v35, v45;
	[tilespmem:s20+$0xA90] =	vst v1;
	v1 =	vadd.f32 v37, v3;
	v3 =	vmul.f32 v46, v44;
	v37 =	vld [tilespmem:s20+$0xEA0]  }
0x176: {  	v34 =	vmul.f32 v34, v45;
	[tilespmem:s20+$0xAA0] =	vst v2;
	v2 =	vadd.f32 v36, v4;
	v4 =	vmul.f32 v43, v44;
	v36 =	vld [tilespmem:s20+$0xEB0]  }
0x177: {  	v33 =	vmul.f32 v33, v45;
	[tilespmem:s20+$0xAB0] =	vst v1;
	v1 =	vadd.f32 v35, v3;
	v3 =	vmul.f32 v40, v44;
	v35 =	vld [tilespmem:s20+$0xEC0]  }
0x178: {  	v32 =	vmul.f32 v32, v45;
	[tilespmem:s20+$0xAC0] =	vst v2;
	v2 =	vadd.f32 v34, v4;
	v4 =	vmul.f32 v39, v44;
	v34 =	vld [tilespmem:s20+$0xED0]  }
0x179: {  	v31 =	vmul.f32 v31, v45;
	[tilespmem:s20+$0xAD0] =	vst v1;
	v1 =	vadd.f32 v33, v3;
	v3 =	vmul.f32 v38, v44;
	v33 =	vld [tilespmem:s20+$0xEE0]  }
0x17a: {  	v30 =	vmul.f32 v30, v45;
	[tilespmem:s20+$0xAE0] =	vst v2;
	v2 =	vadd.f32 v32, v4;
	v4 =	vmul.f32 v37, v44;
	v32 =	vld [tilespmem:s20+$0xEF0]  }
0x17b: {  	v29 =	vmul.f32 v29, v45;
	[tilespmem:s20+$0xAF0] =	vst v1;
	v1 =	vadd.f32 v31, v3;
	v3 =	vmul.f32 v36, v44;
	v31 =	vld [tilespmem:s20+$0x1280]  }
0x17c: {  	v28 =	vmul.f32 v28, v45;
	[tilespmem:s20+$0xE80] =	vst v2;
	v2 =	vadd.f32 v30, v4;
	v4 =	vmul.f32 v35, v44;
	v30 =	vld [tilespmem:s20+$0x1290]  }
0x17d: {  	v27 =	vmul.f32 v27, v45;
	[tilespmem:s20+$0xE90] =	vst v1;
	v1 =	vadd.f32 v29, v3;
	v3 =	vmul.f32 v34, v44;
	v29 =	vld [tilespmem:s20+$0x12A0]  }
0x17e: {  	v26 =	vmul.f32 v26, v45;
	[tilespmem:s20+$0xEA0] =	vst v2;
	v2 =	vadd.f32 v28, v4;
	v4 =	vmul.f32 v33, v44;
	v28 =	vld [tilespmem:s20+$0x12B0]  }
0x17f: {  	v25 =	vmul.f32 v25, v45;
	[tilespmem:s20+$0xEB0] =	vst v1;
	v1 =	vadd.f32 v27, v3;
	v3 =	vmul.f32 v32, v44;
	v27 =	vld [tilespmem:s20+$0x12C0]  }
0x180: {  	v24 =	vmul.f32 v24, v45;
	[tilespmem:s20+$0xEC0] =	vst v2;
	v2 =	vadd.f32 v26, v4;
	v4 =	vmul.f32 v31, v44;
	v26 =	vld [tilespmem:s20+$0x12D0]  }
0x181: {  	v23 =	vmul.f32 v23, v45;
	[tilespmem:s20+$0xED0] =	vst v1;
	v1 =	vadd.f32 v25, v3;
	v3 =	vmul.f32 v30, v44;
	v25 =	vld [tilespmem:s20+$0x12E0]  }
0x182: {  	v22 =	vmul.f32 v22, v45;
	[tilespmem:s20+$0xEE0] =	vst v2;
	v2 =	vadd.f32 v24, v4;
	v4 =	vmul.f32 v29, v44;
	v24 =	vld [tilespmem:s20+$0x12F0]  }
0x183: {  	v21 =	vmul.f32 v21, v45;
	[tilespmem:s20+$0xEF0] =	vst v1;
	v1 =	vadd.f32 v23, v3;
	v3 =	vmul.f32 v28, v44;
	v23 =	vld [tilespmem:s20+$0x1680]  }
0x184: {  	v20 =	vmul.f32 v20, v45;
	[tilespmem:s20+$0x1280] =	vst v2;
	v2 =	vadd.f32 v22, v4;
	v4 =	vmul.f32 v27, v44;
	v22 =	vld [tilespmem:s20+$0x1690]  }
0x185: {  	v19 =	vmul.f32 v19, v45;
	[tilespmem:s20+$0x1290] =	vst v1;
	v1 =	vadd.f32 v21, v3;
	v3 =	vmul.f32 v26, v44;
	v21 =	vld [tilespmem:s20+$0x16A0]  }
0x186: {  	v18 =	vmul.f32 v18, v45;
	[tilespmem:s20+$0x12A0] =	vst v2;
	v2 =	vadd.f32 v20, v4;
	v4 =	vmul.f32 v25, v44;
	v20 =	vld [tilespmem:s20+$0x16B0]  }
0x187: {  	s23 =	sshrl.u32 s22, $0x3;
	v17 =	vmul.f32 v17, v45;
	[tilespmem:s20+$0x12B0] =	vst v1;
	v1 =	vadd.f32 v19, v3;
	v3 =	vmul.f32 v24, v44;
	v19 =	vld [tilespmem:s20+$0x16C0]  }
0x188: {  	s21 =	sadd.s32 $0x80, s21;
	s23 =	smul.u32 $0x1800, s23;
	v16 =	vmul.f32 v16, v45;
	[tilespmem:s20+$0x12C0] =	vst v2;
	v2 =	vadd.f32 v18, v4;
	v4 =	vmul.f32 v23, v44;
	v18 =	vld [tilespmem:s20+$0x16D0]  }
0x189: {  	s24 =	sand.u32 $0x380, s21;
	v15 =	vmul.f32 v15, v45;
	[tilespmem:s20+$0x12D0] =	vst v1;
	v1 =	vadd.f32 v17, v3;
	v3 =	vmul.f32 v22, v44;
	v17 =	vld [tilespmem:s20+$0x16E0]  }
0x18a: {  	s23 =	sor.u32 s24, s23;
	v14 =	vmul.f32 v14, v45;
	[tilespmem:s20+$0x12E0] =	vst v2;
	v2 =	vadd.f32 v16, v4;
	v4 =	vmul.f32 v21, v44;
	v16 =	vld [tilespmem:s20+$0x16F0]  }
0x18b: {  	v13 =	vmul.f32 v13, v45;
	v52 =	vld [tilespmem:s23+$0xC280];
	[tilespmem:s20+$0x12F0] =	vst v1;
	v1 =	vadd.f32 v15, v3;
	v3 =	vmul.f32 v20, v44  }
0x18c: {  	v12 =	vmul.f32 v12, v45;
	v54 =	vld [tilespmem:s23+$0xC290];
	[tilespmem:s20+$0x1680] =	vst v2;
	v2 =	vadd.f32 v14, v4;
	v4 =	vmul.f32 v19, v44  }
0x18d: {  	v11 =	vmul.f32 v11, v45;
	v55 =	vld [tilespmem:s23+$0xC2A0];
	[tilespmem:s20+$0x1690] =	vst v1;
	v1 =	vadd.f32 v13, v3;
	v3 =	vmul.f32 v18, v44  }
0x18e: {  	v57 =	vld [tilespmem:s23+$0xC2B0];
	[tilespmem:s20+$0x16A0] =	vst v2;
	v2 =	vadd.f32 v12, v4;
	v4 =	vmul.f32 v17, v44;
	v12 =	vmul.f32 v42, v45  }
0x18f: {  	v59 =	vld [tilespmem:s23+$0xC2C0];
	[tilespmem:s20+$0x16B0] =	vst v1;
	v1 =	vadd.f32 v11, v3;
	v3 =	vmul.f32 v16, v44;
	v11 =	vmul.f32 v41, v45  }
0x190: {  	v60 =	vld [tilespmem:s23+$0xC2D0];
	[tilespmem:s20+$0x16C0] =	vst v2;
	v2 =	vadd.f32 v12, v4  }
0x191: {  	v58 =	vld [tilespmem:s23+$0xC2E0];
	[tilespmem:s20+$0x16D0] =	vst v1;
	v1 =	vadd.f32 v11, v3  }
0x192: {  	v56 =	vld [tilespmem:s23+$0xC2F0];
	[tilespmem:s20+$0x16E0] =	vst v2  }
0x193: {  	v53 =	vld [tilespmem:s23+$0xC680];
	[tilespmem:s20+$0x16F0] =	vst v1;
	s20 =	smov.u32 s23  }
0x194: {  	v51 =	vld [tilespmem:s20+$0xC690]  }
0x195: {  	v50 =	vld [tilespmem:s20+$0xC6A0]  }
0x196: {  	v49 =	vld [tilespmem:s20+$0xC6B0]  }
0x197: {  	v48 =	vld [tilespmem:s20+$0xC6C0]  }
0x198: {  	v47 =	vld [tilespmem:s20+$0xC6D0]  }
0x199: {  	v46 =	vld [tilespmem:s20+$0xC6E0]  }
0x19a: {  	v43 =	vld [tilespmem:s20+$0xC6F0]  }
0x19b: {  	v40 =	vld [tilespmem:s20+$0xCA80]  }
0x19c: {  	v39 =	vld [tilespmem:s20+$0xCA90]  }
0x19d: {  	v38 =	vld [tilespmem:s20+$0xCAA0]  }
0x19e: {  	v37 =	vld [tilespmem:s20+$0xCAB0]  }
0x19f: {  	v36 =	vld [tilespmem:s20+$0xCAC0]  }
0x1a0: {  	v35 =	vld [tilespmem:s20+$0xCAD0]  }
0x1a1: {  	v34 =	vld [tilespmem:s20+$0xCAE0]  }
0x1a2: {  	v33 =	vld [tilespmem:s20+$0xCAF0]  }
0x1a3: {  	v32 =	vld [tilespmem:s20+$0xCE80]  }
0x1a4: {  	v31 =	vld [tilespmem:s20+$0xCE90]  }
0x1a5: {  	v30 =	vld [tilespmem:s20+$0xCEA0]  }
0x1a6: {  	v29 =	vld [tilespmem:s20+$0xCEB0]  }
0x1a7: {  	v28 =	vld [tilespmem:s20+$0xCEC0]  }
0x1a8: {  	v27 =	vld [tilespmem:s20+$0xCED0]  }
0x1a9: {  	v26 =	vld [tilespmem:s20+$0xCEE0]  }
0x1aa: {  	v25 =	vld [tilespmem:s20+$0xCEF0]  }
0x1ab: {  	v24 =	vld [tilespmem:s20+$0xD280]  }
0x1ac: {  	v23 =	vld [tilespmem:s20+$0xD290]  }
0x1ad: {  	v22 =	vld [tilespmem:s20+$0xD2A0]  }
0x1ae: {  	v21 =	vld [tilespmem:s20+$0xD2B0]  }
0x1af: {  	v20 =	vld [tilespmem:s20+$0xD2C0]  }
0x1b0: {  	v19 =	vld [tilespmem:s20+$0xD2D0]  }
0x1b1: {  	v18 =	vld [tilespmem:s20+$0xD2E0]  }
0x1b2: {  	v17 =	vld [tilespmem:s20+$0xD2F0]  }
0x1b3: {  	v16 =	vld [tilespmem:s20+$0xD680]  }
.Ltmp0:
0x1b4: {  	v15 =	vld [tilespmem:s20+$0xD690];
	(pc) =	sbr.rel @p0 .LBB2_2-.Ltmp0, $4  }
0x1b5: {  	v14 =	vld [tilespmem:s20+$0xD6A0]  }
0x1b6: {  	v13 =	vld [tilespmem:s20+$0xD6B0]  }
0x1b7: {  	v12 =	vld [tilespmem:s20+$0xD6C0]  }
0x1b8: {  	s22 =	sadd.s32 $0x1, s22;
	v11 =	vld [tilespmem:s20+$0xD6D0]  }
0x1b9: {  	s19 =	sadd.s32 $0x2, s19  }
0x1ba: {  	v1 =	vld [tilespmem:s19+$0x0];
	_ =	sdelay $0x1  }
0x1bb: {  	v2 =	vld [tilespmem:s20+$0x280]  }
0x1bc: {  	v3 =	vld [tilespmem:s20+$0x290]  }
0x1bd: {  	v4 =	vld [tilespmem:s20+$0x2A0]  }
0x1be: {  	v42 =	vbroadcast v1, $0x0;
	v44 =	vbroadcast v1, $0x1;
	v1 =	vld [tilespmem:s20+$0x2B0]  }
0x1bf: {  	v61 =	vld [tilespmem:s20+$0x2C0]  }
0x1c0: {  	v2 =	vmul.f32 v2, v42;
	v45 =	vmul.f32 v52, v44;
	v52 =	vld [tilespmem:s20+$0x2D0]  }
0x1c1: {  	v62 =	vld [tilespmem:s20+$0x2E0];
	v3 =	vmul.f32 v3, v42;
	v54 =	vmul.f32 v54, v44  }
0x1c2: {  	v63 =	vld [tilespmem:s20+$0x2F0];
	v4 =	vmul.f32 v4, v42;
	v55 =	vmul.f32 v55, v44;
	v2 =	vadd.f32 v45, v2  }
0x1c3: {  	v3 =	vadd.f32 v54, v3;
	v54 =	vmul.f32 v57, v44;
	v1 =	vmul.f32 v1, v42  }
0x1c4: {  	v41 =	vld [tilespmem:s20+$0xD6E0];
	v59 =	vmul.f32 v59, v44;
	[tilespmem:s20+$0x280] =	vst v2;
	v2 =	vadd.f32 v55, v4;
	v4 =	vmul.f32 v61, v42  }
0x1c5: {  	v45 =	vld [tilespmem:s20+$0xD6F0];
	[tilespmem:s20+$0x290] =	vst v3;
	v61 =	vmul.f32 v60, v44;
	v1 =	vadd.f32 v54, v1;
	v3 =	vmul.f32 v52, v42  }
0x1c6: {  	v57 =	vld [tilespmem:s20+$0x680];
	[tilespmem:s20+$0x2A0] =	vst v2;
	v2 =	vadd.f32 v59, v4;
	v4 =	vmul.f32 v62, v42;
	v62 =	vmul.f32 v58, v44  }
0x1c7: {  	v60 =	vmul.f32 v56, v44;
	v54 =	vld [tilespmem:s20+$0x690];
	[tilespmem:s20+$0x2B0] =	vst v1;
	v1 =	vadd.f32 v61, v3;
	v3 =	vmul.f32 v63, v42  }
0x1c8: {  	v59 =	vld [tilespmem:s20+$0xAA0];
	[tilespmem:s20+$0x2C0] =	vst v2;
	v2 =	vadd.f32 v62, v4  }
0x1c9: {  	[tilespmem:s20+$0x2D0] =	vst v1;
	v1 =	vadd.f32 v60, v3;
	v3 =	vld [tilespmem:s20+$0x6B0]  }
0x1ca: {  	[tilespmem:s20+$0x2E0] =	vst v2;
	v2 =	vld [tilespmem:s20+$0x6C0]  }
0x1cb: {  	v53 =	vmul.f32 v53, v44;
	v61 =	vld [tilespmem:s20+$0x6A0];
	v4 =	vmul.f32 v57, v42  }
0x1cc: {  	v51 =	vmul.f32 v51, v44;
	v63 =	vld [tilespmem:s20+$0x6D0];
	v62 =	vmul.f32 v54, v42  }
0x1cd: {  	v38 =	vmul.f32 v38, v44;
	v58 =	vld [tilespmem:s20+$0x6E0];
	v4 =	vadd.f32 v53, v4;
	v56 =	vmul.f32 v59, v42  }
0x1ce: {  	v49 =	vmul.f32 v49, v44;
	[tilespmem:s20+$0x2F0] =	vst v1;
	v1 =	vld [tilespmem:s20+$0xA80];
	v51 =	vadd.f32 v51, v62;
	v3 =	vmul.f32 v3, v42  }
0x1cf: {  	v48 =	vmul.f32 v48, v44;
	[tilespmem:s20+$0x680] =	vst v4;
	v4 =	vld [tilespmem:s20+$0xA90];
	v38 =	vadd.f32 v38, v56;
	v2 =	vmul.f32 v2, v42  }
0x1d0: {  	v50 =	vmul.f32 v50, v44;
	v60 =	vld [tilespmem:s20+$0x6F0];
	v57 =	vmul.f32 v61, v42;
	[tilespmem:s20+$0x690] =	vst v51;
	v3 =	vadd.f32 v49, v3  }
0x1d1: {  	v47 =	vmul.f32 v47, v44;
	v55 =	vld [tilespmem:s20+$0xE80];
	v62 =	vmul.f32 v63, v42;
	[tilespmem:s20+$0xAA0] =	vst v38;
	v2 =	vadd.f32 v48, v2  }
0x1d2: {  	v46 =	vmul.f32 v46, v44;
	v63 =	vmul.f32 v58, v42;
	v50 =	vadd.f32 v50, v57;
	[tilespmem:s20+$0x6B0] =	vst v3;
	v3 =	vld [tilespmem:s20+$0xAC0]  }
0x1d3: {  	v40 =	vmul.f32 v40, v44;
	v47 =	vadd.f32 v47, v62;
	v1 =	vmul.f32 v1, v42;
	[tilespmem:s20+$0x6C0] =	vst v2;
	v2 =	vld [tilespmem:s20+$0xAD0]  }
0x1d4: {  	v39 =	vmul.f32 v39, v44;
	v53 =	vld [tilespmem:s20+$0xAE0];
	v46 =	vadd.f32 v46, v63;
	[tilespmem:s20+$0x6A0] =	vst v50;
	v4 =	vmul.f32 v4, v42  }
0x1d5: {  	v43 =	vmul.f32 v43, v44;
	v59 =	vld [tilespmem:s20+$0xEC0];
	v52 =	vmul.f32 v60, v42;
	[tilespmem:s20+$0x6D0] =	vst v47;
	v1 =	vadd.f32 v40, v1  }
0x1d6: {  	v32 =	vmul.f32 v32, v44;
	v61 =	vld [tilespmem:s20+$0xAB0];
	v62 =	vmul.f32 v55, v42;
	[tilespmem:s20+$0x6E0] =	vst v46;
	v4 =	vadd.f32 v39, v4  }
0x1d7: {  	v36 =	vmul.f32 v36, v44;
	v43 =	vadd.f32 v43, v52;
	[tilespmem:s20+$0xA80] =	vst v1;
	v1 =	vld [tilespmem:s20+$0xE90];
	v3 =	vmul.f32 v3, v42  }
0x1d8: {  	v35 =	vmul.f32 v35, v44;
	v32 =	vadd.f32 v32, v62;
	[tilespmem:s20+$0xA90] =	vst v4;
	v4 =	vld [tilespmem:s20+$0xEA0];
	v2 =	vmul.f32 v2, v42  }
0x1d9: {  	v34 =	vmul.f32 v34, v44;
	v54 =	vld [tilespmem:s20+$0xAF0];
	v60 =	vmul.f32 v53, v42;
	[tilespmem:s20+$0x6F0] =	vst v43;
	v3 =	vadd.f32 v36, v3  }
0x1da: {  	v28 =	vmul.f32 v28, v44;
	v58 =	vld [tilespmem:s20+$0xEB0];
	v46 =	vmul.f32 v59, v42;
	[tilespmem:s20+$0xE80] =	vst v32;
	v2 =	vadd.f32 v35, v2  }
0x1db: {  	v37 =	vmul.f32 v37, v44;
	v57 =	vmul.f32 v61, v42;
	v34 =	vadd.f32 v34, v60;
	[tilespmem:s20+$0xAC0] =	vst v3;
	v3 =	vld [tilespmem:s20+$0xED0]  }
0x1dc: {  	v31 =	vmul.f32 v31, v44;
	v28 =	vadd.f32 v28, v46;
	v1 =	vmul.f32 v1, v42;
	[tilespmem:s20+$0xAD0] =	vst v2;
	v2 =	vld [tilespmem:s20+$0xEE0]  }
0x1dd: {  	v30 =	vmul.f32 v30, v44;
	v63 =	vld [tilespmem:s20+$0xEF0];
	v37 =	vadd.f32 v37, v57;
	[tilespmem:s20+$0xAE0] =	vst v34;
	v4 =	vmul.f32 v4, v42  }
0x1de: {  	v33 =	vmul.f32 v33, v44;
	v47 =	vld [tilespmem:s20+$0x12C0];
	v61 =	vmul.f32 v54, v42;
	[tilespmem:s20+$0xEC0] =	vst v28;
	v1 =	vadd.f32 v31, v1  }
0x1df: {  	v29 =	vmul.f32 v29, v44;
	v48 =	vld [tilespmem:s20+$0x12D0];
	v43 =	vmul.f32 v58, v42;
	[tilespmem:s20+$0xAB0] =	vst v37;
	v4 =	vadd.f32 v30, v4  }
0x1e0: {  	v27 =	vmul.f32 v27, v44;
	v33 =	vadd.f32 v33, v61;
	[tilespmem:s20+$0xE90] =	vst v1;
	v1 =	vld [tilespmem:s20+$0x12A0];
	v3 =	vmul.f32 v3, v42  }
0x1e1: {  	v26 =	vmul.f32 v26, v44;
	v29 =	vadd.f32 v29, v43;
	[tilespmem:s20+$0xEA0] =	vst v4;
	v4 =	vld [tilespmem:s20+$0x12B0];
	v2 =	vmul.f32 v2, v42  }
0x1e2: {  	v25 =	vmul.f32 v25, v44;
	v40 =	vld [tilespmem:s20+$0x1290];
	v49 =	vmul.f32 v63, v42;
	[tilespmem:s20+$0xAF0] =	vst v33;
	v3 =	vadd.f32 v27, v3  }
0x1e3: {  	v20 =	vmul.f32 v20, v44;
	v39 =	vld [tilespmem:s20+$0x1280];
	v55 =	vmul.f32 v47, v42;
	[tilespmem:s20+$0xEB0] =	vst v29;
	v2 =	vadd.f32 v26, v2  }
0x1e4: {  	v19 =	vmul.f32 v19, v44;
	v25 =	vadd.f32 v25, v49;
	v56 =	vmul.f32 v48, v42;
	[tilespmem:s20+$0xED0] =	vst v3;
	v3 =	vld [tilespmem:s20+$0x12E0]  }
0x1e5: {  	v22 =	vmul.f32 v22, v44;
	v20 =	vadd.f32 v20, v55;
	v1 =	vmul.f32 v1, v42;
	[tilespmem:s20+$0xEE0] =	vst v2;
	v2 =	vld [tilespmem:s20+$0x12F0]  }
0x1e6: {  	v21 =	vmul.f32 v21, v44;
	v52 =	vld [tilespmem:s20+$0x1680];
	[tilespmem:s20+$0xEF0] =	vst v25;
	v19 =	vadd.f32 v19, v56;
	v4 =	vmul.f32 v4, v42  }
0x1e7: {  	v23 =	vmul.f32 v23, v44;
	v53 =	vld [tilespmem:s20+$0x1690];
	v51 =	vmul.f32 v40, v42;
	[tilespmem:s20+$0x12C0] =	vst v20;
	v1 =	vadd.f32 v22, v1  }
0x1e8: {  	v24 =	vmul.f32 v24, v44;
	v54 =	vld [tilespmem:s20+$0x16A0];
	v50 =	vmul.f32 v39, v42;
	[tilespmem:s20+$0x12D0] =	vst v19;
	v4 =	vadd.f32 v21, v4  }
0x1e9: {  	v18 =	vmul.f32 v18, v44;
	v23 =	vadd.f32 v23, v51;
	[tilespmem:s20+$0x12A0] =	vst v1;
	v1 =	vld [tilespmem:s20+$0x16B0];
	v3 =	vmul.f32 v3, v42  }
0x1ea: {  	v17 =	vmul.f32 v17, v44;
	v24 =	vadd.f32 v24, v50;
	[tilespmem:s20+$0x12B0] =	vst v4;
	v4 =	vld [tilespmem:s20+$0x16C0];
	v2 =	vmul.f32 v2, v42  }
0x1eb: {  	v16 =	vmul.f32 v16, v44;
	v57 =	vld [tilespmem:s20+$0x16D0];
	v58 =	vmul.f32 v52, v42;
	[tilespmem:s20+$0x1290] =	vst v23;
	v3 =	vadd.f32 v18, v3  }
0x1ec: {  	v15 =	vmul.f32 v15, v44;
	v59 =	vld [tilespmem:s20+$0x16E0];
	v60 =	vmul.f32 v53, v42;
	[tilespmem:s20+$0x1280] =	vst v24;
	v2 =	vadd.f32 v17, v2  }
0x1ed: {  	v14 =	vmul.f32 v14, v44;
	v62 =	vld [tilespmem:s20+$0x16F0];
	v61 =	vmul.f32 v54, v42;
	[tilespmem:s20+$0x12E0] =	vst v3;
	v3 =	vadd.f32 v16, v58  }
0x1ee: {  	v13 =	vmul.f32 v13, v44;
	v1 =	vmul.f32 v1, v42;
	[tilespmem:s20+$0x12F0] =	vst v2;
	v2 =	vadd.f32 v15, v60  }
0x1ef: {  	v12 =	vmul.f32 v12, v44;
	v4 =	vmul.f32 v4, v42;
	[tilespmem:s20+$0x1680] =	vst v3;
	v3 =	vadd.f32 v14, v61  }
0x1f0: {  	v11 =	vmul.f32 v11, v44;
	v1 =	vadd.f32 v13, v1;
	[tilespmem:s20+$0x1690] =	vst v2;
	v2 =	vmul.f32 v57, v42  }
0x1f1: {  	v63 =	vmul.f32 v41, v44;
	[tilespmem:s20+$0x16A0] =	vst v3;
	v3 =	vadd.f32 v12, v4;
	v4 =	vmul.f32 v59, v42  }
0x1f2: {  	[tilespmem:s20+$0x16B0] =	vst v1;
	v1 =	vadd.f32 v11, v2;
	v2 =	vmul.f32 v62, v42;
	v11 =	vmul.f32 v45, v44  }
0x1f3: {  	[tilespmem:s20+$0x16C0] =	vst v3;
	v3 =	vadd.f32 v63, v4  }
0x1f4: {  	s18 =	sadd.s32 $0x1, s18;
	[tilespmem:s20+$0x16D0] =	vst v1;
	v1 =	vadd.f32 v11, v2  }
0x1f5: {  	p0 =	sne.s32 s18, s9;
	[tilespmem:s20+$0x16E0] =	vst v3  }
.Ltmp1:
0x1f6: {  	[tilespmem:s20+$0x16F0] =	vst v1;
	(pc) =	sbr.rel @p0 .LBB2_1-.Ltmp1, $4  }
0x1f7: {  	[hbm4b:s8+s2] =	stream.linear.scatter [tilespmem:s11], [sflag:$0x2], $0xC000, $0x38;
	[tilespmem:$0x18280] =	vst v63  }
0x1f8: {  	_ =	swait.ge [sflag:s10], $0xC000  }
0x1f9: {  	[sflag:s10] =	ssyncset.done $0x0  }
0x1fa: {  	[sflag:s10] =	ssyncadd.s32 $0xFFFF4000  }
0x1fb: {  	_ =	sfence.sel $0x180000  }
0x1fc: {  	[bflag:$0x0] =	sbarrier.arrive $0xFFFF  }
0x1fd: {  	_ =	strace $0x9000004A  }
0x1fe: {  	s0 =	stileid.u32;
	[bflag:$0x2] =	sbarrier.arrive $0xFFFF  }
0x1ff: {  	p0 =	sne.s32 s0, $0x0;
	s0 =	rddreg [dreg:$0x2]  }
0x200: {  	s0 =	sadd.s32 @!p0 $0x100000, s0  }
0x201: {  	[sflag:s0] =	ssyncadd.tile.s32 @!p0 $0x1;
	_ =	shalt  }
.Lfunc_end2:
_tile_overlayer_lowered:
.L_overlay_start_2:
0x202: {  	(tag) =	ssettag $0x2  }
0x203: {  	s0 =	rddreg [dreg:$0x0];
	s2 =	stileid.u32  }
0x204: {  	s1 =	rddreg [dreg:$0x1];
	p0 =	sne.s32 s2, $0x0  }
0x205: {  	s3 =	rddreg [dreg:$0x2];
	[bflag:$0x3] =	sbarrier.arrive $0xFFFF;
	s2 =	simm.s32 @!p0 $0x1C02  }
0x206: {  	[timem:s3], [sflag:s2] =	dma.local @!p0 [hbm:s0], s1  }
0x207: {  	s0 =	simm.s32 @!p0 $0x2  }
0x208: {  	_ =	swait.ge @!p0 [sflag:s0], s1  }
0x209: {  	s1 =	ssub.s32 @!p0 $0x0, s1;
	[sflag:s0] =	ssyncset.done @!p0 $0x0  }
0x20a: {  	[sflag:s0] =	ssyncadd.s32 @!p0 s1  }
0x20b: {  	[bflag:$0x3] =	sbarrier.arrive $0xFFFF  }
0x20c: {  	_ =	shalt  }

</sc_bundles>
